<compile_context>
chip_gen: v7x
topology: tpu7x:2x2x1
jax: 0.10.2.dev20260603
libtpu: 0.0.44.dev20260713+nightly
codegen_flags: <defaults>
</compile_context>

<pallas_src>
import functools

import jax
import jax.numpy as jnp
from jax.experimental import pallas as pl
from jax.experimental.pallas import tpu as pltpu
from jax.experimental.pallas import tpu_sc as plsc

B, N, NUM_CLASS = 4, 20000, 3
PRE, POST, THRESH = 4096, 512, 0.7
BLK = 512
NBLK = PRE // BLK
W = 20480
IMIN = -2147483648


def _keys_body(cls_ref, keys_ref, labels_ref, tau_ref, ngt_ref):
    a = cls_ref[0]
    s0 = a[0:1]
    s1 = a[1:2]
    s2 = a[2:3]
    sc = jnp.maximum(jnp.maximum(s0, s1), s2)
    lab = jnp.where(s0 >= s1,
                    jnp.where(s0 >= s2, 0, 2),
                    jnp.where(s1 >= s2, 1, 2)).astype(jnp.int32)
    bits = jax.lax.bitcast_convert_type(sc, jnp.int32)
    mag = bits & jnp.int32(0x7FFFFFFF)
    key = jnp.where(bits < 0, -mag, mag)
    lane = jax.lax.broadcasted_iota(jnp.int32, (1, W), 1)
    key = jnp.where(lane < N, key, IMIN)
    keys_ref[0] = key
    labels_ref[0] = lab
    cnt0 = jnp.sum(jnp.where(key >= 0, 1, 0))
    t = jnp.where(cnt0 >= PRE, 0, IMIN)
    for bit in range(30, -1, -1):
        cand = t + jnp.int32(1 << bit)
        cnt = jnp.sum(jnp.where(key >= cand, 1, 0))
        t = jnp.where(cnt >= PRE, cand, t)
    tau_ref[0] = jnp.broadcast_to(t, (1, 1))
    ngt_ref[0] = jnp.broadcast_to(jnp.sum(jnp.where(key > t, 1, 0)), (1, 1))


def _keys(cls_t):
    return pl.pallas_call(
        _keys_body,
        grid=(B,),
        in_specs=[pl.BlockSpec((1, 3, W), lambda b: (b, 0, 0))],
        out_specs=[
            pl.BlockSpec((1, 1, W), lambda b: (b, 0, 0)),
            pl.BlockSpec((1, 1, W), lambda b: (b, 0, 0)),
            pl.BlockSpec((1, 1, 1), lambda b: (b, 0, 0)),
            pl.BlockSpec((1, 1, 1), lambda b: (b, 0, 0)),
        ],
        out_shape=[
            jax.ShapeDtypeStruct((B, 1, W), jnp.int32),
            jax.ShapeDtypeStruct((B, 1, W), jnp.int32),
            jax.ShapeDtypeStruct((B, 1, 1), jnp.int32),
            jax.ShapeDtypeStruct((B, 1, 1), jnp.int32),
        ],
    )(cls_t)


_SC_MESH = plsc.VectorSubcoreMesh(core_axis_name="c", subcore_axis_name="s")
_SC_PARAMS = pltpu.CompilerParams(needs_layout_passes=False)
NLANE = 16
NCORE = 2


def _sc_wid():
    return jax.lax.axis_index("s") * NCORE + jax.lax.axis_index("c")


def _compact_body(keys_hbm, tau_hbm, ngt_hbm, selidx_hbm, selkey_hbm,
                  keys_v, tau_v, ngt_v, si_v, sk_v):
    wid = _sc_wid()

    @pl.when(wid < B)
    def _():
        pltpu.sync_copy(keys_hbm.at[wid], keys_v)
        pltpu.sync_copy(tau_hbm.at[wid], tau_v)
        pltpu.sync_copy(ngt_hbm.at[wid], ngt_v)
        tau_s = jnp.max(tau_v[...])
        need_s = PRE - jnp.max(ngt_v[...])

        def step(i, carry):
            run_gt, run_eq = carry
            kv = keys_v[pl.ds(i * NLANE, NLANE)]
            gt = kv > tau_s
            eq = kv == tau_s
            gt32 = gt.astype(jnp.int32)
            eq32 = eq.astype(jnp.int32)
            gt_before = run_gt + jnp.cumsum(gt32) - gt32
            eq_before = run_eq + jnp.cumsum(eq32) - eq32
            sel = gt | (eq & (eq_before < need_s))
            pos = gt_before + jnp.minimum(eq_before, need_s)
            idxv = jax.lax.iota(jnp.int32, NLANE) + i * NLANE
            plsc.store_scatter(si_v, [pos], idxv, mask=sel)
            plsc.store_scatter(sk_v, [pos], kv, mask=sel)
            return (run_gt + jnp.sum(gt32), run_eq + jnp.sum(eq32))

        jax.lax.fori_loop(0, W // NLANE, step,
                          (jnp.int32(0), jnp.int32(0)))
        pltpu.sync_copy(si_v.at[pl.ds(0, PRE)], selidx_hbm.at[wid])
        pltpu.sync_copy(sk_v.at[pl.ds(0, PRE)], selkey_hbm.at[wid])


def _compact(keys, tau16, ngt16):
    return pl.kernel(
        _compact_body,
        out_type=[jax.ShapeDtypeStruct((B, PRE), jnp.int32),
                  jax.ShapeDtypeStruct((B, PRE), jnp.int32)],
        mesh=_SC_MESH,
        compiler_params=_SC_PARAMS,
        scratch_types=[pltpu.VMEM((W,), jnp.int32),
                       pltpu.VMEM((NLANE,), jnp.int32),
                       pltpu.VMEM((NLANE,), jnp.int32),
                       pltpu.VMEM((PRE + NLANE,), jnp.int32),
                       pltpu.VMEM((PRE + NLANE,), jnp.int32)],
    )(keys, tau16, ngt16)


def _permgather_body(rank_hbm, selidx_hbm, selkey_hbm, boxflat_hbm, labflat_hbm,
                     fields_hbm, skey_hbm, labs_hbm,
                     rank_v, sid_v, skv_v, sidx_v, skey_v,
                     idxl_v, if0, if1, if2, if3, if4, if5, if6,
                     df0, df1, df2, df3, df4, df5, df6, dsti_v, sem):
    idxf = [if0, if1, if2, if3, if4, if5, if6]
    dstf = [df0, df1, df2, df3, df4, df5, df6]
    wid = _sc_wid()

    @pl.when(wid < B)
    def _():
        pltpu.sync_copy(rank_hbm.at[wid], rank_v)
        pltpu.sync_copy(selidx_hbm.at[wid], sid_v)
        pltpu.sync_copy(selkey_hbm.at[wid], skv_v)

        UNR = 4

        def scat(i, c):
            for u in range(UNR):
                d = pl.ds((i * UNR + u) * NLANE, NLANE)
                rv = rank_v[d]
                plsc.store_scatter(sidx_v, [rv], sid_v[d])
                plsc.store_scatter(skey_v, [rv], skv_v[d])
            return c

        jax.lax.fori_loop(0, PRE // (NLANE * UNR), scat, jnp.int32(0))
        pltpu.sync_copy(skey_v, skey_hbm.at[wid])

        def mk(i, c):
            for u in range(UNR):
                d = pl.ds((i * UNR + u) * NLANE, NLANE)
                v = sidx_v[d]
                idxl_v[d] = v + wid * W
                for fld in range(7):
                    idxf[fld][d] = v + (wid * N + fld * (B * N))
            return c

        jax.lax.fori_loop(0, PRE // (NLANE * UNR), mk, jnp.int32(0))

        cps = [pltpu.async_copy(labflat_hbm.at[idxl_v], dsti_v, sem)]
        for fld in range(7):
            cps.append(pltpu.async_copy(boxflat_hbm.at[idxf[fld]],
                                        dstf[fld], sem))
        for cp in cps:
            cp.wait()
        pltpu.sync_copy(dsti_v, labs_hbm.at[wid])
        for fld in range(7):
            pltpu.sync_copy(dstf[fld], fields_hbm.at[wid * 8 + fld])


def _permgather(rank, selidx, selkey, boxflat, labflat):
    return pl.kernel(
        _permgather_body,
        out_type=[jax.ShapeDtypeStruct((B * 8, PRE), jnp.float32),
                  jax.ShapeDtypeStruct((B, PRE), jnp.int32),
                  jax.ShapeDtypeStruct((B, PRE), jnp.int32)],
        mesh=_SC_MESH,
        compiler_params=_SC_PARAMS,
        scratch_types=([pltpu.VMEM((PRE,), jnp.int32)] * 6
                       + [pltpu.VMEM((PRE,), jnp.int32)] * 7
                       + [pltpu.VMEM((PRE,), jnp.float32)] * 7
                       + [pltpu.VMEM((PRE,), jnp.int32),
                          pltpu.SemaphoreType.DMA]),
    )(rank, selidx, selkey, boxflat, labflat)


def _rank_body(skey_ref, rank_ref):
    k = skey_ref[0]
    for b in range(NBLK):
        s = b * BLK
        kc = jax.lax.transpose(k[:, s:s + BLK], (1, 0))
        jj = jax.lax.broadcasted_iota(jnp.int32, (BLK, PRE), 1)
        ii = jax.lax.broadcasted_iota(jnp.int32, (BLK, PRE), 0) + s
        g = (k > kc) | ((k == kc) & (jj < ii))
        rank_ref[0, s:s + BLK] = jnp.sum(g.astype(jnp.int32), axis=1,
                                         keepdims=True)


def _rank(sel_key):
    return pl.pallas_call(
        _rank_body,
        grid=(B,),
        in_specs=[pl.BlockSpec((1, 1, PRE), lambda b: (b, 0, 0))],
        out_specs=[pl.BlockSpec((1, PRE, 1), lambda b: (b, 0, 0))],
        out_shape=[jax.ShapeDtypeStruct((B, PRE, 1), jnp.int32)],
    )(sel_key)[0]


def _nms_select_body(fields_ref, scores_ref, labels_ref, rois_ref, rsc_ref, rlb_ref,
                     valid_ref, kept_ref, cum_ref):
    f = fields_ref[0]
    skey = scores_ref[0]
    sc = jax.lax.bitcast_convert_type(
        jnp.where(skey < 0, (-skey) | IMIN, skey), jnp.float32)
    lb = labels_ref[0]

    cx = f[0:1]
    cy = f[1:2]
    dx = f[3:4]
    dy = f[4:5]
    x1 = cx - dx * 0.5
    x2 = cx + dx * 0.5
    y1 = cy - dy * 0.5
    y2 = cy + dy * 0.5
    areas = (x2 - x1) * (y2 - y1)

    valid_ref[...] = jnp.ones((1, PRE), jnp.float32)
    kept_ref[...] = jnp.zeros((1, PRE), jnp.float32)

    for b in range(NBLK):
        s = b * BLK
        nk = jnp.sum(kept_ref[...])

        @pl.when(nk < float(POST))
        def blk_body():
            fbT = jax.lax.transpose(f[:, s:s + BLK], (1, 0))
            x1c = fbT[:, 0:1] - fbT[:, 3:4] * 0.5
            x2c = fbT[:, 0:1] + fbT[:, 3:4] * 0.5
            y1c = fbT[:, 1:2] - fbT[:, 4:5] * 0.5
            y2c = fbT[:, 1:2] + fbT[:, 4:5] * 0.5
            areac = (x2c - x1c) * (y2c - y1c)

            x1b = x1[:, s:s + BLK]
            x2b = x2[:, s:s + BLK]
            y1b = y1[:, s:s + BLK]
            y2b = y2[:, s:s + BLK]
            areab = areas[:, s:s + BLK]
            vb = valid_ref[:, s:s + BLK]

            xx1 = jnp.maximum(x1c, x1b)
            yy1 = jnp.maximum(y1c, y1b)
            xx2 = jnp.minimum(x2c, x2b)
            yy2 = jnp.minimum(y2c, y2b)
            inter = jnp.clip(xx2 - xx1, 0.0) * jnp.clip(yy2 - yy1, 0.0)
            iou = inter / (areac + areab - inter + 1e-6)
            ii = jax.lax.broadcasted_iota(jnp.int32, (BLK, BLK), 0)
            jj = jax.lax.broadcasted_iota(jnp.int32, (BLK, BLK), 1)
            S = jnp.where((iou > THRESH) & (ii < jj), 1.0, 0.0)

            def fp_cond(c):
                return ~c[1]

            def fp_body(c):
                k, _ = c
                supp = jax.lax.dot_general(
                    k, S, (((1,), (0,)), ((), ())),
                    preferred_element_type=jnp.float32)
                k_new = vb * jnp.where(supp > 0.0, 0.0, 1.0)
                return (k_new, jnp.all(k_new == k))

            k0 = (vb, jnp.array(False))
            kb, _ = jax.lax.while_loop(fp_cond, fp_body, k0)

            kept_ref[:, s:s + BLK] = kb

            if b < NBLK - 1:
                kc = jax.lax.transpose(kb, (1, 0))
                for jc in range(b + 1, NBLK):
                    t = jc * BLK
                    xx1 = jnp.maximum(x1c, x1[:, t:t + BLK])
                    yy1 = jnp.maximum(y1c, y1[:, t:t + BLK])
                    xx2 = jnp.minimum(x2c, x2[:, t:t + BLK])
                    yy2 = jnp.minimum(y2c, y2[:, t:t + BLK])
                    inter = jnp.clip(xx2 - xx1, 0.0) * jnp.clip(yy2 - yy1, 0.0)
                    iou = inter / (areac + areas[:, t:t + BLK] - inter + 1e-6)
                    hit = jnp.where((iou > THRESH) & (kc > 0.0), 1.0, 0.0)
                    supp = jnp.max(hit, axis=0, keepdims=True)
                    valid_ref[:, t:t + BLK] = valid_ref[:, t:t + BLK] * (1.0 - supp)

    kept = kept_ref[...]
    li = jax.lax.broadcasted_iota(jnp.int32, (BLK, BLK), 0)
    lj = jax.lax.broadcasted_iota(jnp.int32, (BLK, BLK), 1)
    Lstrict = jnp.where(li < lj, 1.0, 0.0)
    carry = jnp.zeros((1, 1), jnp.float32)
    for c in range(NBLK):
        s = c * BLK
        kc = kept[:, s:s + BLK]
        cc = jax.lax.dot_general(
            kc, Lstrict, (((1,), (0,)), ((), ())),
            preferred_element_type=jnp.float32) + carry
        cum_ref[:, s:s + BLK] = cc
        carry = carry + jnp.sum(kc).reshape(1, 1)

    cum = cum_ref[...].astype(jnp.int32)
    slot = jax.lax.broadcasted_iota(jnp.int32, (POST, PRE), 0)
    OH = jnp.where((slot == cum) & (kept > 0.0), 1.0, 0.0)

    rois = jax.lax.dot_general(
        OH, f, (((1,), (1,)), ((), ())), preferred_element_type=jnp.float32)
    rsc = jax.lax.dot_general(
        OH, sc, (((1,), (1,)), ((), ())), preferred_element_type=jnp.float32)
    lbf = lb.astype(jnp.float32) + 1.0
    rlb = jax.lax.dot_general(
        OH, lbf, (((1,), (1,)), ((), ())), preferred_element_type=jnp.float32)

    rois_ref[0] = rois
    rsc_ref[0] = rsc
    rlb_ref[0] = rlb.astype(jnp.int32)


def _nms_select(fields, scores, labels):
    return pl.pallas_call(
        _nms_select_body,
        grid=(B,),
        in_specs=[
            pl.BlockSpec((1, 8, PRE), lambda b: (b, 0, 0)),
            pl.BlockSpec((1, 1, PRE), lambda b: (b, 0, 0)),
            pl.BlockSpec((1, 1, PRE), lambda b: (b, 0, 0)),
        ],
        out_specs=[
            pl.BlockSpec((1, POST, 8), lambda b: (b, 0, 0)),
            pl.BlockSpec((1, POST, 1), lambda b: (b, 0, 0)),
            pl.BlockSpec((1, POST, 1), lambda b: (b, 0, 0)),
        ],
        out_shape=[
            jax.ShapeDtypeStruct((B, POST, 8), jnp.float32),
            jax.ShapeDtypeStruct((B, POST, 1), jnp.float32),
            jax.ShapeDtypeStruct((B, POST, 1), jnp.int32),
        ],
        scratch_shapes=[
            pltpu.VMEM((1, PRE), jnp.float32),
            pltpu.VMEM((1, PRE), jnp.float32),
            pltpu.VMEM((1, PRE), jnp.float32),
        ],
    )(fields, scores, labels)


def kernel(batch_box_preds, batch_cls_preds):
    cls_t = jnp.pad(jnp.transpose(batch_cls_preds, (0, 2, 1)),
                    ((0, 0), (0, 0), (0, W - N)))
    keys3, labels3, tau3, ngt3 = _keys(cls_t)
    keys = keys3[:, 0, :]
    labels = labels3[:, 0, :]
    tau16 = jnp.broadcast_to(tau3[:, 0, :], (B, NLANE))
    ngt16 = jnp.broadcast_to(ngt3[:, 0, :], (B, NLANE))

    sel_idx, sel_key = _compact(keys, tau16, ngt16)

    rank = _rank(sel_key[:, None, :])[..., 0]

    boxflat = jnp.transpose(batch_box_preds, (2, 0, 1)).reshape(7 * B * N)
    labflat = labels.reshape(B * W)
    fields8, sorted_key, labels_sorted = _permgather(
        rank, sel_idx, sel_key, boxflat, labflat)

    fields = fields8.reshape(B, 8, PRE)
    rois8, rsc, rlb = _nms_select(fields, sorted_key[:, None, :],
                                  labels_sorted[:, None, :])
    return rois8[:, :, :7], rsc[..., 0], rlb[..., 0]

# --- scband reference (transcript-rebuilt; emitter-appended) ---
"""Pipeline reference for scband-ro-ihead-template-54735063220779 (READ-ONLY COPY).

The authoritative reference and input builder live on the scoring server;
editing this copy changes nothing except your own understanding.
"""

import jax, jax.numpy as jnp
import numpy as np

B, N, NUM_CLASS = 4, 20000, 3
PRE, POST, THRESH = 4096, 512, 0.7


def setup_inputs(seed: int = 0) -> dict:
    key = jax.random.key(seed)
    k1, k2 = jax.random.split(key, 2)
    u = jax.random.uniform(k1, (B, N, 7), dtype=jnp.float32)
    xy = u[..., 0:2] * 70.4
    z = u[..., 2:3] * 4.0 - 3.0
    dxyz = u[..., 3:6] * 4.0 + 1.0
    heading = u[..., 6:7] * 2.0 * np.pi - np.pi
    batch_box_preds = jnp.concatenate([xy, z, dxyz, heading], axis=-1)
    batch_cls_preds = jax.random.normal(k2, (B, N, NUM_CLASS), dtype=jnp.float32)
    return {"batch_box_preds": batch_box_preds, "batch_cls_preds": batch_cls_preds}


def _nms_single(boxes, scores):
    # class-agnostic BEV NMS: top-k pre-filter then greedy suppression
    top_scores, order = jax.lax.top_k(scores, PRE)
    boxes_o = jnp.take(boxes, order, axis=0)
    x1 = boxes_o[:, 0] - boxes_o[:, 3] * 0.5
    x2 = boxes_o[:, 0] + boxes_o[:, 3] * 0.5
    y1 = boxes_o[:, 1] - boxes_o[:, 4] * 0.5
    y2 = boxes_o[:, 1] + boxes_o[:, 4] * 0.5
    areas = (x2 - x1) * (y2 - y1)

    valid0 = jnp.ones((PRE,), dtype=bool)
    sel0 = jnp.full((POST,), -1, dtype=jnp.int32)

    def body(i, carry):
        valid, sel = carry
        any_valid = jnp.any(valid)
        idx = jnp.argmax(valid)  # first valid in score-sorted order
        xx1 = jnp.maximum(x1[idx], x1)
        yy1 = jnp.maximum(y1[idx], y1)
        xx2 = jnp.minimum(x2[idx], x2)
        yy2 = jnp.minimum(y2[idx], y2)
        inter = jnp.clip(xx2 - xx1, 0.0) * jnp.clip(yy2 - yy1, 0.0)
        iou = inter / (areas[idx] + areas - inter + 1e-6)
        new_valid = valid & (iou <= THRESH)
        new_valid = new_valid.at[idx].set(False)
        sel = sel.at[i].set(jnp.where(any_valid, order[idx].astype(jnp.int32), -1))
        valid = jnp.where(any_valid, new_valid, valid)
        return (valid, sel)

    _, sel = jax.lax.fori_loop(0, POST, body, (valid0, sel0))
    return sel


def reference(batch_box_preds, batch_cls_preds):
    # cur_roi_scores, cur_roi_labels = torch.max(cls_preds, dim=1)
    roi_scores_all = jnp.max(batch_cls_preds, axis=-1)
    roi_labels_all = jnp.argmax(batch_cls_preds, axis=-1)
    sel = jax.vmap(_nms_single)(batch_box_preds, roi_scores_all)  # (B, POST)
    valid = sel >= 0
    sel_c = jnp.maximum(sel, 0)
    rois = jnp.take_along_axis(batch_box_preds, sel_c[..., None], axis=1) * valid[..., None].astype(batch_box_preds.dtype)
    roi_scores = jnp.take_along_axis(roi_scores_all, sel_c, axis=1) * valid.astype(roi_scores_all.dtype)
    roi_labels = (jnp.take_along_axis(roi_labels_all, sel_c, axis=1) + 1) * valid.astype(jnp.int64 if roi_labels_all.dtype == jnp.int64 else jnp.int32)
    return rois, roi_scores, roi_labels

if __name__ == "__main__":
    import jax
    _d = setup_inputs()
    print(jax.jit(kernel)(*tuple(_d.values())))

</pallas_src>

<mosaic_0001>
#map = affine_map<(d0, d1) -> (0, 0)>
module attributes {stable_mosaic.version = 14 : i64} {
  func.func @_compact_body(%arg0: i32, %arg1: i32, %arg2: memref<4x20480xi32, #tpu.memory_space<hbm>>, %arg3: memref<4x16xi32, #tpu.memory_space<hbm>>, %arg4: memref<4x16xi32, #tpu.memory_space<hbm>>, %arg5: memref<4x4096xi32, #tpu.memory_space<hbm>>, %arg6: memref<4x4096xi32, #tpu.memory_space<hbm>>, %arg7: memref<20480xi32, #tpu.memory_space<vmem>>, %arg8: memref<16xi32, #tpu.memory_space<vmem>>, %arg9: memref<16xi32, #tpu.memory_space<vmem>>, %arg10: memref<4112xi32, #tpu.memory_space<vmem>>, %arg11: memref<4112xi32, #tpu.memory_space<vmem>>) attributes {dimension_semantics = [#tpu.dimension_semantics<core_parallel>, #tpu.dimension_semantics<subcore_parallel>], iteration_bounds = array<i64: 2, 16>, scalar_prefetch = 0 : i64, scratch_operands = 5 : i64, tpu.core_type = #tpu.core_type<sc_vector_subcore>, window_params = [{transform_indices = #map}, {transform_indices = #map}, {transform_indices = #map}, {transform_indices = #map}, {transform_indices = #map}]} {
    %mul3A = arith.constant 2 : i32
    %mul3A_0 = arith.muli %arg1, %mul3A : i32
    %add3A = arith.addi %mul3A_0, %arg0 : i32
    %lt3A = arith.constant 4 : i32
    %lt3A_1 = arith.cmpi slt, %add3A, %lt3A : i32
    %convert_element_type3A = arith.extui %lt3A_1 : i1 to i32
    %cond3A = arith.constant 0 : i32
    %cond3A_2 = arith.cmpi ne, %convert_element_type3A, %cond3A : i32
    scf.if %cond3A_2 {
      "tpu.region"() ({
        %run_scoped3A = tpu.sem_alloc : memref<!tpu.dma_semaphore, #tpu.memory_space<semaphore_mem>>
        %dma_start3A = arith.constant 0 : i32
        %dma_start3A_29 = tpu.memref_slice %arg2[%add3A, %dma_start3A] : memref<4x20480xi32, #tpu.memory_space<hbm>> -> memref<1x20480xi32, #tpu.memory_space<hbm>>
        %dma_start3A_30 = tpu.memref_squeeze %dma_start3A_29 : memref<1x20480xi32, #tpu.memory_space<hbm>> -> memref<20480xi32, #tpu.memory_space<hbm>>
        %dma_start3A_31 = arith.constant 0 : i32
        %dma_start3A_32 = tpu.memref_slice %arg2[%add3A, %dma_start3A_31] : memref<4x20480xi32, #tpu.memory_space<hbm>> -> memref<1x20480xi32, #tpu.memory_space<hbm>>
        %dma_start3A_33 = tpu.memref_squeeze %dma_start3A_32 : memref<1x20480xi32, #tpu.memory_space<hbm>> -> memref<20480xi32, #tpu.memory_space<hbm>>
        tpu.enqueue_dma source(%dma_start3A_33 : memref<20480xi32, #tpu.memory_space<hbm>>) target(%arg7 : memref<20480xi32, #tpu.memory_space<vmem>>) target_semaphore(%run_scoped3A : memref<!tpu.dma_semaphore, #tpu.memory_space<semaphore_mem>>)
        %dma_wait3A = arith.constant 0 : i32
        %dma_wait3A_34 = tpu.memref_slice %arg2[%add3A, %dma_wait3A] : memref<4x20480xi32, #tpu.memory_space<hbm>> -> memref<1x20480xi32, #tpu.memory_space<hbm>>
        %dma_wait3A_35 = tpu.memref_squeeze %dma_wait3A_34 : memref<1x20480xi32, #tpu.memory_space<hbm>> -> memref<20480xi32, #tpu.memory_space<hbm>>
        %dma_wait3A_36 = arith.constant 0 : i32
        %dma_wait3A_37 = tpu.memref_slice %arg2[%add3A, %dma_wait3A_36] : memref<4x20480xi32, #tpu.memory_space<hbm>> -> memref<1x20480xi32, #tpu.memory_space<hbm>>
        %dma_wait3A_38 = tpu.memref_squeeze %dma_wait3A_37 : memref<1x20480xi32, #tpu.memory_space<hbm>> -> memref<20480xi32, #tpu.memory_space<hbm>>
        tpu.wait_dma2 semaphore(%run_scoped3A : memref<!tpu.dma_semaphore, #tpu.memory_space<semaphore_mem>>) src(%dma_wait3A_38 : memref<20480xi32, #tpu.memory_space<hbm>>) dst(%arg7 : memref<20480xi32, #tpu.memory_space<vmem>>)
        tpu.yield
      }) : () -> ()
      "tpu.region"() ({
        %run_scoped3A = tpu.sem_alloc : memref<!tpu.dma_semaphore, #tpu.memory_space<semaphore_mem>>
        %dma_start3A = arith.constant 0 : i32
        %dma_start3A_29 = tpu.memref_slice %arg3[%add3A, %dma_start3A] : memref<4x16xi32, #tpu.memory_space<hbm>> -> memref<1x16xi32, #tpu.memory_space<hbm>>
        %dma_start3A_30 = tpu.memref_squeeze %dma_start3A_29 : memref<1x16xi32, #tpu.memory_space<hbm>> -> memref<16xi32, #tpu.memory_space<hbm>>
        %dma_start3A_31 = arith.constant 0 : i32
        %dma_start3A_32 = tpu.memref_slice %arg3[%add3A, %dma_start3A_31] : memref<4x16xi32, #tpu.memory_space<hbm>> -> memref<1x16xi32, #tpu.memory_space<hbm>>
        %dma_start3A_33 = tpu.memref_squeeze %dma_start3A_32 : memref<1x16xi32, #tpu.memory_space<hbm>> -> memref<16xi32, #tpu.memory_space<hbm>>
        tpu.enqueue_dma source(%dma_start3A_33 : memref<16xi32, #tpu.memory_space<hbm>>) target(%arg8 : memref<16xi32, #tpu.memory_space<vmem>>) target_semaphore(%run_scoped3A : memref<!tpu.dma_semaphore, #tpu.memory_space<semaphore_mem>>)
        %dma_wait3A = arith.constant 0 : i32
        %dma_wait3A_34 = tpu.memref_slice %arg3[%add3A, %dma_wait3A] : memref<4x16xi32, #tpu.memory_space<hbm>> -> memref<1x16xi32, #tpu.memory_space<hbm>>
        %dma_wait3A_35 = tpu.memref_squeeze %dma_wait3A_34 : memref<1x16xi32, #tpu.memory_space<hbm>> -> memref<16xi32, #tpu.memory_space<hbm>>
        %dma_wait3A_36 = arith.constant 0 : i32
        %dma_wait3A_37 = tpu.memref_slice %arg3[%add3A, %dma_wait3A_36] : memref<4x16xi32, #tpu.memory_space<hbm>> -> memref<1x16xi32, #tpu.memory_space<hbm>>
        %dma_wait3A_38 = tpu.memref_squeeze %dma_wait3A_37 : memref<1x16xi32, #tpu.memory_space<hbm>> -> memref<16xi32, #tpu.memory_space<hbm>>
        tpu.wait_dma2 semaphore(%run_scoped3A : memref<!tpu.dma_semaphore, #tpu.memory_space<semaphore_mem>>) src(%dma_wait3A_38 : memref<16xi32, #tpu.memory_space<hbm>>) dst(%arg8 : memref<16xi32, #tpu.memory_space<vmem>>)
        tpu.yield
      }) : () -> ()
      "tpu.region"() ({
        %run_scoped3A = tpu.sem_alloc : memref<!tpu.dma_semaphore, #tpu.memory_space<semaphore_mem>>
        %dma_start3A = arith.constant 0 : i32
        %dma_start3A_29 = tpu.memref_slice %arg4[%add3A, %dma_start3A] : memref<4x16xi32, #tpu.memory_space<hbm>> -> memref<1x16xi32, #tpu.memory_space<hbm>>
        %dma_start3A_30 = tpu.memref_squeeze %dma_start3A_29 : memref<1x16xi32, #tpu.memory_space<hbm>> -> memref<16xi32, #tpu.memory_space<hbm>>
        %dma_start3A_31 = arith.constant 0 : i32
        %dma_start3A_32 = tpu.memref_slice %arg4[%add3A, %dma_start3A_31] : memref<4x16xi32, #tpu.memory_space<hbm>> -> memref<1x16xi32, #tpu.memory_space<hbm>>
        %dma_start3A_33 = tpu.memref_squeeze %dma_start3A_32 : memref<1x16xi32, #tpu.memory_space<hbm>> -> memref<16xi32, #tpu.memory_space<hbm>>
        tpu.enqueue_dma source(%dma_start3A_33 : memref<16xi32, #tpu.memory_space<hbm>>) target(%arg9 : memref<16xi32, #tpu.memory_space<vmem>>) target_semaphore(%run_scoped3A : memref<!tpu.dma_semaphore, #tpu.memory_space<semaphore_mem>>)
        %dma_wait3A = arith.constant 0 : i32
        %dma_wait3A_34 = tpu.memref_slice %arg4[%add3A, %dma_wait3A] : memref<4x16xi32, #tpu.memory_space<hbm>> -> memref<1x16xi32, #tpu.memory_space<hbm>>
        %dma_wait3A_35 = tpu.memref_squeeze %dma_wait3A_34 : memref<1x16xi32, #tpu.memory_space<hbm>> -> memref<16xi32, #tpu.memory_space<hbm>>
        %dma_wait3A_36 = arith.constant 0 : i32
        %dma_wait3A_37 = tpu.memref_slice %arg4[%add3A, %dma_wait3A_36] : memref<4x16xi32, #tpu.memory_space<hbm>> -> memref<1x16xi32, #tpu.memory_space<hbm>>
        %dma_wait3A_38 = tpu.memref_squeeze %dma_wait3A_37 : memref<1x16xi32, #tpu.memory_space<hbm>> -> memref<16xi32, #tpu.memory_space<hbm>>
        tpu.wait_dma2 semaphore(%run_scoped3A : memref<!tpu.dma_semaphore, #tpu.memory_space<semaphore_mem>>) src(%dma_wait3A_38 : memref<16xi32, #tpu.memory_space<hbm>>) dst(%arg9 : memref<16xi32, #tpu.memory_space<vmem>>)
        tpu.yield
      }) : () -> ()
      %get3A = arith.constant 0 : index
      %get3A_3 = tpu.vector_load %arg8[%get3A] {strides = array<i32>} : memref<16xi32, #tpu.memory_space<vmem>>, vector<16xi32>,
      %reduce_max3A = arith.constant true
      %reduce_max3A_4 = vector.broadcast %reduce_max3A : i1 to vector<16xi1>
      %reduce_max3A_5 = arith.constant -2147483648 : i32
      %reduce_max3A_6 = vector.broadcast %reduce_max3A_5 : i32 to vector<16xi32>
      %reduce_max3A_7 = arith.xori %get3A_3, %reduce_max3A_6 : vector<16xi32>
      %reduce_max3A_8 = tpu.scan <max>, %reduce_max3A_7 masked %reduce_max3A_4 : vector<16xi32>, vector<16xi1> -> vector<16xi32>
      %reduce_max3A_9 = arith.xori %reduce_max3A_8, %reduce_max3A_6 : vector<16xi32>
      %reduce_max3A_10 = vector.extract %reduce_max3A_9[15] : i32 from vector<16xi32>
      %get3A_11 = arith.constant 0 : index
      %get3A_12 = tpu.vector_load %arg9[%get3A_11] {strides = array<i32>} : memref<16xi32, #tpu.memory_space<vmem>>, vector<16xi32>,
      %reduce_max3A_13 = arith.constant true
      %reduce_max3A_14 = vector.broadcast %reduce_max3A_13 : i1 to vector<16xi1>
      %reduce_max3A_15 = arith.constant -2147483648 : i32
      %reduce_max3A_16 = vector.broadcast %reduce_max3A_15 : i32 to vector<16xi32>
      %reduce_max3A_17 = arith.xori %get3A_12, %reduce_max3A_16 : vector<16xi32>
      %reduce_max3A_18 = tpu.scan <max>, %reduce_max3A_17 masked %reduce_max3A_14 : vector<16xi32>, vector<16xi1> -> vector<16xi32>
      %reduce_max3A_19 = arith.xori %reduce_max3A_18, %reduce_max3A_16 : vector<16xi32>
      %reduce_max3A_20 = vector.extract %reduce_max3A_19[15] : i32 from vector<16xi32>
      %sub3A = arith.constant 4096 : i32
      %sub3A_21 = arith.subi %sub3A, %reduce_max3A_20 : i32
      %scan3A = arith.constant 0 : i32
      %scan3A_22 = arith.constant 0 : i32
      %scan3A_23 = arith.constant 0 : i32
      %scan3A_24 = arith.constant 1280 : i32
      %scan3A_25 = arith.addi %scan3A_23, %scan3A_24 : i32
      %scan3A_26 = arith.constant 1 : i32
      %scan3A_27:2 = scf.for %scan3A_29 = %scan3A_23 to %scan3A_25 step %scan3A_26 iter_args(%scan3A_30 = %scan3A, %scan3A_31 = %scan3A_22) -> (i32, i32)  : i32 {
        %mul3A_32 = arith.constant 16 : i32
        %mul3A_33 = arith.muli %scan3A_29, %mul3A_32 : i32
        %get3A_34 = arith.index_cast %mul3A_33 : i32 to index
        %get3A_35 = tpu.vector_load %arg7[%get3A_34] {strides = array<i32>} : memref<20480xi32, #tpu.memory_space<vmem>>, vector<16xi32>,
        %gt3A = vector.broadcast %reduce_max3A_10 : i32 to vector<16xi32>
        %gt3A_36 = arith.cmpi sgt, %get3A_35, %gt3A : vector<16xi32>
        %eq3A = vector.broadcast %reduce_max3A_10 : i32 to vector<16xi32>
        %eq3A_37 = arith.cmpi eq, %get3A_35, %eq3A : vector<16xi32>
        %convert_element_type3A_38 = arith.extui %gt3A_36 : vector<16xi1> to vector<16xi32>
        %convert_element_type3A_39 = arith.extui %eq3A_37 : vector<16xi1> to vector<16xi32>
        %cumsum3A = arith.constant true
        %cumsum3A_40 = vector.broadcast %cumsum3A : i1 to vector<16xi1>
        %cumsum3A_41 = tpu.scan <sum>, %convert_element_type3A_38 masked %cumsum3A_40 : vector<16xi32>, vector<16xi1> -> vector<16xi32>
        %add3A_42 = vector.broadcast %scan3A_30 : i32 to vector<16xi32>
        %add3A_43 = arith.addi %add3A_42, %cumsum3A_41 : vector<16xi32>
        %sub3A_44 = arith.subi %add3A_43, %convert_element_type3A_38 : vector<16xi32>
        %cumsum3A_45 = arith.constant true
        %cumsum3A_46 = vector.broadcast %cumsum3A_45 : i1 to vector<16xi1>
        %cumsum3A_47 = tpu.scan <sum>, %convert_element_type3A_39 masked %cumsum3A_46 : vector<16xi32>, vector<16xi1> -> vector<16xi32>
        %add3A_48 = vector.broadcast %scan3A_31 : i32 to vector<16xi32>
        %add3A_49 = arith.addi %add3A_48, %cumsum3A_47 : vector<16xi32>
        %sub3A_50 = arith.subi %add3A_49, %convert_element_type3A_39 : vector<16xi32>
        %lt3A_51 = vector.broadcast %sub3A_21 : i32 to vector<16xi32>
        %lt3A_52 = arith.cmpi slt, %sub3A_50, %lt3A_51 : vector<16xi32>
        %and3A = arith.andi %eq3A_37, %lt3A_52 : vector<16xi1>
        %or3A = arith.ori %gt3A_36, %and3A : vector<16xi1>
        %min3A = vector.broadcast %sub3A_21 : i32 to vector<16xi32>
        %min3A_53 = arith.minsi %sub3A_50, %min3A : vector<16xi32>
        %add3A_54 = arith.addi %sub3A_44, %min3A_53 : vector<16xi32>
        %iota3A = tpu.iota {dimensions = array<i32: 0>} : vector<16xi32>
        %mul3A_55 = arith.constant 16 : i32
        %mul3A_56 = arith.muli %scan3A_29, %mul3A_55 : i32
        %add3A_57 = vector.broadcast %mul3A_56 : i32 to vector<16xi32>
        %add3A_58 = arith.addi %iota3A, %add3A_57 : vector<16xi32>
        tpu.vector_store_idx %arg10[%add3A_54], %add3A_58 masked %or3A : memref<4112xi32, #tpu.memory_space<vmem>>[vector<16xi32>], vector<16xi32>, vector<16xi1>
        tpu.vector_store_idx %arg11[%add3A_54], %get3A_35 masked %or3A : memref<4112xi32, #tpu.memory_space<vmem>>[vector<16xi32>], vector<16xi32>, vector<16xi1>
        %reduce_sum3A = arith.constant true
        %reduce_sum3A_59 = vector.broadcast %reduce_sum3A : i1 to vector<16xi1>
        %reduce_sum3A_60 = tpu.scan <sum>, %convert_element_type3A_38 masked %reduce_sum3A_59 : vector<16xi32>, vector<16xi1> -> vector<16xi32>
        %reduce_sum3A_61 = vector.extract %reduce_sum3A_60[15] : i32 from vector<16xi32>
        %add3A_62 = arith.addi %scan3A_30, %reduce_sum3A_61 : i32
        %reduce_sum3A_63 = arith.constant true
        %reduce_sum3A_64 = vector.broadcast %reduce_sum3A_63 : i1 to vector<16xi1>
        %reduce_sum3A_65 = tpu.scan <sum>, %convert_element_type3A_39 masked %reduce_sum3A_64 : vector<16xi32>, vector<16xi1> -> vector<16xi32>
        %reduce_sum3A_66 = vector.extract %reduce_sum3A_65[15] : i32 from vector<16xi32>
        %add3A_67 = arith.addi %scan3A_31, %reduce_sum3A_66 : i32
        scf.yield %add3A_62, %add3A_67 : i32, i32
      }
      %scan3A_28 = arith.constant 1280 : i32
      "tpu.region"() ({
        %run_scoped3A = tpu.sem_alloc : memref<!tpu.dma_semaphore, #tpu.memory_space<semaphore_mem>>
        %dma_start3A = arith.constant 0 : i32
        %dma_start3A_29 = tpu.memref_slice %arg10[%dma_start3A] : memref<4112xi32, #tpu.memory_space<vmem>> -> memref<4096xi32, #tpu.memory_space<vmem>>
        %dma_start3A_30 = arith.constant 0 : i32
        %dma_start3A_31 = tpu.memref_slice %arg5[%add3A, %dma_start3A_30] : memref<4x4096xi32, #tpu.memory_space<hbm>> -> memref<1x4096xi32, #tpu.memory_space<hbm>>
        %dma_start3A_32 = tpu.memref_squeeze %dma_start3A_31 : memref<1x4096xi32, #tpu.memory_space<hbm>> -> memref<4096xi32, #tpu.memory_space<hbm>>
        %dma_start3A_33 = arith.constant 0 : i32
        %dma_start3A_34 = tpu.memref_slice %arg5[%add3A, %dma_start3A_33] : memref<4x4096xi32, #tpu.memory_space<hbm>> -> memref<1x4096xi32, #tpu.memory_space<hbm>>
        %dma_start3A_35 = tpu.memref_squeeze %dma_start3A_34 : memref<1x4096xi32, #tpu.memory_space<hbm>> -> memref<4096xi32, #tpu.memory_space<hbm>>
        %dma_start3A_36 = arith.constant 0 : i32
        %dma_start3A_37 = tpu.memref_slice %arg10[%dma_start3A_36] : memref<4112xi32, #tpu.memory_space<vmem>> -> memref<4096xi32, #tpu.memory_space<vmem>>
        tpu.enqueue_dma source(%dma_start3A_37 : memref<4096xi32, #tpu.memory_space<vmem>>) target(%dma_start3A_35 : memref<4096xi32, #tpu.memory_space<hbm>>) target_semaphore(%run_scoped3A : memref<!tpu.dma_semaphore, #tpu.memory_space<semaphore_mem>>)
        %dma_wait3A = arith.constant 0 : i32
        %dma_wait3A_38 = tpu.memref_slice %arg10[%dma_wait3A] : memref<4112xi32, #tpu.memory_space<vmem>> -> memref<4096xi32, #tpu.memory_space<vmem>>
        %dma_wait3A_39 = arith.constant 0 : i32
        %dma_wait3A_40 = tpu.memref_slice %arg5[%add3A, %dma_wait3A_39] : memref<4x4096xi32, #tpu.memory_space<hbm>> -> memref<1x4096xi32, #tpu.memory_space<hbm>>
        %dma_wait3A_41 = tpu.memref_squeeze %dma_wait3A_40 : memref<1x4096xi32, #tpu.memory_space<hbm>> -> memref<4096xi32, #tpu.memory_space<hbm>>
        %dma_wait3A_42 = arith.constant 0 : i32
        %dma_wait3A_43 = tpu.memref_slice %arg5[%add3A, %dma_wait3A_42] : memref<4x4096xi32, #tpu.memory_space<hbm>> -> memref<1x4096xi32, #tpu.memory_space<hbm>>
        %dma_wait3A_44 = tpu.memref_squeeze %dma_wait3A_43 : memref<1x4096xi32, #tpu.memory_space<hbm>> -> memref<4096xi32, #tpu.memory_space<hbm>>
        %dma_wait3A_45 = arith.constant 0 : i32
        %dma_wait3A_46 = tpu.memref_slice %arg10[%dma_wait3A_45] : memref<4112xi32, #tpu.memory_space<vmem>> -> memref<4096xi32, #tpu.memory_space<vmem>>
        tpu.wait_dma2 semaphore(%run_scoped3A : memref<!tpu.dma_semaphore, #tpu.memory_space<semaphore_mem>>) src(%dma_wait3A_46 : memref<4096xi32, #tpu.memory_space<vmem>>) dst(%dma_wait3A_44 : memref<4096xi32, #tpu.memory_space<hbm>>)
        tpu.yield
      }) : () -> ()
      "tpu.region"() ({
        %run_scoped3A = tpu.sem_alloc : memref<!tpu.dma_semaphore, #tpu.memory_space<semaphore_mem>>
        %dma_start3A = arith.constant 0 : i32
        %dma_start3A_29 = tpu.memref_slice %arg11[%dma_start3A] : memref<4112xi32, #tpu.memory_space<vmem>> -> memref<4096xi32, #tpu.memory_space<vmem>>
        %dma_start3A_30 = arith.constant 0 : i32
        %dma_start3A_31 = tpu.memref_slice %arg6[%add3A, %dma_start3A_30] : memref<4x4096xi32, #tpu.memory_space<hbm>> -> memref<1x4096xi32, #tpu.memory_space<hbm>>
        %dma_start3A_32 = tpu.memref_squeeze %dma_start3A_31 : memref<1x4096xi32, #tpu.memory_space<hbm>> -> memref<4096xi32, #tpu.memory_space<hbm>>
        %dma_start3A_33 = arith.constant 0 : i32
        %dma_start3A_34 = tpu.memref_slice %arg6[%add3A, %dma_start3A_33] : memref<4x4096xi32, #tpu.memory_space<hbm>> -> memref<1x4096xi32, #tpu.memory_space<hbm>>
        %dma_start3A_35 = tpu.memref_squeeze %dma_start3A_34 : memref<1x4096xi32, #tpu.memory_space<hbm>> -> memref<4096xi32, #tpu.memory_space<hbm>>
        %dma_start3A_36 = arith.constant 0 : i32
        %dma_start3A_37 = tpu.memref_slice %arg11[%dma_start3A_36] : memref<4112xi32, #tpu.memory_space<vmem>> -> memref<4096xi32, #tpu.memory_space<vmem>>
        tpu.enqueue_dma source(%dma_start3A_37 : memref<4096xi32, #tpu.memory_space<vmem>>) target(%dma_start3A_35 : memref<4096xi32, #tpu.memory_space<hbm>>) target_semaphore(%run_scoped3A : memref<!tpu.dma_semaphore, #tpu.memory_space<semaphore_mem>>)
        %dma_wait3A = arith.constant 0 : i32
        %dma_wait3A_38 = tpu.memref_slice %arg11[%dma_wait3A] : memref<4112xi32, #tpu.memory_space<vmem>> -> memref<4096xi32, #tpu.memory_space<vmem>>
        %dma_wait3A_39 = arith.constant 0 : i32
        %dma_wait3A_40 = tpu.memref_slice %arg6[%add3A, %dma_wait3A_39] : memref<4x4096xi32, #tpu.memory_space<hbm>> -> memref<1x4096xi32, #tpu.memory_space<hbm>>
        %dma_wait3A_41 = tpu.memref_squeeze %dma_wait3A_40 : memref<1x4096xi32, #tpu.memory_space<hbm>> -> memref<4096xi32, #tpu.memory_space<hbm>>
        %dma_wait3A_42 = arith.constant 0 : i32
        %dma_wait3A_43 = tpu.memref_slice %arg6[%add3A, %dma_wait3A_42] : memref<4x4096xi32, #tpu.memory_space<hbm>> -> memref<1x4096xi32, #tpu.memory_space<hbm>>
        %dma_wait3A_44 = tpu.memref_squeeze %dma_wait3A_43 : memref<1x4096xi32, #tpu.memory_space<hbm>> -> memref<4096xi32, #tpu.memory_space<hbm>>
        %dma_wait3A_45 = arith.constant 0 : i32
        %dma_wait3A_46 = tpu.memref_slice %arg11[%dma_wait3A_45] : memref<4112xi32, #tpu.memory_space<vmem>> -> memref<4096xi32, #tpu.memory_space<vmem>>
        tpu.wait_dma2 semaphore(%run_scoped3A : memref<!tpu.dma_semaphore, #tpu.memory_space<semaphore_mem>>) src(%dma_wait3A_46 : memref<4096xi32, #tpu.memory_space<vmem>>) dst(%dma_wait3A_44 : memref<4096xi32, #tpu.memory_space<hbm>>)
        tpu.yield
      }) : () -> ()
    } else {
    }
    return
  }
}

#map = affine_map<(d0, d1) -> (0, 0)>
#map1 = affine_map<(d0, d1) -> (0)>
module attributes {stable_mosaic.version = 14 : i64} {
  func.func @_permgather_body(%arg0: i32, %arg1: i32, %arg2: memref<4x4096xi32, #tpu.memory_space<hbm>>, %arg3: memref<4x4096xi32, #tpu.memory_space<hbm>>, %arg4: memref<4x4096xi32, #tpu.memory_space<hbm>>, %arg5: memref<560000xf32, #tpu.memory_space<hbm>>, %arg6: memref<81920xi32, #tpu.memory_space<hbm>>, %arg7: memref<32x4096xf32, #tpu.memory_space<hbm>>, %arg8: memref<4x4096xi32, #tpu.memory_space<hbm>>, %arg9: memref<4x4096xi32, #tpu.memory_space<hbm>>, %arg10: memref<4096xi32, #tpu.memory_space<vmem>>, %arg11: memref<4096xi32, #tpu.memory_space<vmem>>, %arg12: memref<4096xi32, #tpu.memory_space<vmem>>, %arg13: memref<4096xi32, #tpu.memory_space<vmem>>, %arg14: memref<4096xi32, #tpu.memory_space<vmem>>, %arg15: memref<4096xi32, #tpu.memory_space<vmem>>, %arg16: memref<4096xi32, #tpu.memory_space<vmem>>, %arg17: memref<4096xi32, #tpu.memory_space<vmem>>, %arg18: memref<4096xi32, #tpu.memory_space<vmem>>, %arg19: memref<4096xi32, #tpu.memory_space<vmem>>, %arg20: memref<4096xi32, #tpu.memory_space<vmem>>, %arg21: memref<4096xi32, #tpu.memory_space<vmem>>, %arg22: memref<4096xi32, #tpu.memory_space<vmem>>, %arg23: memref<4096xf32, #tpu.memory_space<vmem>>, %arg24: memref<4096xf32, #tpu.memory_space<vmem>>, %arg25: memref<4096xf32, #tpu.memory_space<vmem>>, %arg26: memref<4096xf32, #tpu.memory_space<vmem>>, %arg27: memref<4096xf32, #tpu.memory_space<vmem>>, %arg28: memref<4096xf32, #tpu.memory_space<vmem>>, %arg29: memref<4096xf32, #tpu.memory_space<vmem>>, %arg30: memref<4096xi32, #tpu.memory_space<vmem>>, %arg31: memref<!tpu.dma_semaphore, #tpu.memory_space<semaphore_mem>>) attributes {dimension_semantics = [#tpu.dimension_semantics<core_parallel>, #tpu.dimension_semantics<subcore_parallel>], iteration_bounds = array<i64: 2, 16>, scalar_prefetch = 0 : i64, scratch_operands = 22 : i64, tpu.core_type = #tpu.core_type<sc_vector_subcore>, window_params = [{transform_indices = #map}, {transform_indices = #map}, {transform_indices = #map}, {transform_indices = #map1}, {transform_indices = #map1}, {transform_indices = #map}, {transform_indices = #map}, {transform_indices = #map}]} {
    %mul3A = arith.constant 2 : i32
    %mul3A_0 = arith.muli %arg1, %mul3A : i32
    %add3A = arith.addi %mul3A_0, %arg0 : i32
    %lt3A = arith.constant 4 : i32
    %lt3A_1 = arith.cmpi slt, %add3A, %lt3A : i32
    %convert_element_type3A = arith.extui %lt3A_1 : i1 to i32
    %cond3A = arith.constant 0 : i32
    %cond3A_2 = arith.cmpi ne, %convert_element_type3A, %cond3A : i32
    scf.if %cond3A_2 {
      "tpu.region"() ({
        %run_scoped3A = tpu.sem_alloc : memref<!tpu.dma_semaphore, #tpu.memory_space<semaphore_mem>>
        %dma_start3A_72 = arith.constant 0 : i32
        %dma_start3A_73 = tpu.memref_slice %arg2[%add3A, %dma_start3A_72] : memref<4x4096xi32, #tpu.memory_space<hbm>> -> memref<1x4096xi32, #tpu.memory_space<hbm>>
        %dma_start3A_74 = tpu.memref_squeeze %dma_start3A_73 : memref<1x4096xi32, #tpu.memory_space<hbm>> -> memref<4096xi32, #tpu.memory_space<hbm>>
        %dma_start3A_75 = arith.constant 0 : i32
        %dma_start3A_76 = tpu.memref_slice %arg2[%add3A, %dma_start3A_75] : memref<4x4096xi32, #tpu.memory_space<hbm>> -> memref<1x4096xi32, #tpu.memory_space<hbm>>
        %dma_start3A_77 = tpu.memref_squeeze %dma_start3A_76 : memref<1x4096xi32, #tpu.memory_space<hbm>> -> memref<4096xi32, #tpu.memory_space<hbm>>
        tpu.enqueue_dma source(%dma_start3A_77 : memref<4096xi32, #tpu.memory_space<hbm>>) target(%arg10 : memref<4096xi32, #tpu.memory_space<vmem>>) target_semaphore(%run_scoped3A : memref<!tpu.dma_semaphore, #tpu.memory_space<semaphore_mem>>)
        %dma_wait3A_78 = arith.constant 0 : i32
        %dma_wait3A_79 = tpu.memref_slice %arg2[%add3A, %dma_wait3A_78] : memref<4x4096xi32, #tpu.memory_space<hbm>> -> memref<1x4096xi32, #tpu.memory_space<hbm>>
        %dma_wait3A_80 = tpu.memref_squeeze %dma_wait3A_79 : memref<1x4096xi32, #tpu.memory_space<hbm>> -> memref<4096xi32, #tpu.memory_space<hbm>>
        %dma_wait3A_81 = arith.constant 0 : i32
        %dma_wait3A_82 = tpu.memref_slice %arg2[%add3A, %dma_wait3A_81] : memref<4x4096xi32, #tpu.memory_space<hbm>> -> memref<1x4096xi32, #tpu.memory_space<hbm>>
        %dma_wait3A_83 = tpu.memref_squeeze %dma_wait3A_82 : memref<1x4096xi32, #tpu.memory_space<hbm>> -> memref<4096xi32, #tpu.memory_space<hbm>>
        tpu.wait_dma2 semaphore(%run_scoped3A : memref<!tpu.dma_semaphore, #tpu.memory_space<semaphore_mem>>) src(%dma_wait3A_83 : memref<4096xi32, #tpu.memory_space<hbm>>) dst(%arg10 : memref<4096xi32, #tpu.memory_space<vmem>>)
        tpu.yield
      }) : () -> ()
      "tpu.region"() ({
        %run_scoped3A = tpu.sem_alloc : memref<!tpu.dma_semaphore, #tpu.memory_space<semaphore_mem>>
        %dma_start3A_72 = arith.constant 0 : i32
        %dma_start3A_73 = tpu.memref_slice %arg3[%add3A, %dma_start3A_72] : memref<4x4096xi32, #tpu.memory_space<hbm>> -> memref<1x4096xi32, #tpu.memory_space<hbm>>
        %dma_start3A_74 = tpu.memref_squeeze %dma_start3A_73 : memref<1x4096xi32, #tpu.memory_space<hbm>> -> memref<4096xi32, #tpu.memory_space<hbm>>
        %dma_start3A_75 = arith.constant 0 : i32
        %dma_start3A_76 = tpu.memref_slice %arg3[%add3A, %dma_start3A_75] : memref<4x4096xi32, #tpu.memory_space<hbm>> -> memref<1x4096xi32, #tpu.memory_space<hbm>>
        %dma_start3A_77 = tpu.memref_squeeze %dma_start3A_76 : memref<1x4096xi32, #tpu.memory_space<hbm>> -> memref<4096xi32, #tpu.memory_space<hbm>>
        tpu.enqueue_dma source(%dma_start3A_77 : memref<4096xi32, #tpu.memory_space<hbm>>) target(%arg11 : memref<4096xi32, #tpu.memory_space<vmem>>) target_semaphore(%run_scoped3A : memref<!tpu.dma_semaphore, #tpu.memory_space<semaphore_mem>>)
        %dma_wait3A_78 = arith.constant 0 : i32
        %dma_wait3A_79 = tpu.memref_slice %arg3[%add3A, %dma_wait3A_78] : memref<4x4096xi32, #tpu.memory_space<hbm>> -> memref<1x4096xi32, #tpu.memory_space<hbm>>
        %dma_wait3A_80 = tpu.memref_squeeze %dma_wait3A_79 : memref<1x4096xi32, #tpu.memory_space<hbm>> -> memref<4096xi32, #tpu.memory_space<hbm>>
        %dma_wait3A_81 = arith.constant 0 : i32
        %dma_wait3A_82 = tpu.memref_slice %arg3[%add3A, %dma_wait3A_81] : memref<4x4096xi32, #tpu.memory_space<hbm>> -> memref<1x4096xi32, #tpu.memory_space<hbm>>
        %dma_wait3A_83 = tpu.memref_squeeze %dma_wait3A_82 : memref<1x4096xi32, #tpu.memory_space<hbm>> -> memref<4096xi32, #tpu.memory_space<hbm>>
        tpu.wait_dma2 semaphore(%run_scoped3A : memref<!tpu.dma_semaphore, #tpu.memory_space<semaphore_mem>>) src(%dma_wait3A_83 : memref<4096xi32, #tpu.memory_space<hbm>>) dst(%arg11 : memref<4096xi32, #tpu.memory_space<vmem>>)
        tpu.yield
      }) : () -> ()
      "tpu.region"() ({
        %run_scoped3A = tpu.sem_alloc : memref<!tpu.dma_semaphore, #tpu.memory_space<semaphore_mem>>
        %dma_start3A_72 = arith.constant 0 : i32
        %dma_start3A_73 = tpu.memref_slice %arg4[%add3A, %dma_start3A_72] : memref<4x4096xi32, #tpu.memory_space<hbm>> -> memref<1x4096xi32, #tpu.memory_space<hbm>>
        %dma_start3A_74 = tpu.memref_squeeze %dma_start3A_73 : memref<1x4096xi32, #tpu.memory_space<hbm>> -> memref<4096xi32, #tpu.memory_space<hbm>>
        %dma_start3A_75 = arith.constant 0 : i32
        %dma_start3A_76 = tpu.memref_slice %arg4[%add3A, %dma_start3A_75] : memref<4x4096xi32, #tpu.memory_space<hbm>> -> memref<1x4096xi32, #tpu.memory_space<hbm>>
        %dma_start3A_77 = tpu.memref_squeeze %dma_start3A_76 : memref<1x4096xi32, #tpu.memory_space<hbm>> -> memref<4096xi32, #tpu.memory_space<hbm>>
        tpu.enqueue_dma source(%dma_start3A_77 : memref<4096xi32, #tpu.memory_space<hbm>>) target(%arg12 : memref<4096xi32, #tpu.memory_space<vmem>>) target_semaphore(%run_scoped3A : memref<!tpu.dma_semaphore, #tpu.memory_space<semaphore_mem>>)
        %dma_wait3A_78 = arith.constant 0 : i32
        %dma_wait3A_79 = tpu.memref_slice %arg4[%add3A, %dma_wait3A_78] : memref<4x4096xi32, #tpu.memory_space<hbm>> -> memref<1x4096xi32, #tpu.memory_space<hbm>>
        %dma_wait3A_80 = tpu.memref_squeeze %dma_wait3A_79 : memref<1x4096xi32, #tpu.memory_space<hbm>> -> memref<4096xi32, #tpu.memory_space<hbm>>
        %dma_wait3A_81 = arith.constant 0 : i32
        %dma_wait3A_82 = tpu.memref_slice %arg4[%add3A, %dma_wait3A_81] : memref<4x4096xi32, #tpu.memory_space<hbm>> -> memref<1x4096xi32, #tpu.memory_space<hbm>>
        %dma_wait3A_83 = tpu.memref_squeeze %dma_wait3A_82 : memref<1x4096xi32, #tpu.memory_space<hbm>> -> memref<4096xi32, #tpu.memory_space<hbm>>
        tpu.wait_dma2 semaphore(%run_scoped3A : memref<!tpu.dma_semaphore, #tpu.memory_space<semaphore_mem>>) src(%dma_wait3A_83 : memref<4096xi32, #tpu.memory_space<hbm>>) dst(%arg12 : memref<4096xi32, #tpu.memory_space<vmem>>)
        tpu.yield
      }) : () -> ()
      %scan3A = arith.constant 0 : i32
      %scan3A_3 = arith.constant 0 : i32
      %scan3A_4 = arith.constant 64 : i32
      %scan3A_5 = arith.addi %scan3A_3, %scan3A_4 : i32
      %scan3A_6 = arith.constant 1 : i32
      scf.for %scan3A_72 = %scan3A_3 to %scan3A_5 step %scan3A_6  : i32 {
        %mul3A_73 = arith.constant 4 : i32
        %mul3A_74 = arith.muli %scan3A_72, %mul3A_73 : i32
        %add3A_75 = arith.constant 0 : i32
        %add3A_76 = arith.addi %mul3A_74, %add3A_75 : i32
        %mul3A_77 = arith.constant 16 : i32
        %mul3A_78 = arith.muli %add3A_76, %mul3A_77 : i32
        %get3A = arith.index_cast %mul3A_78 : i32 to index
        %get3A_79 = tpu.vector_load %arg10[%get3A] {strides = array<i32>} : memref<4096xi32, #tpu.memory_space<vmem>>, vector<16xi32>,
        %get3A_80 = arith.index_cast %mul3A_78 : i32 to index
        %get3A_81 = tpu.vector_load %arg11[%get3A_80] {strides = array<i32>} : memref<4096xi32, #tpu.memory_space<vmem>>, vector<16xi32>,
        tpu.vector_store_idx %arg13[%get3A_79], %get3A_81 : memref<4096xi32, #tpu.memory_space<vmem>>[vector<16xi32>], vector<16xi32>,
        %get3A_82 = arith.index_cast %mul3A_78 : i32 to index
        %get3A_83 = tpu.vector_load %arg12[%get3A_82] {strides = array<i32>} : memref<4096xi32, #tpu.memory_space<vmem>>, vector<16xi32>,
        tpu.vector_store_idx %arg14[%get3A_79], %get3A_83 : memref<4096xi32, #tpu.memory_space<vmem>>[vector<16xi32>], vector<16xi32>,
        %mul3A_84 = arith.constant 4 : i32
        %mul3A_85 = arith.muli %scan3A_72, %mul3A_84 : i32
        %add3A_86 = arith.constant 1 : i32
        %add3A_87 = arith.addi %mul3A_85, %add3A_86 : i32
        %mul3A_88 = arith.constant 16 : i32
        %mul3A_89 = arith.muli %add3A_87, %mul3A_88 : i32
        %get3A_90 = arith.index_cast %mul3A_89 : i32 to index
        %get3A_91 = tpu.vector_load %arg10[%get3A_90] {strides = array<i32>} : memref<4096xi32, #tpu.memory_space<vmem>>, vector<16xi32>,
        %get3A_92 = arith.index_cast %mul3A_89 : i32 to index
        %get3A_93 = tpu.vector_load %arg11[%get3A_92] {strides = array<i32>} : memref<4096xi32, #tpu.memory_space<vmem>>, vector<16xi32>,
        tpu.vector_store_idx %arg13[%get3A_91], %get3A_93 : memref<4096xi32, #tpu.memory_space<vmem>>[vector<16xi32>], vector<16xi32>,
        %get3A_94 = arith.index_cast %mul3A_89 : i32 to index
        %get3A_95 = tpu.vector_load %arg12[%get3A_94] {strides = array<i32>} : memref<4096xi32, #tpu.memory_space<vmem>>, vector<16xi32>,
        tpu.vector_store_idx %arg14[%get3A_91], %get3A_95 : memref<4096xi32, #tpu.memory_space<vmem>>[vector<16xi32>], vector<16xi32>,
        %mul3A_96 = arith.constant 4 : i32
        %mul3A_97 = arith.muli %scan3A_72, %mul3A_96 : i32
        %add3A_98 = arith.constant 2 : i32
        %add3A_99 = arith.addi %mul3A_97, %add3A_98 : i32
        %mul3A_100 = arith.constant 16 : i32
        %mul3A_101 = arith.muli %add3A_99, %mul3A_100 : i32
        %get3A_102 = arith.index_cast %mul3A_101 : i32 to index
        %get3A_103 = tpu.vector_load %arg10[%get3A_102] {strides = array<i32>} : memref<4096xi32, #tpu.memory_space<vmem>>, vector<16xi32>,
        %get3A_104 = arith.index_cast %mul3A_101 : i32 to index
        %get3A_105 = tpu.vector_load %arg11[%get3A_104] {strides = array<i32>} : memref<4096xi32, #tpu.memory_space<vmem>>, vector<16xi32>,
        tpu.vector_store_idx %arg13[%get3A_103], %get3A_105 : memref<4096xi32, #tpu.memory_space<vmem>>[vector<16xi32>], vector<16xi32>,
        %get3A_106 = arith.index_cast %mul3A_101 : i32 to index
        %get3A_107 = tpu.vector_load %arg12[%get3A_106] {strides = array<i32>} : memref<4096xi32, #tpu.memory_space<vmem>>, vector<16xi32>,
        tpu.vector_store_idx %arg14[%get3A_103], %get3A_107 : memref<4096xi32, #tpu.memory_space<vmem>>[vector<16xi32>], vector<16xi32>,
        %mul3A_108 = arith.constant 4 : i32
        %mul3A_109 = arith.muli %scan3A_72, %mul3A_108 : i32
        %add3A_110 = arith.constant 3 : i32
        %add3A_111 = arith.addi %mul3A_109, %add3A_110 : i32
        %mul3A_112 = arith.constant 16 : i32
        %mul3A_113 = arith.muli %add3A_111, %mul3A_112 : i32
        %get3A_114 = arith.index_cast %mul3A_113 : i32 to index
        %get3A_115 = tpu.vector_load %arg10[%get3A_114] {strides = array<i32>} : memref<4096xi32, #tpu.memory_space<vmem>>, vector<16xi32>,
        %get3A_116 = arith.index_cast %mul3A_113 : i32 to index
        %get3A_117 = tpu.vector_load %arg11[%get3A_116] {strides = array<i32>} : memref<4096xi32, #tpu.memory_space<vmem>>, vector<16xi32>,
        tpu.vector_store_idx %arg13[%get3A_115], %get3A_117 : memref<4096xi32, #tpu.memory_space<vmem>>[vector<16xi32>], vector<16xi32>,
        %get3A_118 = arith.index_cast %mul3A_113 : i32 to index
        %get3A_119 = tpu.vector_load %arg12[%get3A_118] {strides = array<i32>} : memref<4096xi32, #tpu.memory_space<vmem>>, vector<16xi32>,
        tpu.vector_store_idx %arg14[%get3A_115], %get3A_119 : memref<4096xi32, #tpu.memory_space<vmem>>[vector<16xi32>], vector<16xi32>,
      }
      %scan3A_7 = arith.constant 64 : i32
      "tpu.region"() ({
        %run_scoped3A = tpu.sem_alloc : memref<!tpu.dma_semaphore, #tpu.memory_space<semaphore_mem>>
        %dma_start3A_72 = arith.constant 0 : i32
        %dma_start3A_73 = tpu.memref_slice %arg8[%add3A, %dma_start3A_72] : memref<4x4096xi32, #tpu.memory_space<hbm>> -> memref<1x4096xi32, #tpu.memory_space<hbm>>
        %dma_start3A_74 = tpu.memref_squeeze %dma_start3A_73 : memref<1x4096xi32, #tpu.memory_space<hbm>> -> memref<4096xi32, #tpu.memory_space<hbm>>
        %dma_start3A_75 = arith.constant 0 : i32
        %dma_start3A_76 = tpu.memref_slice %arg8[%add3A, %dma_start3A_75] : memref<4x4096xi32, #tpu.memory_space<hbm>> -> memref<1x4096xi32, #tpu.memory_space<hbm>>
        %dma_start3A_77 = tpu.memref_squeeze %dma_start3A_76 : memref<1x4096xi32, #tpu.memory_space<hbm>> -> memref<4096xi32, #tpu.memory_space<hbm>>
        tpu.enqueue_dma source(%arg14 : memref<4096xi32, #tpu.memory_space<vmem>>) target(%dma_start3A_77 : memref<4096xi32, #tpu.memory_space<hbm>>) target_semaphore(%run_scoped3A : memref<!tpu.dma_semaphore, #tpu.memory_space<semaphore_mem>>)
        %dma_wait3A_78 = arith.constant 0 : i32
        %dma_wait3A_79 = tpu.memref_slice %arg8[%add3A, %dma_wait3A_78] : memref<4x4096xi32, #tpu.memory_space<hbm>> -> memref<1x4096xi32, #tpu.memory_space<hbm>>
        %dma_wait3A_80 = tpu.memref_squeeze %dma_wait3A_79 : memref<1x4096xi32, #tpu.memory_space<hbm>> -> memref<4096xi32, #tpu.memory_space<hbm>>
        %dma_wait3A_81 = arith.constant 0 : i32
        %dma_wait3A_82 = tpu.memref_slice %arg8[%add3A, %dma_wait3A_81] : memref<4x4096xi32, #tpu.memory_space<hbm>> -> memref<1x4096xi32, #tpu.memory_space<hbm>>
        %dma_wait3A_83 = tpu.memref_squeeze %dma_wait3A_82 : memref<1x4096xi32, #tpu.memory_space<hbm>> -> memref<4096xi32, #tpu.memory_space<hbm>>
        tpu.wait_dma2 semaphore(%run_scoped3A : memref<!tpu.dma_semaphore, #tpu.memory_space<semaphore_mem>>) src(%arg14 : memref<4096xi32, #tpu.memory_space<vmem>>) dst(%dma_wait3A_83 : memref<4096xi32, #tpu.memory_space<hbm>>)
        tpu.yield
      }) : () -> ()
      %scan3A_8 = arith.constant 0 : i32
      %scan3A_9 = arith.constant 0 : i32
      %scan3A_10 = arith.constant 64 : i32
      %scan3A_11 = arith.addi %scan3A_9, %scan3A_10 : i32
      %scan3A_12 = arith.constant 1 : i32
      scf.for %scan3A_72 = %scan3A_9 to %scan3A_11 step %scan3A_12  : i32 {
        %mul3A_73 = arith.constant 4 : i32
        %mul3A_74 = arith.muli %scan3A_72, %mul3A_73 : i32
        %add3A_75 = arith.constant 0 : i32
        %add3A_76 = arith.addi %mul3A_74, %add3A_75 : i32
        %mul3A_77 = arith.constant 16 : i32
        %mul3A_78 = arith.muli %add3A_76, %mul3A_77 : i32
        %get3A = arith.index_cast %mul3A_78 : i32 to index
        %get3A_79 = tpu.vector_load %arg13[%get3A] {strides = array<i32>} : memref<4096xi32, #tpu.memory_space<vmem>>, vector<16xi32>,
        %mul3A_80 = arith.constant 20480 : i32
        %mul3A_81 = arith.muli %add3A, %mul3A_80 : i32
        %add3A_82 = vector.broadcast %mul3A_81 : i32 to vector<16xi32>
        %add3A_83 = arith.addi %get3A_79, %add3A_82 : vector<16xi32>
        %swap3A = arith.index_cast %mul3A_78 : i32 to index
        %swap3A_84 = tpu.vector_load %arg15[%swap3A] {strides = array<i32>} : memref<4096xi32, #tpu.memory_space<vmem>>, vector<16xi32>,
        tpu.vector_store %arg15[%swap3A], %add3A_83 {strides = array<i32>} : memref<4096xi32, #tpu.memory_space<vmem>>, vector<16xi32>,
        %mul3A_85 = arith.constant 20000 : i32
        %mul3A_86 = arith.muli %add3A, %mul3A_85 : i32
        %add3A_87 = arith.constant 0 : i32
        %add3A_88 = arith.addi %mul3A_86, %add3A_87 : i32
        %add3A_89 = vector.broadcast %add3A_88 : i32 to vector<16xi32>
        %add3A_90 = arith.addi %get3A_79, %add3A_89 : vector<16xi32>
        %swap3A_91 = arith.index_cast %mul3A_78 : i32 to index
        %swap3A_92 = tpu.vector_load %arg16[%swap3A_91] {strides = array<i32>} : memref<4096xi32, #tpu.memory_space<vmem>>, vector<16xi32>,
        tpu.vector_store %arg16[%swap3A_91], %add3A_90 {strides = array<i32>} : memref<4096xi32, #tpu.memory_space<vmem>>, vector<16xi32>,
        %mul3A_93 = arith.constant 20000 : i32
        %mul3A_94 = arith.muli %add3A, %mul3A_93 : i32
        %add3A_95 = arith.constant 80000 : i32
        %add3A_96 = arith.addi %mul3A_94, %add3A_95 : i32
        %add3A_97 = vector.broadcast %add3A_96 : i32 to vector<16xi32>
        %add3A_98 = arith.addi %get3A_79, %add3A_97 : vector<16xi32>
        %swap3A_99 = arith.index_cast %mul3A_78 : i32 to index
        %swap3A_100 = tpu.vector_load %arg17[%swap3A_99] {strides = array<i32>} : memref<4096xi32, #tpu.memory_space<vmem>>, vector<16xi32>,
        tpu.vector_store %arg17[%swap3A_99], %add3A_98 {strides = array<i32>} : memref<4096xi32, #tpu.memory_space<vmem>>, vector<16xi32>,
        %mul3A_101 = arith.constant 20000 : i32
        %mul3A_102 = arith.muli %add3A, %mul3A_101 : i32
        %add3A_103 = arith.constant 160000 : i32
        %add3A_104 = arith.addi %mul3A_102, %add3A_103 : i32
        %add3A_105 = vector.broadcast %add3A_104 : i32 to vector<16xi32>
        %add3A_106 = arith.addi %get3A_79, %add3A_105 : vector<16xi32>
        %swap3A_107 = arith.index_cast %mul3A_78 : i32 to index
        %swap3A_108 = tpu.vector_load %arg18[%swap3A_107] {strides = array<i32>} : memref<4096xi32, #tpu.memory_space<vmem>>, vector<16xi32>,
        tpu.vector_store %arg18[%swap3A_107], %add3A_106 {strides = array<i32>} : memref<4096xi32, #tpu.memory_space<vmem>>, vector<16xi32>,
        %mul3A_109 = arith.constant 20000 : i32
        %mul3A_110 = arith.muli %add3A, %mul3A_109 : i32
        %add3A_111 = arith.constant 240000 : i32
        %add3A_112 = arith.addi %mul3A_110, %add3A_111 : i32
        %add3A_113 = vector.broadcast %add3A_112 : i32 to vector<16xi32>
        %add3A_114 = arith.addi %get3A_79, %add3A_113 : vector<16xi32>
        %swap3A_115 = arith.index_cast %mul3A_78 : i32 to index
        %swap3A_116 = tpu.vector_load %arg19[%swap3A_115] {strides = array<i32>} : memref<4096xi32, #tpu.memory_space<vmem>>, vector<16xi32>,
        tpu.vector_store %arg19[%swap3A_115], %add3A_114 {strides = array<i32>} : memref<4096xi32, #tpu.memory_space<vmem>>, vector<16xi32>,
        %mul3A_117 = arith.constant 20000 : i32
        %mul3A_118 = arith.muli %add3A, %mul3A_117 : i32
        %add3A_119 = arith.constant 320000 : i32
        %add3A_120 = arith.addi %mul3A_118, %add3A_119 : i32
        %add3A_121 = vector.broadcast %add3A_120 : i32 to vector<16xi32>
        %add3A_122 = arith.addi %get3A_79, %add3A_121 : vector<16xi32>
        %swap3A_123 = arith.index_cast %mul3A_78 : i32 to index
        %swap3A_124 = tpu.vector_load %arg20[%swap3A_123] {strides = array<i32>} : memref<4096xi32, #tpu.memory_space<vmem>>, vector<16xi32>,
        tpu.vector_store %arg20[%swap3A_123], %add3A_122 {strides = array<i32>} : memref<4096xi32, #tpu.memory_space<vmem>>, vector<16xi32>,
        %mul3A_125 = arith.constant 20000 : i32
        %mul3A_126 = arith.muli %add3A, %mul3A_125 : i32
        %add3A_127 = arith.constant 400000 : i32
        %add3A_128 = arith.addi %mul3A_126, %add3A_127 : i32
        %add3A_129 = vector.broadcast %add3A_128 : i32 to vector<16xi32>
        %add3A_130 = arith.addi %get3A_79, %add3A_129 : vector<16xi32>
        %swap3A_131 = arith.index_cast %mul3A_78 : i32 to index
        %swap3A_132 = tpu.vector_load %arg21[%swap3A_131] {strides = array<i32>} : memref<4096xi32, #tpu.memory_space<vmem>>, vector<16xi32>,
        tpu.vector_store %arg21[%swap3A_131], %add3A_130 {strides = array<i32>} : memref<4096xi32, #tpu.memory_space<vmem>>, vector<16xi32>,
        %mul3A_133 = arith.constant 20000 : i32
        %mul3A_134 = arith.muli %add3A, %mul3A_133 : i32
        %add3A_135 = arith.constant 480000 : i32
        %add3A_136 = arith.addi %mul3A_134, %add3A_135 : i32
        %add3A_137 = vector.broadcast %add3A_136 : i32 to vector<16xi32>
        %add3A_138 = arith.addi %get3A_79, %add3A_137 : vector<16xi32>
        %swap3A_139 = arith.index_cast %mul3A_78 : i32 to index
        %swap3A_140 = tpu.vector_load %arg22[%swap3A_139] {strides = array<i32>} : memref<4096xi32, #tpu.memory_space<vmem>>, vector<16xi32>,
        tpu.vector_store %arg22[%swap3A_139], %add3A_138 {strides = array<i32>} : memref<4096xi32, #tpu.memory_space<vmem>>, vector<16xi32>,
        %mul3A_141 = arith.constant 4 : i32
        %mul3A_142 = arith.muli %scan3A_72, %mul3A_141 : i32
        %add3A_143 = arith.constant 1 : i32
        %add3A_144 = arith.addi %mul3A_142, %add3A_143 : i32
        %mul3A_145 = arith.constant 16 : i32
        %mul3A_146 = arith.muli %add3A_144, %mul3A_145 : i32
        %get3A_147 = arith.index_cast %mul3A_146 : i32 to index
        %get3A_148 = tpu.vector_load %arg13[%get3A_147] {strides = array<i32>} : memref<4096xi32, #tpu.memory_space<vmem>>, vector<16xi32>,
        %mul3A_149 = arith.constant 20480 : i32
        %mul3A_150 = arith.muli %add3A, %mul3A_149 : i32
        %add3A_151 = vector.broadcast %mul3A_150 : i32 to vector<16xi32>
        %add3A_152 = arith.addi %get3A_148, %add3A_151 : vector<16xi32>
        %swap3A_153 = arith.index_cast %mul3A_146 : i32 to index
        %swap3A_154 = tpu.vector_load %arg15[%swap3A_153] {strides = array<i32>} : memref<4096xi32, #tpu.memory_space<vmem>>, vector<16xi32>,
        tpu.vector_store %arg15[%swap3A_153], %add3A_152 {strides = array<i32>} : memref<4096xi32, #tpu.memory_space<vmem>>, vector<16xi32>,
        %mul3A_155 = arith.constant 20000 : i32
        %mul3A_156 = arith.muli %add3A, %mul3A_155 : i32
        %add3A_157 = arith.constant 0 : i32
        %add3A_158 = arith.addi %mul3A_156, %add3A_157 : i32
        %add3A_159 = vector.broadcast %add3A_158 : i32 to vector<16xi32>
        %add3A_160 = arith.addi %get3A_148, %add3A_159 : vector<16xi32>
        %swap3A_161 = arith.index_cast %mul3A_146 : i32 to index
        %swap3A_162 = tpu.vector_load %arg16[%swap3A_161] {strides = array<i32>} : memref<4096xi32, #tpu.memory_space<vmem>>, vector<16xi32>,
        tpu.vector_store %arg16[%swap3A_161], %add3A_160 {strides = array<i32>} : memref<4096xi32, #tpu.memory_space<vmem>>, vector<16xi32>,
        %mul3A_163 = arith.constant 20000 : i32
        %mul3A_164 = arith.muli %add3A, %mul3A_163 : i32
        %add3A_165 = arith.constant 80000 : i32
        %add3A_166 = arith.addi %mul3A_164, %add3A_165 : i32
        %add3A_167 = vector.broadcast %add3A_166 : i32 to vector<16xi32>
        %add3A_168 = arith.addi %get3A_148, %add3A_167 : vector<16xi32>
        %swap3A_169 = arith.index_cast %mul3A_146 : i32 to index
        %swap3A_170 = tpu.vector_load %arg17[%swap3A_169] {strides = array<i32>} : memref<4096xi32, #tpu.memory_space<vmem>>, vector<16xi32>,
        tpu.vector_store %arg17[%swap3A_169], %add3A_168 {strides = array<i32>} : memref<4096xi32, #tpu.memory_space<vmem>>, vector<16xi32>,
        %mul3A_171 = arith.constant 20000 : i32
        %mul3A_172 = arith.muli %add3A, %mul3A_171 : i32
        %add3A_173 = arith.constant 160000 : i32
        %add3A_174 = arith.addi %mul3A_172, %add3A_173 : i32
        %add3A_175 = vector.broadcast %add3A_174 : i32 to vector<16xi32>
        %add3A_176 = arith.addi %get3A_148, %add3A_175 : vector<16xi32>
        %swap3A_177 = arith.index_cast %mul3A_146 : i32 to index
        %swap3A_178 = tpu.vector_load %arg18[%swap3A_177] {strides = array<i32>} : memref<4096xi32, #tpu.memory_space<vmem>>, vector<16xi32>,
        tpu.vector_store %arg18[%swap3A_177], %add3A_176 {strides = array<i32>} : memref<4096xi32, #tpu.memory_space<vmem>>, vector<16xi32>,
        %mul3A_179 = arith.constant 20000 : i32
        %mul3A_180 = arith.muli %add3A, %mul3A_179 : i32
        %add3A_181 = arith.constant 240000 : i32
        %add3A_182 = arith.addi %mul3A_180, %add3A_181 : i32
        %add3A_183 = vector.broadcast %add3A_182 : i32 to vector<16xi32>
        %add3A_184 = arith.addi %get3A_148, %add3A_183 : vector<16xi32>
        %swap3A_185 = arith.index_cast %mul3A_146 : i32 to index
        %swap3A_186 = tpu.vector_load %arg19[%swap3A_185] {strides = array<i32>} : memref<4096xi32, #tpu.memory_space<vmem>>, vector<16xi32>,
        tpu.vector_store %arg19[%swap3A_185], %add3A_184 {strides = array<i32>} : memref<4096xi32, #tpu.memory_space<vmem>>, vector<16xi32>,
        %mul3A_187 = arith.constant 20000 : i32
        %mul3A_188 = arith.muli %add3A, %mul3A_187 : i32
        %add3A_189 = arith.constant 320000 : i32
        %add3A_190 = arith.addi %mul3A_188, %add3A_189 : i32
        %add3A_191 = vector.broadcast %add3A_190 : i32 to vector<16xi32>
        %add3A_192 = arith.addi %get3A_148, %add3A_191 : vector<16xi32>
        %swap3A_193 = arith.index_cast %mul3A_146 : i32 to index
        %swap3A_194 = tpu.vector_load %arg20[%swap3A_193] {strides = array<i32>} : memref<4096xi32, #tpu.memory_space<vmem>>, vector<16xi32>,
        tpu.vector_store %arg20[%swap3A_193], %add3A_192 {strides = array<i32>} : memref<4096xi32, #tpu.memory_space<vmem>>, vector<16xi32>,
        %mul3A_195 = arith.constant 20000 : i32
        %mul3A_196 = arith.muli %add3A, %mul3A_195 : i32
        %add3A_197 = arith.constant 400000 : i32
        %add3A_198 = arith.addi %mul3A_196, %add3A_197 : i32
        %add3A_199 = vector.broadcast %add3A_198 : i32 to vector<16xi32>
        %add3A_200 = arith.addi %get3A_148, %add3A_199 : vector<16xi32>
        %swap3A_201 = arith.index_cast %mul3A_146 : i32 to index
        %swap3A_202 = tpu.vector_load %arg21[%swap3A_201] {strides = array<i32>} : memref<4096xi32, #tpu.memory_space<vmem>>, vector<16xi32>,
        tpu.vector_store %arg21[%swap3A_201], %add3A_200 {strides = array<i32>} : memref<4096xi32, #tpu.memory_space<vmem>>, vector<16xi32>,
        %mul3A_203 = arith.constant 20000 : i32
        %mul3A_204 = arith.muli %add3A, %mul3A_203 : i32
        %add3A_205 = arith.constant 480000 : i32
        %add3A_206 = arith.addi %mul3A_204, %add3A_205 : i32
        %add3A_207 = vector.broadcast %add3A_206 : i32 to vector<16xi32>
        %add3A_208 = arith.addi %get3A_148, %add3A_207 : vector<16xi32>
        %swap3A_209 = arith.index_cast %mul3A_146 : i32 to index
        %swap3A_210 = tpu.vector_load %arg22[%swap3A_209] {strides = array<i32>} : memref<4096xi32, #tpu.memory_space<vmem>>, vector<16xi32>,
        tpu.vector_store %arg22[%swap3A_209], %add3A_208 {strides = array<i32>} : memref<4096xi32, #tpu.memory_space<vmem>>, vector<16xi32>,
        %mul3A_211 = arith.constant 4 : i32
        %mul3A_212 = arith.muli %scan3A_72, %mul3A_211 : i32
        %add3A_213 = arith.constant 2 : i32
        %add3A_214 = arith.addi %mul3A_212, %add3A_213 : i32
        %mul3A_215 = arith.constant 16 : i32
        %mul3A_216 = arith.muli %add3A_214, %mul3A_215 : i32
        %get3A_217 = arith.index_cast %mul3A_216 : i32 to index
        %get3A_218 = tpu.vector_load %arg13[%get3A_217] {strides = array<i32>} : memref<4096xi32, #tpu.memory_space<vmem>>, vector<16xi32>,
        %mul3A_219 = arith.constant 20480 : i32
        %mul3A_220 = arith.muli %add3A, %mul3A_219 : i32
        %add3A_221 = vector.broadcast %mul3A_220 : i32 to vector<16xi32>
        %add3A_222 = arith.addi %get3A_218, %add3A_221 : vector<16xi32>
        %swap3A_223 = arith.index_cast %mul3A_216 : i32 to index
        %swap3A_224 = tpu.vector_load %arg15[%swap3A_223] {strides = array<i32>} : memref<4096xi32, #tpu.memory_space<vmem>>, vector<16xi32>,
        tpu.vector_store %arg15[%swap3A_223], %add3A_222 {strides = array<i32>} : memref<4096xi32, #tpu.memory_space<vmem>>, vector<16xi32>,
        %mul3A_225 = arith.constant 20000 : i32
        %mul3A_226 = arith.muli %add3A, %mul3A_225 : i32
        %add3A_227 = arith.constant 0 : i32
        %add3A_228 = arith.addi %mul3A_226, %add3A_227 : i32
        %add3A_229 = vector.broadcast %add3A_228 : i32 to vector<16xi32>
        %add3A_230 = arith.addi %get3A_218, %add3A_229 : vector<16xi32>
        %swap3A_231 = arith.index_cast %mul3A_216 : i32 to index
        %swap3A_232 = tpu.vector_load %arg16[%swap3A_231] {strides = array<i32>} : memref<4096xi32, #tpu.memory_space<vmem>>, vector<16xi32>,
        tpu.vector_store %arg16[%swap3A_231], %add3A_230 {strides = array<i32>} : memref<4096xi32, #tpu.memory_space<vmem>>, vector<16xi32>,
        %mul3A_233 = arith.constant 20000 : i32
        %mul3A_234 = arith.muli %add3A, %mul3A_233 : i32
        %add3A_235 = arith.constant 80000 : i32
        %add3A_236 = arith.addi %mul3A_234, %add3A_235 : i32
        %add3A_237 = vector.broadcast %add3A_236 : i32 to vector<16xi32>
        %add3A_238 = arith.addi %get3A_218, %add3A_237 : vector<16xi32>
        %swap3A_239 = arith.index_cast %mul3A_216 : i32 to index
        %swap3A_240 = tpu.vector_load %arg17[%swap3A_239] {strides = array<i32>} : memref<4096xi32, #tpu.memory_space<vmem>>, vector<16xi32>,
        tpu.vector_store %arg17[%swap3A_239], %add3A_238 {strides = array<i32>} : memref<4096xi32, #tpu.memory_space<vmem>>, vector<16xi32>,
        %mul3A_241 = arith.constant 20000 : i32
        %mul3A_242 = arith.muli %add3A, %mul3A_241 : i32
        %add3A_243 = arith.constant 160000 : i32
        %add3A_244 = arith.addi %mul3A_242, %add3A_243 : i32
        %add3A_245 = vector.broadcast %add3A_244 : i32 to vector<16xi32>
        %add3A_246 = arith.addi %get3A_218, %add3A_245 : vector<16xi32>
        %swap3A_247 = arith.index_cast %mul3A_216 : i32 to index
        %swap3A_248 = tpu.vector_load %arg18[%swap3A_247] {strides = array<i32>} : memref<4096xi32, #tpu.memory_space<vmem>>, vector<16xi32>,
        tpu.vector_store %arg18[%swap3A_247], %add3A_246 {strides = array<i32>} : memref<4096xi32, #tpu.memory_space<vmem>>, vector<16xi32>,
        %mul3A_249 = arith.constant 20000 : i32
        %mul3A_250 = arith.muli %add3A, %mul3A_249 : i32
        %add3A_251 = arith.constant 240000 : i32
        %add3A_252 = arith.addi %mul3A_250, %add3A_251 : i32
        %add3A_253 = vector.broadcast %add3A_252 : i32 to vector<16xi32>
        %add3A_254 = arith.addi %get3A_218, %add3A_253 : vector<16xi32>
        %swap3A_255 = arith.index_cast %mul3A_216 : i32 to index
        %swap3A_256 = tpu.vector_load %arg19[%swap3A_255] {strides = array<i32>} : memref<4096xi32, #tpu.memory_space<vmem>>, vector<16xi32>,
        tpu.vector_store %arg19[%swap3A_255], %add3A_254 {strides = array<i32>} : memref<4096xi32, #tpu.memory_space<vmem>>, vector<16xi32>,
        %mul3A_257 = arith.constant 20000 : i32
        %mul3A_258 = arith.muli %add3A, %mul3A_257 : i32
        %add3A_259 = arith.constant 320000 : i32
        %add3A_260 = arith.addi %mul3A_258, %add3A_259 : i32
        %add3A_261 = vector.broadcast %add3A_260 : i32 to vector<16xi32>
        %add3A_262 = arith.addi %get3A_218, %add3A_261 : vector<16xi32>
        %swap3A_263 = arith.index_cast %mul3A_216 : i32 to index
        %swap3A_264 = tpu.vector_load %arg20[%swap3A_263] {strides = array<i32>} : memref<4096xi32, #tpu.memory_space<vmem>>, vector<16xi32>,
        tpu.vector_store %arg20[%swap3A_263], %add3A_262 {strides = array<i32>} : memref<4096xi32, #tpu.memory_space<vmem>>, vector<16xi32>,
        %mul3A_265 = arith.constant 20000 : i32
        %mul3A_266 = arith.muli %add3A, %mul3A_265 : i32
        %add3A_267 = arith.constant 400000 : i32
        %add3A_268 = arith.addi %mul3A_266, %add3A_267 : i32
        %add3A_269 = vector.broadcast %add3A_268 : i32 to vector<16xi32>
        %add3A_270 = arith.addi %get3A_218, %add3A_269 : vector<16xi32>
        %swap3A_271 = arith.index_cast %mul3A_216 : i32 to index
        %swap3A_272 = tpu.vector_load %arg21[%swap3A_271] {strides = array<i32>} : memref<4096xi32, #tpu.memory_space<vmem>>, vector<16xi32>,
        tpu.vector_store %arg21[%swap3A_271], %add3A_270 {strides = array<i32>} : memref<4096xi32, #tpu.memory_space<vmem>>, vector<16xi32>,
        %mul3A_273 = arith.constant 20000 : i32
        %mul3A_274 = arith.muli %add3A, %mul3A_273 : i32
        %add3A_275 = arith.constant 480000 : i32
        %add3A_276 = arith.addi %mul3A_274, %add3A_275 : i32
        %add3A_277 = vector.broadcast %add3A_276 : i32 to vector<16xi32>
        %add3A_278 = arith.addi %get3A_218, %add3A_277 : vector<16xi32>
        %swap3A_279 = arith.index_cast %mul3A_216 : i32 to index
        %swap3A_280 = tpu.vector_load %arg22[%swap3A_279] {strides = array<i32>} : memref<4096xi32, #tpu.memory_space<vmem>>, vector<16xi32>,
        tpu.vector_store %arg22[%swap3A_279], %add3A_278 {strides = array<i32>} : memref<4096xi32, #tpu.memory_space<vmem>>, vector<16xi32>,
        %mul3A_281 = arith.constant 4 : i32
        %mul3A_282 = arith.muli %scan3A_72, %mul3A_281 : i32
        %add3A_283 = arith.constant 3 : i32
        %add3A_284 = arith.addi %mul3A_282, %add3A_283 : i32
        %mul3A_285 = arith.constant 16 : i32
        %mul3A_286 = arith.muli %add3A_284, %mul3A_285 : i32
        %get3A_287 = arith.index_cast %mul3A_286 : i32 to index
        %get3A_288 = tpu.vector_load %arg13[%get3A_287] {strides = array<i32>} : memref<4096xi32, #tpu.memory_space<vmem>>, vector<16xi32>,
        %mul3A_289 = arith.constant 20480 : i32
        %mul3A_290 = arith.muli %add3A, %mul3A_289 : i32
        %add3A_291 = vector.broadcast %mul3A_290 : i32 to vector<16xi32>
        %add3A_292 = arith.addi %get3A_288, %add3A_291 : vector<16xi32>
        %swap3A_293 = arith.index_cast %mul3A_286 : i32 to index
        %swap3A_294 = tpu.vector_load %arg15[%swap3A_293] {strides = array<i32>} : memref<4096xi32, #tpu.memory_space<vmem>>, vector<16xi32>,
        tpu.vector_store %arg15[%swap3A_293], %add3A_292 {strides = array<i32>} : memref<4096xi32, #tpu.memory_space<vmem>>, vector<16xi32>,
        %mul3A_295 = arith.constant 20000 : i32
        %mul3A_296 = arith.muli %add3A, %mul3A_295 : i32
        %add3A_297 = arith.constant 0 : i32
        %add3A_298 = arith.addi %mul3A_296, %add3A_297 : i32
        %add3A_299 = vector.broadcast %add3A_298 : i32 to vector<16xi32>
        %add3A_300 = arith.addi %get3A_288, %add3A_299 : vector<16xi32>
        %swap3A_301 = arith.index_cast %mul3A_286 : i32 to index
        %swap3A_302 = tpu.vector_load %arg16[%swap3A_301] {strides = array<i32>} : memref<4096xi32, #tpu.memory_space<vmem>>, vector<16xi32>,
        tpu.vector_store %arg16[%swap3A_301], %add3A_300 {strides = array<i32>} : memref<4096xi32, #tpu.memory_space<vmem>>, vector<16xi32>,
        %mul3A_303 = arith.constant 20000 : i32
        %mul3A_304 = arith.muli %add3A, %mul3A_303 : i32
        %add3A_305 = arith.constant 80000 : i32
        %add3A_306 = arith.addi %mul3A_304, %add3A_305 : i32
        %add3A_307 = vector.broadcast %add3A_306 : i32 to vector<16xi32>
        %add3A_308 = arith.addi %get3A_288, %add3A_307 : vector<16xi32>
        %swap3A_309 = arith.index_cast %mul3A_286 : i32 to index
        %swap3A_310 = tpu.vector_load %arg17[%swap3A_309] {strides = array<i32>} : memref<4096xi32, #tpu.memory_space<vmem>>, vector<16xi32>,
        tpu.vector_store %arg17[%swap3A_309], %add3A_308 {strides = array<i32>} : memref<4096xi32, #tpu.memory_space<vmem>>, vector<16xi32>,
        %mul3A_311 = arith.constant 20000 : i32
        %mul3A_312 = arith.muli %add3A, %mul3A_311 : i32
        %add3A_313 = arith.constant 160000 : i32
        %add3A_314 = arith.addi %mul3A_312, %add3A_313 : i32
        %add3A_315 = vector.broadcast %add3A_314 : i32 to vector<16xi32>
        %add3A_316 = arith.addi %get3A_288, %add3A_315 : vector<16xi32>
        %swap3A_317 = arith.index_cast %mul3A_286 : i32 to index
        %swap3A_318 = tpu.vector_load %arg18[%swap3A_317] {strides = array<i32>} : memref<4096xi32, #tpu.memory_space<vmem>>, vector<16xi32>,
        tpu.vector_store %arg18[%swap3A_317], %add3A_316 {strides = array<i32>} : memref<4096xi32, #tpu.memory_space<vmem>>, vector<16xi32>,
        %mul3A_319 = arith.constant 20000 : i32
        %mul3A_320 = arith.muli %add3A, %mul3A_319 : i32
        %add3A_321 = arith.constant 240000 : i32
        %add3A_322 = arith.addi %mul3A_320, %add3A_321 : i32
        %add3A_323 = vector.broadcast %add3A_322 : i32 to vector<16xi32>
        %add3A_324 = arith.addi %get3A_288, %add3A_323 : vector<16xi32>
        %swap3A_325 = arith.index_cast %mul3A_286 : i32 to index
        %swap3A_326 = tpu.vector_load %arg19[%swap3A_325] {strides = array<i32>} : memref<4096xi32, #tpu.memory_space<vmem>>, vector<16xi32>,
        tpu.vector_store %arg19[%swap3A_325], %add3A_324 {strides = array<i32>} : memref<4096xi32, #tpu.memory_space<vmem>>, vector<16xi32>,
        %mul3A_327 = arith.constant 20000 : i32
        %mul3A_328 = arith.muli %add3A, %mul3A_327 : i32
        %add3A_329 = arith.constant 320000 : i32
        %add3A_330 = arith.addi %mul3A_328, %add3A_329 : i32
        %add3A_331 = vector.broadcast %add3A_330 : i32 to vector<16xi32>
        %add3A_332 = arith.addi %get3A_288, %add3A_331 : vector<16xi32>
        %swap3A_333 = arith.index_cast %mul3A_286 : i32 to index
        %swap3A_334 = tpu.vector_load %arg20[%swap3A_333] {strides = array<i32>} : memref<4096xi32, #tpu.memory_space<vmem>>, vector<16xi32>,
        tpu.vector_store %arg20[%swap3A_333], %add3A_332 {strides = array<i32>} : memref<4096xi32, #tpu.memory_space<vmem>>, vector<16xi32>,
        %mul3A_335 = arith.constant 20000 : i32
        %mul3A_336 = arith.muli %add3A, %mul3A_335 : i32
        %add3A_337 = arith.constant 400000 : i32
        %add3A_338 = arith.addi %mul3A_336, %add3A_337 : i32
        %add3A_339 = vector.broadcast %add3A_338 : i32 to vector<16xi32>
        %add3A_340 = arith.addi %get3A_288, %add3A_339 : vector<16xi32>
        %swap3A_341 = arith.index_cast %mul3A_286 : i32 to index
        %swap3A_342 = tpu.vector_load %arg21[%swap3A_341] {strides = array<i32>} : memref<4096xi32, #tpu.memory_space<vmem>>, vector<16xi32>,
        tpu.vector_store %arg21[%swap3A_341], %add3A_340 {strides = array<i32>} : memref<4096xi32, #tpu.memory_space<vmem>>, vector<16xi32>,
        %mul3A_343 = arith.constant 20000 : i32
        %mul3A_344 = arith.muli %add3A, %mul3A_343 : i32
        %add3A_345 = arith.constant 480000 : i32
        %add3A_346 = arith.addi %mul3A_344, %add3A_345 : i32
        %add3A_347 = vector.broadcast %add3A_346 : i32 to vector<16xi32>
        %add3A_348 = arith.addi %get3A_288, %add3A_347 : vector<16xi32>
        %swap3A_349 = arith.index_cast %mul3A_286 : i32 to index
        %swap3A_350 = tpu.vector_load %arg22[%swap3A_349] {strides = array<i32>} : memref<4096xi32, #tpu.memory_space<vmem>>, vector<16xi32>,
        tpu.vector_store %arg22[%swap3A_349], %add3A_348 {strides = array<i32>} : memref<4096xi32, #tpu.memory_space<vmem>>, vector<16xi32>,
      }
      %scan3A_13 = arith.constant 64 : i32
      %dma_start3A = arith.constant 0 : i32
      %dma_start3A_14 = tpu.memref_slice %arg6[%dma_start3A] : memref<81920xi32, #tpu.memory_space<hbm>> -> memref<81920xi32, #tpu.memory_space<hbm>>
      tpu.enqueue_indirect_dma source(%dma_start3A_14 : memref<81920xi32, #tpu.memory_space<hbm>>) target(%arg30 : memref<4096xi32, #tpu.memory_space<vmem>>) offsets(%arg15 : memref<4096xi32, #tpu.memory_space<vmem>>) semaphore(%arg31 : memref<!tpu.dma_semaphore, #tpu.memory_space<semaphore_mem>>)
      %dma_start3A_15 = arith.constant 0 : i32
      %dma_start3A_16 = tpu.memref_slice %arg5[%dma_start3A_15] : memref<560000xf32, #tpu.memory_space<hbm>> -> memref<560000xf32, #tpu.memory_space<hbm>>
      tpu.enqueue_indirect_dma source(%dma_start3A_16 : memref<560000xf32, #tpu.memory_space<hbm>>) target(%arg23 : memref<4096xf32, #tpu.memory_space<vmem>>) offsets(%arg16 : memref<4096xi32, #tpu.memory_space<vmem>>) semaphore(%arg31 : memref<!tpu.dma_semaphore, #tpu.memory_space<semaphore_mem>>)
      %dma_start3A_17 = arith.constant 0 : i32
      %dma_start3A_18 = tpu.memref_slice %arg5[%dma_start3A_17] : memref<560000xf32, #tpu.memory_space<hbm>> -> memref<560000xf32, #tpu.memory_space<hbm>>
      tpu.enqueue_indirect_dma source(%dma_start3A_18 : memref<560000xf32, #tpu.memory_space<hbm>>) target(%arg24 : memref<4096xf32, #tpu.memory_space<vmem>>) offsets(%arg17 : memref<4096xi32, #tpu.memory_space<vmem>>) semaphore(%arg31 : memref<!tpu.dma_semaphore, #tpu.memory_space<semaphore_mem>>)
      %dma_start3A_19 = arith.constant 0 : i32
      %dma_start3A_20 = tpu.memref_slice %arg5[%dma_start3A_19] : memref<560000xf32, #tpu.memory_space<hbm>> -> memref<560000xf32, #tpu.memory_space<hbm>>
      tpu.enqueue_indirect_dma source(%dma_start3A_20 : memref<560000xf32, #tpu.memory_space<hbm>>) target(%arg25 : memref<4096xf32, #tpu.memory_space<vmem>>) offsets(%arg18 : memref<4096xi32, #tpu.memory_space<vmem>>) semaphore(%arg31 : memref<!tpu.dma_semaphore, #tpu.memory_space<semaphore_mem>>)
      %dma_start3A_21 = arith.constant 0 : i32
      %dma_start3A_22 = tpu.memref_slice %arg5[%dma_start3A_21] : memref<560000xf32, #tpu.memory_space<hbm>> -> memref<560000xf32, #tpu.memory_space<hbm>>
      tpu.enqueue_indirect_dma source(%dma_start3A_22 : memref<560000xf32, #tpu.memory_space<hbm>>) target(%arg26 : memref<4096xf32, #tpu.memory_space<vmem>>) offsets(%arg19 : memref<4096xi32, #tpu.memory_space<vmem>>) semaphore(%arg31 : memref<!tpu.dma_semaphore, #tpu.memory_space<semaphore_mem>>)
      %dma_start3A_23 = arith.constant 0 : i32
      %dma_start3A_24 = tpu.memref_slice %arg5[%dma_start3A_23] : memref<560000xf32, #tpu.memory_space<hbm>> -> memref<560000xf32, #tpu.memory_space<hbm>>
      tpu.enqueue_indirect_dma source(%dma_start3A_24 : memref<560000xf32, #tpu.memory_space<hbm>>) target(%arg27 : memref<4096xf32, #tpu.memory_space<vmem>>) offsets(%arg20 : memref<4096xi32, #tpu.memory_space<vmem>>) semaphore(%arg31 : memref<!tpu.dma_semaphore, #tpu.memory_space<semaphore_mem>>)
      %dma_start3A_25 = arith.constant 0 : i32
      %dma_start3A_26 = tpu.memref_slice %arg5[%dma_start3A_25] : memref<560000xf32, #tpu.memory_space<hbm>> -> memref<560000xf32, #tpu.memory_space<hbm>>
      tpu.enqueue_indirect_dma source(%dma_start3A_26 : memref<560000xf32, #tpu.memory_space<hbm>>) target(%arg28 : memref<4096xf32, #tpu.memory_space<vmem>>) offsets(%arg21 : memref<4096xi32, #tpu.memory_space<vmem>>) semaphore(%arg31 : memref<!tpu.dma_semaphore, #tpu.memory_space<semaphore_mem>>)
      %dma_start3A_27 = arith.constant 0 : i32
      %dma_start3A_28 = tpu.memref_slice %arg5[%dma_start3A_27] : memref<560000xf32, #tpu.memory_space<hbm>> -> memref<560000xf32, #tpu.memory_space<hbm>>
      tpu.enqueue_indirect_dma source(%dma_start3A_28 : memref<560000xf32, #tpu.memory_space<hbm>>) target(%arg29 : memref<4096xf32, #tpu.memory_space<vmem>>) offsets(%arg22 : memref<4096xi32, #tpu.memory_space<vmem>>) semaphore(%arg31 : memref<!tpu.dma_semaphore, #tpu.memory_space<semaphore_mem>>)
      %dma_wait3A = arith.constant 0 : i32
      %dma_wait3A_29 = tpu.memref_slice %arg6[%dma_wait3A] : memref<81920xi32, #tpu.memory_space<hbm>> -> memref<81920xi32, #tpu.memory_space<hbm>>
      tpu.wait_indirect_dma semaphore(%arg31 : memref<!tpu.dma_semaphore, #tpu.memory_space<semaphore_mem>>) src(%dma_wait3A_29 : memref<81920xi32, #tpu.memory_space<hbm>>) dst(%arg30 : memref<4096xi32, #tpu.memory_space<vmem>>)
      %dma_wait3A_30 = arith.constant 0 : i32
      %dma_wait3A_31 = tpu.memref_slice %arg5[%dma_wait3A_30] : memref<560000xf32, #tpu.memory_space<hbm>> -> memref<560000xf32, #tpu.memory_space<hbm>>
      tpu.wait_indirect_dma semaphore(%arg31 : memref<!tpu.dma_semaphore, #tpu.memory_space<semaphore_mem>>) src(%dma_wait3A_31 : memref<560000xf32, #tpu.memory_space<hbm>>) dst(%arg23 : memref<4096xf32, #tpu.memory_space<vmem>>)
      %dma_wait3A_32 = arith.constant 0 : i32
      %dma_wait3A_33 = tpu.memref_slice %arg5[%dma_wait3A_32] : memref<560000xf32, #tpu.memory_space<hbm>> -> memref<560000xf32, #tpu.memory_space<hbm>>
      tpu.wait_indirect_dma semaphore(%arg31 : memref<!tpu.dma_semaphore, #tpu.memory_space<semaphore_mem>>) src(%dma_wait3A_33 : memref<560000xf32, #tpu.memory_space<hbm>>) dst(%arg24 : memref<4096xf32, #tpu.memory_space<vmem>>)
      %dma_wait3A_34 = arith.constant 0 : i32
      %dma_wait3A_35 = tpu.memref_slice %arg5[%dma_wait3A_34] : memref<560000xf32, #tpu.memory_space<hbm>> -> memref<560000xf32, #tpu.memory_space<hbm>>
      tpu.wait_indirect_dma semaphore(%arg31 : memref<!tpu.dma_semaphore, #tpu.memory_space<semaphore_mem>>) src(%dma_wait3A_35 : memref<560000xf32, #tpu.memory_space<hbm>>) dst(%arg25 : memref<4096xf32, #tpu.memory_space<vmem>>)
      %dma_wait3A_36 = arith.constant 0 : i32
      %dma_wait3A_37 = tpu.memref_slice %arg5[%dma_wait3A_36] : memref<560000xf32, #tpu.memory_space<hbm>> -> memref<560000xf32, #tpu.memory_space<hbm>>
      tpu.wait_indirect_dma semaphore(%arg31 : memref<!tpu.dma_semaphore, #tpu.memory_space<semaphore_mem>>) src(%dma_wait3A_37 : memref<560000xf32, #tpu.memory_space<hbm>>) dst(%arg26 : memref<4096xf32, #tpu.memory_space<vmem>>)
      %dma_wait3A_38 = arith.constant 0 : i32
      %dma_wait3A_39 = tpu.memref_slice %arg5[%dma_wait3A_38] : memref<560000xf32, #tpu.memory_space<hbm>> -> memref<560000xf32, #tpu.memory_space<hbm>>
      tpu.wait_indirect_dma semaphore(%arg31 : memref<!tpu.dma_semaphore, #tpu.memory_space<semaphore_mem>>) src(%dma_wait3A_39 : memref<560000xf32, #tpu.memory_space<hbm>>) dst(%arg27 : memref<4096xf32, #tpu.memory_space<vmem>>)
      %dma_wait3A_40 = arith.constant 0 : i32
      %dma_wait3A_41 = tpu.memref_slice %arg5[%dma_wait3A_40] : memref<560000xf32, #tpu.memory_space<hbm>> -> memref<560000xf32, #tpu.memory_space<hbm>>
      tpu.wait_indirect_dma semaphore(%arg31 : memref<!tpu.dma_semaphore, #tpu.memory_space<semaphore_mem>>) src(%dma_wait3A_41 : memref<560000xf32, #tpu.memory_space<hbm>>) dst(%arg28 : memref<4096xf32, #tpu.memory_space<vmem>>)
      %dma_wait3A_42 = arith.constant 0 : i32
      %dma_wait3A_43 = tpu.memref_slice %arg5[%dma_wait3A_42] : memref<560000xf32, #tpu.memory_space<hbm>> -> memref<560000xf32, #tpu.memory_space<hbm>>
      tpu.wait_indirect_dma semaphore(%arg31 : memref<!tpu.dma_semaphore, #tpu.memory_space<semaphore_mem>>) src(%dma_wait3A_43 : memref<560000xf32, #tpu.memory_space<hbm>>) dst(%arg29 : memref<4096xf32, #tpu.memory_space<vmem>>)
      "tpu.region"() ({
        %run_scoped3A = tpu.sem_alloc : memref<!tpu.dma_semaphore, #tpu.memory_space<semaphore_mem>>
        %dma_start3A_72 = arith.constant 0 : i32
        %dma_start3A_73 = tpu.memref_slice %arg9[%add3A, %dma_start3A_72] : memref<4x4096xi32, #tpu.memory_space<hbm>> -> memref<1x4096xi32, #tpu.memory_space<hbm>>
        %dma_start3A_74 = tpu.memref_squeeze %dma_start3A_73 : memref<1x4096xi32, #tpu.memory_space<hbm>> -> memref<4096xi32, #tpu.memory_space<hbm>>
        %dma_start3A_75 = arith.constant 0 : i32
        %dma_start3A_76 = tpu.memref_slice %arg9[%add3A, %dma_start3A_75] : memref<4x4096xi32, #tpu.memory_space<hbm>> -> memref<1x4096xi32, #tpu.memory_space<hbm>>
        %dma_start3A_77 = tpu.memref_squeeze %dma_start3A_76 : memref<1x4096xi32, #tpu.memory_space<hbm>> -> memref<4096xi32, #tpu.memory_space<hbm>>
        tpu.enqueue_dma source(%arg30 : memref<4096xi32, #tpu.memory_space<vmem>>) target(%dma_start3A_77 : memref<4096xi32, #tpu.memory_space<hbm>>) target_semaphore(%run_scoped3A : memref<!tpu.dma_semaphore, #tpu.memory_space<semaphore_mem>>)
        %dma_wait3A_78 = arith.constant 0 : i32
        %dma_wait3A_79 = tpu.memref_slice %arg9[%add3A, %dma_wait3A_78] : memref<4x4096xi32, #tpu.memory_space<hbm>> -> memref<1x4096xi32, #tpu.memory_space<hbm>>
        %dma_wait3A_80 = tpu.memref_squeeze %dma_wait3A_79 : memref<1x4096xi32, #tpu.memory_space<hbm>> -> memref<4096xi32, #tpu.memory_space<hbm>>
        %dma_wait3A_81 = arith.constant 0 : i32
        %dma_wait3A_82 = tpu.memref_slice %arg9[%add3A, %dma_wait3A_81] : memref<4x4096xi32, #tpu.memory_space<hbm>> -> memref<1x4096xi32, #tpu.memory_space<hbm>>
        %dma_wait3A_83 = tpu.memref_squeeze %dma_wait3A_82 : memref<1x4096xi32, #tpu.memory_space<hbm>> -> memref<4096xi32, #tpu.memory_space<hbm>>
        tpu.wait_dma2 semaphore(%run_scoped3A : memref<!tpu.dma_semaphore, #tpu.memory_space<semaphore_mem>>) src(%arg30 : memref<4096xi32, #tpu.memory_space<vmem>>) dst(%dma_wait3A_83 : memref<4096xi32, #tpu.memory_space<hbm>>)
        tpu.yield
      }) : () -> ()
      %mul3A_44 = arith.constant 8 : i32
      %mul3A_45 = arith.muli %add3A, %mul3A_44 : i32
      %add3A_46 = arith.constant 0 : i32
      %add3A_47 = arith.addi %mul3A_45, %add3A_46 : i32
      "tpu.region"() ({
        %run_scoped3A = tpu.sem_alloc : memref<!tpu.dma_semaphore, #tpu.memory_space<semaphore_mem>>
        %dma_start3A_72 = arith.constant 0 : i32
        %dma_start3A_73 = tpu.memref_slice %arg7[%add3A_47, %dma_start3A_72] : memref<32x4096xf32, #tpu.memory_space<hbm>> -> memref<1x4096xf32, #tpu.memory_space<hbm>>
        %dma_start3A_74 = tpu.memref_squeeze %dma_start3A_73 : memref<1x4096xf32, #tpu.memory_space<hbm>> -> memref<4096xf32, #tpu.memory_space<hbm>>
        %dma_start3A_75 = arith.constant 0 : i32
        %dma_start3A_76 = tpu.memref_slice %arg7[%add3A_47, %dma_start3A_75] : memref<32x4096xf32, #tpu.memory_space<hbm>> -> memref<1x4096xf32, #tpu.memory_space<hbm>>
        %dma_start3A_77 = tpu.memref_squeeze %dma_start3A_76 : memref<1x4096xf32, #tpu.memory_space<hbm>> -> memref<4096xf32, #tpu.memory_space<hbm>>
        tpu.enqueue_dma source(%arg23 : memref<4096xf32, #tpu.memory_space<vmem>>) target(%dma_start3A_77 : memref<4096xf32, #tpu.memory_space<hbm>>) target_semaphore(%run_scoped3A : memref<!tpu.dma_semaphore, #tpu.memory_space<semaphore_mem>>)
        %dma_wait3A_78 = arith.constant 0 : i32
        %dma_wait3A_79 = tpu.memref_slice %arg7[%add3A_47, %dma_wait3A_78] : memref<32x4096xf32, #tpu.memory_space<hbm>> -> memref<1x4096xf32, #tpu.memory_space<hbm>>
        %dma_wait3A_80 = tpu.memref_squeeze %dma_wait3A_79 : memref<1x4096xf32, #tpu.memory_space<hbm>> -> memref<4096xf32, #tpu.memory_space<hbm>>
        %dma_wait3A_81 = arith.constant 0 : i32
        %dma_wait3A_82 = tpu.memref_slice %arg7[%add3A_47, %dma_wait3A_81] : memref<32x4096xf32, #tpu.memory_space<hbm>> -> memref<1x4096xf32, #tpu.memory_space<hbm>>
        %dma_wait3A_83 = tpu.memref_squeeze %dma_wait3A_82 : memref<1x4096xf32, #tpu.memory_space<hbm>> -> memref<4096xf32, #tpu.memory_space<hbm>>
        tpu.wait_dma2 semaphore(%run_scoped3A : memref<!tpu.dma_semaphore, #tpu.memory_space<semaphore_mem>>) src(%arg23 : memref<4096xf32, #tpu.memory_space<vmem>>) dst(%dma_wait3A_83 : memref<4096xf32, #tpu.memory_space<hbm>>)
        tpu.yield
      }) : () -> ()
      %mul3A_48 = arith.constant 8 : i32
      %mul3A_49 = arith.muli %add3A, %mul3A_48 : i32
      %add3A_50 = arith.constant 1 : i32
      %add3A_51 = arith.addi %mul3A_49, %add3A_50 : i32
      "tpu.region"() ({
        %run_scoped3A = tpu.sem_alloc : memref<!tpu.dma_semaphore, #tpu.memory_space<semaphore_mem>>
        %dma_start3A_72 = arith.constant 0 : i32
        %dma_start3A_73 = tpu.memref_slice %arg7[%add3A_51, %dma_start3A_72] : memref<32x4096xf32, #tpu.memory_space<hbm>> -> memref<1x4096xf32, #tpu.memory_space<hbm>>
        %dma_start3A_74 = tpu.memref_squeeze %dma_start3A_73 : memref<1x4096xf32, #tpu.memory_space<hbm>> -> memref<4096xf32, #tpu.memory_space<hbm>>
        %dma_start3A_75 = arith.constant 0 : i32
        %dma_start3A_76 = tpu.memref_slice %arg7[%add3A_51, %dma_start3A_75] : memref<32x4096xf32, #tpu.memory_space<hbm>> -> memref<1x4096xf32, #tpu.memory_space<hbm>>
        %dma_start3A_77 = tpu.memref_squeeze %dma_start3A_76 : memref<1x4096xf32, #tpu.memory_space<hbm>> -> memref<4096xf32, #tpu.memory_space<hbm>>
        tpu.enqueue_dma source(%arg24 : memref<4096xf32, #tpu.memory_space<vmem>>) target(%dma_start3A_77 : memref<4096xf32, #tpu.memory_space<hbm>>) target_semaphore(%run_scoped3A : memref<!tpu.dma_semaphore, #tpu.memory_space<semaphore_mem>>)
        %dma_wait3A_78 = arith.constant 0 : i32
        %dma_wait3A_79 = tpu.memref_slice %arg7[%add3A_51, %dma_wait3A_78] : memref<32x4096xf32, #tpu.memory_space<hbm>> -> memref<1x4096xf32, #tpu.memory_space<hbm>>
        %dma_wait3A_80 = tpu.memref_squeeze %dma_wait3A_79 : memref<1x4096xf32, #tpu.memory_space<hbm>> -> memref<4096xf32, #tpu.memory_space<hbm>>
        %dma_wait3A_81 = arith.constant 0 : i32
        %dma_wait3A_82 = tpu.memref_slice %arg7[%add3A_51, %dma_wait3A_81] : memref<32x4096xf32, #tpu.memory_space<hbm>> -> memref<1x4096xf32, #tpu.memory_space<hbm>>
        %dma_wait3A_83 = tpu.memref_squeeze %dma_wait3A_82 : memref<1x4096xf32, #tpu.memory_space<hbm>> -> memref<4096xf32, #tpu.memory_space<hbm>>
        tpu.wait_dma2 semaphore(%run_scoped3A : memref<!tpu.dma_semaphore, #tpu.memory_space<semaphore_mem>>) src(%arg24 : memref<4096xf32, #tpu.memory_space<vmem>>) dst(%dma_wait3A_83 : memref<4096xf32, #tpu.memory_space<hbm>>)
        tpu.yield
      }) : () -> ()
      %mul3A_52 = arith.constant 8 : i32
      %mul3A_53 = arith.muli %add3A, %mul3A_52 : i32
      %add3A_54 = arith.constant 2 : i32
      %add3A_55 = arith.addi %mul3A_53, %add3A_54 : i32
      "tpu.region"() ({
        %run_scoped3A = tpu.sem_alloc : memref<!tpu.dma_semaphore, #tpu.memory_space<semaphore_mem>>
        %dma_start3A_72 = arith.constant 0 : i32
        %dma_start3A_73 = tpu.memref_slice %arg7[%add3A_55, %dma_start3A_72] : memref<32x4096xf32, #tpu.memory_space<hbm>> -> memref<1x4096xf32, #tpu.memory_space<hbm>>
        %dma_start3A_74 = tpu.memref_squeeze %dma_start3A_73 : memref<1x4096xf32, #tpu.memory_space<hbm>> -> memref<4096xf32, #tpu.memory_space<hbm>>
        %dma_start3A_75 = arith.constant 0 : i32
        %dma_start3A_76 = tpu.memref_slice %arg7[%add3A_55, %dma_start3A_75] : memref<32x4096xf32, #tpu.memory_space<hbm>> -> memref<1x4096xf32, #tpu.memory_space<hbm>>
        %dma_start3A_77 = tpu.memref_squeeze %dma_start3A_76 : memref<1x4096xf32, #tpu.memory_space<hbm>> -> memref<4096xf32, #tpu.memory_space<hbm>>
        tpu.enqueue_dma source(%arg25 : memref<4096xf32, #tpu.memory_space<vmem>>) target(%dma_start3A_77 : memref<4096xf32, #tpu.memory_space<hbm>>) target_semaphore(%run_scoped3A : memref<!tpu.dma_semaphore, #tpu.memory_space<semaphore_mem>>)
        %dma_wait3A_78 = arith.constant 0 : i32
        %dma_wait3A_79 = tpu.memref_slice %arg7[%add3A_55, %dma_wait3A_78] : memref<32x4096xf32, #tpu.memory_space<hbm>> -> memref<1x4096xf32, #tpu.memory_space<hbm>>
        %dma_wait3A_80 = tpu.memref_squeeze %dma_wait3A_79 : memref<1x4096xf32, #tpu.memory_space<hbm>> -> memref<4096xf32, #tpu.memory_space<hbm>>
        %dma_wait3A_81 = arith.constant 0 : i32
        %dma_wait3A_82 = tpu.memref_slice %arg7[%add3A_55, %dma_wait3A_81] : memref<32x4096xf32, #tpu.memory_space<hbm>> -> memref<1x4096xf32, #tpu.memory_space<hbm>>
        %dma_wait3A_83 = tpu.memref_squeeze %dma_wait3A_82 : memref<1x4096xf32, #tpu.memory_space<hbm>> -> memref<4096xf32, #tpu.memory_space<hbm>>
        tpu.wait_dma2 semaphore(%run_scoped3A : memref<!tpu.dma_semaphore, #tpu.memory_space<semaphore_mem>>) src(%arg25 : memref<4096xf32, #tpu.memory_space<vmem>>) dst(%dma_wait3A_83 : memref<4096xf32, #tpu.memory_space<hbm>>)
        tpu.yield
      }) : () -> ()
      %mul3A_56 = arith.constant 8 : i32
      %mul3A_57 = arith.muli %add3A, %mul3A_56 : i32
      %add3A_58 = arith.constant 3 : i32
      %add3A_59 = arith.addi %mul3A_57, %add3A_58 : i32
      "tpu.region"() ({
        %run_scoped3A = tpu.sem_alloc : memref<!tpu.dma_semaphore, #tpu.memory_space<semaphore_mem>>
        %dma_start3A_72 = arith.constant 0 : i32
        %dma_start3A_73 = tpu.memref_slice %arg7[%add3A_59, %dma_start3A_72] : memref<32x4096xf32, #tpu.memory_space<hbm>> -> memref<1x4096xf32, #tpu.memory_space<hbm>>
        %dma_start3A_74 = tpu.memref_squeeze %dma_start3A_73 : memref<1x4096xf32, #tpu.memory_space<hbm>> -> memref<4096xf32, #tpu.memory_space<hbm>>
        %dma_start3A_75 = arith.constant 0 : i32
        %dma_start3A_76 = tpu.memref_slice %arg7[%add3A_59, %dma_start3A_75] : memref<32x4096xf32, #tpu.memory_space<hbm>> -> memref<1x4096xf32, #tpu.memory_space<hbm>>
        %dma_start3A_77 = tpu.memref_squeeze %dma_start3A_76 : memref<1x4096xf32, #tpu.memory_space<hbm>> -> memref<4096xf32, #tpu.memory_space<hbm>>
        tpu.enqueue_dma source(%arg26 : memref<4096xf32, #tpu.memory_space<vmem>>) target(%dma_start3A_77 : memref<4096xf32, #tpu.memory_space<hbm>>) target_semaphore(%run_scoped3A : memref<!tpu.dma_semaphore, #tpu.memory_space<semaphore_mem>>)
        %dma_wait3A_78 = arith.constant 0 : i32
        %dma_wait3A_79 = tpu.memref_slice %arg7[%add3A_59, %dma_wait3A_78] : memref<32x4096xf32, #tpu.memory_space<hbm>> -> memref<1x4096xf32, #tpu.memory_space<hbm>>
        %dma_wait3A_80 = tpu.memref_squeeze %dma_wait3A_79 : memref<1x4096xf32, #tpu.memory_space<hbm>> -> memref<4096xf32, #tpu.memory_space<hbm>>
        %dma_wait3A_81 = arith.constant 0 : i32
        %dma_wait3A_82 = tpu.memref_slice %arg7[%add3A_59, %dma_wait3A_81] : memref<32x4096xf32, #tpu.memory_space<hbm>> -> memref<1x4096xf32, #tpu.memory_space<hbm>>
        %dma_wait3A_83 = tpu.memref_squeeze %dma_wait3A_82 : memref<1x4096xf32, #tpu.memory_space<hbm>> -> memref<4096xf32, #tpu.memory_space<hbm>>
        tpu.wait_dma2 semaphore(%run_scoped3A : memref<!tpu.dma_semaphore, #tpu.memory_space<semaphore_mem>>) src(%arg26 : memref<4096xf32, #tpu.memory_space<vmem>>) dst(%dma_wait3A_83 : memref<4096xf32, #tpu.memory_space<hbm>>)
        tpu.yield
      }) : () -> ()
      %mul3A_60 = arith.constant 8 : i32
      %mul3A_61 = arith.muli %add3A, %mul3A_60 : i32
      %add3A_62 = arith.constant 4 : i32
      %add3A_63 = arith.addi %mul3A_61, %add3A_62 : i32
      "tpu.region"() ({
        %run_scoped3A = tpu.sem_alloc : memref<!tpu.dma_semaphore, #tpu.memory_space<semaphore_mem>>
        %dma_start3A_72 = arith.constant 0 : i32
        %dma_start3A_73 = tpu.memref_slice %arg7[%add3A_63, %dma_start3A_72] : memref<32x4096xf32, #tpu.memory_space<hbm>> -> memref<1x4096xf32, #tpu.memory_space<hbm>>
        %dma_start3A_74 = tpu.memref_squeeze %dma_start3A_73 : memref<1x4096xf32, #tpu.memory_space<hbm>> -> memref<4096xf32, #tpu.memory_space<hbm>>
        %dma_start3A_75 = arith.constant 0 : i32
        %dma_start3A_76 = tpu.memref_slice %arg7[%add3A_63, %dma_start3A_75] : memref<32x4096xf32, #tpu.memory_space<hbm>> -> memref<1x4096xf32, #tpu.memory_space<hbm>>
        %dma_start3A_77 = tpu.memref_squeeze %dma_start3A_76 : memref<1x4096xf32, #tpu.memory_space<hbm>> -> memref<4096xf32, #tpu.memory_space<hbm>>
        tpu.enqueue_dma source(%arg27 : memref<4096xf32, #tpu.memory_space<vmem>>) target(%dma_start3A_77 : memref<4096xf32, #tpu.memory_space<hbm>>) target_semaphore(%run_scoped3A : memref<!tpu.dma_semaphore, #tpu.memory_space<semaphore_mem>>)
        %dma_wait3A_78 = arith.constant 0 : i32
        %dma_wait3A_79 = tpu.memref_slice %arg7[%add3A_63, %dma_wait3A_78] : memref<32x4096xf32, #tpu.memory_space<hbm>> -> memref<1x4096xf32, #tpu.memory_space<hbm>>
        %dma_wait3A_80 = tpu.memref_squeeze %dma_wait3A_79 : memref<1x4096xf32, #tpu.memory_space<hbm>> -> memref<4096xf32, #tpu.memory_space<hbm>>
        %dma_wait3A_81 = arith.constant 0 : i32
        %dma_wait3A_82 = tpu.memref_slice %arg7[%add3A_63, %dma_wait3A_81] : memref<32x4096xf32, #tpu.memory_space<hbm>> -> memref<1x4096xf32, #tpu.memory_space<hbm>>
        %dma_wait3A_83 = tpu.memref_squeeze %dma_wait3A_82 : memref<1x4096xf32, #tpu.memory_space<hbm>> -> memref<4096xf32, #tpu.memory_space<hbm>>
        tpu.wait_dma2 semaphore(%run_scoped3A : memref<!tpu.dma_semaphore, #tpu.memory_space<semaphore_mem>>) src(%arg27 : memref<4096xf32, #tpu.memory_space<vmem>>) dst(%dma_wait3A_83 : memref<4096xf32, #tpu.memory_space<hbm>>)
        tpu.yield
      }) : () -> ()
      %mul3A_64 = arith.constant 8 : i32
      %mul3A_65 = arith.muli %add3A, %mul3A_64 : i32
      %add3A_66 = arith.constant 5 : i32
      %add3A_67 = arith.addi %mul3A_65, %add3A_66 : i32
      "tpu.region"() ({
        %run_scoped3A = tpu.sem_alloc : memref<!tpu.dma_semaphore, #tpu.memory_space<semaphore_mem>>
        %dma_start3A_72 = arith.constant 0 : i32
        %dma_start3A_73 = tpu.memref_slice %arg7[%add3A_67, %dma_start3A_72] : memref<32x4096xf32, #tpu.memory_space<hbm>> -> memref<1x4096xf32, #tpu.memory_space<hbm>>
        %dma_start3A_74 = tpu.memref_squeeze %dma_start3A_73 : memref<1x4096xf32, #tpu.memory_space<hbm>> -> memref<4096xf32, #tpu.memory_space<hbm>>
        %dma_start3A_75 = arith.constant 0 : i32
        %dma_start3A_76 = tpu.memref_slice %arg7[%add3A_67, %dma_start3A_75] : memref<32x4096xf32, #tpu.memory_space<hbm>> -> memref<1x4096xf32, #tpu.memory_space<hbm>>
        %dma_start3A_77 = tpu.memref_squeeze %dma_start3A_76 : memref<1x4096xf32, #tpu.memory_space<hbm>> -> memref<4096xf32, #tpu.memory_space<hbm>>
        tpu.enqueue_dma source(%arg28 : memref<4096xf32, #tpu.memory_space<vmem>>) target(%dma_start3A_77 : memref<4096xf32, #tpu.memory_space<hbm>>) target_semaphore(%run_scoped3A : memref<!tpu.dma_semaphore, #tpu.memory_space<semaphore_mem>>)
        %dma_wait3A_78 = arith.constant 0 : i32
        %dma_wait3A_79 = tpu.memref_slice %arg7[%add3A_67, %dma_wait3A_78] : memref<32x4096xf32, #tpu.memory_space<hbm>> -> memref<1x4096xf32, #tpu.memory_space<hbm>>
        %dma_wait3A_80 = tpu.memref_squeeze %dma_wait3A_79 : memref<1x4096xf32, #tpu.memory_space<hbm>> -> memref<4096xf32, #tpu.memory_space<hbm>>
        %dma_wait3A_81 = arith.constant 0 : i32
        %dma_wait3A_82 = tpu.memref_slice %arg7[%add3A_67, %dma_wait3A_81] : memref<32x4096xf32, #tpu.memory_space<hbm>> -> memref<1x4096xf32, #tpu.memory_space<hbm>>
        %dma_wait3A_83 = tpu.memref_squeeze %dma_wait3A_82 : memref<1x4096xf32, #tpu.memory_space<hbm>> -> memref<4096xf32, #tpu.memory_space<hbm>>
        tpu.wait_dma2 semaphore(%run_scoped3A : memref<!tpu.dma_semaphore, #tpu.memory_space<semaphore_mem>>) src(%arg28 : memref<4096xf32, #tpu.memory_space<vmem>>) dst(%dma_wait3A_83 : memref<4096xf32, #tpu.memory_space<hbm>>)
        tpu.yield
      }) : () -> ()
      %mul3A_68 = arith.constant 8 : i32
      %mul3A_69 = arith.muli %add3A, %mul3A_68 : i32
      %add3A_70 = arith.constant 6 : i32
      %add3A_71 = arith.addi %mul3A_69, %add3A_70 : i32
      "tpu.region"() ({
        %run_scoped3A = tpu.sem_alloc : memref<!tpu.dma_semaphore, #tpu.memory_space<semaphore_mem>>
        %dma_start3A_72 = arith.constant 0 : i32
        %dma_start3A_73 = tpu.memref_slice %arg7[%add3A_71, %dma_start3A_72] : memref<32x4096xf32, #tpu.memory_space<hbm>> -> memref<1x4096xf32, #tpu.memory_space<hbm>>
        %dma_start3A_74 = tpu.memref_squeeze %dma_start3A_73 : memref<1x4096xf32, #tpu.memory_space<hbm>> -> memref<4096xf32, #tpu.memory_space<hbm>>
        %dma_start3A_75 = arith.constant 0 : i32
        %dma_start3A_76 = tpu.memref_slice %arg7[%add3A_71, %dma_start3A_75] : memref<32x4096xf32, #tpu.memory_space<hbm>> -> memref<1x4096xf32, #tpu.memory_space<hbm>>
        %dma_start3A_77 = tpu.memref_squeeze %dma_start3A_76 : memref<1x4096xf32, #tpu.memory_space<hbm>> -> memref<4096xf32, #tpu.memory_space<hbm>>
        tpu.enqueue_dma source(%arg29 : memref<4096xf32, #tpu.memory_space<vmem>>) target(%dma_start3A_77 : memref<4096xf32, #tpu.memory_space<hbm>>) target_semaphore(%run_scoped3A : memref<!tpu.dma_semaphore, #tpu.memory_space<semaphore_mem>>)
        %dma_wait3A_78 = arith.constant 0 : i32
        %dma_wait3A_79 = tpu.memref_slice %arg7[%add3A_71, %dma_wait3A_78] : memref<32x4096xf32, #tpu.memory_space<hbm>> -> memref<1x4096xf32, #tpu.memory_space<hbm>>
        %dma_wait3A_80 = tpu.memref_squeeze %dma_wait3A_79 : memref<1x4096xf32, #tpu.memory_space<hbm>> -> memref<4096xf32, #tpu.memory_space<hbm>>
        %dma_wait3A_81 = arith.constant 0 : i32
        %dma_wait3A_82 = tpu.memref_slice %arg7[%add3A_71, %dma_wait3A_81] : memref<32x4096xf32, #tpu.memory_space<hbm>> -> memref<1x4096xf32, #tpu.memory_space<hbm>>
        %dma_wait3A_83 = tpu.memref_squeeze %dma_wait3A_82 : memref<1x4096xf32, #tpu.memory_space<hbm>> -> memref<4096xf32, #tpu.memory_space<hbm>>
        tpu.wait_dma2 semaphore(%run_scoped3A : memref<!tpu.dma_semaphore, #tpu.memory_space<semaphore_mem>>) src(%arg29 : memref<4096xf32, #tpu.memory_space<vmem>>) dst(%dma_wait3A_83 : memref<4096xf32, #tpu.memory_space<hbm>>)
        tpu.yield
      }) : () -> ()
    } else {
    }
    return
  }
}

module attributes {stable_mosaic.version = 14 : i64} {
  func.func @_keys_body(%arg0: i32, %arg1: memref<1x3x20480xf32, #tpu.memory_space<vmem>>, %arg2: memref<1x1x20480xi32, #tpu.memory_space<vmem>>, %arg3: memref<1x1x20480xi32, #tpu.memory_space<vmem>>, %arg4: memref<1x1x1xi32, #tpu.memory_space<vmem>>, %arg5: memref<1x1x1xi32, #tpu.memory_space<vmem>>) attributes {dimension_semantics = [#tpu.dimension_semantics<arbitrary>], iteration_bounds = array<i64: 4>, scalar_prefetch = 0 : i64, scratch_operands = 0 : i64, tpu.core_type = #tpu.core_type<tc>, window_params = [{transform_indices = @transform_0, window_bounds = array<i64: 1, 3, 20480>}, {transform_indices = @transform_1, window_bounds = array<i64: 1, 1, 20480>}, {transform_indices = @transform_2, window_bounds = array<i64: 1, 1, 20480>}, {transform_indices = @transform_3, window_bounds = array<i64: 1, 1, 1>}, {transform_indices = @transform_4, window_bounds = array<i64: 1, 1, 1>}]} {
    %get3A = arith.constant 0 : index
    %get3A_0 = arith.constant 0 : index
    %get3A_1 = arith.constant 0 : index
    %get3A_2 = vector.load %arg1[%get3A, %get3A_0, %get3A_1] : memref<1x3x20480xf32, #tpu.memory_space<vmem>>, vector<1x3x20480xf32>
    %get3A_3 = vector.shape_cast %get3A_2 : vector<1x3x20480xf32> to vector<3x20480xf32>
    %slice3A = vector.extract_strided_slice %get3A_3 {offsets = [0, 0], sizes = [1, 20480], strides = [1, 1]} : vector<3x20480xf32> to vector<1x20480xf32>
    %slice3A_4 = vector.extract_strided_slice %get3A_3 {offsets = [1, 0], sizes = [1, 20480], strides = [1, 1]} : vector<3x20480xf32> to vector<1x20480xf32>
    %slice3A_5 = vector.extract_strided_slice %get3A_3 {offsets = [2, 0], sizes = [1, 20480], strides = [1, 1]} : vector<3x20480xf32> to vector<1x20480xf32>
    %max3A = arith.maximumf %slice3A, %slice3A_4 : vector<1x20480xf32>
    %max3A_6 = arith.maximumf %max3A, %slice3A_5 : vector<1x20480xf32>
    %ge3A = arith.cmpf oge, %slice3A, %slice3A_4 : vector<1x20480xf32>
    %ge3A_7 = arith.cmpf oge, %slice3A, %slice3A_5 : vector<1x20480xf32>
    %jit3A = arith.constant 0 : i32
    %jit3A_8 = arith.constant 2 : i32
    %broadcast_in_dim3A = vector.broadcast %jit3A : i32 to vector<1x20480xi32>
    %broadcast_in_dim3A_9 = vector.broadcast %jit3A_8 : i32 to vector<1x20480xi32>
    %select_n3A = arith.select %ge3A_7, %broadcast_in_dim3A, %broadcast_in_dim3A_9 : vector<1x20480xi1>, vector<1x20480xi32>
    %ge3A_10 = arith.cmpf oge, %slice3A_4, %slice3A_5 : vector<1x20480xf32>
    %jit3A_11 = arith.constant 1 : i32
    %jit3A_12 = arith.constant 2 : i32
    %broadcast_in_dim3A_13 = vector.broadcast %jit3A_11 : i32 to vector<1x20480xi32>
    %broadcast_in_dim3A_14 = vector.broadcast %jit3A_12 : i32 to vector<1x20480xi32>
    %select_n3A_15 = arith.select %ge3A_10, %broadcast_in_dim3A_13, %broadcast_in_dim3A_14 : vector<1x20480xi1>, vector<1x20480xi32>
    %select_n3A_16 = arith.select %ge3A, %select_n3A, %select_n3A_15 : vector<1x20480xi1>, vector<1x20480xi32>
    %bitcast_convert_type3A = tpu.bitcast %max3A_6 : vector<1x20480xf32> -> vector<1x20480xi32>
    %and3A = arith.constant 2147483647 : i32
    %and3A_17 = vector.broadcast %and3A : i32 to vector<1x20480xi32>
    %and3A_18 = arith.andi %bitcast_convert_type3A, %and3A_17 : vector<1x20480xi32>
    %lt3A = arith.constant 0 : i32
    %lt3A_19 = vector.broadcast %lt3A : i32 to vector<1x20480xi32>
    %lt3A_20 = arith.cmpi slt, %bitcast_convert_type3A, %lt3A_19 : vector<1x20480xi32>
    %neg3A = arith.constant 0 : i32
    %neg3A_21 = vector.broadcast %neg3A : i32 to vector<1x20480xi32>
    %neg3A_22 = arith.subi %neg3A_21, %and3A_18 : vector<1x20480xi32>
    %select_n3A_23 = arith.select %lt3A_20, %neg3A_22, %and3A_18 : vector<1x20480xi1>, vector<1x20480xi32>
    %iota3A = tpu.iota {dimensions = array<i32: 1>} : vector<1x20480xi32>
    %lt3A_24 = arith.constant 20000 : i32
    %lt3A_25 = vector.broadcast %lt3A_24 : i32 to vector<1x20480xi32>
    %lt3A_26 = arith.cmpi slt, %iota3A, %lt3A_25 : vector<1x20480xi32>
    %jit3A_27 = arith.constant -2147483648 : i32
    %broadcast_in_dim3A_28 = vector.broadcast %jit3A_27 : i32 to vector<1x20480xi32>
    %select_n3A_29 = arith.select %lt3A_26, %select_n3A_23, %broadcast_in_dim3A_28 : vector<1x20480xi1>, vector<1x20480xi32>
    %swap3A = arith.constant 0 : index
    %swap3A_30 = arith.constant 0 : index
    %swap3A_31 = arith.constant 0 : index
    %swap3A_32 = vector.load %arg2[%swap3A, %swap3A_30, %swap3A_31] : memref<1x1x20480xi32, #tpu.memory_space<vmem>>, vector<1x1x20480xi32>
    %swap3A_33 = vector.shape_cast %swap3A_32 : vector<1x1x20480xi32> to vector<1x20480xi32>
    %swap3A_34 = vector.shape_cast %select_n3A_29 : vector<1x20480xi32> to vector<1x1x20480xi32>
    tpu.vector_store %arg2[%swap3A, %swap3A_30, %swap3A_31], %swap3A_34 {strides = array<i32>} : memref<1x1x20480xi32, #tpu.memory_space<vmem>>, vector<1x1x20480xi32>,
    %swap3A_35 = arith.constant 0 : index
    %swap3A_36 = arith.constant 0 : index
    %swap3A_37 = arith.constant 0 : index
    %swap3A_38 = vector.load %arg3[%swap3A_35, %swap3A_36, %swap3A_37] : memref<1x1x20480xi32, #tpu.memory_space<vmem>>, vector<1x1x20480xi32>
    %swap3A_39 = vector.shape_cast %swap3A_38 : vector<1x1x20480xi32> to vector<1x20480xi32>
    %swap3A_40 = vector.shape_cast %select_n3A_16 : vector<1x20480xi32> to vector<1x1x20480xi32>
    tpu.vector_store %arg3[%swap3A_35, %swap3A_36, %swap3A_37], %swap3A_40 {strides = array<i32>} : memref<1x1x20480xi32, #tpu.memory_space<vmem>>, vector<1x1x20480xi32>,
    %ge3A_41 = arith.constant 0 : i32
    %ge3A_42 = vector.broadcast %ge3A_41 : i32 to vector<1x20480xi32>
    %ge3A_43 = arith.cmpi sge, %select_n3A_29, %ge3A_42 : vector<1x20480xi32>
    %jit3A_44 = arith.constant 1 : i32
    %jit3A_45 = arith.constant 0 : i32
    %broadcast_in_dim3A_46 = vector.broadcast %jit3A_44 : i32 to vector<1x20480xi32>
    %broadcast_in_dim3A_47 = vector.broadcast %jit3A_45 : i32 to vector<1x20480xi32>
    %select_n3A_48 = arith.select %ge3A_43, %broadcast_in_dim3A_46, %broadcast_in_dim3A_47 : vector<1x20480xi1>, vector<1x20480xi32>
    %reduce_sum3A = vector.shape_cast %select_n3A_48 : vector<1x20480xi32> to vector<1x1x20480xi32>
    %reduce_sum3A_49 = arith.constant dense<0> : vector<1xi32>
    %reduce_sum3A_50 = vector.multi_reduction <add>, %reduce_sum3A, %reduce_sum3A_49 [1, 2] : vector<1x1x20480xi32> to vector<1xi32>
    %reduce_sum3A_51 = vector.shape_cast %reduce_sum3A_50 : vector<1xi32> to vector<1x1x1xi32>
    %reduce_sum3A_52 = vector.extract %reduce_sum3A_51[0, 0, 0] : i32 from vector<1x1x1xi32>
    %ge3A_53 = arith.constant 4096 : i32
    %ge3A_54 = arith.cmpi sge, %reduce_sum3A_52, %ge3A_53 : i32
    %jit3A_55 = arith.constant 0 : i32
    %jit3A_56 = arith.constant -2147483648 : i32
    %select_n3A_57 = arith.select %ge3A_54, %jit3A_55, %jit3A_56 : i32
    %add3A = arith.constant 1073741824 : i32
    %add3A_58 = arith.addi %select_n3A_57, %add3A : i32
    %ge3A_59 = vector.broadcast %add3A_58 : i32 to vector<1x20480xi32>
    %ge3A_60 = arith.cmpi sge, %select_n3A_29, %ge3A_59 : vector<1x20480xi32>
    %jit3A_61 = arith.constant 1 : i32
    %jit3A_62 = arith.constant 0 : i32
    %broadcast_in_dim3A_63 = vector.broadcast %jit3A_61 : i32 to vector<1x20480xi32>
    %broadcast_in_dim3A_64 = vector.broadcast %jit3A_62 : i32 to vector<1x20480xi32>
    %select_n3A_65 = arith.select %ge3A_60, %broadcast_in_dim3A_63, %broadcast_in_dim3A_64 : vector<1x20480xi1>, vector<1x20480xi32>
    %reduce_sum3A_66 = vector.shape_cast %select_n3A_65 : vector<1x20480xi32> to vector<1x1x20480xi32>
    %reduce_sum3A_67 = arith.constant dense<0> : vector<1xi32>
    %reduce_sum3A_68 = vector.multi_reduction <add>, %reduce_sum3A_66, %reduce_sum3A_67 [1, 2] : vector<1x1x20480xi32> to vector<1xi32>
    %reduce_sum3A_69 = vector.shape_cast %reduce_sum3A_68 : vector<1xi32> to vector<1x1x1xi32>
    %reduce_sum3A_70 = vector.extract %reduce_sum3A_69[0, 0, 0] : i32 from vector<1x1x1xi32>
    %ge3A_71 = arith.constant 4096 : i32
    %ge3A_72 = arith.cmpi sge, %reduce_sum3A_70, %ge3A_71 : i32
    %select_n3A_73 = arith.select %ge3A_72, %add3A_58, %select_n3A_57 : i32
    %add3A_74 = arith.constant 536870912 : i32
    %add3A_75 = arith.addi %select_n3A_73, %add3A_74 : i32
    %ge3A_76 = vector.broadcast %add3A_75 : i32 to vector<1x20480xi32>
    %ge3A_77 = arith.cmpi sge, %select_n3A_29, %ge3A_76 : vector<1x20480xi32>
    %jit3A_78 = arith.constant 1 : i32
    %jit3A_79 = arith.constant 0 : i32
    %broadcast_in_dim3A_80 = vector.broadcast %jit3A_78 : i32 to vector<1x20480xi32>
    %broadcast_in_dim3A_81 = vector.broadcast %jit3A_79 : i32 to vector<1x20480xi32>
    %select_n3A_82 = arith.select %ge3A_77, %broadcast_in_dim3A_80, %broadcast_in_dim3A_81 : vector<1x20480xi1>, vector<1x20480xi32>
    %reduce_sum3A_83 = vector.shape_cast %select_n3A_82 : vector<1x20480xi32> to vector<1x1x20480xi32>
    %reduce_sum3A_84 = arith.constant dense<0> : vector<1xi32>
    %reduce_sum3A_85 = vector.multi_reduction <add>, %reduce_sum3A_83, %reduce_sum3A_84 [1, 2] : vector<1x1x20480xi32> to vector<1xi32>
    %reduce_sum3A_86 = vector.shape_cast %reduce_sum3A_85 : vector<1xi32> to vector<1x1x1xi32>
    %reduce_sum3A_87 = vector.extract %reduce_sum3A_86[0, 0, 0] : i32 from vector<1x1x1xi32>
    %ge3A_88 = arith.constant 4096 : i32
    %ge3A_89 = arith.cmpi sge, %reduce_sum3A_87, %ge3A_88 : i32
    %select_n3A_90 = arith.select %ge3A_89, %add3A_75, %select_n3A_73 : i32
    %add3A_91 = arith.constant 268435456 : i32
    %add3A_92 = arith.addi %select_n3A_90, %add3A_91 : i32
    %ge3A_93 = vector.broadcast %add3A_92 : i32 to vector<1x20480xi32>
    %ge3A_94 = arith.cmpi sge, %select_n3A_29, %ge3A_93 : vector<1x20480xi32>
    %jit3A_95 = arith.constant 1 : i32
    %jit3A_96 = arith.constant 0 : i32
    %broadcast_in_dim3A_97 = vector.broadcast %jit3A_95 : i32 to vector<1x20480xi32>
    %broadcast_in_dim3A_98 = vector.broadcast %jit3A_96 : i32 to vector<1x20480xi32>
    %select_n3A_99 = arith.select %ge3A_94, %broadcast_in_dim3A_97, %broadcast_in_dim3A_98 : vector<1x20480xi1>, vector<1x20480xi32>
    %reduce_sum3A_100 = vector.shape_cast %select_n3A_99 : vector<1x20480xi32> to vector<1x1x20480xi32>
    %reduce_sum3A_101 = arith.constant dense<0> : vector<1xi32>
    %reduce_sum3A_102 = vector.multi_reduction <add>, %reduce_sum3A_100, %reduce_sum3A_101 [1, 2] : vector<1x1x20480xi32> to vector<1xi32>
    %reduce_sum3A_103 = vector.shape_cast %reduce_sum3A_102 : vector<1xi32> to vector<1x1x1xi32>
    %reduce_sum3A_104 = vector.extract %reduce_sum3A_103[0, 0, 0] : i32 from vector<1x1x1xi32>
    %ge3A_105 = arith.constant 4096 : i32
    %ge3A_106 = arith.cmpi sge, %reduce_sum3A_104, %ge3A_105 : i32
    %select_n3A_107 = arith.select %ge3A_106, %add3A_92, %select_n3A_90 : i32
    %add3A_108 = arith.constant 134217728 : i32
    %add3A_109 = arith.addi %select_n3A_107, %add3A_108 : i32
    %ge3A_110 = vector.broadcast %add3A_109 : i32 to vector<1x20480xi32>
    %ge3A_111 = arith.cmpi sge, %select_n3A_29, %ge3A_110 : vector<1x20480xi32>
    %jit3A_112 = arith.constant 1 : i32
    %jit3A_113 = arith.constant 0 : i32
    %broadcast_in_dim3A_114 = vector.broadcast %jit3A_112 : i32 to vector<1x20480xi32>
    %broadcast_in_dim3A_115 = vector.broadcast %jit3A_113 : i32 to vector<1x20480xi32>
    %select_n3A_116 = arith.select %ge3A_111, %broadcast_in_dim3A_114, %broadcast_in_dim3A_115 : vector<1x20480xi1>, vector<1x20480xi32>
    %reduce_sum3A_117 = vector.shape_cast %select_n3A_116 : vector<1x20480xi32> to vector<1x1x20480xi32>
    %reduce_sum3A_118 = arith.constant dense<0> : vector<1xi32>
    %reduce_sum3A_119 = vector.multi_reduction <add>, %reduce_sum3A_117, %reduce_sum3A_118 [1, 2] : vector<1x1x20480xi32> to vector<1xi32>
    %reduce_sum3A_120 = vector.shape_cast %reduce_sum3A_119 : vector<1xi32> to vector<1x1x1xi32>
    %reduce_sum3A_121 = vector.extract %reduce_sum3A_120[0, 0, 0] : i32 from vector<1x1x1xi32>
    %ge3A_122 = arith.constant 4096 : i32
    %ge3A_123 = arith.cmpi sge, %reduce_sum3A_121, %ge3A_122 : i32
    %select_n3A_124 = arith.select %ge3A_123, %add3A_109, %select_n3A_107 : i32
    %add3A_125 = arith.constant 67108864 : i32
    %add3A_126 = arith.addi %select_n3A_124, %add3A_125 : i32
    %ge3A_127 = vector.broadcast %add3A_126 : i32 to vector<1x20480xi32>
    %ge3A_128 = arith.cmpi sge, %select_n3A_29, %ge3A_127 : vector<1x20480xi32>
    %jit3A_129 = arith.constant 1 : i32
    %jit3A_130 = arith.constant 0 : i32
    %broadcast_in_dim3A_131 = vector.broadcast %jit3A_129 : i32 to vector<1x20480xi32>
    %broadcast_in_dim3A_132 = vector.broadcast %jit3A_130 : i32 to vector<1x20480xi32>
    %select_n3A_133 = arith.select %ge3A_128, %broadcast_in_dim3A_131, %broadcast_in_dim3A_132 : vector<1x20480xi1>, vector<1x20480xi32>
    %reduce_sum3A_134 = vector.shape_cast %select_n3A_133 : vector<1x20480xi32> to vector<1x1x20480xi32>
    %reduce_sum3A_135 = arith.constant dense<0> : vector<1xi32>
    %reduce_sum3A_136 = vector.multi_reduction <add>, %reduce_sum3A_134, %reduce_sum3A_135 [1, 2] : vector<1x1x20480xi32> to vector<1xi32>
    %reduce_sum3A_137 = vector.shape_cast %reduce_sum3A_136 : vector<1xi32> to vector<1x1x1xi32>
    %reduce_sum3A_138 = vector.extract %reduce_sum3A_137[0, 0, 0] : i32 from vector<1x1x1xi32>
    %ge3A_139 = arith.constant 4096 : i32
    %ge3A_140 = arith.cmpi sge, %reduce_sum3A_138, %ge3A_139 : i32
    %select_n3A_141 = arith.select %ge3A_140, %add3A_126, %select_n3A_124 : i32
    %add3A_142 = arith.constant 33554432 : i32
    %add3A_143 = arith.addi %select_n3A_141, %add3A_142 : i32
    %ge3A_144 = vector.broadcast %add3A_143 : i32 to vector<1x20480xi32>
    %ge3A_145 = arith.cmpi sge, %select_n3A_29, %ge3A_144 : vector<1x20480xi32>
    %jit3A_146 = arith.constant 1 : i32
    %jit3A_147 = arith.constant 0 : i32
    %broadcast_in_dim3A_148 = vector.broadcast %jit3A_146 : i32 to vector<1x20480xi32>
    %broadcast_in_dim3A_149 = vector.broadcast %jit3A_147 : i32 to vector<1x20480xi32>
    %select_n3A_150 = arith.select %ge3A_145, %broadcast_in_dim3A_148, %broadcast_in_dim3A_149 : vector<1x20480xi1>, vector<1x20480xi32>
    %reduce_sum3A_151 = vector.shape_cast %select_n3A_150 : vector<1x20480xi32> to vector<1x1x20480xi32>
    %reduce_sum3A_152 = arith.constant dense<0> : vector<1xi32>
    %reduce_sum3A_153 = vector.multi_reduction <add>, %reduce_sum3A_151, %reduce_sum3A_152 [1, 2] : vector<1x1x20480xi32> to vector<1xi32>
    %reduce_sum3A_154 = vector.shape_cast %reduce_sum3A_153 : vector<1xi32> to vector<1x1x1xi32>
    %reduce_sum3A_155 = vector.extract %reduce_sum3A_154[0, 0, 0] : i32 from vector<1x1x1xi32>
    %ge3A_156 = arith.constant 4096 : i32
    %ge3A_157 = arith.cmpi sge, %reduce_sum3A_155, %ge3A_156 : i32
    %select_n3A_158 = arith.select %ge3A_157, %add3A_143, %select_n3A_141 : i32
    %add3A_159 = arith.constant 16777216 : i32
    %add3A_160 = arith.addi %select_n3A_158, %add3A_159 : i32
    %ge3A_161 = vector.broadcast %add3A_160 : i32 to vector<1x20480xi32>
    %ge3A_162 = arith.cmpi sge, %select_n3A_29, %ge3A_161 : vector<1x20480xi32>
    %jit3A_163 = arith.constant 1 : i32
    %jit3A_164 = arith.constant 0 : i32
    %broadcast_in_dim3A_165 = vector.broadcast %jit3A_163 : i32 to vector<1x20480xi32>
    %broadcast_in_dim3A_166 = vector.broadcast %jit3A_164 : i32 to vector<1x20480xi32>
    %select_n3A_167 = arith.select %ge3A_162, %broadcast_in_dim3A_165, %broadcast_in_dim3A_166 : vector<1x20480xi1>, vector<1x20480xi32>
    %reduce_sum3A_168 = vector.shape_cast %select_n3A_167 : vector<1x20480xi32> to vector<1x1x20480xi32>
    %reduce_sum3A_169 = arith.constant dense<0> : vector<1xi32>
    %reduce_sum3A_170 = vector.multi_reduction <add>, %reduce_sum3A_168, %reduce_sum3A_169 [1, 2] : vector<1x1x20480xi32> to vector<1xi32>
    %reduce_sum3A_171 = vector.shape_cast %reduce_sum3A_170 : vector<1xi32> to vector<1x1x1xi32>
    %reduce_sum3A_172 = vector.extract %reduce_sum3A_171[0, 0, 0] : i32 from vector<1x1x1xi32>
    %ge3A_173 = arith.constant 4096 : i32
    %ge3A_174 = arith.cmpi sge, %reduce_sum3A_172, %ge3A_173 : i32
    %select_n3A_175 = arith.select %ge3A_174, %add3A_160, %select_n3A_158 : i32
    %add3A_176 = arith.constant 8388608 : i32
    %add3A_177 = arith.addi %select_n3A_175, %add3A_176 : i32
    %ge3A_178 = vector.broadcast %add3A_177 : i32 to vector<1x20480xi32>
    %ge3A_179 = arith.cmpi sge, %select_n3A_29, %ge3A_178 : vector<1x20480xi32>
    %jit3A_180 = arith.constant 1 : i32
    %jit3A_181 = arith.constant 0 : i32
    %broadcast_in_dim3A_182 = vector.broadcast %jit3A_180 : i32 to vector<1x20480xi32>
    %broadcast_in_dim3A_183 = vector.broadcast %jit3A_181 : i32 to vector<1x20480xi32>
    %select_n3A_184 = arith.select %ge3A_179, %broadcast_in_dim3A_182, %broadcast_in_dim3A_183 : vector<1x20480xi1>, vector<1x20480xi32>
    %reduce_sum3A_185 = vector.shape_cast %select_n3A_184 : vector<1x20480xi32> to vector<1x1x20480xi32>
    %reduce_sum3A_186 = arith.constant dense<0> : vector<1xi32>
    %reduce_sum3A_187 = vector.multi_reduction <add>, %reduce_sum3A_185, %reduce_sum3A_186 [1, 2] : vector<1x1x20480xi32> to vector<1xi32>
    %reduce_sum3A_188 = vector.shape_cast %reduce_sum3A_187 : vector<1xi32> to vector<1x1x1xi32>
    %reduce_sum3A_189 = vector.extract %reduce_sum3A_188[0, 0, 0] : i32 from vector<1x1x1xi32>
    %ge3A_190 = arith.constant 4096 : i32
    %ge3A_191 = arith.cmpi sge, %reduce_sum3A_189, %ge3A_190 : i32
    %select_n3A_192 = arith.select %ge3A_191, %add3A_177, %select_n3A_175 : i32
    %add3A_193 = arith.constant 4194304 : i32
    %add3A_194 = arith.addi %select_n3A_192, %add3A_193 : i32
    %ge3A_195 = vector.broadcast %add3A_194 : i32 to vector<1x20480xi32>
    %ge3A_196 = arith.cmpi sge, %select_n3A_29, %ge3A_195 : vector<1x20480xi32>
    %jit3A_197 = arith.constant 1 : i32
    %jit3A_198 = arith.constant 0 : i32
    %broadcast_in_dim3A_199 = vector.broadcast %jit3A_197 : i32 to vector<1x20480xi32>
    %broadcast_in_dim3A_200 = vector.broadcast %jit3A_198 : i32 to vector<1x20480xi32>
    %select_n3A_201 = arith.select %ge3A_196, %broadcast_in_dim3A_199, %broadcast_in_dim3A_200 : vector<1x20480xi1>, vector<1x20480xi32>
    %reduce_sum3A_202 = vector.shape_cast %select_n3A_201 : vector<1x20480xi32> to vector<1x1x20480xi32>
    %reduce_sum3A_203 = arith.constant dense<0> : vector<1xi32>
    %reduce_sum3A_204 = vector.multi_reduction <add>, %reduce_sum3A_202, %reduce_sum3A_203 [1, 2] : vector<1x1x20480xi32> to vector<1xi32>
    %reduce_sum3A_205 = vector.shape_cast %reduce_sum3A_204 : vector<1xi32> to vector<1x1x1xi32>
    %reduce_sum3A_206 = vector.extract %reduce_sum3A_205[0, 0, 0] : i32 from vector<1x1x1xi32>
    %ge3A_207 = arith.constant 4096 : i32
    %ge3A_208 = arith.cmpi sge, %reduce_sum3A_206, %ge3A_207 : i32
    %select_n3A_209 = arith.select %ge3A_208, %add3A_194, %select_n3A_192 : i32
    %add3A_210 = arith.constant 2097152 : i32
    %add3A_211 = arith.addi %select_n3A_209, %add3A_210 : i32
    %ge3A_212 = vector.broadcast %add3A_211 : i32 to vector<1x20480xi32>
    %ge3A_213 = arith.cmpi sge, %select_n3A_29, %ge3A_212 : vector<1x20480xi32>
    %jit3A_214 = arith.constant 1 : i32
    %jit3A_215 = arith.constant 0 : i32
    %broadcast_in_dim3A_216 = vector.broadcast %jit3A_214 : i32 to vector<1x20480xi32>
    %broadcast_in_dim3A_217 = vector.broadcast %jit3A_215 : i32 to vector<1x20480xi32>
    %select_n3A_218 = arith.select %ge3A_213, %broadcast_in_dim3A_216, %broadcast_in_dim3A_217 : vector<1x20480xi1>, vector<1x20480xi32>
    %reduce_sum3A_219 = vector.shape_cast %select_n3A_218 : vector<1x20480xi32> to vector<1x1x20480xi32>
    %reduce_sum3A_220 = arith.constant dense<0> : vector<1xi32>
    %reduce_sum3A_221 = vector.multi_reduction <add>, %reduce_sum3A_219, %reduce_sum3A_220 [1, 2] : vector<1x1x20480xi32> to vector<1xi32>
    %reduce_sum3A_222 = vector.shape_cast %reduce_sum3A_221 : vector<1xi32> to vector<1x1x1xi32>
    %reduce_sum3A_223 = vector.extract %reduce_sum3A_222[0, 0, 0] : i32 from vector<1x1x1xi32>
    %ge3A_224 = arith.constant 4096 : i32
    %ge3A_225 = arith.cmpi sge, %reduce_sum3A_223, %ge3A_224 : i32
    %select_n3A_226 = arith.select %ge3A_225, %add3A_211, %select_n3A_209 : i32
    %add3A_227 = arith.constant 1048576 : i32
    %add3A_228 = arith.addi %select_n3A_226, %add3A_227 : i32
    %ge3A_229 = vector.broadcast %add3A_228 : i32 to vector<1x20480xi32>
    %ge3A_230 = arith.cmpi sge, %select_n3A_29, %ge3A_229 : vector<1x20480xi32>
    %jit3A_231 = arith.constant 1 : i32
    %jit3A_232 = arith.constant 0 : i32
    %broadcast_in_dim3A_233 = vector.broadcast %jit3A_231 : i32 to vector<1x20480xi32>
    %broadcast_in_dim3A_234 = vector.broadcast %jit3A_232 : i32 to vector<1x20480xi32>
    %select_n3A_235 = arith.select %ge3A_230, %broadcast_in_dim3A_233, %broadcast_in_dim3A_234 : vector<1x20480xi1>, vector<1x20480xi32>
    %reduce_sum3A_236 = vector.shape_cast %select_n3A_235 : vector<1x20480xi32> to vector<1x1x20480xi32>
    %reduce_sum3A_237 = arith.constant dense<0> : vector<1xi32>
    %reduce_sum3A_238 = vector.multi_reduction <add>, %reduce_sum3A_236, %reduce_sum3A_237 [1, 2] : vector<1x1x20480xi32> to vector<1xi32>
    %reduce_sum3A_239 = vector.shape_cast %reduce_sum3A_238 : vector<1xi32> to vector<1x1x1xi32>
    %reduce_sum3A_240 = vector.extract %reduce_sum3A_239[0, 0, 0] : i32 from vector<1x1x1xi32>
    %ge3A_241 = arith.constant 4096 : i32
    %ge3A_242 = arith.cmpi sge, %reduce_sum3A_240, %ge3A_241 : i32
    %select_n3A_243 = arith.select %ge3A_242, %add3A_228, %select_n3A_226 : i32
    %add3A_244 = arith.constant 524288 : i32
    %add3A_245 = arith.addi %select_n3A_243, %add3A_244 : i32
    %ge3A_246 = vector.broadcast %add3A_245 : i32 to vector<1x20480xi32>
    %ge3A_247 = arith.cmpi sge, %select_n3A_29, %ge3A_246 : vector<1x20480xi32>
    %jit3A_248 = arith.constant 1 : i32
    %jit3A_249 = arith.constant 0 : i32
    %broadcast_in_dim3A_250 = vector.broadcast %jit3A_248 : i32 to vector<1x20480xi32>
    %broadcast_in_dim3A_251 = vector.broadcast %jit3A_249 : i32 to vector<1x20480xi32>
    %select_n3A_252 = arith.select %ge3A_247, %broadcast_in_dim3A_250, %broadcast_in_dim3A_251 : vector<1x20480xi1>, vector<1x20480xi32>
    %reduce_sum3A_253 = vector.shape_cast %select_n3A_252 : vector<1x20480xi32> to vector<1x1x20480xi32>
    %reduce_sum3A_254 = arith.constant dense<0> : vector<1xi32>
    %reduce_sum3A_255 = vector.multi_reduction <add>, %reduce_sum3A_253, %reduce_sum3A_254 [1, 2] : vector<1x1x20480xi32> to vector<1xi32>
    %reduce_sum3A_256 = vector.shape_cast %reduce_sum3A_255 : vector<1xi32> to vector<1x1x1xi32>
    %reduce_sum3A_257 = vector.extract %reduce_sum3A_256[0, 0, 0] : i32 from vector<1x1x1xi32>
    %ge3A_258 = arith.constant 4096 : i32
    %ge3A_259 = arith.cmpi sge, %reduce_sum3A_257, %ge3A_258 : i32
    %select_n3A_260 = arith.select %ge3A_259, %add3A_245, %select_n3A_243 : i32
    %add3A_261 = arith.constant 262144 : i32
    %add3A_262 = arith.addi %select_n3A_260, %add3A_261 : i32
    %ge3A_263 = vector.broadcast %add3A_262 : i32 to vector<1x20480xi32>
    %ge3A_264 = arith.cmpi sge, %select_n3A_29, %ge3A_263 : vector<1x20480xi32>
    %jit3A_265 = arith.constant 1 : i32
    %jit3A_266 = arith.constant 0 : i32
    %broadcast_in_dim3A_267 = vector.broadcast %jit3A_265 : i32 to vector<1x20480xi32>
    %broadcast_in_dim3A_268 = vector.broadcast %jit3A_266 : i32 to vector<1x20480xi32>
    %select_n3A_269 = arith.select %ge3A_264, %broadcast_in_dim3A_267, %broadcast_in_dim3A_268 : vector<1x20480xi1>, vector<1x20480xi32>
    %reduce_sum3A_270 = vector.shape_cast %select_n3A_269 : vector<1x20480xi32> to vector<1x1x20480xi32>
    %reduce_sum3A_271 = arith.constant dense<0> : vector<1xi32>
    %reduce_sum3A_272 = vector.multi_reduction <add>, %reduce_sum3A_270, %reduce_sum3A_271 [1, 2] : vector<1x1x20480xi32> to vector<1xi32>
    %reduce_sum3A_273 = vector.shape_cast %reduce_sum3A_272 : vector<1xi32> to vector<1x1x1xi32>
    %reduce_sum3A_274 = vector.extract %reduce_sum3A_273[0, 0, 0] : i32 from vector<1x1x1xi32>
    %ge3A_275 = arith.constant 4096 : i32
    %ge3A_276 = arith.cmpi sge, %reduce_sum3A_274, %ge3A_275 : i32
    %select_n3A_277 = arith.select %ge3A_276, %add3A_262, %select_n3A_260 : i32
    %add3A_278 = arith.constant 131072 : i32
    %add3A_279 = arith.addi %select_n3A_277, %add3A_278 : i32
    %ge3A_280 = vector.broadcast %add3A_279 : i32 to vector<1x20480xi32>
    %ge3A_281 = arith.cmpi sge, %select_n3A_29, %ge3A_280 : vector<1x20480xi32>
    %jit3A_282 = arith.constant 1 : i32
    %jit3A_283 = arith.constant 0 : i32
    %broadcast_in_dim3A_284 = vector.broadcast %jit3A_282 : i32 to vector<1x20480xi32>
    %broadcast_in_dim3A_285 = vector.broadcast %jit3A_283 : i32 to vector<1x20480xi32>
    %select_n3A_286 = arith.select %ge3A_281, %broadcast_in_dim3A_284, %broadcast_in_dim3A_285 : vector<1x20480xi1>, vector<1x20480xi32>
    %reduce_sum3A_287 = vector.shape_cast %select_n3A_286 : vector<1x20480xi32> to vector<1x1x20480xi32>
    %reduce_sum3A_288 = arith.constant dense<0> : vector<1xi32>
    %reduce_sum3A_289 = vector.multi_reduction <add>, %reduce_sum3A_287, %reduce_sum3A_288 [1, 2] : vector<1x1x20480xi32> to vector<1xi32>
    %reduce_sum3A_290 = vector.shape_cast %reduce_sum3A_289 : vector<1xi32> to vector<1x1x1xi32>
    %reduce_sum3A_291 = vector.extract %reduce_sum3A_290[0, 0, 0] : i32 from vector<1x1x1xi32>
    %ge3A_292 = arith.constant 4096 : i32
    %ge3A_293 = arith.cmpi sge, %reduce_sum3A_291, %ge3A_292 : i32
    %select_n3A_294 = arith.select %ge3A_293, %add3A_279, %select_n3A_277 : i32
    %add3A_295 = arith.constant 65536 : i32
    %add3A_296 = arith.addi %select_n3A_294, %add3A_295 : i32
    %ge3A_297 = vector.broadcast %add3A_296 : i32 to vector<1x20480xi32>
    %ge3A_298 = arith.cmpi sge, %select_n3A_29, %ge3A_297 : vector<1x20480xi32>
    %jit3A_299 = arith.constant 1 : i32
    %jit3A_300 = arith.constant 0 : i32
    %broadcast_in_dim3A_301 = vector.broadcast %jit3A_299 : i32 to vector<1x20480xi32>
    %broadcast_in_dim3A_302 = vector.broadcast %jit3A_300 : i32 to vector<1x20480xi32>
    %select_n3A_303 = arith.select %ge3A_298, %broadcast_in_dim3A_301, %broadcast_in_dim3A_302 : vector<1x20480xi1>, vector<1x20480xi32>
    %reduce_sum3A_304 = vector.shape_cast %select_n3A_303 : vector<1x20480xi32> to vector<1x1x20480xi32>
    %reduce_sum3A_305 = arith.constant dense<0> : vector<1xi32>
    %reduce_sum3A_306 = vector.multi_reduction <add>, %reduce_sum3A_304, %reduce_sum3A_305 [1, 2] : vector<1x1x20480xi32> to vector<1xi32>
    %reduce_sum3A_307 = vector.shape_cast %reduce_sum3A_306 : vector<1xi32> to vector<1x1x1xi32>
    %reduce_sum3A_308 = vector.extract %reduce_sum3A_307[0, 0, 0] : i32 from vector<1x1x1xi32>
    %ge3A_309 = arith.constant 4096 : i32
    %ge3A_310 = arith.cmpi sge, %reduce_sum3A_308, %ge3A_309 : i32
    %select_n3A_311 = arith.select %ge3A_310, %add3A_296, %select_n3A_294 : i32
    %add3A_312 = arith.constant 32768 : i32
    %add3A_313 = arith.addi %select_n3A_311, %add3A_312 : i32
    %ge3A_314 = vector.broadcast %add3A_313 : i32 to vector<1x20480xi32>
    %ge3A_315 = arith.cmpi sge, %select_n3A_29, %ge3A_314 : vector<1x20480xi32>
    %jit3A_316 = arith.constant 1 : i32
    %jit3A_317 = arith.constant 0 : i32
    %broadcast_in_dim3A_318 = vector.broadcast %jit3A_316 : i32 to vector<1x20480xi32>
    %broadcast_in_dim3A_319 = vector.broadcast %jit3A_317 : i32 to vector<1x20480xi32>
    %select_n3A_320 = arith.select %ge3A_315, %broadcast_in_dim3A_318, %broadcast_in_dim3A_319 : vector<1x20480xi1>, vector<1x20480xi32>
    %reduce_sum3A_321 = vector.shape_cast %select_n3A_320 : vector<1x20480xi32> to vector<1x1x20480xi32>
    %reduce_sum3A_322 = arith.constant dense<0> : vector<1xi32>
    %reduce_sum3A_323 = vector.multi_reduction <add>, %reduce_sum3A_321, %reduce_sum3A_322 [1, 2] : vector<1x1x20480xi32> to vector<1xi32>
    %reduce_sum3A_324 = vector.shape_cast %reduce_sum3A_323 : vector<1xi32> to vector<1x1x1xi32>
    %reduce_sum3A_325 = vector.extract %reduce_sum3A_324[0, 0, 0] : i32 from vector<1x1x1xi32>
    %ge3A_326 = arith.constant 4096 : i32
    %ge3A_327 = arith.cmpi sge, %reduce_sum3A_325, %ge3A_326 : i32
    %select_n3A_328 = arith.select %ge3A_327, %add3A_313, %select_n3A_311 : i32
    %add3A_329 = arith.constant 16384 : i32
    %add3A_330 = arith.addi %select_n3A_328, %add3A_329 : i32
    %ge3A_331 = vector.broadcast %add3A_330 : i32 to vector<1x20480xi32>
    %ge3A_332 = arith.cmpi sge, %select_n3A_29, %ge3A_331 : vector<1x20480xi32>
    %jit3A_333 = arith.constant 1 : i32
    %jit3A_334 = arith.constant 0 : i32
    %broadcast_in_dim3A_335 = vector.broadcast %jit3A_333 : i32 to vector<1x20480xi32>
    %broadcast_in_dim3A_336 = vector.broadcast %jit3A_334 : i32 to vector<1x20480xi32>
    %select_n3A_337 = arith.select %ge3A_332, %broadcast_in_dim3A_335, %broadcast_in_dim3A_336 : vector<1x20480xi1>, vector<1x20480xi32>
    %reduce_sum3A_338 = vector.shape_cast %select_n3A_337 : vector<1x20480xi32> to vector<1x1x20480xi32>
    %reduce_sum3A_339 = arith.constant dense<0> : vector<1xi32>
    %reduce_sum3A_340 = vector.multi_reduction <add>, %reduce_sum3A_338, %reduce_sum3A_339 [1, 2] : vector<1x1x20480xi32> to vector<1xi32>
    %reduce_sum3A_341 = vector.shape_cast %reduce_sum3A_340 : vector<1xi32> to vector<1x1x1xi32>
    %reduce_sum3A_342 = vector.extract %reduce_sum3A_341[0, 0, 0] : i32 from vector<1x1x1xi32>
    %ge3A_343 = arith.constant 4096 : i32
    %ge3A_344 = arith.cmpi sge, %reduce_sum3A_342, %ge3A_343 : i32
    %select_n3A_345 = arith.select %ge3A_344, %add3A_330, %select_n3A_328 : i32
    %add3A_346 = arith.constant 8192 : i32
    %add3A_347 = arith.addi %select_n3A_345, %add3A_346 : i32
    %ge3A_348 = vector.broadcast %add3A_347 : i32 to vector<1x20480xi32>
    %ge3A_349 = arith.cmpi sge, %select_n3A_29, %ge3A_348 : vector<1x20480xi32>
    %jit3A_350 = arith.constant 1 : i32
    %jit3A_351 = arith.constant 0 : i32
    %broadcast_in_dim3A_352 = vector.broadcast %jit3A_350 : i32 to vector<1x20480xi32>
    %broadcast_in_dim3A_353 = vector.broadcast %jit3A_351 : i32 to vector<1x20480xi32>
    %select_n3A_354 = arith.select %ge3A_349, %broadcast_in_dim3A_352, %broadcast_in_dim3A_353 : vector<1x20480xi1>, vector<1x20480xi32>
    %reduce_sum3A_355 = vector.shape_cast %select_n3A_354 : vector<1x20480xi32> to vector<1x1x20480xi32>
    %reduce_sum3A_356 = arith.constant dense<0> : vector<1xi32>
    %reduce_sum3A_357 = vector.multi_reduction <add>, %reduce_sum3A_355, %reduce_sum3A_356 [1, 2] : vector<1x1x20480xi32> to vector<1xi32>
    %reduce_sum3A_358 = vector.shape_cast %reduce_sum3A_357 : vector<1xi32> to vector<1x1x1xi32>
    %reduce_sum3A_359 = vector.extract %reduce_sum3A_358[0, 0, 0] : i32 from vector<1x1x1xi32>
    %ge3A_360 = arith.constant 4096 : i32
    %ge3A_361 = arith.cmpi sge, %reduce_sum3A_359, %ge3A_360 : i32
    %select_n3A_362 = arith.select %ge3A_361, %add3A_347, %select_n3A_345 : i32
    %add3A_363 = arith.constant 4096 : i32
    %add3A_364 = arith.addi %select_n3A_362, %add3A_363 : i32
    %ge3A_365 = vector.broadcast %add3A_364 : i32 to vector<1x20480xi32>
    %ge3A_366 = arith.cmpi sge, %select_n3A_29, %ge3A_365 : vector<1x20480xi32>
    %jit3A_367 = arith.constant 1 : i32
    %jit3A_368 = arith.constant 0 : i32
    %broadcast_in_dim3A_369 = vector.broadcast %jit3A_367 : i32 to vector<1x20480xi32>
    %broadcast_in_dim3A_370 = vector.broadcast %jit3A_368 : i32 to vector<1x20480xi32>
    %select_n3A_371 = arith.select %ge3A_366, %broadcast_in_dim3A_369, %broadcast_in_dim3A_370 : vector<1x20480xi1>, vector<1x20480xi32>
    %reduce_sum3A_372 = vector.shape_cast %select_n3A_371 : vector<1x20480xi32> to vector<1x1x20480xi32>
    %reduce_sum3A_373 = arith.constant dense<0> : vector<1xi32>
    %reduce_sum3A_374 = vector.multi_reduction <add>, %reduce_sum3A_372, %reduce_sum3A_373 [1, 2] : vector<1x1x20480xi32> to vector<1xi32>
    %reduce_sum3A_375 = vector.shape_cast %reduce_sum3A_374 : vector<1xi32> to vector<1x1x1xi32>
    %reduce_sum3A_376 = vector.extract %reduce_sum3A_375[0, 0, 0] : i32 from vector<1x1x1xi32>
    %ge3A_377 = arith.constant 4096 : i32
    %ge3A_378 = arith.cmpi sge, %reduce_sum3A_376, %ge3A_377 : i32
    %select_n3A_379 = arith.select %ge3A_378, %add3A_364, %select_n3A_362 : i32
    %add3A_380 = arith.constant 2048 : i32
    %add3A_381 = arith.addi %select_n3A_379, %add3A_380 : i32
    %ge3A_382 = vector.broadcast %add3A_381 : i32 to vector<1x20480xi32>
    %ge3A_383 = arith.cmpi sge, %select_n3A_29, %ge3A_382 : vector<1x20480xi32>
    %jit3A_384 = arith.constant 1 : i32
    %jit3A_385 = arith.constant 0 : i32
    %broadcast_in_dim3A_386 = vector.broadcast %jit3A_384 : i32 to vector<1x20480xi32>
    %broadcast_in_dim3A_387 = vector.broadcast %jit3A_385 : i32 to vector<1x20480xi32>
    %select_n3A_388 = arith.select %ge3A_383, %broadcast_in_dim3A_386, %broadcast_in_dim3A_387 : vector<1x20480xi1>, vector<1x20480xi32>
    %reduce_sum3A_389 = vector.shape_cast %select_n3A_388 : vector<1x20480xi32> to vector<1x1x20480xi32>
    %reduce_sum3A_390 = arith.constant dense<0> : vector<1xi32>
    %reduce_sum3A_391 = vector.multi_reduction <add>, %reduce_sum3A_389, %reduce_sum3A_390 [1, 2] : vector<1x1x20480xi32> to vector<1xi32>
    %reduce_sum3A_392 = vector.shape_cast %reduce_sum3A_391 : vector<1xi32> to vector<1x1x1xi32>
    %reduce_sum3A_393 = vector.extract %reduce_sum3A_392[0, 0, 0] : i32 from vector<1x1x1xi32>
    %ge3A_394 = arith.constant 4096 : i32
    %ge3A_395 = arith.cmpi sge, %reduce_sum3A_393, %ge3A_394 : i32
    %select_n3A_396 = arith.select %ge3A_395, %add3A_381, %select_n3A_379 : i32
    %add3A_397 = arith.constant 1024 : i32
    %add3A_398 = arith.addi %select_n3A_396, %add3A_397 : i32
    %ge3A_399 = vector.broadcast %add3A_398 : i32 to vector<1x20480xi32>
    %ge3A_400 = arith.cmpi sge, %select_n3A_29, %ge3A_399 : vector<1x20480xi32>
    %jit3A_401 = arith.constant 1 : i32
    %jit3A_402 = arith.constant 0 : i32
    %broadcast_in_dim3A_403 = vector.broadcast %jit3A_401 : i32 to vector<1x20480xi32>
    %broadcast_in_dim3A_404 = vector.broadcast %jit3A_402 : i32 to vector<1x20480xi32>
    %select_n3A_405 = arith.select %ge3A_400, %broadcast_in_dim3A_403, %broadcast_in_dim3A_404 : vector<1x20480xi1>, vector<1x20480xi32>
    %reduce_sum3A_406 = vector.shape_cast %select_n3A_405 : vector<1x20480xi32> to vector<1x1x20480xi32>
    %reduce_sum3A_407 = arith.constant dense<0> : vector<1xi32>
    %reduce_sum3A_408 = vector.multi_reduction <add>, %reduce_sum3A_406, %reduce_sum3A_407 [1, 2] : vector<1x1x20480xi32> to vector<1xi32>
    %reduce_sum3A_409 = vector.shape_cast %reduce_sum3A_408 : vector<1xi32> to vector<1x1x1xi32>
    %reduce_sum3A_410 = vector.extract %reduce_sum3A_409[0, 0, 0] : i32 from vector<1x1x1xi32>
    %ge3A_411 = arith.constant 4096 : i32
    %ge3A_412 = arith.cmpi sge, %reduce_sum3A_410, %ge3A_411 : i32
    %select_n3A_413 = arith.select %ge3A_412, %add3A_398, %select_n3A_396 : i32
    %add3A_414 = arith.constant 512 : i32
    %add3A_415 = arith.addi %select_n3A_413, %add3A_414 : i32
    %ge3A_416 = vector.broadcast %add3A_415 : i32 to vector<1x20480xi32>
    %ge3A_417 = arith.cmpi sge, %select_n3A_29, %ge3A_416 : vector<1x20480xi32>
    %jit3A_418 = arith.constant 1 : i32
    %jit3A_419 = arith.constant 0 : i32
    %broadcast_in_dim3A_420 = vector.broadcast %jit3A_418 : i32 to vector<1x20480xi32>
    %broadcast_in_dim3A_421 = vector.broadcast %jit3A_419 : i32 to vector<1x20480xi32>
    %select_n3A_422 = arith.select %ge3A_417, %broadcast_in_dim3A_420, %broadcast_in_dim3A_421 : vector<1x20480xi1>, vector<1x20480xi32>
    %reduce_sum3A_423 = vector.shape_cast %select_n3A_422 : vector<1x20480xi32> to vector<1x1x20480xi32>
    %reduce_sum3A_424 = arith.constant dense<0> : vector<1xi32>
    %reduce_sum3A_425 = vector.multi_reduction <add>, %reduce_sum3A_423, %reduce_sum3A_424 [1, 2] : vector<1x1x20480xi32> to vector<1xi32>
    %reduce_sum3A_426 = vector.shape_cast %reduce_sum3A_425 : vector<1xi32> to vector<1x1x1xi32>
    %reduce_sum3A_427 = vector.extract %reduce_sum3A_426[0, 0, 0] : i32 from vector<1x1x1xi32>
    %ge3A_428 = arith.constant 4096 : i32
    %ge3A_429 = arith.cmpi sge, %reduce_sum3A_427, %ge3A_428 : i32
    %select_n3A_430 = arith.select %ge3A_429, %add3A_415, %select_n3A_413 : i32
    %add3A_431 = arith.constant 256 : i32
    %add3A_432 = arith.addi %select_n3A_430, %add3A_431 : i32
    %ge3A_433 = vector.broadcast %add3A_432 : i32 to vector<1x20480xi32>
    %ge3A_434 = arith.cmpi sge, %select_n3A_29, %ge3A_433 : vector<1x20480xi32>
    %jit3A_435 = arith.constant 1 : i32
    %jit3A_436 = arith.constant 0 : i32
    %broadcast_in_dim3A_437 = vector.broadcast %jit3A_435 : i32 to vector<1x20480xi32>
    %broadcast_in_dim3A_438 = vector.broadcast %jit3A_436 : i32 to vector<1x20480xi32>
    %select_n3A_439 = arith.select %ge3A_434, %broadcast_in_dim3A_437, %broadcast_in_dim3A_438 : vector<1x20480xi1>, vector<1x20480xi32>
    %reduce_sum3A_440 = vector.shape_cast %select_n3A_439 : vector<1x20480xi32> to vector<1x1x20480xi32>
    %reduce_sum3A_441 = arith.constant dense<0> : vector<1xi32>
    %reduce_sum3A_442 = vector.multi_reduction <add>, %reduce_sum3A_440, %reduce_sum3A_441 [1, 2] : vector<1x1x20480xi32> to vector<1xi32>
    %reduce_sum3A_443 = vector.shape_cast %reduce_sum3A_442 : vector<1xi32> to vector<1x1x1xi32>
    %reduce_sum3A_444 = vector.extract %reduce_sum3A_443[0, 0, 0] : i32 from vector<1x1x1xi32>
    %ge3A_445 = arith.constant 4096 : i32
    %ge3A_446 = arith.cmpi sge, %reduce_sum3A_444, %ge3A_445 : i32
    %select_n3A_447 = arith.select %ge3A_446, %add3A_432, %select_n3A_430 : i32
    %add3A_448 = arith.constant 128 : i32
    %add3A_449 = arith.addi %select_n3A_447, %add3A_448 : i32
    %ge3A_450 = vector.broadcast %add3A_449 : i32 to vector<1x20480xi32>
    %ge3A_451 = arith.cmpi sge, %select_n3A_29, %ge3A_450 : vector<1x20480xi32>
    %jit3A_452 = arith.constant 1 : i32
    %jit3A_453 = arith.constant 0 : i32
    %broadcast_in_dim3A_454 = vector.broadcast %jit3A_452 : i32 to vector<1x20480xi32>
    %broadcast_in_dim3A_455 = vector.broadcast %jit3A_453 : i32 to vector<1x20480xi32>
    %select_n3A_456 = arith.select %ge3A_451, %broadcast_in_dim3A_454, %broadcast_in_dim3A_455 : vector<1x20480xi1>, vector<1x20480xi32>
    %reduce_sum3A_457 = vector.shape_cast %select_n3A_456 : vector<1x20480xi32> to vector<1x1x20480xi32>
    %reduce_sum3A_458 = arith.constant dense<0> : vector<1xi32>
    %reduce_sum3A_459 = vector.multi_reduction <add>, %reduce_sum3A_457, %reduce_sum3A_458 [1, 2] : vector<1x1x20480xi32> to vector<1xi32>
    %reduce_sum3A_460 = vector.shape_cast %reduce_sum3A_459 : vector<1xi32> to vector<1x1x1xi32>
    %reduce_sum3A_461 = vector.extract %reduce_sum3A_460[0, 0, 0] : i32 from vector<1x1x1xi32>
    %ge3A_462 = arith.constant 4096 : i32
    %ge3A_463 = arith.cmpi sge, %reduce_sum3A_461, %ge3A_462 : i32
    %select_n3A_464 = arith.select %ge3A_463, %add3A_449, %select_n3A_447 : i32
    %add3A_465 = arith.constant 64 : i32
    %add3A_466 = arith.addi %select_n3A_464, %add3A_465 : i32
    %ge3A_467 = vector.broadcast %add3A_466 : i32 to vector<1x20480xi32>
    %ge3A_468 = arith.cmpi sge, %select_n3A_29, %ge3A_467 : vector<1x20480xi32>
    %jit3A_469 = arith.constant 1 : i32
    %jit3A_470 = arith.constant 0 : i32
    %broadcast_in_dim3A_471 = vector.broadcast %jit3A_469 : i32 to vector<1x20480xi32>
    %broadcast_in_dim3A_472 = vector.broadcast %jit3A_470 : i32 to vector<1x20480xi32>
    %select_n3A_473 = arith.select %ge3A_468, %broadcast_in_dim3A_471, %broadcast_in_dim3A_472 : vector<1x20480xi1>, vector<1x20480xi32>
    %reduce_sum3A_474 = vector.shape_cast %select_n3A_473 : vector<1x20480xi32> to vector<1x1x20480xi32>
    %reduce_sum3A_475 = arith.constant dense<0> : vector<1xi32>
    %reduce_sum3A_476 = vector.multi_reduction <add>, %reduce_sum3A_474, %reduce_sum3A_475 [1, 2] : vector<1x1x20480xi32> to vector<1xi32>
    %reduce_sum3A_477 = vector.shape_cast %reduce_sum3A_476 : vector<1xi32> to vector<1x1x1xi32>
    %reduce_sum3A_478 = vector.extract %reduce_sum3A_477[0, 0, 0] : i32 from vector<1x1x1xi32>
    %ge3A_479 = arith.constant 4096 : i32
    %ge3A_480 = arith.cmpi sge, %reduce_sum3A_478, %ge3A_479 : i32
    %select_n3A_481 = arith.select %ge3A_480, %add3A_466, %select_n3A_464 : i32
    %add3A_482 = arith.constant 32 : i32
    %add3A_483 = arith.addi %select_n3A_481, %add3A_482 : i32
    %ge3A_484 = vector.broadcast %add3A_483 : i32 to vector<1x20480xi32>
    %ge3A_485 = arith.cmpi sge, %select_n3A_29, %ge3A_484 : vector<1x20480xi32>
    %jit3A_486 = arith.constant 1 : i32
    %jit3A_487 = arith.constant 0 : i32
    %broadcast_in_dim3A_488 = vector.broadcast %jit3A_486 : i32 to vector<1x20480xi32>
    %broadcast_in_dim3A_489 = vector.broadcast %jit3A_487 : i32 to vector<1x20480xi32>
    %select_n3A_490 = arith.select %ge3A_485, %broadcast_in_dim3A_488, %broadcast_in_dim3A_489 : vector<1x20480xi1>, vector<1x20480xi32>
    %reduce_sum3A_491 = vector.shape_cast %select_n3A_490 : vector<1x20480xi32> to vector<1x1x20480xi32>
    %reduce_sum3A_492 = arith.constant dense<0> : vector<1xi32>
    %reduce_sum3A_493 = vector.multi_reduction <add>, %reduce_sum3A_491, %reduce_sum3A_492 [1, 2] : vector<1x1x20480xi32> to vector<1xi32>
    %reduce_sum3A_494 = vector.shape_cast %reduce_sum3A_493 : vector<1xi32> to vector<1x1x1xi32>
    %reduce_sum3A_495 = vector.extract %reduce_sum3A_494[0, 0, 0] : i32 from vector<1x1x1xi32>
    %ge3A_496 = arith.constant 4096 : i32
    %ge3A_497 = arith.cmpi sge, %reduce_sum3A_495, %ge3A_496 : i32
    %select_n3A_498 = arith.select %ge3A_497, %add3A_483, %select_n3A_481 : i32
    %add3A_499 = arith.constant 16 : i32
    %add3A_500 = arith.addi %select_n3A_498, %add3A_499 : i32
    %ge3A_501 = vector.broadcast %add3A_500 : i32 to vector<1x20480xi32>
    %ge3A_502 = arith.cmpi sge, %select_n3A_29, %ge3A_501 : vector<1x20480xi32>
    %jit3A_503 = arith.constant 1 : i32
    %jit3A_504 = arith.constant 0 : i32
    %broadcast_in_dim3A_505 = vector.broadcast %jit3A_503 : i32 to vector<1x20480xi32>
    %broadcast_in_dim3A_506 = vector.broadcast %jit3A_504 : i32 to vector<1x20480xi32>
    %select_n3A_507 = arith.select %ge3A_502, %broadcast_in_dim3A_505, %broadcast_in_dim3A_506 : vector<1x20480xi1>, vector<1x20480xi32>
    %reduce_sum3A_508 = vector.shape_cast %select_n3A_507 : vector<1x20480xi32> to vector<1x1x20480xi32>
    %reduce_sum3A_509 = arith.constant dense<0> : vector<1xi32>
    %reduce_sum3A_510 = vector.multi_reduction <add>, %reduce_sum3A_508, %reduce_sum3A_509 [1, 2] : vector<1x1x20480xi32> to vector<1xi32>
    %reduce_sum3A_511 = vector.shape_cast %reduce_sum3A_510 : vector<1xi32> to vector<1x1x1xi32>
    %reduce_sum3A_512 = vector.extract %reduce_sum3A_511[0, 0, 0] : i32 from vector<1x1x1xi32>
    %ge3A_513 = arith.constant 4096 : i32
    %ge3A_514 = arith.cmpi sge, %reduce_sum3A_512, %ge3A_513 : i32
    %select_n3A_515 = arith.select %ge3A_514, %add3A_500, %select_n3A_498 : i32
    %add3A_516 = arith.constant 8 : i32
    %add3A_517 = arith.addi %select_n3A_515, %add3A_516 : i32
    %ge3A_518 = vector.broadcast %add3A_517 : i32 to vector<1x20480xi32>
    %ge3A_519 = arith.cmpi sge, %select_n3A_29, %ge3A_518 : vector<1x20480xi32>
    %jit3A_520 = arith.constant 1 : i32
    %jit3A_521 = arith.constant 0 : i32
    %broadcast_in_dim3A_522 = vector.broadcast %jit3A_520 : i32 to vector<1x20480xi32>
    %broadcast_in_dim3A_523 = vector.broadcast %jit3A_521 : i32 to vector<1x20480xi32>
    %select_n3A_524 = arith.select %ge3A_519, %broadcast_in_dim3A_522, %broadcast_in_dim3A_523 : vector<1x20480xi1>, vector<1x20480xi32>
    %reduce_sum3A_525 = vector.shape_cast %select_n3A_524 : vector<1x20480xi32> to vector<1x1x20480xi32>
    %reduce_sum3A_526 = arith.constant dense<0> : vector<1xi32>
    %reduce_sum3A_527 = vector.multi_reduction <add>, %reduce_sum3A_525, %reduce_sum3A_526 [1, 2] : vector<1x1x20480xi32> to vector<1xi32>
    %reduce_sum3A_528 = vector.shape_cast %reduce_sum3A_527 : vector<1xi32> to vector<1x1x1xi32>
    %reduce_sum3A_529 = vector.extract %reduce_sum3A_528[0, 0, 0] : i32 from vector<1x1x1xi32>
    %ge3A_530 = arith.constant 4096 : i32
    %ge3A_531 = arith.cmpi sge, %reduce_sum3A_529, %ge3A_530 : i32
    %select_n3A_532 = arith.select %ge3A_531, %add3A_517, %select_n3A_515 : i32
    %add3A_533 = arith.constant 4 : i32
    %add3A_534 = arith.addi %select_n3A_532, %add3A_533 : i32
    %ge3A_535 = vector.broadcast %add3A_534 : i32 to vector<1x20480xi32>
    %ge3A_536 = arith.cmpi sge, %select_n3A_29, %ge3A_535 : vector<1x20480xi32>
    %jit3A_537 = arith.constant 1 : i32
    %jit3A_538 = arith.constant 0 : i32
    %broadcast_in_dim3A_539 = vector.broadcast %jit3A_537 : i32 to vector<1x20480xi32>
    %broadcast_in_dim3A_540 = vector.broadcast %jit3A_538 : i32 to vector<1x20480xi32>
    %select_n3A_541 = arith.select %ge3A_536, %broadcast_in_dim3A_539, %broadcast_in_dim3A_540 : vector<1x20480xi1>, vector<1x20480xi32>
    %reduce_sum3A_542 = vector.shape_cast %select_n3A_541 : vector<1x20480xi32> to vector<1x1x20480xi32>
    %reduce_sum3A_543 = arith.constant dense<0> : vector<1xi32>
    %reduce_sum3A_544 = vector.multi_reduction <add>, %reduce_sum3A_542, %reduce_sum3A_543 [1, 2] : vector<1x1x20480xi32> to vector<1xi32>
    %reduce_sum3A_545 = vector.shape_cast %reduce_sum3A_544 : vector<1xi32> to vector<1x1x1xi32>
    %reduce_sum3A_546 = vector.extract %reduce_sum3A_545[0, 0, 0] : i32 from vector<1x1x1xi32>
    %ge3A_547 = arith.constant 4096 : i32
    %ge3A_548 = arith.cmpi sge, %reduce_sum3A_546, %ge3A_547 : i32
    %select_n3A_549 = arith.select %ge3A_548, %add3A_534, %select_n3A_532 : i32
    %add3A_550 = arith.constant 2 : i32
    %add3A_551 = arith.addi %select_n3A_549, %add3A_550 : i32
    %ge3A_552 = vector.broadcast %add3A_551 : i32 to vector<1x20480xi32>
    %ge3A_553 = arith.cmpi sge, %select_n3A_29, %ge3A_552 : vector<1x20480xi32>
    %jit3A_554 = arith.constant 1 : i32
    %jit3A_555 = arith.constant 0 : i32
    %broadcast_in_dim3A_556 = vector.broadcast %jit3A_554 : i32 to vector<1x20480xi32>
    %broadcast_in_dim3A_557 = vector.broadcast %jit3A_555 : i32 to vector<1x20480xi32>
    %select_n3A_558 = arith.select %ge3A_553, %broadcast_in_dim3A_556, %broadcast_in_dim3A_557 : vector<1x20480xi1>, vector<1x20480xi32>
    %reduce_sum3A_559 = vector.shape_cast %select_n3A_558 : vector<1x20480xi32> to vector<1x1x20480xi32>
    %reduce_sum3A_560 = arith.constant dense<0> : vector<1xi32>
    %reduce_sum3A_561 = vector.multi_reduction <add>, %reduce_sum3A_559, %reduce_sum3A_560 [1, 2] : vector<1x1x20480xi32> to vector<1xi32>
    %reduce_sum3A_562 = vector.shape_cast %reduce_sum3A_561 : vector<1xi32> to vector<1x1x1xi32>
    %reduce_sum3A_563 = vector.extract %reduce_sum3A_562[0, 0, 0] : i32 from vector<1x1x1xi32>
    %ge3A_564 = arith.constant 4096 : i32
    %ge3A_565 = arith.cmpi sge, %reduce_sum3A_563, %ge3A_564 : i32
    %select_n3A_566 = arith.select %ge3A_565, %add3A_551, %select_n3A_549 : i32
    %add3A_567 = arith.constant 1 : i32
    %add3A_568 = arith.addi %select_n3A_566, %add3A_567 : i32
    %ge3A_569 = vector.broadcast %add3A_568 : i32 to vector<1x20480xi32>
    %ge3A_570 = arith.cmpi sge, %select_n3A_29, %ge3A_569 : vector<1x20480xi32>
    %jit3A_571 = arith.constant 1 : i32
    %jit3A_572 = arith.constant 0 : i32
    %broadcast_in_dim3A_573 = vector.broadcast %jit3A_571 : i32 to vector<1x20480xi32>
    %broadcast_in_dim3A_574 = vector.broadcast %jit3A_572 : i32 to vector<1x20480xi32>
    %select_n3A_575 = arith.select %ge3A_570, %broadcast_in_dim3A_573, %broadcast_in_dim3A_574 : vector<1x20480xi1>, vector<1x20480xi32>
    %reduce_sum3A_576 = vector.shape_cast %select_n3A_575 : vector<1x20480xi32> to vector<1x1x20480xi32>
    %reduce_sum3A_577 = arith.constant dense<0> : vector<1xi32>
    %reduce_sum3A_578 = vector.multi_reduction <add>, %reduce_sum3A_576, %reduce_sum3A_577 [1, 2] : vector<1x1x20480xi32> to vector<1xi32>
    %reduce_sum3A_579 = vector.shape_cast %reduce_sum3A_578 : vector<1xi32> to vector<1x1x1xi32>
    %reduce_sum3A_580 = vector.extract %reduce_sum3A_579[0, 0, 0] : i32 from vector<1x1x1xi32>
    %ge3A_581 = arith.constant 4096 : i32
    %ge3A_582 = arith.cmpi sge, %reduce_sum3A_580, %ge3A_581 : i32
    %select_n3A_583 = arith.select %ge3A_582, %add3A_568, %select_n3A_566 : i32
    %broadcast_in_dim3A_584 = vector.broadcast %select_n3A_583 : i32 to vector<1x1xi32>
    %swap3A_585 = arith.constant 0 : index
    %swap3A_586 = arith.constant 0 : index
    %swap3A_587 = arith.constant 0 : index
    %swap3A_588 = vector.load %arg4[%swap3A_585, %swap3A_586, %swap3A_587] : memref<1x1x1xi32, #tpu.memory_space<vmem>>, vector<1x1x1xi32>
    %swap3A_589 = vector.shape_cast %swap3A_588 : vector<1x1x1xi32> to vector<1x1xi32>
    %swap3A_590 = vector.shape_cast %broadcast_in_dim3A_584 : vector<1x1xi32> to vector<1x1x1xi32>
    tpu.vector_store %arg4[%swap3A_585, %swap3A_586, %swap3A_587], %swap3A_590 {strides = array<i32>} : memref<1x1x1xi32, #tpu.memory_space<vmem>>, vector<1x1x1xi32>,
    %gt3A = vector.broadcast %select_n3A_583 : i32 to vector<1x20480xi32>
    %gt3A_591 = arith.cmpi sgt, %select_n3A_29, %gt3A : vector<1x20480xi32>
    %jit3A_592 = arith.constant 1 : i32
    %jit3A_593 = arith.constant 0 : i32
    %broadcast_in_dim3A_594 = vector.broadcast %jit3A_592 : i32 to vector<1x20480xi32>
    %broadcast_in_dim3A_595 = vector.broadcast %jit3A_593 : i32 to vector<1x20480xi32>
    %select_n3A_596 = arith.select %gt3A_591, %broadcast_in_dim3A_594, %broadcast_in_dim3A_595 : vector<1x20480xi1>, vector<1x20480xi32>
    %reduce_sum3A_597 = vector.shape_cast %select_n3A_596 : vector<1x20480xi32> to vector<1x1x20480xi32>
    %reduce_sum3A_598 = arith.constant dense<0> : vector<1xi32>
    %reduce_sum3A_599 = vector.multi_reduction <add>, %reduce_sum3A_597, %reduce_sum3A_598 [1, 2] : vector<1x1x20480xi32> to vector<1xi32>
    %reduce_sum3A_600 = vector.shape_cast %reduce_sum3A_599 : vector<1xi32> to vector<1x1x1xi32>
    %reduce_sum3A_601 = vector.extract %reduce_sum3A_600[0, 0, 0] : i32 from vector<1x1x1xi32>
    %broadcast_in_dim3A_602 = vector.broadcast %reduce_sum3A_601 : i32 to vector<1x1xi32>
    %swap3A_603 = arith.constant 0 : index
    %swap3A_604 = arith.constant 0 : index
    %swap3A_605 = arith.constant 0 : index
    %swap3A_606 = vector.load %arg5[%swap3A_603, %swap3A_604, %swap3A_605] : memref<1x1x1xi32, #tpu.memory_space<vmem>>, vector<1x1x1xi32>
    %swap3A_607 = vector.shape_cast %swap3A_606 : vector<1x1x1xi32> to vector<1x1xi32>
    %swap3A_608 = vector.shape_cast %broadcast_in_dim3A_602 : vector<1x1xi32> to vector<1x1x1xi32>
    tpu.vector_store %arg5[%swap3A_603, %swap3A_604, %swap3A_605], %swap3A_608 {strides = array<i32>} : memref<1x1x1xi32, #tpu.memory_space<vmem>>, vector<1x1x1xi32>,
    return
  }
  func.func @transform_0(%arg0: i32) -> (i32, i32, i32) {
    %c0_i32 = arith.constant 0 : i32
    %c0_i32_0 = arith.constant 0 : i32
    %c0_i32_1 = arith.constant 0 : i32
    return %arg0, %c0_i32, %c0_i32_0 : i32, i32, i32
  }
  func.func @transform_1(%arg0: i32) -> (i32, i32, i32) {
    %c0_i32 = arith.constant 0 : i32
    %c0_i32_0 = arith.constant 0 : i32
    %c0_i32_1 = arith.constant 0 : i32
    return %arg0, %c0_i32, %c0_i32_0 : i32, i32, i32
  }
  func.func @transform_2(%arg0: i32) -> (i32, i32, i32) {
    %c0_i32 = arith.constant 0 : i32
    %c0_i32_0 = arith.constant 0 : i32
    %c0_i32_1 = arith.constant 0 : i32
    return %arg0, %c0_i32, %c0_i32_0 : i32, i32, i32
  }
  func.func @transform_3(%arg0: i32) -> (i32, i32, i32) {
    %c0_i32 = arith.constant 0 : i32
    %c0_i32_0 = arith.constant 0 : i32
    %c0_i32_1 = arith.constant 0 : i32
    return %arg0, %c0_i32, %c0_i32_0 : i32, i32, i32
  }
  func.func @transform_4(%arg0: i32) -> (i32, i32, i32) {
    %c0_i32 = arith.constant 0 : i32
    %c0_i32_0 = arith.constant 0 : i32
    %c0_i32_1 = arith.constant 0 : i32
    return %arg0, %c0_i32, %c0_i32_0 : i32, i32, i32
  }
}

module attributes {stable_mosaic.version = 14 : i64} {
  func.func @_rank_body(%arg0: i32, %arg1: memref<1x1x4096xi32, #tpu.memory_space<vmem>>, %arg2: memref<1x4096x1xi32, #tpu.memory_space<vmem>>) attributes {dimension_semantics = [#tpu.dimension_semantics<arbitrary>], iteration_bounds = array<i64: 4>, scalar_prefetch = 0 : i64, scratch_operands = 0 : i64, tpu.core_type = #tpu.core_type<tc>, window_params = [{transform_indices = @transform_0, window_bounds = array<i64: 1, 1, 4096>}, {transform_indices = @transform_1, window_bounds = array<i64: 1, 4096, 1>}]} {
    %get3A = arith.constant 0 : index
    %get3A_0 = arith.constant 0 : index
    %get3A_1 = arith.constant 0 : index
    %get3A_2 = vector.load %arg1[%get3A, %get3A_0, %get3A_1] : memref<1x1x4096xi32, #tpu.memory_space<vmem>>, vector<1x1x4096xi32>
    %get3A_3 = vector.shape_cast %get3A_2 : vector<1x1x4096xi32> to vector<1x4096xi32>
    %slice3A = vector.extract_strided_slice %get3A_3 {offsets = [0, 0], sizes = [1, 512], strides = [1, 1]} : vector<1x4096xi32> to vector<1x512xi32>
    %transpose3A = tpu.transpose %slice3A, [1, 0] : vector<1x512xi32> -> vector<512x1xi32>
    %iota3A = tpu.iota {dimensions = array<i32: 1>} : vector<512x4096xi32>
    %iota3A_4 = tpu.iota {dimensions = array<i32: 0>} : vector<512x4096xi32>
    %add3A = arith.constant 0 : i32
    %add3A_5 = vector.broadcast %add3A : i32 to vector<512x4096xi32>
    %add3A_6 = arith.addi %iota3A_4, %add3A_5 : vector<512x4096xi32>
    %gt3A = vector.broadcast %get3A_3 : vector<1x4096xi32> to vector<512x4096xi32>
    %gt3A_7 = vector.broadcast %transpose3A : vector<512x1xi32> to vector<512x4096xi32>
    %gt3A_8 = arith.cmpi sgt, %gt3A, %gt3A_7 : vector<512x4096xi32>
    %eq3A = vector.broadcast %get3A_3 : vector<1x4096xi32> to vector<512x4096xi32>
    %eq3A_9 = vector.broadcast %transpose3A : vector<512x1xi32> to vector<512x4096xi32>
    %eq3A_10 = arith.cmpi eq, %eq3A, %eq3A_9 : vector<512x4096xi32>
    %lt3A = arith.cmpi slt, %iota3A, %add3A_6 : vector<512x4096xi32>
    %and3A = arith.andi %eq3A_10, %lt3A : vector<512x4096xi1>
    %or3A = arith.ori %gt3A_8, %and3A : vector<512x4096xi1>
    %convert_element_type3A = arith.extui %or3A : vector<512x4096xi1> to vector<512x4096xi32>
    %reduce_sum3A = arith.constant dense<0> : vector<512xi32>
    %reduce_sum3A_11 = vector.multi_reduction <add>, %convert_element_type3A, %reduce_sum3A [1] : vector<512x4096xi32> to vector<512xi32>
    %broadcast_in_dim3A = vector.shape_cast %reduce_sum3A_11 : vector<512xi32> to vector<512x1xi32>
    %swap3A = arith.constant 0 : index
    %swap3A_12 = arith.constant 0 : index
    %swap3A_13 = arith.constant 0 : index
    %swap3A_14 = vector.load %arg2[%swap3A, %swap3A_12, %swap3A_13] : memref<1x4096x1xi32, #tpu.memory_space<vmem>>, vector<1x512x1xi32>
    %swap3A_15 = vector.shape_cast %swap3A_14 : vector<1x512x1xi32> to vector<512x1xi32>
    %swap3A_16 = vector.shape_cast %broadcast_in_dim3A : vector<512x1xi32> to vector<1x512x1xi32>
    tpu.vector_store %arg2[%swap3A, %swap3A_12, %swap3A_13], %swap3A_16 {strides = array<i32>} : memref<1x4096x1xi32, #tpu.memory_space<vmem>>, vector<1x512x1xi32>,
    %slice3A_17 = vector.extract_strided_slice %get3A_3 {offsets = [0, 512], sizes = [1, 512], strides = [1, 1]} : vector<1x4096xi32> to vector<1x512xi32>
    %transpose3A_18 = tpu.transpose %slice3A_17, [1, 0] : vector<1x512xi32> -> vector<512x1xi32>
    %iota3A_19 = tpu.iota {dimensions = array<i32: 1>} : vector<512x4096xi32>
    %iota3A_20 = tpu.iota {dimensions = array<i32: 0>} : vector<512x4096xi32>
    %add3A_21 = arith.constant 512 : i32
    %add3A_22 = vector.broadcast %add3A_21 : i32 to vector<512x4096xi32>
    %add3A_23 = arith.addi %iota3A_20, %add3A_22 : vector<512x4096xi32>
    %gt3A_24 = vector.broadcast %get3A_3 : vector<1x4096xi32> to vector<512x4096xi32>
    %gt3A_25 = vector.broadcast %transpose3A_18 : vector<512x1xi32> to vector<512x4096xi32>
    %gt3A_26 = arith.cmpi sgt, %gt3A_24, %gt3A_25 : vector<512x4096xi32>
    %eq3A_27 = vector.broadcast %get3A_3 : vector<1x4096xi32> to vector<512x4096xi32>
    %eq3A_28 = vector.broadcast %transpose3A_18 : vector<512x1xi32> to vector<512x4096xi32>
    %eq3A_29 = arith.cmpi eq, %eq3A_27, %eq3A_28 : vector<512x4096xi32>
    %lt3A_30 = arith.cmpi slt, %iota3A_19, %add3A_23 : vector<512x4096xi32>
    %and3A_31 = arith.andi %eq3A_29, %lt3A_30 : vector<512x4096xi1>
    %or3A_32 = arith.ori %gt3A_26, %and3A_31 : vector<512x4096xi1>
    %convert_element_type3A_33 = arith.extui %or3A_32 : vector<512x4096xi1> to vector<512x4096xi32>
    %reduce_sum3A_34 = arith.constant dense<0> : vector<512xi32>
    %reduce_sum3A_35 = vector.multi_reduction <add>, %convert_element_type3A_33, %reduce_sum3A_34 [1] : vector<512x4096xi32> to vector<512xi32>
    %broadcast_in_dim3A_36 = vector.shape_cast %reduce_sum3A_35 : vector<512xi32> to vector<512x1xi32>
    %swap3A_37 = arith.constant 0 : index
    %swap3A_38 = arith.constant 512 : index
    %swap3A_39 = arith.constant 0 : index
    %swap3A_40 = vector.load %arg2[%swap3A_37, %swap3A_38, %swap3A_39] : memref<1x4096x1xi32, #tpu.memory_space<vmem>>, vector<1x512x1xi32>
    %swap3A_41 = vector.shape_cast %swap3A_40 : vector<1x512x1xi32> to vector<512x1xi32>
    %swap3A_42 = vector.shape_cast %broadcast_in_dim3A_36 : vector<512x1xi32> to vector<1x512x1xi32>
    tpu.vector_store %arg2[%swap3A_37, %swap3A_38, %swap3A_39], %swap3A_42 {strides = array<i32>} : memref<1x4096x1xi32, #tpu.memory_space<vmem>>, vector<1x512x1xi32>,
    %slice3A_43 = vector.extract_strided_slice %get3A_3 {offsets = [0, 1024], sizes = [1, 512], strides = [1, 1]} : vector<1x4096xi32> to vector<1x512xi32>
    %transpose3A_44 = tpu.transpose %slice3A_43, [1, 0] : vector<1x512xi32> -> vector<512x1xi32>
    %iota3A_45 = tpu.iota {dimensions = array<i32: 1>} : vector<512x4096xi32>
    %iota3A_46 = tpu.iota {dimensions = array<i32: 0>} : vector<512x4096xi32>
    %add3A_47 = arith.constant 1024 : i32
    %add3A_48 = vector.broadcast %add3A_47 : i32 to vector<512x4096xi32>
    %add3A_49 = arith.addi %iota3A_46, %add3A_48 : vector<512x4096xi32>
    %gt3A_50 = vector.broadcast %get3A_3 : vector<1x4096xi32> to vector<512x4096xi32>
    %gt3A_51 = vector.broadcast %transpose3A_44 : vector<512x1xi32> to vector<512x4096xi32>
    %gt3A_52 = arith.cmpi sgt, %gt3A_50, %gt3A_51 : vector<512x4096xi32>
    %eq3A_53 = vector.broadcast %get3A_3 : vector<1x4096xi32> to vector<512x4096xi32>
    %eq3A_54 = vector.broadcast %transpose3A_44 : vector<512x1xi32> to vector<512x4096xi32>
    %eq3A_55 = arith.cmpi eq, %eq3A_53, %eq3A_54 : vector<512x4096xi32>
    %lt3A_56 = arith.cmpi slt, %iota3A_45, %add3A_49 : vector<512x4096xi32>
    %and3A_57 = arith.andi %eq3A_55, %lt3A_56 : vector<512x4096xi1>
    %or3A_58 = arith.ori %gt3A_52, %and3A_57 : vector<512x4096xi1>
    %convert_element_type3A_59 = arith.extui %or3A_58 : vector<512x4096xi1> to vector<512x4096xi32>
    %reduce_sum3A_60 = arith.constant dense<0> : vector<512xi32>
    %reduce_sum3A_61 = vector.multi_reduction <add>, %convert_element_type3A_59, %reduce_sum3A_60 [1] : vector<512x4096xi32> to vector<512xi32>
    %broadcast_in_dim3A_62 = vector.shape_cast %reduce_sum3A_61 : vector<512xi32> to vector<512x1xi32>
    %swap3A_63 = arith.constant 0 : index
    %swap3A_64 = arith.constant 1024 : index
    %swap3A_65 = arith.constant 0 : index
    %swap3A_66 = vector.load %arg2[%swap3A_63, %swap3A_64, %swap3A_65] : memref<1x4096x1xi32, #tpu.memory_space<vmem>>, vector<1x512x1xi32>
    %swap3A_67 = vector.shape_cast %swap3A_66 : vector<1x512x1xi32> to vector<512x1xi32>
    %swap3A_68 = vector.shape_cast %broadcast_in_dim3A_62 : vector<512x1xi32> to vector<1x512x1xi32>
    tpu.vector_store %arg2[%swap3A_63, %swap3A_64, %swap3A_65], %swap3A_68 {strides = array<i32>} : memref<1x4096x1xi32, #tpu.memory_space<vmem>>, vector<1x512x1xi32>,
    %slice3A_69 = vector.extract_strided_slice %get3A_3 {offsets = [0, 1536], sizes = [1, 512], strides = [1, 1]} : vector<1x4096xi32> to vector<1x512xi32>
    %transpose3A_70 = tpu.transpose %slice3A_69, [1, 0] : vector<1x512xi32> -> vector<512x1xi32>
    %iota3A_71 = tpu.iota {dimensions = array<i32: 1>} : vector<512x4096xi32>
    %iota3A_72 = tpu.iota {dimensions = array<i32: 0>} : vector<512x4096xi32>
    %add3A_73 = arith.constant 1536 : i32
    %add3A_74 = vector.broadcast %add3A_73 : i32 to vector<512x4096xi32>
    %add3A_75 = arith.addi %iota3A_72, %add3A_74 : vector<512x4096xi32>
    %gt3A_76 = vector.broadcast %get3A_3 : vector<1x4096xi32> to vector<512x4096xi32>
    %gt3A_77 = vector.broadcast %transpose3A_70 : vector<512x1xi32> to vector<512x4096xi32>
    %gt3A_78 = arith.cmpi sgt, %gt3A_76, %gt3A_77 : vector<512x4096xi32>
    %eq3A_79 = vector.broadcast %get3A_3 : vector<1x4096xi32> to vector<512x4096xi32>
    %eq3A_80 = vector.broadcast %transpose3A_70 : vector<512x1xi32> to vector<512x4096xi32>
    %eq3A_81 = arith.cmpi eq, %eq3A_79, %eq3A_80 : vector<512x4096xi32>
    %lt3A_82 = arith.cmpi slt, %iota3A_71, %add3A_75 : vector<512x4096xi32>
    %and3A_83 = arith.andi %eq3A_81, %lt3A_82 : vector<512x4096xi1>
    %or3A_84 = arith.ori %gt3A_78, %and3A_83 : vector<512x4096xi1>
    %convert_element_type3A_85 = arith.extui %or3A_84 : vector<512x4096xi1> to vector<512x4096xi32>
    %reduce_sum3A_86 = arith.constant dense<0> : vector<512xi32>
    %reduce_sum3A_87 = vector.multi_reduction <add>, %convert_element_type3A_85, %reduce_sum3A_86 [1] : vector<512x4096xi32> to vector<512xi32>
    %broadcast_in_dim3A_88 = vector.shape_cast %reduce_sum3A_87 : vector<512xi32> to vector<512x1xi32>
    %swap3A_89 = arith.constant 0 : index
    %swap3A_90 = arith.constant 1536 : index
    %swap3A_91 = arith.constant 0 : index
    %swap3A_92 = vector.load %arg2[%swap3A_89, %swap3A_90, %swap3A_91] : memref<1x4096x1xi32, #tpu.memory_space<vmem>>, vector<1x512x1xi32>
    %swap3A_93 = vector.shape_cast %swap3A_92 : vector<1x512x1xi32> to vector<512x1xi32>
    %swap3A_94 = vector.shape_cast %broadcast_in_dim3A_88 : vector<512x1xi32> to vector<1x512x1xi32>
    tpu.vector_store %arg2[%swap3A_89, %swap3A_90, %swap3A_91], %swap3A_94 {strides = array<i32>} : memref<1x4096x1xi32, #tpu.memory_space<vmem>>, vector<1x512x1xi32>,
    %slice3A_95 = vector.extract_strided_slice %get3A_3 {offsets = [0, 2048], sizes = [1, 512], strides = [1, 1]} : vector<1x4096xi32> to vector<1x512xi32>
    %transpose3A_96 = tpu.transpose %slice3A_95, [1, 0] : vector<1x512xi32> -> vector<512x1xi32>
    %iota3A_97 = tpu.iota {dimensions = array<i32: 1>} : vector<512x4096xi32>
    %iota3A_98 = tpu.iota {dimensions = array<i32: 0>} : vector<512x4096xi32>
    %add3A_99 = arith.constant 2048 : i32
    %add3A_100 = vector.broadcast %add3A_99 : i32 to vector<512x4096xi32>
    %add3A_101 = arith.addi %iota3A_98, %add3A_100 : vector<512x4096xi32>
    %gt3A_102 = vector.broadcast %get3A_3 : vector<1x4096xi32> to vector<512x4096xi32>
    %gt3A_103 = vector.broadcast %transpose3A_96 : vector<512x1xi32> to vector<512x4096xi32>
    %gt3A_104 = arith.cmpi sgt, %gt3A_102, %gt3A_103 : vector<512x4096xi32>
    %eq3A_105 = vector.broadcast %get3A_3 : vector<1x4096xi32> to vector<512x4096xi32>
    %eq3A_106 = vector.broadcast %transpose3A_96 : vector<512x1xi32> to vector<512x4096xi32>
    %eq3A_107 = arith.cmpi eq, %eq3A_105, %eq3A_106 : vector<512x4096xi32>
    %lt3A_108 = arith.cmpi slt, %iota3A_97, %add3A_101 : vector<512x4096xi32>
    %and3A_109 = arith.andi %eq3A_107, %lt3A_108 : vector<512x4096xi1>
    %or3A_110 = arith.ori %gt3A_104, %and3A_109 : vector<512x4096xi1>
    %convert_element_type3A_111 = arith.extui %or3A_110 : vector<512x4096xi1> to vector<512x4096xi32>
    %reduce_sum3A_112 = arith.constant dense<0> : vector<512xi32>
    %reduce_sum3A_113 = vector.multi_reduction <add>, %convert_element_type3A_111, %reduce_sum3A_112 [1] : vector<512x4096xi32> to vector<512xi32>
    %broadcast_in_dim3A_114 = vector.shape_cast %reduce_sum3A_113 : vector<512xi32> to vector<512x1xi32>
    %swap3A_115 = arith.constant 0 : index
    %swap3A_116 = arith.constant 2048 : index
    %swap3A_117 = arith.constant 0 : index
    %swap3A_118 = vector.load %arg2[%swap3A_115, %swap3A_116, %swap3A_117] : memref<1x4096x1xi32, #tpu.memory_space<vmem>>, vector<1x512x1xi32>
    %swap3A_119 = vector.shape_cast %swap3A_118 : vector<1x512x1xi32> to vector<512x1xi32>
    %swap3A_120 = vector.shape_cast %broadcast_in_dim3A_114 : vector<512x1xi32> to vector<1x512x1xi32>
    tpu.vector_store %arg2[%swap3A_115, %swap3A_116, %swap3A_117], %swap3A_120 {strides = array<i32>} : memref<1x4096x1xi32, #tpu.memory_space<vmem>>, vector<1x512x1xi32>,
    %slice3A_121 = vector.extract_strided_slice %get3A_3 {offsets = [0, 2560], sizes = [1, 512], strides = [1, 1]} : vector<1x4096xi32> to vector<1x512xi32>
    %transpose3A_122 = tpu.transpose %slice3A_121, [1, 0] : vector<1x512xi32> -> vector<512x1xi32>
    %iota3A_123 = tpu.iota {dimensions = array<i32: 1>} : vector<512x4096xi32>
    %iota3A_124 = tpu.iota {dimensions = array<i32: 0>} : vector<512x4096xi32>
    %add3A_125 = arith.constant 2560 : i32
    %add3A_126 = vector.broadcast %add3A_125 : i32 to vector<512x4096xi32>
    %add3A_127 = arith.addi %iota3A_124, %add3A_126 : vector<512x4096xi32>
    %gt3A_128 = vector.broadcast %get3A_3 : vector<1x4096xi32> to vector<512x4096xi32>
    %gt3A_129 = vector.broadcast %transpose3A_122 : vector<512x1xi32> to vector<512x4096xi32>
    %gt3A_130 = arith.cmpi sgt, %gt3A_128, %gt3A_129 : vector<512x4096xi32>
    %eq3A_131 = vector.broadcast %get3A_3 : vector<1x4096xi32> to vector<512x4096xi32>
    %eq3A_132 = vector.broadcast %transpose3A_122 : vector<512x1xi32> to vector<512x4096xi32>
    %eq3A_133 = arith.cmpi eq, %eq3A_131, %eq3A_132 : vector<512x4096xi32>
    %lt3A_134 = arith.cmpi slt, %iota3A_123, %add3A_127 : vector<512x4096xi32>
    %and3A_135 = arith.andi %eq3A_133, %lt3A_134 : vector<512x4096xi1>
    %or3A_136 = arith.ori %gt3A_130, %and3A_135 : vector<512x4096xi1>
    %convert_element_type3A_137 = arith.extui %or3A_136 : vector<512x4096xi1> to vector<512x4096xi32>
    %reduce_sum3A_138 = arith.constant dense<0> : vector<512xi32>
    %reduce_sum3A_139 = vector.multi_reduction <add>, %convert_element_type3A_137, %reduce_sum3A_138 [1] : vector<512x4096xi32> to vector<512xi32>
    %broadcast_in_dim3A_140 = vector.shape_cast %reduce_sum3A_139 : vector<512xi32> to vector<512x1xi32>
    %swap3A_141 = arith.constant 0 : index
    %swap3A_142 = arith.constant 2560 : index
    %swap3A_143 = arith.constant 0 : index
    %swap3A_144 = vector.load %arg2[%swap3A_141, %swap3A_142, %swap3A_143] : memref<1x4096x1xi32, #tpu.memory_space<vmem>>, vector<1x512x1xi32>
    %swap3A_145 = vector.shape_cast %swap3A_144 : vector<1x512x1xi32> to vector<512x1xi32>
    %swap3A_146 = vector.shape_cast %broadcast_in_dim3A_140 : vector<512x1xi32> to vector<1x512x1xi32>
    tpu.vector_store %arg2[%swap3A_141, %swap3A_142, %swap3A_143], %swap3A_146 {strides = array<i32>} : memref<1x4096x1xi32, #tpu.memory_space<vmem>>, vector<1x512x1xi32>,
    %slice3A_147 = vector.extract_strided_slice %get3A_3 {offsets = [0, 3072], sizes = [1, 512], strides = [1, 1]} : vector<1x4096xi32> to vector<1x512xi32>
    %transpose3A_148 = tpu.transpose %slice3A_147, [1, 0] : vector<1x512xi32> -> vector<512x1xi32>
    %iota3A_149 = tpu.iota {dimensions = array<i32: 1>} : vector<512x4096xi32>
    %iota3A_150 = tpu.iota {dimensions = array<i32: 0>} : vector<512x4096xi32>
    %add3A_151 = arith.constant 3072 : i32
    %add3A_152 = vector.broadcast %add3A_151 : i32 to vector<512x4096xi32>
    %add3A_153 = arith.addi %iota3A_150, %add3A_152 : vector<512x4096xi32>
    %gt3A_154 = vector.broadcast %get3A_3 : vector<1x4096xi32> to vector<512x4096xi32>
    %gt3A_155 = vector.broadcast %transpose3A_148 : vector<512x1xi32> to vector<512x4096xi32>
    %gt3A_156 = arith.cmpi sgt, %gt3A_154, %gt3A_155 : vector<512x4096xi32>
    %eq3A_157 = vector.broadcast %get3A_3 : vector<1x4096xi32> to vector<512x4096xi32>
    %eq3A_158 = vector.broadcast %transpose3A_148 : vector<512x1xi32> to vector<512x4096xi32>
    %eq3A_159 = arith.cmpi eq, %eq3A_157, %eq3A_158 : vector<512x4096xi32>
    %lt3A_160 = arith.cmpi slt, %iota3A_149, %add3A_153 : vector<512x4096xi32>
    %and3A_161 = arith.andi %eq3A_159, %lt3A_160 : vector<512x4096xi1>
    %or3A_162 = arith.ori %gt3A_156, %and3A_161 : vector<512x4096xi1>
    %convert_element_type3A_163 = arith.extui %or3A_162 : vector<512x4096xi1> to vector<512x4096xi32>
    %reduce_sum3A_164 = arith.constant dense<0> : vector<512xi32>
    %reduce_sum3A_165 = vector.multi_reduction <add>, %convert_element_type3A_163, %reduce_sum3A_164 [1] : vector<512x4096xi32> to vector<512xi32>
    %broadcast_in_dim3A_166 = vector.shape_cast %reduce_sum3A_165 : vector<512xi32> to vector<512x1xi32>
    %swap3A_167 = arith.constant 0 : index
    %swap3A_168 = arith.constant 3072 : index
    %swap3A_169 = arith.constant 0 : index
    %swap3A_170 = vector.load %arg2[%swap3A_167, %swap3A_168, %swap3A_169] : memref<1x4096x1xi32, #tpu.memory_space<vmem>>, vector<1x512x1xi32>
    %swap3A_171 = vector.shape_cast %swap3A_170 : vector<1x512x1xi32> to vector<512x1xi32>
    %swap3A_172 = vector.shape_cast %broadcast_in_dim3A_166 : vector<512x1xi32> to vector<1x512x1xi32>
    tpu.vector_store %arg2[%swap3A_167, %swap3A_168, %swap3A_169], %swap3A_172 {strides = array<i32>} : memref<1x4096x1xi32, #tpu.memory_space<vmem>>, vector<1x512x1xi32>,
    %slice3A_173 = vector.extract_strided_slice %get3A_3 {offsets = [0, 3584], sizes = [1, 512], strides = [1, 1]} : vector<1x4096xi32> to vector<1x512xi32>
    %transpose3A_174 = tpu.transpose %slice3A_173, [1, 0] : vector<1x512xi32> -> vector<512x1xi32>
    %iota3A_175 = tpu.iota {dimensions = array<i32: 1>} : vector<512x4096xi32>
    %iota3A_176 = tpu.iota {dimensions = array<i32: 0>} : vector<512x4096xi32>
    %add3A_177 = arith.constant 3584 : i32
    %add3A_178 = vector.broadcast %add3A_177 : i32 to vector<512x4096xi32>
    %add3A_179 = arith.addi %iota3A_176, %add3A_178 : vector<512x4096xi32>
    %gt3A_180 = vector.broadcast %get3A_3 : vector<1x4096xi32> to vector<512x4096xi32>
    %gt3A_181 = vector.broadcast %transpose3A_174 : vector<512x1xi32> to vector<512x4096xi32>
    %gt3A_182 = arith.cmpi sgt, %gt3A_180, %gt3A_181 : vector<512x4096xi32>
    %eq3A_183 = vector.broadcast %get3A_3 : vector<1x4096xi32> to vector<512x4096xi32>
    %eq3A_184 = vector.broadcast %transpose3A_174 : vector<512x1xi32> to vector<512x4096xi32>
    %eq3A_185 = arith.cmpi eq, %eq3A_183, %eq3A_184 : vector<512x4096xi32>
    %lt3A_186 = arith.cmpi slt, %iota3A_175, %add3A_179 : vector<512x4096xi32>
    %and3A_187 = arith.andi %eq3A_185, %lt3A_186 : vector<512x4096xi1>
    %or3A_188 = arith.ori %gt3A_182, %and3A_187 : vector<512x4096xi1>
    %convert_element_type3A_189 = arith.extui %or3A_188 : vector<512x4096xi1> to vector<512x4096xi32>
    %reduce_sum3A_190 = arith.constant dense<0> : vector<512xi32>
    %reduce_sum3A_191 = vector.multi_reduction <add>, %convert_element_type3A_189, %reduce_sum3A_190 [1] : vector<512x4096xi32> to vector<512xi32>
    %broadcast_in_dim3A_192 = vector.shape_cast %reduce_sum3A_191 : vector<512xi32> to vector<512x1xi32>
    %swap3A_193 = arith.constant 0 : index
    %swap3A_194 = arith.constant 3584 : index
    %swap3A_195 = arith.constant 0 : index
    %swap3A_196 = vector.load %arg2[%swap3A_193, %swap3A_194, %swap3A_195] : memref<1x4096x1xi32, #tpu.memory_space<vmem>>, vector<1x512x1xi32>
    %swap3A_197 = vector.shape_cast %swap3A_196 : vector<1x512x1xi32> to vector<512x1xi32>
    %swap3A_198 = vector.shape_cast %broadcast_in_dim3A_192 : vector<512x1xi32> to vector<1x512x1xi32>
    tpu.vector_store %arg2[%swap3A_193, %swap3A_194, %swap3A_195], %swap3A_198 {strides = array<i32>} : memref<1x4096x1xi32, #tpu.memory_space<vmem>>, vector<1x512x1xi32>,
    return
  }
  func.func @transform_0(%arg0: i32) -> (i32, i32, i32) {
    %c0_i32 = arith.constant 0 : i32
    %c0_i32_0 = arith.constant 0 : i32
    %c0_i32_1 = arith.constant 0 : i32
    return %arg0, %c0_i32, %c0_i32_0 : i32, i32, i32
  }
  func.func @transform_1(%arg0: i32) -> (i32, i32, i32) {
    %c0_i32 = arith.constant 0 : i32
    %c0_i32_0 = arith.constant 0 : i32
    %c0_i32_1 = arith.constant 0 : i32
    return %arg0, %c0_i32, %c0_i32_0 : i32, i32, i32
  }
}

module attributes {stable_mosaic.version = 14 : i64} {
  func.func @_nms_select_body(%arg0: i32, %arg1: memref<1x8x4096xf32, #tpu.memory_space<vmem>>, %arg2: memref<1x1x4096xi32, #tpu.memory_space<vmem>>, %arg3: memref<1x1x4096xi32, #tpu.memory_space<vmem>>, %arg4: memref<1x512x8xf32, #tpu.memory_space<vmem>>, %arg5: memref<1x512x1xf32, #tpu.memory_space<vmem>>, %arg6: memref<1x512x1xi32, #tpu.memory_space<vmem>>, %arg7: memref<1x4096xf32, #tpu.memory_space<vmem>>, %arg8: memref<1x4096xf32, #tpu.memory_space<vmem>>, %arg9: memref<1x4096xf32, #tpu.memory_space<vmem>>) attributes {dimension_semantics = [#tpu.dimension_semantics<arbitrary>], iteration_bounds = array<i64: 4>, scalar_prefetch = 0 : i64, scratch_operands = 3 : i64, tpu.core_type = #tpu.core_type<tc>, window_params = [{transform_indices = @transform_0, window_bounds = array<i64: 1, 8, 4096>}, {transform_indices = @transform_1, window_bounds = array<i64: 1, 1, 4096>}, {transform_indices = @transform_2, window_bounds = array<i64: 1, 1, 4096>}, {transform_indices = @transform_3, window_bounds = array<i64: 1, 512, 8>}, {transform_indices = @transform_4, window_bounds = array<i64: 1, 512, 1>}, {transform_indices = @transform_5, window_bounds = array<i64: 1, 512, 1>}]} {
    %get3A = arith.constant 0 : index
    %get3A_0 = arith.constant 0 : index
    %get3A_1 = arith.constant 0 : index
    %get3A_2 = vector.load %arg1[%get3A, %get3A_0, %get3A_1] : memref<1x8x4096xf32, #tpu.memory_space<vmem>>, vector<1x8x4096xf32>
    %get3A_3 = vector.shape_cast %get3A_2 : vector<1x8x4096xf32> to vector<8x4096xf32>
    %get3A_4 = arith.constant 0 : index
    %get3A_5 = arith.constant 0 : index
    %get3A_6 = arith.constant 0 : index
    %get3A_7 = vector.load %arg2[%get3A_4, %get3A_5, %get3A_6] : memref<1x1x4096xi32, #tpu.memory_space<vmem>>, vector<1x1x4096xi32>
    %get3A_8 = vector.shape_cast %get3A_7 : vector<1x1x4096xi32> to vector<1x4096xi32>
    %lt3A = arith.constant 0 : i32
    %lt3A_9 = vector.broadcast %lt3A : i32 to vector<1x4096xi32>
    %lt3A_10 = arith.cmpi slt, %get3A_8, %lt3A_9 : vector<1x4096xi32>
    %neg3A = arith.constant 0 : i32
    %neg3A_11 = vector.broadcast %neg3A : i32 to vector<1x4096xi32>
    %neg3A_12 = arith.subi %neg3A_11, %get3A_8 : vector<1x4096xi32>
    %or3A = arith.constant -2147483648 : i32
    %or3A_13 = vector.broadcast %or3A : i32 to vector<1x4096xi32>
    %or3A_14 = arith.ori %neg3A_12, %or3A_13 : vector<1x4096xi32>
    %select_n3A = arith.select %lt3A_10, %or3A_14, %get3A_8 : vector<1x4096xi1>, vector<1x4096xi32>
    %bitcast_convert_type3A = tpu.bitcast %select_n3A : vector<1x4096xi32> -> vector<1x4096xf32>
    %get3A_15 = arith.constant 0 : index
    %get3A_16 = arith.constant 0 : index
    %get3A_17 = arith.constant 0 : index
    %get3A_18 = vector.load %arg3[%get3A_15, %get3A_16, %get3A_17] : memref<1x1x4096xi32, #tpu.memory_space<vmem>>, vector<1x1x4096xi32>
    %get3A_19 = vector.shape_cast %get3A_18 : vector<1x1x4096xi32> to vector<1x4096xi32>
    %slice3A = vector.extract_strided_slice %get3A_3 {offsets = [0, 0], sizes = [1, 4096], strides = [1, 1]} : vector<8x4096xf32> to vector<1x4096xf32>
    %slice3A_20 = vector.extract_strided_slice %get3A_3 {offsets = [1, 0], sizes = [1, 4096], strides = [1, 1]} : vector<8x4096xf32> to vector<1x4096xf32>
    %slice3A_21 = vector.extract_strided_slice %get3A_3 {offsets = [3, 0], sizes = [1, 4096], strides = [1, 1]} : vector<8x4096xf32> to vector<1x4096xf32>
    %slice3A_22 = vector.extract_strided_slice %get3A_3 {offsets = [4, 0], sizes = [1, 4096], strides = [1, 1]} : vector<8x4096xf32> to vector<1x4096xf32>
    %mul3A = arith.constant 5.000000e-01 : f32
    %mul3A_23 = vector.broadcast %mul3A : f32 to vector<1x4096xf32>
    %mul3A_24 = arith.mulf %slice3A_21, %mul3A_23 : vector<1x4096xf32>
    %sub3A = arith.subf %slice3A, %mul3A_24 : vector<1x4096xf32>
    %mul3A_25 = arith.constant 5.000000e-01 : f32
    %mul3A_26 = vector.broadcast %mul3A_25 : f32 to vector<1x4096xf32>
    %mul3A_27 = arith.mulf %slice3A_21, %mul3A_26 : vector<1x4096xf32>
    %add3A = arith.addf %slice3A, %mul3A_27 : vector<1x4096xf32>
    %mul3A_28 = arith.constant 5.000000e-01 : f32
    %mul3A_29 = vector.broadcast %mul3A_28 : f32 to vector<1x4096xf32>
    %mul3A_30 = arith.mulf %slice3A_22, %mul3A_29 : vector<1x4096xf32>
    %sub3A_31 = arith.subf %slice3A_20, %mul3A_30 : vector<1x4096xf32>
    %mul3A_32 = arith.constant 5.000000e-01 : f32
    %mul3A_33 = vector.broadcast %mul3A_32 : f32 to vector<1x4096xf32>
    %mul3A_34 = arith.mulf %slice3A_22, %mul3A_33 : vector<1x4096xf32>
    %add3A_35 = arith.addf %slice3A_20, %mul3A_34 : vector<1x4096xf32>
    %sub3A_36 = arith.subf %add3A, %sub3A : vector<1x4096xf32>
    %sub3A_37 = arith.subf %add3A_35, %sub3A_31 : vector<1x4096xf32>
    %mul3A_38 = arith.mulf %sub3A_36, %sub3A_37 : vector<1x4096xf32>
    %broadcast_in_dim3A = arith.constant 1.000000e+00 : f32
    %broadcast_in_dim3A_39 = vector.broadcast %broadcast_in_dim3A : f32 to vector<1x4096xf32>
    %swap3A = arith.constant 0 : index
    %swap3A_40 = arith.constant 0 : index
    %swap3A_41 = vector.load %arg7[%swap3A, %swap3A_40] : memref<1x4096xf32, #tpu.memory_space<vmem>>, vector<1x4096xf32>
    tpu.vector_store %arg7[%swap3A, %swap3A_40], %broadcast_in_dim3A_39 {strides = array<i32>} : memref<1x4096xf32, #tpu.memory_space<vmem>>, vector<1x4096xf32>,
    %broadcast_in_dim3A_42 = arith.constant 0.000000e+00 : f32
    %broadcast_in_dim3A_43 = vector.broadcast %broadcast_in_dim3A_42 : f32 to vector<1x4096xf32>
    %swap3A_44 = arith.constant 0 : index
    %swap3A_45 = arith.constant 0 : index
    %swap3A_46 = vector.load %arg8[%swap3A_44, %swap3A_45] : memref<1x4096xf32, #tpu.memory_space<vmem>>, vector<1x4096xf32>
    tpu.vector_store %arg8[%swap3A_44, %swap3A_45], %broadcast_in_dim3A_43 {strides = array<i32>} : memref<1x4096xf32, #tpu.memory_space<vmem>>, vector<1x4096xf32>,
    %get3A_47 = arith.constant 0 : index
    %get3A_48 = arith.constant 0 : index
    %get3A_49 = vector.load %arg8[%get3A_47, %get3A_48] : memref<1x4096xf32, #tpu.memory_space<vmem>>, vector<1x4096xf32>
    %reduce_sum3A = vector.shape_cast %get3A_49 : vector<1x4096xf32> to vector<1x1x4096xf32>
    %reduce_sum3A_50 = arith.constant dense<0.000000e+00> : vector<1xf32>
    %reduce_sum3A_51 = vector.multi_reduction <add>, %reduce_sum3A, %reduce_sum3A_50 [1, 2] : vector<1x1x4096xf32> to vector<1xf32>
    %reduce_sum3A_52 = vector.shape_cast %reduce_sum3A_51 : vector<1xf32> to vector<1x1x1xf32>
    %reduce_sum3A_53 = vector.extract %reduce_sum3A_52[0, 0, 0] : f32 from vector<1x1x1xf32>
    %lt3A_54 = arith.constant 5.120000e+02 : f32
    %lt3A_55 = arith.cmpf olt, %reduce_sum3A_53, %lt3A_54 : f32
    %convert_element_type3A = arith.extui %lt3A_55 : i1 to i32
    %cond3A = arith.constant 0 : i32
    %cond3A_56 = arith.cmpi ne, %convert_element_type3A, %cond3A : i32
    scf.if %cond3A_56 {
      %slice3A_313 = vector.extract_strided_slice %get3A_3 {offsets = [0, 0], sizes = [8, 512], strides = [1, 1]} : vector<8x4096xf32> to vector<8x512xf32>
      %transpose3A = tpu.transpose %slice3A_313, [1, 0] : vector<8x512xf32> -> vector<512x8xf32>
      %slice3A_314 = vector.extract_strided_slice %transpose3A {offsets = [0, 0], sizes = [512, 1], strides = [1, 1]} : vector<512x8xf32> to vector<512x1xf32>
      %slice3A_315 = vector.extract_strided_slice %transpose3A {offsets = [0, 3], sizes = [512, 1], strides = [1, 1]} : vector<512x8xf32> to vector<512x1xf32>
      %mul3A_316 = arith.constant 5.000000e-01 : f32
      %mul3A_317 = vector.broadcast %mul3A_316 : f32 to vector<512x1xf32>
      %mul3A_318 = arith.mulf %slice3A_315, %mul3A_317 : vector<512x1xf32>
      %sub3A_319 = arith.subf %slice3A_314, %mul3A_318 : vector<512x1xf32>
      %slice3A_320 = vector.extract_strided_slice %transpose3A {offsets = [0, 0], sizes = [512, 1], strides = [1, 1]} : vector<512x8xf32> to vector<512x1xf32>
      %slice3A_321 = vector.extract_strided_slice %transpose3A {offsets = [0, 3], sizes = [512, 1], strides = [1, 1]} : vector<512x8xf32> to vector<512x1xf32>
      %mul3A_322 = arith.constant 5.000000e-01 : f32
      %mul3A_323 = vector.broadcast %mul3A_322 : f32 to vector<512x1xf32>
      %mul3A_324 = arith.mulf %slice3A_321, %mul3A_323 : vector<512x1xf32>
      %add3A_325 = arith.addf %slice3A_320, %mul3A_324 : vector<512x1xf32>
      %slice3A_326 = vector.extract_strided_slice %transpose3A {offsets = [0, 1], sizes = [512, 1], strides = [1, 1]} : vector<512x8xf32> to vector<512x1xf32>
      %slice3A_327 = vector.extract_strided_slice %transpose3A {offsets = [0, 4], sizes = [512, 1], strides = [1, 1]} : vector<512x8xf32> to vector<512x1xf32>
      %mul3A_328 = arith.constant 5.000000e-01 : f32
      %mul3A_329 = vector.broadcast %mul3A_328 : f32 to vector<512x1xf32>
      %mul3A_330 = arith.mulf %slice3A_327, %mul3A_329 : vector<512x1xf32>
      %sub3A_331 = arith.subf %slice3A_326, %mul3A_330 : vector<512x1xf32>
      %slice3A_332 = vector.extract_strided_slice %transpose3A {offsets = [0, 1], sizes = [512, 1], strides = [1, 1]} : vector<512x8xf32> to vector<512x1xf32>
      %slice3A_333 = vector.extract_strided_slice %transpose3A {offsets = [0, 4], sizes = [512, 1], strides = [1, 1]} : vector<512x8xf32> to vector<512x1xf32>
      %mul3A_334 = arith.constant 5.000000e-01 : f32
      %mul3A_335 = vector.broadcast %mul3A_334 : f32 to vector<512x1xf32>
      %mul3A_336 = arith.mulf %slice3A_333, %mul3A_335 : vector<512x1xf32>
      %add3A_337 = arith.addf %slice3A_332, %mul3A_336 : vector<512x1xf32>
      %sub3A_338 = arith.subf %add3A_325, %sub3A_319 : vector<512x1xf32>
      %sub3A_339 = arith.subf %add3A_337, %sub3A_331 : vector<512x1xf32>
      %mul3A_340 = arith.mulf %sub3A_338, %sub3A_339 : vector<512x1xf32>
      %slice3A_341 = vector.extract_strided_slice %sub3A {offsets = [0, 0], sizes = [1, 512], strides = [1, 1]} : vector<1x4096xf32> to vector<1x512xf32>
      %slice3A_342 = vector.extract_strided_slice %add3A {offsets = [0, 0], sizes = [1, 512], strides = [1, 1]} : vector<1x4096xf32> to vector<1x512xf32>
      %slice3A_343 = vector.extract_strided_slice %sub3A_31 {offsets = [0, 0], sizes = [1, 512], strides = [1, 1]} : vector<1x4096xf32> to vector<1x512xf32>
      %slice3A_344 = vector.extract_strided_slice %add3A_35 {offsets = [0, 0], sizes = [1, 512], strides = [1, 1]} : vector<1x4096xf32> to vector<1x512xf32>
      %slice3A_345 = vector.extract_strided_slice %mul3A_38 {offsets = [0, 0], sizes = [1, 512], strides = [1, 1]} : vector<1x4096xf32> to vector<1x512xf32>
      %get3A_346 = arith.constant 0 : index
      %get3A_347 = arith.constant 0 : index
      %get3A_348 = vector.load %arg7[%get3A_346, %get3A_347] : memref<1x4096xf32, #tpu.memory_space<vmem>>, vector<1x512xf32>
      %max3A = vector.broadcast %sub3A_319 : vector<512x1xf32> to vector<512x512xf32>
      %max3A_349 = vector.broadcast %slice3A_341 : vector<1x512xf32> to vector<512x512xf32>
      %max3A_350 = arith.maximumf %max3A, %max3A_349 : vector<512x512xf32>
      %max3A_351 = vector.broadcast %sub3A_331 : vector<512x1xf32> to vector<512x512xf32>
      %max3A_352 = vector.broadcast %slice3A_343 : vector<1x512xf32> to vector<512x512xf32>
      %max3A_353 = arith.maximumf %max3A_351, %max3A_352 : vector<512x512xf32>
      %min3A = vector.broadcast %add3A_325 : vector<512x1xf32> to vector<512x512xf32>
      %min3A_354 = vector.broadcast %slice3A_342 : vector<1x512xf32> to vector<512x512xf32>
      %min3A_355 = arith.minimumf %min3A, %min3A_354 : vector<512x512xf32>
      %min3A_356 = vector.broadcast %add3A_337 : vector<512x1xf32> to vector<512x512xf32>
      %min3A_357 = vector.broadcast %slice3A_344 : vector<1x512xf32> to vector<512x512xf32>
      %min3A_358 = arith.minimumf %min3A_356, %min3A_357 : vector<512x512xf32>
      %sub3A_359 = arith.subf %min3A_355, %max3A_350 : vector<512x512xf32>
      %jit3A_360 = arith.constant 0.000000e+00 : f32
      %max3A_361 = vector.broadcast %jit3A_360 : f32 to vector<512x512xf32>
      %max3A_362 = arith.maximumf %max3A_361, %sub3A_359 : vector<512x512xf32>
      %sub3A_363 = arith.subf %min3A_358, %max3A_353 : vector<512x512xf32>
      %jit3A_364 = arith.constant 0.000000e+00 : f32
      %max3A_365 = vector.broadcast %jit3A_364 : f32 to vector<512x512xf32>
      %max3A_366 = arith.maximumf %max3A_365, %sub3A_363 : vector<512x512xf32>
      %mul3A_367 = arith.mulf %max3A_362, %max3A_366 : vector<512x512xf32>
      %add3A_368 = vector.broadcast %mul3A_340 : vector<512x1xf32> to vector<512x512xf32>
      %add3A_369 = vector.broadcast %slice3A_345 : vector<1x512xf32> to vector<512x512xf32>
      %add3A_370 = arith.addf %add3A_368, %add3A_369 : vector<512x512xf32>
      %sub3A_371 = arith.subf %add3A_370, %mul3A_367 : vector<512x512xf32>
      %add3A_372 = arith.constant 9.99999997E-7 : f32
      %add3A_373 = vector.broadcast %add3A_372 : f32 to vector<512x512xf32>
      %add3A_374 = arith.addf %sub3A_371, %add3A_373 : vector<512x512xf32>
      %div3A = arith.divf %mul3A_367, %add3A_374 : vector<512x512xf32>
      %iota3A_375 = tpu.iota {dimensions = array<i32: 0>} : vector<512x512xi32>
      %iota3A_376 = tpu.iota {dimensions = array<i32: 1>} : vector<512x512xi32>
      %gt3A_377 = arith.constant 0.699999988 : f32
      %gt3A_378 = vector.broadcast %gt3A_377 : f32 to vector<512x512xf32>
      %gt3A_379 = arith.cmpf ogt, %div3A, %gt3A_378 : vector<512x512xf32>
      %lt3A_380 = arith.cmpi slt, %iota3A_375, %iota3A_376 : vector<512x512xi32>
      %and3A_381 = arith.andi %gt3A_379, %lt3A_380 : vector<512x512xi1>
      %jit3A_382 = arith.constant 1.000000e+00 : f32
      %jit3A_383 = arith.constant 0.000000e+00 : f32
      %broadcast_in_dim3A_384 = vector.broadcast %jit3A_382 : f32 to vector<512x512xf32>
      %broadcast_in_dim3A_385 = vector.broadcast %jit3A_383 : f32 to vector<512x512xf32>
      %select_n3A_386 = arith.select %and3A_381, %broadcast_in_dim3A_384, %broadcast_in_dim3A_385 : vector<512x512xi1>, vector<512x512xf32>
      %while3A = arith.constant false
      %while3A_387:2 = scf.while (%while3A_811 = %get3A_348, %while3A_812 = %while3A) : (vector<1x512xf32>, i1) -> (vector<1x512xf32>, i1) {
        %not3A = arith.constant true
        %not3A_813 = arith.xori %while3A_812, %not3A : i1
        scf.condition(%not3A_813) %while3A_811, %while3A_812 : vector<1x512xf32>, i1
      } do {
      ^bb0(%while3A_811: vector<1x512xf32>, %while3A_812: i1):
        %dot_general3A_813 = arith.constant dense<0.000000e+00> : vector<1x512xf32>
        %dot_general3A_814 = tpu.matmul %while3A_811, %select_n3A_386, %dot_general3A_813 {dimension_numbers = #tpu.dot_dimension_numbers<[1], [0], [0], [1], [0, 0, 1, 1], [], []>, transpose_lhs_hint = false} : vector<1x512xf32>, vector<512x512xf32>, vector<1x512xf32> -> vector<1x512xf32>
        %gt3A_815 = arith.constant 0.000000e+00 : f32
        %gt3A_816 = vector.broadcast %gt3A_815 : f32 to vector<1x512xf32>
        %gt3A_817 = arith.cmpf ogt, %dot_general3A_814, %gt3A_816 : vector<1x512xf32>
        %jit3A_818 = arith.constant 0.000000e+00 : f32
        %jit3A_819 = arith.constant 1.000000e+00 : f32
        %broadcast_in_dim3A_820 = vector.broadcast %jit3A_818 : f32 to vector<1x512xf32>
        %broadcast_in_dim3A_821 = vector.broadcast %jit3A_819 : f32 to vector<1x512xf32>
        %select_n3A_822 = arith.select %gt3A_817, %broadcast_in_dim3A_820, %broadcast_in_dim3A_821 : vector<1x512xi1>, vector<1x512xf32>
        %mul3A_823 = arith.mulf %get3A_348, %select_n3A_822 : vector<1x512xf32>
        %eq3A_824 = arith.cmpf oeq, %mul3A_823, %while3A_811 : vector<1x512xf32>
        %reduce_and3A = arith.constant 1.000000e+00 : f32
        %reduce_and3A_825 = arith.constant 0.000000e+00 : f32
        %reduce_and3A_826 = vector.broadcast %reduce_and3A : f32 to vector<1x512xf32>
        %reduce_and3A_827 = vector.broadcast %reduce_and3A_825 : f32 to vector<1x512xf32>
        %reduce_and3A_828 = arith.select %eq3A_824, %reduce_and3A_826, %reduce_and3A_827 : vector<1x512xi1>, vector<1x512xf32>
        %reduce_and3A_829 = vector.shape_cast %reduce_and3A_828 : vector<1x512xf32> to vector<1x1x512xf32>
        %reduce_and3A_830 = arith.constant dense<0x7F800000> : vector<1xf32>
        %reduce_and3A_831 = vector.multi_reduction <minimumf>, %reduce_and3A_829, %reduce_and3A_830 [1, 2] : vector<1x1x512xf32> to vector<1xf32>
        %reduce_and3A_832 = vector.shape_cast %reduce_and3A_831 : vector<1xf32> to vector<1x1x1xf32>
        %reduce_and3A_833 = vector.extract %reduce_and3A_832[0, 0, 0] : f32 from vector<1x1x1xf32>
        %reduce_and3A_834 = arith.constant 0.000000e+00 : f32
        %reduce_and3A_835 = arith.cmpf ogt, %reduce_and3A_833, %reduce_and3A_834 : f32
        scf.yield %mul3A_823, %reduce_and3A_835 : vector<1x512xf32>, i1
      }
      %swap3A_388 = arith.constant 0 : index
      %swap3A_389 = arith.constant 0 : index
      %swap3A_390 = vector.load %arg8[%swap3A_388, %swap3A_389] : memref<1x4096xf32, #tpu.memory_space<vmem>>, vector<1x512xf32>
      tpu.vector_store %arg8[%swap3A_388, %swap3A_389], %while3A_387#0 {strides = array<i32>} : memref<1x4096xf32, #tpu.memory_space<vmem>>, vector<1x512xf32>,
      %transpose3A_391 = tpu.transpose %while3A_387#0, [1, 0] : vector<1x512xf32> -> vector<512x1xf32>
      %slice3A_392 = vector.extract_strided_slice %sub3A {offsets = [0, 512], sizes = [1, 512], strides = [1, 1]} : vector<1x4096xf32> to vector<1x512xf32>
      %max3A_393 = vector.broadcast %sub3A_319 : vector<512x1xf32> to vector<512x512xf32>
      %max3A_394 = vector.broadcast %slice3A_392 : vector<1x512xf32> to vector<512x512xf32>
      %max3A_395 = arith.maximumf %max3A_393, %max3A_394 : vector<512x512xf32>
      %slice3A_396 = vector.extract_strided_slice %sub3A_31 {offsets = [0, 512], sizes = [1, 512], strides = [1, 1]} : vector<1x4096xf32> to vector<1x512xf32>
      %max3A_397 = vector.broadcast %sub3A_331 : vector<512x1xf32> to vector<512x512xf32>
      %max3A_398 = vector.broadcast %slice3A_396 : vector<1x512xf32> to vector<512x512xf32>
      %max3A_399 = arith.maximumf %max3A_397, %max3A_398 : vector<512x512xf32>
      %slice3A_400 = vector.extract_strided_slice %add3A {offsets = [0, 512], sizes = [1, 512], strides = [1, 1]} : vector<1x4096xf32> to vector<1x512xf32>
      %min3A_401 = vector.broadcast %add3A_325 : vector<512x1xf32> to vector<512x512xf32>
      %min3A_402 = vector.broadcast %slice3A_400 : vector<1x512xf32> to vector<512x512xf32>
      %min3A_403 = arith.minimumf %min3A_401, %min3A_402 : vector<512x512xf32>
      %slice3A_404 = vector.extract_strided_slice %add3A_35 {offsets = [0, 512], sizes = [1, 512], strides = [1, 1]} : vector<1x4096xf32> to vector<1x512xf32>
      %min3A_405 = vector.broadcast %add3A_337 : vector<512x1xf32> to vector<512x512xf32>
      %min3A_406 = vector.broadcast %slice3A_404 : vector<1x512xf32> to vector<512x512xf32>
      %min3A_407 = arith.minimumf %min3A_405, %min3A_406 : vector<512x512xf32>
      %sub3A_408 = arith.subf %min3A_403, %max3A_395 : vector<512x512xf32>
      %jit3A_409 = arith.constant 0.000000e+00 : f32
      %max3A_410 = vector.broadcast %jit3A_409 : f32 to vector<512x512xf32>
      %max3A_411 = arith.maximumf %max3A_410, %sub3A_408 : vector<512x512xf32>
      %sub3A_412 = arith.subf %min3A_407, %max3A_399 : vector<512x512xf32>
      %jit3A_413 = arith.constant 0.000000e+00 : f32
      %max3A_414 = vector.broadcast %jit3A_413 : f32 to vector<512x512xf32>
      %max3A_415 = arith.maximumf %max3A_414, %sub3A_412 : vector<512x512xf32>
      %mul3A_416 = arith.mulf %max3A_411, %max3A_415 : vector<512x512xf32>
      %slice3A_417 = vector.extract_strided_slice %mul3A_38 {offsets = [0, 512], sizes = [1, 512], strides = [1, 1]} : vector<1x4096xf32> to vector<1x512xf32>
      %add3A_418 = vector.broadcast %mul3A_340 : vector<512x1xf32> to vector<512x512xf32>
      %add3A_419 = vector.broadcast %slice3A_417 : vector<1x512xf32> to vector<512x512xf32>
      %add3A_420 = arith.addf %add3A_418, %add3A_419 : vector<512x512xf32>
      %sub3A_421 = arith.subf %add3A_420, %mul3A_416 : vector<512x512xf32>
      %add3A_422 = arith.constant 9.99999997E-7 : f32
      %add3A_423 = vector.broadcast %add3A_422 : f32 to vector<512x512xf32>
      %add3A_424 = arith.addf %sub3A_421, %add3A_423 : vector<512x512xf32>
      %div3A_425 = arith.divf %mul3A_416, %add3A_424 : vector<512x512xf32>
      %gt3A_426 = arith.constant 0.699999988 : f32
      %gt3A_427 = vector.broadcast %gt3A_426 : f32 to vector<512x512xf32>
      %gt3A_428 = arith.cmpf ogt, %div3A_425, %gt3A_427 : vector<512x512xf32>
      %gt3A_429 = arith.constant 0.000000e+00 : f32
      %gt3A_430 = vector.broadcast %gt3A_429 : f32 to vector<512x1xf32>
      %gt3A_431 = arith.cmpf ogt, %transpose3A_391, %gt3A_430 : vector<512x1xf32>
      %and3A_432 = vector.broadcast %gt3A_431 : vector<512x1xi1> to vector<512x512xi1>
      %and3A_433 = arith.andi %gt3A_428, %and3A_432 : vector<512x512xi1>
      %jit3A_434 = arith.constant 1.000000e+00 : f32
      %jit3A_435 = arith.constant 0.000000e+00 : f32
      %broadcast_in_dim3A_436 = vector.broadcast %jit3A_434 : f32 to vector<512x512xf32>
      %broadcast_in_dim3A_437 = vector.broadcast %jit3A_435 : f32 to vector<512x512xf32>
      %select_n3A_438 = arith.select %and3A_433, %broadcast_in_dim3A_436, %broadcast_in_dim3A_437 : vector<512x512xi1>, vector<512x512xf32>
      %reduce_max3A = arith.constant dense<0xFF800000> : vector<512xf32>
      %reduce_max3A_439 = vector.multi_reduction <maximumf>, %select_n3A_438, %reduce_max3A [0] : vector<512x512xf32> to vector<512xf32>
      %broadcast_in_dim3A_440 = vector.shape_cast %reduce_max3A_439 : vector<512xf32> to vector<1x512xf32>
      %get3A_441 = arith.constant 0 : index
      %get3A_442 = arith.constant 512 : index
      %get3A_443 = vector.load %arg7[%get3A_441, %get3A_442] : memref<1x4096xf32, #tpu.memory_space<vmem>>, vector<1x512xf32>
      %sub3A_444 = arith.constant 1.000000e+00 : f32
      %sub3A_445 = vector.broadcast %sub3A_444 : f32 to vector<1x512xf32>
      %sub3A_446 = arith.subf %sub3A_445, %broadcast_in_dim3A_440 : vector<1x512xf32>
      %mul3A_447 = arith.mulf %get3A_443, %sub3A_446 : vector<1x512xf32>
      %swap3A_448 = arith.constant 0 : index
      %swap3A_449 = arith.constant 512 : index
      %swap3A_450 = vector.load %arg7[%swap3A_448, %swap3A_449] : memref<1x4096xf32, #tpu.memory_space<vmem>>, vector<1x512xf32>
      tpu.vector_store %arg7[%swap3A_448, %swap3A_449], %mul3A_447 {strides = array<i32>} : memref<1x4096xf32, #tpu.memory_space<vmem>>, vector<1x512xf32>,
      %slice3A_451 = vector.extract_strided_slice %sub3A {offsets = [0, 1024], sizes = [1, 512], strides = [1, 1]} : vector<1x4096xf32> to vector<1x512xf32>
      %max3A_452 = vector.broadcast %sub3A_319 : vector<512x1xf32> to vector<512x512xf32>
      %max3A_453 = vector.broadcast %slice3A_451 : vector<1x512xf32> to vector<512x512xf32>
      %max3A_454 = arith.maximumf %max3A_452, %max3A_453 : vector<512x512xf32>
      %slice3A_455 = vector.extract_strided_slice %sub3A_31 {offsets = [0, 1024], sizes = [1, 512], strides = [1, 1]} : vector<1x4096xf32> to vector<1x512xf32>
      %max3A_456 = vector.broadcast %sub3A_331 : vector<512x1xf32> to vector<512x512xf32>
      %max3A_457 = vector.broadcast %slice3A_455 : vector<1x512xf32> to vector<512x512xf32>
      %max3A_458 = arith.maximumf %max3A_456, %max3A_457 : vector<512x512xf32>
      %slice3A_459 = vector.extract_strided_slice %add3A {offsets = [0, 1024], sizes = [1, 512], strides = [1, 1]} : vector<1x4096xf32> to vector<1x512xf32>
      %min3A_460 = vector.broadcast %add3A_325 : vector<512x1xf32> to vector<512x512xf32>
      %min3A_461 = vector.broadcast %slice3A_459 : vector<1x512xf32> to vector<512x512xf32>
      %min3A_462 = arith.minimumf %min3A_460, %min3A_461 : vector<512x512xf32>
      %slice3A_463 = vector.extract_strided_slice %add3A_35 {offsets = [0, 1024], sizes = [1, 512], strides = [1, 1]} : vector<1x4096xf32> to vector<1x512xf32>
      %min3A_464 = vector.broadcast %add3A_337 : vector<512x1xf32> to vector<512x512xf32>
      %min3A_465 = vector.broadcast %slice3A_463 : vector<1x512xf32> to vector<512x512xf32>
      %min3A_466 = arith.minimumf %min3A_464, %min3A_465 : vector<512x512xf32>
      %sub3A_467 = arith.subf %min3A_462, %max3A_454 : vector<512x512xf32>
      %jit3A_468 = arith.constant 0.000000e+00 : f32
      %max3A_469 = vector.broadcast %jit3A_468 : f32 to vector<512x512xf32>
      %max3A_470 = arith.maximumf %max3A_469, %sub3A_467 : vector<512x512xf32>
      %sub3A_471 = arith.subf %min3A_466, %max3A_458 : vector<512x512xf32>
      %jit3A_472 = arith.constant 0.000000e+00 : f32
      %max3A_473 = vector.broadcast %jit3A_472 : f32 to vector<512x512xf32>
      %max3A_474 = arith.maximumf %max3A_473, %sub3A_471 : vector<512x512xf32>
      %mul3A_475 = arith.mulf %max3A_470, %max3A_474 : vector<512x512xf32>
      %slice3A_476 = vector.extract_strided_slice %mul3A_38 {offsets = [0, 1024], sizes = [1, 512], strides = [1, 1]} : vector<1x4096xf32> to vector<1x512xf32>
      %add3A_477 = vector.broadcast %mul3A_340 : vector<512x1xf32> to vector<512x512xf32>
      %add3A_478 = vector.broadcast %slice3A_476 : vector<1x512xf32> to vector<512x512xf32>
      %add3A_479 = arith.addf %add3A_477, %add3A_478 : vector<512x512xf32>
      %sub3A_480 = arith.subf %add3A_479, %mul3A_475 : vector<512x512xf32>
      %add3A_481 = arith.constant 9.99999997E-7 : f32
      %add3A_482 = vector.broadcast %add3A_481 : f32 to vector<512x512xf32>
      %add3A_483 = arith.addf %sub3A_480, %add3A_482 : vector<512x512xf32>
      %div3A_484 = arith.divf %mul3A_475, %add3A_483 : vector<512x512xf32>
      %gt3A_485 = arith.constant 0.699999988 : f32
      %gt3A_486 = vector.broadcast %gt3A_485 : f32 to vector<512x512xf32>
      %gt3A_487 = arith.cmpf ogt, %div3A_484, %gt3A_486 : vector<512x512xf32>
      %gt3A_488 = arith.constant 0.000000e+00 : f32
      %gt3A_489 = vector.broadcast %gt3A_488 : f32 to vector<512x1xf32>
      %gt3A_490 = arith.cmpf ogt, %transpose3A_391, %gt3A_489 : vector<512x1xf32>
      %and3A_491 = vector.broadcast %gt3A_490 : vector<512x1xi1> to vector<512x512xi1>
      %and3A_492 = arith.andi %gt3A_487, %and3A_491 : vector<512x512xi1>
      %jit3A_493 = arith.constant 1.000000e+00 : f32
      %jit3A_494 = arith.constant 0.000000e+00 : f32
      %broadcast_in_dim3A_495 = vector.broadcast %jit3A_493 : f32 to vector<512x512xf32>
      %broadcast_in_dim3A_496 = vector.broadcast %jit3A_494 : f32 to vector<512x512xf32>
      %select_n3A_497 = arith.select %and3A_492, %broadcast_in_dim3A_495, %broadcast_in_dim3A_496 : vector<512x512xi1>, vector<512x512xf32>
      %reduce_max3A_498 = arith.constant dense<0xFF800000> : vector<512xf32>
      %reduce_max3A_499 = vector.multi_reduction <maximumf>, %select_n3A_497, %reduce_max3A_498 [0] : vector<512x512xf32> to vector<512xf32>
      %broadcast_in_dim3A_500 = vector.shape_cast %reduce_max3A_499 : vector<512xf32> to vector<1x512xf32>
      %get3A_501 = arith.constant 0 : index
      %get3A_502 = arith.constant 1024 : index
      %get3A_503 = vector.load %arg7[%get3A_501, %get3A_502] : memref<1x4096xf32, #tpu.memory_space<vmem>>, vector<1x512xf32>
      %sub3A_504 = arith.constant 1.000000e+00 : f32
      %sub3A_505 = vector.broadcast %sub3A_504 : f32 to vector<1x512xf32>
      %sub3A_506 = arith.subf %sub3A_505, %broadcast_in_dim3A_500 : vector<1x512xf32>
      %mul3A_507 = arith.mulf %get3A_503, %sub3A_506 : vector<1x512xf32>
      %swap3A_508 = arith.constant 0 : index
      %swap3A_509 = arith.constant 1024 : index
      %swap3A_510 = vector.load %arg7[%swap3A_508, %swap3A_509] : memref<1x4096xf32, #tpu.memory_space<vmem>>, vector<1x512xf32>
      tpu.vector_store %arg7[%swap3A_508, %swap3A_509], %mul3A_507 {strides = array<i32>} : memref<1x4096xf32, #tpu.memory_space<vmem>>, vector<1x512xf32>,
      %slice3A_511 = vector.extract_strided_slice %sub3A {offsets = [0, 1536], sizes = [1, 512], strides = [1, 1]} : vector<1x4096xf32> to vector<1x512xf32>
      %max3A_512 = vector.broadcast %sub3A_319 : vector<512x1xf32> to vector<512x512xf32>
      %max3A_513 = vector.broadcast %slice3A_511 : vector<1x512xf32> to vector<512x512xf32>
      %max3A_514 = arith.maximumf %max3A_512, %max3A_513 : vector<512x512xf32>
      %slice3A_515 = vector.extract_strided_slice %sub3A_31 {offsets = [0, 1536], sizes = [1, 512], strides = [1, 1]} : vector<1x4096xf32> to vector<1x512xf32>
      %max3A_516 = vector.broadcast %sub3A_331 : vector<512x1xf32> to vector<512x512xf32>
      %max3A_517 = vector.broadcast %slice3A_515 : vector<1x512xf32> to vector<512x512xf32>
      %max3A_518 = arith.maximumf %max3A_516, %max3A_517 : vector<512x512xf32>
      %slice3A_519 = vector.extract_strided_slice %add3A {offsets = [0, 1536], sizes = [1, 512], strides = [1, 1]} : vector<1x4096xf32> to vector<1x512xf32>
      %min3A_520 = vector.broadcast %add3A_325 : vector<512x1xf32> to vector<512x512xf32>
      %min3A_521 = vector.broadcast %slice3A_519 : vector<1x512xf32> to vector<512x512xf32>
      %min3A_522 = arith.minimumf %min3A_520, %min3A_521 : vector<512x512xf32>
      %slice3A_523 = vector.extract_strided_slice %add3A_35 {offsets = [0, 1536], sizes = [1, 512], strides = [1, 1]} : vector<1x4096xf32> to vector<1x512xf32>
      %min3A_524 = vector.broadcast %add3A_337 : vector<512x1xf32> to vector<512x512xf32>
      %min3A_525 = vector.broadcast %slice3A_523 : vector<1x512xf32> to vector<512x512xf32>
      %min3A_526 = arith.minimumf %min3A_524, %min3A_525 : vector<512x512xf32>
      %sub3A_527 = arith.subf %min3A_522, %max3A_514 : vector<512x512xf32>
      %jit3A_528 = arith.constant 0.000000e+00 : f32
      %max3A_529 = vector.broadcast %jit3A_528 : f32 to vector<512x512xf32>
      %max3A_530 = arith.maximumf %max3A_529, %sub3A_527 : vector<512x512xf32>
      %sub3A_531 = arith.subf %min3A_526, %max3A_518 : vector<512x512xf32>
      %jit3A_532 = arith.constant 0.000000e+00 : f32
      %max3A_533 = vector.broadcast %jit3A_532 : f32 to vector<512x512xf32>
      %max3A_534 = arith.maximumf %max3A_533, %sub3A_531 : vector<512x512xf32>
      %mul3A_535 = arith.mulf %max3A_530, %max3A_534 : vector<512x512xf32>
      %slice3A_536 = vector.extract_strided_slice %mul3A_38 {offsets = [0, 1536], sizes = [1, 512], strides = [1, 1]} : vector<1x4096xf32> to vector<1x512xf32>
      %add3A_537 = vector.broadcast %mul3A_340 : vector<512x1xf32> to vector<512x512xf32>
      %add3A_538 = vector.broadcast %slice3A_536 : vector<1x512xf32> to vector<512x512xf32>
      %add3A_539 = arith.addf %add3A_537, %add3A_538 : vector<512x512xf32>
      %sub3A_540 = arith.subf %add3A_539, %mul3A_535 : vector<512x512xf32>
      %add3A_541 = arith.constant 9.99999997E-7 : f32
      %add3A_542 = vector.broadcast %add3A_541 : f32 to vector<512x512xf32>
      %add3A_543 = arith.addf %sub3A_540, %add3A_542 : vector<512x512xf32>
      %div3A_544 = arith.divf %mul3A_535, %add3A_543 : vector<512x512xf32>
      %gt3A_545 = arith.constant 0.699999988 : f32
      %gt3A_546 = vector.broadcast %gt3A_545 : f32 to vector<512x512xf32>
      %gt3A_547 = arith.cmpf ogt, %div3A_544, %gt3A_546 : vector<512x512xf32>
      %gt3A_548 = arith.constant 0.000000e+00 : f32
      %gt3A_549 = vector.broadcast %gt3A_548 : f32 to vector<512x1xf32>
      %gt3A_550 = arith.cmpf ogt, %transpose3A_391, %gt3A_549 : vector<512x1xf32>
      %and3A_551 = vector.broadcast %gt3A_550 : vector<512x1xi1> to vector<512x512xi1>
      %and3A_552 = arith.andi %gt3A_547, %and3A_551 : vector<512x512xi1>
      %jit3A_553 = arith.constant 1.000000e+00 : f32
      %jit3A_554 = arith.constant 0.000000e+00 : f32
      %broadcast_in_dim3A_555 = vector.broadcast %jit3A_553 : f32 to vector<512x512xf32>
      %broadcast_in_dim3A_556 = vector.broadcast %jit3A_554 : f32 to vector<512x512xf32>
      %select_n3A_557 = arith.select %and3A_552, %broadcast_in_dim3A_555, %broadcast_in_dim3A_556 : vector<512x512xi1>, vector<512x512xf32>
      %reduce_max3A_558 = arith.constant dense<0xFF800000> : vector<512xf32>
      %reduce_max3A_559 = vector.multi_reduction <maximumf>, %select_n3A_557, %reduce_max3A_558 [0] : vector<512x512xf32> to vector<512xf32>
      %broadcast_in_dim3A_560 = vector.shape_cast %reduce_max3A_559 : vector<512xf32> to vector<1x512xf32>
      %get3A_561 = arith.constant 0 : index
      %get3A_562 = arith.constant 1536 : index
      %get3A_563 = vector.load %arg7[%get3A_561, %get3A_562] : memref<1x4096xf32, #tpu.memory_space<vmem>>, vector<1x512xf32>
      %sub3A_564 = arith.constant 1.000000e+00 : f32
      %sub3A_565 = vector.broadcast %sub3A_564 : f32 to vector<1x512xf32>
      %sub3A_566 = arith.subf %sub3A_565, %broadcast_in_dim3A_560 : vector<1x512xf32>
      %mul3A_567 = arith.mulf %get3A_563, %sub3A_566 : vector<1x512xf32>
      %swap3A_568 = arith.constant 0 : index
      %swap3A_569 = arith.constant 1536 : index
      %swap3A_570 = vector.load %arg7[%swap3A_568, %swap3A_569] : memref<1x4096xf32, #tpu.memory_space<vmem>>, vector<1x512xf32>
      tpu.vector_store %arg7[%swap3A_568, %swap3A_569], %mul3A_567 {strides = array<i32>} : memref<1x4096xf32, #tpu.memory_space<vmem>>, vector<1x512xf32>,
      %slice3A_571 = vector.extract_strided_slice %sub3A {offsets = [0, 2048], sizes = [1, 512], strides = [1, 1]} : vector<1x4096xf32> to vector<1x512xf32>
      %max3A_572 = vector.broadcast %sub3A_319 : vector<512x1xf32> to vector<512x512xf32>
      %max3A_573 = vector.broadcast %slice3A_571 : vector<1x512xf32> to vector<512x512xf32>
      %max3A_574 = arith.maximumf %max3A_572, %max3A_573 : vector<512x512xf32>
      %slice3A_575 = vector.extract_strided_slice %sub3A_31 {offsets = [0, 2048], sizes = [1, 512], strides = [1, 1]} : vector<1x4096xf32> to vector<1x512xf32>
      %max3A_576 = vector.broadcast %sub3A_331 : vector<512x1xf32> to vector<512x512xf32>
      %max3A_577 = vector.broadcast %slice3A_575 : vector<1x512xf32> to vector<512x512xf32>
      %max3A_578 = arith.maximumf %max3A_576, %max3A_577 : vector<512x512xf32>
      %slice3A_579 = vector.extract_strided_slice %add3A {offsets = [0, 2048], sizes = [1, 512], strides = [1, 1]} : vector<1x4096xf32> to vector<1x512xf32>
      %min3A_580 = vector.broadcast %add3A_325 : vector<512x1xf32> to vector<512x512xf32>
      %min3A_581 = vector.broadcast %slice3A_579 : vector<1x512xf32> to vector<512x512xf32>
      %min3A_582 = arith.minimumf %min3A_580, %min3A_581 : vector<512x512xf32>
      %slice3A_583 = vector.extract_strided_slice %add3A_35 {offsets = [0, 2048], sizes = [1, 512], strides = [1, 1]} : vector<1x4096xf32> to vector<1x512xf32>
      %min3A_584 = vector.broadcast %add3A_337 : vector<512x1xf32> to vector<512x512xf32>
      %min3A_585 = vector.broadcast %slice3A_583 : vector<1x512xf32> to vector<512x512xf32>
      %min3A_586 = arith.minimumf %min3A_584, %min3A_585 : vector<512x512xf32>
      %sub3A_587 = arith.subf %min3A_582, %max3A_574 : vector<512x512xf32>
      %jit3A_588 = arith.constant 0.000000e+00 : f32
      %max3A_589 = vector.broadcast %jit3A_588 : f32 to vector<512x512xf32>
      %max3A_590 = arith.maximumf %max3A_589, %sub3A_587 : vector<512x512xf32>
      %sub3A_591 = arith.subf %min3A_586, %max3A_578 : vector<512x512xf32>
      %jit3A_592 = arith.constant 0.000000e+00 : f32
      %max3A_593 = vector.broadcast %jit3A_592 : f32 to vector<512x512xf32>
      %max3A_594 = arith.maximumf %max3A_593, %sub3A_591 : vector<512x512xf32>
      %mul3A_595 = arith.mulf %max3A_590, %max3A_594 : vector<512x512xf32>
      %slice3A_596 = vector.extract_strided_slice %mul3A_38 {offsets = [0, 2048], sizes = [1, 512], strides = [1, 1]} : vector<1x4096xf32> to vector<1x512xf32>
      %add3A_597 = vector.broadcast %mul3A_340 : vector<512x1xf32> to vector<512x512xf32>
      %add3A_598 = vector.broadcast %slice3A_596 : vector<1x512xf32> to vector<512x512xf32>
      %add3A_599 = arith.addf %add3A_597, %add3A_598 : vector<512x512xf32>
      %sub3A_600 = arith.subf %add3A_599, %mul3A_595 : vector<512x512xf32>
      %add3A_601 = arith.constant 9.99999997E-7 : f32
      %add3A_602 = vector.broadcast %add3A_601 : f32 to vector<512x512xf32>
      %add3A_603 = arith.addf %sub3A_600, %add3A_602 : vector<512x512xf32>
      %div3A_604 = arith.divf %mul3A_595, %add3A_603 : vector<512x512xf32>
      %gt3A_605 = arith.constant 0.699999988 : f32
      %gt3A_606 = vector.broadcast %gt3A_605 : f32 to vector<512x512xf32>
      %gt3A_607 = arith.cmpf ogt, %div3A_604, %gt3A_606 : vector<512x512xf32>
      %gt3A_608 = arith.constant 0.000000e+00 : f32
      %gt3A_609 = vector.broadcast %gt3A_608 : f32 to vector<512x1xf32>
      %gt3A_610 = arith.cmpf ogt, %transpose3A_391, %gt3A_609 : vector<512x1xf32>
      %and3A_611 = vector.broadcast %gt3A_610 : vector<512x1xi1> to vector<512x512xi1>
      %and3A_612 = arith.andi %gt3A_607, %and3A_611 : vector<512x512xi1>
      %jit3A_613 = arith.constant 1.000000e+00 : f32
      %jit3A_614 = arith.constant 0.000000e+00 : f32
      %broadcast_in_dim3A_615 = vector.broadcast %jit3A_613 : f32 to vector<512x512xf32>
      %broadcast_in_dim3A_616 = vector.broadcast %jit3A_614 : f32 to vector<512x512xf32>
      %select_n3A_617 = arith.select %and3A_612, %broadcast_in_dim3A_615, %broadcast_in_dim3A_616 : vector<512x512xi1>, vector<512x512xf32>
      %reduce_max3A_618 = arith.constant dense<0xFF800000> : vector<512xf32>
      %reduce_max3A_619 = vector.multi_reduction <maximumf>, %select_n3A_617, %reduce_max3A_618 [0] : vector<512x512xf32> to vector<512xf32>
      %broadcast_in_dim3A_620 = vector.shape_cast %reduce_max3A_619 : vector<512xf32> to vector<1x512xf32>
      %get3A_621 = arith.constant 0 : index
      %get3A_622 = arith.constant 2048 : index
      %get3A_623 = vector.load %arg7[%get3A_621, %get3A_622] : memref<1x4096xf32, #tpu.memory_space<vmem>>, vector<1x512xf32>
      %sub3A_624 = arith.constant 1.000000e+00 : f32
      %sub3A_625 = vector.broadcast %sub3A_624 : f32 to vector<1x512xf32>
      %sub3A_626 = arith.subf %sub3A_625, %broadcast_in_dim3A_620 : vector<1x512xf32>
      %mul3A_627 = arith.mulf %get3A_623, %sub3A_626 : vector<1x512xf32>
      %swap3A_628 = arith.constant 0 : index
      %swap3A_629 = arith.constant 2048 : index
      %swap3A_630 = vector.load %arg7[%swap3A_628, %swap3A_629] : memref<1x4096xf32, #tpu.memory_space<vmem>>, vector<1x512xf32>
      tpu.vector_store %arg7[%swap3A_628, %swap3A_629], %mul3A_627 {strides = array<i32>} : memref<1x4096xf32, #tpu.memory_space<vmem>>, vector<1x512xf32>,
      %slice3A_631 = vector.extract_strided_slice %sub3A {offsets = [0, 2560], sizes = [1, 512], strides = [1, 1]} : vector<1x4096xf32> to vector<1x512xf32>
      %max3A_632 = vector.broadcast %sub3A_319 : vector<512x1xf32> to vector<512x512xf32>
      %max3A_633 = vector.broadcast %slice3A_631 : vector<1x512xf32> to vector<512x512xf32>
      %max3A_634 = arith.maximumf %max3A_632, %max3A_633 : vector<512x512xf32>
      %slice3A_635 = vector.extract_strided_slice %sub3A_31 {offsets = [0, 2560], sizes = [1, 512], strides = [1, 1]} : vector<1x4096xf32> to vector<1x512xf32>
      %max3A_636 = vector.broadcast %sub3A_331 : vector<512x1xf32> to vector<512x512xf32>
      %max3A_637 = vector.broadcast %slice3A_635 : vector<1x512xf32> to vector<512x512xf32>
      %max3A_638 = arith.maximumf %max3A_636, %max3A_637 : vector<512x512xf32>
      %slice3A_639 = vector.extract_strided_slice %add3A {offsets = [0, 2560], sizes = [1, 512], strides = [1, 1]} : vector<1x4096xf32> to vector<1x512xf32>
      %min3A_640 = vector.broadcast %add3A_325 : vector<512x1xf32> to vector<512x512xf32>
      %min3A_641 = vector.broadcast %slice3A_639 : vector<1x512xf32> to vector<512x512xf32>
      %min3A_642 = arith.minimumf %min3A_640, %min3A_641 : vector<512x512xf32>
      %slice3A_643 = vector.extract_strided_slice %add3A_35 {offsets = [0, 2560], sizes = [1, 512], strides = [1, 1]} : vector<1x4096xf32> to vector<1x512xf32>
      %min3A_644 = vector.broadcast %add3A_337 : vector<512x1xf32> to vector<512x512xf32>
      %min3A_645 = vector.broadcast %slice3A_643 : vector<1x512xf32> to vector<512x512xf32>
      %min3A_646 = arith.minimumf %min3A_644, %min3A_645 : vector<512x512xf32>
      %sub3A_647 = arith.subf %min3A_642, %max3A_634 : vector<512x512xf32>
      %jit3A_648 = arith.constant 0.000000e+00 : f32
      %max3A_649 = vector.broadcast %jit3A_648 : f32 to vector<512x512xf32>
      %max3A_650 = arith.maximumf %max3A_649, %sub3A_647 : vector<512x512xf32>
      %sub3A_651 = arith.subf %min3A_646, %max3A_638 : vector<512x512xf32>
      %jit3A_652 = arith.constant 0.000000e+00 : f32
      %max3A_653 = vector.broadcast %jit3A_652 : f32 to vector<512x512xf32>
      %max3A_654 = arith.maximumf %max3A_653, %sub3A_651 : vector<512x512xf32>
      %mul3A_655 = arith.mulf %max3A_650, %max3A_654 : vector<512x512xf32>
      %slice3A_656 = vector.extract_strided_slice %mul3A_38 {offsets = [0, 2560], sizes = [1, 512], strides = [1, 1]} : vector<1x4096xf32> to vector<1x512xf32>
      %add3A_657 = vector.broadcast %mul3A_340 : vector<512x1xf32> to vector<512x512xf32>
      %add3A_658 = vector.broadcast %slice3A_656 : vector<1x512xf32> to vector<512x512xf32>
      %add3A_659 = arith.addf %add3A_657, %add3A_658 : vector<512x512xf32>
      %sub3A_660 = arith.subf %add3A_659, %mul3A_655 : vector<512x512xf32>
      %add3A_661 = arith.constant 9.99999997E-7 : f32
      %add3A_662 = vector.broadcast %add3A_661 : f32 to vector<512x512xf32>
      %add3A_663 = arith.addf %sub3A_660, %add3A_662 : vector<512x512xf32>
      %div3A_664 = arith.divf %mul3A_655, %add3A_663 : vector<512x512xf32>
      %gt3A_665 = arith.constant 0.699999988 : f32
      %gt3A_666 = vector.broadcast %gt3A_665 : f32 to vector<512x512xf32>
      %gt3A_667 = arith.cmpf ogt, %div3A_664, %gt3A_666 : vector<512x512xf32>
      %gt3A_668 = arith.constant 0.000000e+00 : f32
      %gt3A_669 = vector.broadcast %gt3A_668 : f32 to vector<512x1xf32>
      %gt3A_670 = arith.cmpf ogt, %transpose3A_391, %gt3A_669 : vector<512x1xf32>
      %and3A_671 = vector.broadcast %gt3A_670 : vector<512x1xi1> to vector<512x512xi1>
      %and3A_672 = arith.andi %gt3A_667, %and3A_671 : vector<512x512xi1>
      %jit3A_673 = arith.constant 1.000000e+00 : f32
      %jit3A_674 = arith.constant 0.000000e+00 : f32
      %broadcast_in_dim3A_675 = vector.broadcast %jit3A_673 : f32 to vector<512x512xf32>
      %broadcast_in_dim3A_676 = vector.broadcast %jit3A_674 : f32 to vector<512x512xf32>
      %select_n3A_677 = arith.select %and3A_672, %broadcast_in_dim3A_675, %broadcast_in_dim3A_676 : vector<512x512xi1>, vector<512x512xf32>
      %reduce_max3A_678 = arith.constant dense<0xFF800000> : vector<512xf32>
      %reduce_max3A_679 = vector.multi_reduction <maximumf>, %select_n3A_677, %reduce_max3A_678 [0] : vector<512x512xf32> to vector<512xf32>
      %broadcast_in_dim3A_680 = vector.shape_cast %reduce_max3A_679 : vector<512xf32> to vector<1x512xf32>
      %get3A_681 = arith.constant 0 : index
      %get3A_682 = arith.constant 2560 : index
      %get3A_683 = vector.load %arg7[%get3A_681, %get3A_682] : memref<1x4096xf32, #tpu.memory_space<vmem>>, vector<1x512xf32>
      %sub3A_684 = arith.constant 1.000000e+00 : f32
      %sub3A_685 = vector.broadcast %sub3A_684 : f32 to vector<1x512xf32>
      %sub3A_686 = arith.subf %sub3A_685, %broadcast_in_dim3A_680 : vector<1x512xf32>
      %mul3A_687 = arith.mulf %get3A_683, %sub3A_686 : vector<1x512xf32>
      %swap3A_688 = arith.constant 0 : index
      %swap3A_689 = arith.constant 2560 : index
      %swap3A_690 = vector.load %arg7[%swap3A_688, %swap3A_689] : memref<1x4096xf32, #tpu.memory_space<vmem>>, vector<1x512xf32>
      tpu.vector_store %arg7[%swap3A_688, %swap3A_689], %mul3A_687 {strides = array<i32>} : memref<1x4096xf32, #tpu.memory_space<vmem>>, vector<1x512xf32>,
      %slice3A_691 = vector.extract_strided_slice %sub3A {offsets = [0, 3072], sizes = [1, 512], strides = [1, 1]} : vector<1x4096xf32> to vector<1x512xf32>
      %max3A_692 = vector.broadcast %sub3A_319 : vector<512x1xf32> to vector<512x512xf32>
      %max3A_693 = vector.broadcast %slice3A_691 : vector<1x512xf32> to vector<512x512xf32>
      %max3A_694 = arith.maximumf %max3A_692, %max3A_693 : vector<512x512xf32>
      %slice3A_695 = vector.extract_strided_slice %sub3A_31 {offsets = [0, 3072], sizes = [1, 512], strides = [1, 1]} : vector<1x4096xf32> to vector<1x512xf32>
      %max3A_696 = vector.broadcast %sub3A_331 : vector<512x1xf32> to vector<512x512xf32>
      %max3A_697 = vector.broadcast %slice3A_695 : vector<1x512xf32> to vector<512x512xf32>
      %max3A_698 = arith.maximumf %max3A_696, %max3A_697 : vector<512x512xf32>
      %slice3A_699 = vector.extract_strided_slice %add3A {offsets = [0, 3072], sizes = [1, 512], strides = [1, 1]} : vector<1x4096xf32> to vector<1x512xf32>
      %min3A_700 = vector.broadcast %add3A_325 : vector<512x1xf32> to vector<512x512xf32>
      %min3A_701 = vector.broadcast %slice3A_699 : vector<1x512xf32> to vector<512x512xf32>
      %min3A_702 = arith.minimumf %min3A_700, %min3A_701 : vector<512x512xf32>
      %slice3A_703 = vector.extract_strided_slice %add3A_35 {offsets = [0, 3072], sizes = [1, 512], strides = [1, 1]} : vector<1x4096xf32> to vector<1x512xf32>
      %min3A_704 = vector.broadcast %add3A_337 : vector<512x1xf32> to vector<512x512xf32>
      %min3A_705 = vector.broadcast %slice3A_703 : vector<1x512xf32> to vector<512x512xf32>
      %min3A_706 = arith.minimumf %min3A_704, %min3A_705 : vector<512x512xf32>
      %sub3A_707 = arith.subf %min3A_702, %max3A_694 : vector<512x512xf32>
      %jit3A_708 = arith.constant 0.000000e+00 : f32
      %max3A_709 = vector.broadcast %jit3A_708 : f32 to vector<512x512xf32>
      %max3A_710 = arith.maximumf %max3A_709, %sub3A_707 : vector<512x512xf32>
      %sub3A_711 = arith.subf %min3A_706, %max3A_698 : vector<512x512xf32>
      %jit3A_712 = arith.constant 0.000000e+00 : f32
      %max3A_713 = vector.broadcast %jit3A_712 : f32 to vector<512x512xf32>
      %max3A_714 = arith.maximumf %max3A_713, %sub3A_711 : vector<512x512xf32>
      %mul3A_715 = arith.mulf %max3A_710, %max3A_714 : vector<512x512xf32>
      %slice3A_716 = vector.extract_strided_slice %mul3A_38 {offsets = [0, 3072], sizes = [1, 512], strides = [1, 1]} : vector<1x4096xf32> to vector<1x512xf32>
      %add3A_717 = vector.broadcast %mul3A_340 : vector<512x1xf32> to vector<512x512xf32>
      %add3A_718 = vector.broadcast %slice3A_716 : vector<1x512xf32> to vector<512x512xf32>
      %add3A_719 = arith.addf %add3A_717, %add3A_718 : vector<512x512xf32>
      %sub3A_720 = arith.subf %add3A_719, %mul3A_715 : vector<512x512xf32>
      %add3A_721 = arith.constant 9.99999997E-7 : f32
      %add3A_722 = vector.broadcast %add3A_721 : f32 to vector<512x512xf32>
      %add3A_723 = arith.addf %sub3A_720, %add3A_722 : vector<512x512xf32>
      %div3A_724 = arith.divf %mul3A_715, %add3A_723 : vector<512x512xf32>
      %gt3A_725 = arith.constant 0.699999988 : f32
      %gt3A_726 = vector.broadcast %gt3A_725 : f32 to vector<512x512xf32>
      %gt3A_727 = arith.cmpf ogt, %div3A_724, %gt3A_726 : vector<512x512xf32>
      %gt3A_728 = arith.constant 0.000000e+00 : f32
      %gt3A_729 = vector.broadcast %gt3A_728 : f32 to vector<512x1xf32>
      %gt3A_730 = arith.cmpf ogt, %transpose3A_391, %gt3A_729 : vector<512x1xf32>
      %and3A_731 = vector.broadcast %gt3A_730 : vector<512x1xi1> to vector<512x512xi1>
      %and3A_732 = arith.andi %gt3A_727, %and3A_731 : vector<512x512xi1>
      %jit3A_733 = arith.constant 1.000000e+00 : f32
      %jit3A_734 = arith.constant 0.000000e+00 : f32
      %broadcast_in_dim3A_735 = vector.broadcast %jit3A_733 : f32 to vector<512x512xf32>
      %broadcast_in_dim3A_736 = vector.broadcast %jit3A_734 : f32 to vector<512x512xf32>
      %select_n3A_737 = arith.select %and3A_732, %broadcast_in_dim3A_735, %broadcast_in_dim3A_736 : vector<512x512xi1>, vector<512x512xf32>
      %reduce_max3A_738 = arith.constant dense<0xFF800000> : vector<512xf32>
      %reduce_max3A_739 = vector.multi_reduction <maximumf>, %select_n3A_737, %reduce_max3A_738 [0] : vector<512x512xf32> to vector<512xf32>
      %broadcast_in_dim3A_740 = vector.shape_cast %reduce_max3A_739 : vector<512xf32> to vector<1x512xf32>
      %get3A_741 = arith.constant 0 : index
      %get3A_742 = arith.constant 3072 : index
      %get3A_743 = vector.load %arg7[%get3A_741, %get3A_742] : memref<1x4096xf32, #tpu.memory_space<vmem>>, vector<1x512xf32>
      %sub3A_744 = arith.constant 1.000000e+00 : f32
      %sub3A_745 = vector.broadcast %sub3A_744 : f32 to vector<1x512xf32>
      %sub3A_746 = arith.subf %sub3A_745, %broadcast_in_dim3A_740 : vector<1x512xf32>
      %mul3A_747 = arith.mulf %get3A_743, %sub3A_746 : vector<1x512xf32>
      %swap3A_748 = arith.constant 0 : index
      %swap3A_749 = arith.constant 3072 : index
      %swap3A_750 = vector.load %arg7[%swap3A_748, %swap3A_749] : memref<1x4096xf32, #tpu.memory_space<vmem>>, vector<1x512xf32>
      tpu.vector_store %arg7[%swap3A_748, %swap3A_749], %mul3A_747 {strides = array<i32>} : memref<1x4096xf32, #tpu.memory_space<vmem>>, vector<1x512xf32>,
      %slice3A_751 = vector.extract_strided_slice %sub3A {offsets = [0, 3584], sizes = [1, 512], strides = [1, 1]} : vector<1x4096xf32> to vector<1x512xf32>
      %max3A_752 = vector.broadcast %sub3A_319 : vector<512x1xf32> to vector<512x512xf32>
      %max3A_753 = vector.broadcast %slice3A_751 : vector<1x512xf32> to vector<512x512xf32>
      %max3A_754 = arith.maximumf %max3A_752, %max3A_753 : vector<512x512xf32>
      %slice3A_755 = vector.extract_strided_slice %sub3A_31 {offsets = [0, 3584], sizes = [1, 512], strides = [1, 1]} : vector<1x4096xf32> to vector<1x512xf32>
      %max3A_756 = vector.broadcast %sub3A_331 : vector<512x1xf32> to vector<512x512xf32>
      %max3A_757 = vector.broadcast %slice3A_755 : vector<1x512xf32> to vector<512x512xf32>
      %max3A_758 = arith.maximumf %max3A_756, %max3A_757 : vector<512x512xf32>
      %slice3A_759 = vector.extract_strided_slice %add3A {offsets = [0, 3584], sizes = [1, 512], strides = [1, 1]} : vector<1x4096xf32> to vector<1x512xf32>
      %min3A_760 = vector.broadcast %add3A_325 : vector<512x1xf32> to vector<512x512xf32>
      %min3A_761 = vector.broadcast %slice3A_759 : vector<1x512xf32> to vector<512x512xf32>
      %min3A_762 = arith.minimumf %min3A_760, %min3A_761 : vector<512x512xf32>
      %slice3A_763 = vector.extract_strided_slice %add3A_35 {offsets = [0, 3584], sizes = [1, 512], strides = [1, 1]} : vector<1x4096xf32> to vector<1x512xf32>
      %min3A_764 = vector.broadcast %add3A_337 : vector<512x1xf32> to vector<512x512xf32>
      %min3A_765 = vector.broadcast %slice3A_763 : vector<1x512xf32> to vector<512x512xf32>
      %min3A_766 = arith.minimumf %min3A_764, %min3A_765 : vector<512x512xf32>
      %sub3A_767 = arith.subf %min3A_762, %max3A_754 : vector<512x512xf32>
      %jit3A_768 = arith.constant 0.000000e+00 : f32
      %max3A_769 = vector.broadcast %jit3A_768 : f32 to vector<512x512xf32>
      %max3A_770 = arith.maximumf %max3A_769, %sub3A_767 : vector<512x512xf32>
      %sub3A_771 = arith.subf %min3A_766, %max3A_758 : vector<512x512xf32>
      %jit3A_772 = arith.constant 0.000000e+00 : f32
      %max3A_773 = vector.broadcast %jit3A_772 : f32 to vector<512x512xf32>
      %max3A_774 = arith.maximumf %max3A_773, %sub3A_771 : vector<512x512xf32>
      %mul3A_775 = arith.mulf %max3A_770, %max3A_774 : vector<512x512xf32>
      %slice3A_776 = vector.extract_strided_slice %mul3A_38 {offsets = [0, 3584], sizes = [1, 512], strides = [1, 1]} : vector<1x4096xf32> to vector<1x512xf32>
      %add3A_777 = vector.broadcast %mul3A_340 : vector<512x1xf32> to vector<512x512xf32>
      %add3A_778 = vector.broadcast %slice3A_776 : vector<1x512xf32> to vector<512x512xf32>
      %add3A_779 = arith.addf %add3A_777, %add3A_778 : vector<512x512xf32>
      %sub3A_780 = arith.subf %add3A_779, %mul3A_775 : vector<512x512xf32>
      %add3A_781 = arith.constant 9.99999997E-7 : f32
      %add3A_782 = vector.broadcast %add3A_781 : f32 to vector<512x512xf32>
      %add3A_783 = arith.addf %sub3A_780, %add3A_782 : vector<512x512xf32>
      %div3A_784 = arith.divf %mul3A_775, %add3A_783 : vector<512x512xf32>
      %gt3A_785 = arith.constant 0.699999988 : f32
      %gt3A_786 = vector.broadcast %gt3A_785 : f32 to vector<512x512xf32>
      %gt3A_787 = arith.cmpf ogt, %div3A_784, %gt3A_786 : vector<512x512xf32>
      %gt3A_788 = arith.constant 0.000000e+00 : f32
      %gt3A_789 = vector.broadcast %gt3A_788 : f32 to vector<512x1xf32>
      %gt3A_790 = arith.cmpf ogt, %transpose3A_391, %gt3A_789 : vector<512x1xf32>
      %and3A_791 = vector.broadcast %gt3A_790 : vector<512x1xi1> to vector<512x512xi1>
      %and3A_792 = arith.andi %gt3A_787, %and3A_791 : vector<512x512xi1>
      %jit3A_793 = arith.constant 1.000000e+00 : f32
      %jit3A_794 = arith.constant 0.000000e+00 : f32
      %broadcast_in_dim3A_795 = vector.broadcast %jit3A_793 : f32 to vector<512x512xf32>
      %broadcast_in_dim3A_796 = vector.broadcast %jit3A_794 : f32 to vector<512x512xf32>
      %select_n3A_797 = arith.select %and3A_792, %broadcast_in_dim3A_795, %broadcast_in_dim3A_796 : vector<512x512xi1>, vector<512x512xf32>
      %reduce_max3A_798 = arith.constant dense<0xFF800000> : vector<512xf32>
      %reduce_max3A_799 = vector.multi_reduction <maximumf>, %select_n3A_797, %reduce_max3A_798 [0] : vector<512x512xf32> to vector<512xf32>
      %broadcast_in_dim3A_800 = vector.shape_cast %reduce_max3A_799 : vector<512xf32> to vector<1x512xf32>
      %get3A_801 = arith.constant 0 : index
      %get3A_802 = arith.constant 3584 : index
      %get3A_803 = vector.load %arg7[%get3A_801, %get3A_802] : memref<1x4096xf32, #tpu.memory_space<vmem>>, vector<1x512xf32>
      %sub3A_804 = arith.constant 1.000000e+00 : f32
      %sub3A_805 = vector.broadcast %sub3A_804 : f32 to vector<1x512xf32>
      %sub3A_806 = arith.subf %sub3A_805, %broadcast_in_dim3A_800 : vector<1x512xf32>
      %mul3A_807 = arith.mulf %get3A_803, %sub3A_806 : vector<1x512xf32>
      %swap3A_808 = arith.constant 0 : index
      %swap3A_809 = arith.constant 3584 : index
      %swap3A_810 = vector.load %arg7[%swap3A_808, %swap3A_809] : memref<1x4096xf32, #tpu.memory_space<vmem>>, vector<1x512xf32>
      tpu.vector_store %arg7[%swap3A_808, %swap3A_809], %mul3A_807 {strides = array<i32>} : memref<1x4096xf32, #tpu.memory_space<vmem>>, vector<1x512xf32>,
    } else {
    }
    %get3A_57 = arith.constant 0 : index
    %get3A_58 = arith.constant 0 : index
    %get3A_59 = vector.load %arg8[%get3A_57, %get3A_58] : memref<1x4096xf32, #tpu.memory_space<vmem>>, vector<1x4096xf32>
    %reduce_sum3A_60 = vector.shape_cast %get3A_59 : vector<1x4096xf32> to vector<1x1x4096xf32>
    %reduce_sum3A_61 = arith.constant dense<0.000000e+00> : vector<1xf32>
    %reduce_sum3A_62 = vector.multi_reduction <add>, %reduce_sum3A_60, %reduce_sum3A_61 [1, 2] : vector<1x1x4096xf32> to vector<1xf32>
    %reduce_sum3A_63 = vector.shape_cast %reduce_sum3A_62 : vector<1xf32> to vector<1x1x1xf32>
    %reduce_sum3A_64 = vector.extract %reduce_sum3A_63[0, 0, 0] : f32 from vector<1x1x1xf32>
    %lt3A_65 = arith.constant 5.120000e+02 : f32
    %lt3A_66 = arith.cmpf olt, %reduce_sum3A_64, %lt3A_65 : f32
    %convert_element_type3A_67 = arith.extui %lt3A_66 : i1 to i32
    %cond3A_68 = arith.constant 0 : i32
    %cond3A_69 = arith.cmpi ne, %convert_element_type3A_67, %cond3A_68 : i32
    scf.if %cond3A_69 {
      %slice3A_313 = vector.extract_strided_slice %get3A_3 {offsets = [0, 512], sizes = [8, 512], strides = [1, 1]} : vector<8x4096xf32> to vector<8x512xf32>
      %transpose3A = tpu.transpose %slice3A_313, [1, 0] : vector<8x512xf32> -> vector<512x8xf32>
      %slice3A_314 = vector.extract_strided_slice %transpose3A {offsets = [0, 0], sizes = [512, 1], strides = [1, 1]} : vector<512x8xf32> to vector<512x1xf32>
      %slice3A_315 = vector.extract_strided_slice %transpose3A {offsets = [0, 3], sizes = [512, 1], strides = [1, 1]} : vector<512x8xf32> to vector<512x1xf32>
      %mul3A_316 = arith.constant 5.000000e-01 : f32
      %mul3A_317 = vector.broadcast %mul3A_316 : f32 to vector<512x1xf32>
      %mul3A_318 = arith.mulf %slice3A_315, %mul3A_317 : vector<512x1xf32>
      %sub3A_319 = arith.subf %slice3A_314, %mul3A_318 : vector<512x1xf32>
      %slice3A_320 = vector.extract_strided_slice %transpose3A {offsets = [0, 0], sizes = [512, 1], strides = [1, 1]} : vector<512x8xf32> to vector<512x1xf32>
      %slice3A_321 = vector.extract_strided_slice %transpose3A {offsets = [0, 3], sizes = [512, 1], strides = [1, 1]} : vector<512x8xf32> to vector<512x1xf32>
      %mul3A_322 = arith.constant 5.000000e-01 : f32
      %mul3A_323 = vector.broadcast %mul3A_322 : f32 to vector<512x1xf32>
      %mul3A_324 = arith.mulf %slice3A_321, %mul3A_323 : vector<512x1xf32>
      %add3A_325 = arith.addf %slice3A_320, %mul3A_324 : vector<512x1xf32>
      %slice3A_326 = vector.extract_strided_slice %transpose3A {offsets = [0, 1], sizes = [512, 1], strides = [1, 1]} : vector<512x8xf32> to vector<512x1xf32>
      %slice3A_327 = vector.extract_strided_slice %transpose3A {offsets = [0, 4], sizes = [512, 1], strides = [1, 1]} : vector<512x8xf32> to vector<512x1xf32>
      %mul3A_328 = arith.constant 5.000000e-01 : f32
      %mul3A_329 = vector.broadcast %mul3A_328 : f32 to vector<512x1xf32>
      %mul3A_330 = arith.mulf %slice3A_327, %mul3A_329 : vector<512x1xf32>
      %sub3A_331 = arith.subf %slice3A_326, %mul3A_330 : vector<512x1xf32>
      %slice3A_332 = vector.extract_strided_slice %transpose3A {offsets = [0, 1], sizes = [512, 1], strides = [1, 1]} : vector<512x8xf32> to vector<512x1xf32>
      %slice3A_333 = vector.extract_strided_slice %transpose3A {offsets = [0, 4], sizes = [512, 1], strides = [1, 1]} : vector<512x8xf32> to vector<512x1xf32>
      %mul3A_334 = arith.constant 5.000000e-01 : f32
      %mul3A_335 = vector.broadcast %mul3A_334 : f32 to vector<512x1xf32>
      %mul3A_336 = arith.mulf %slice3A_333, %mul3A_335 : vector<512x1xf32>
      %add3A_337 = arith.addf %slice3A_332, %mul3A_336 : vector<512x1xf32>
      %sub3A_338 = arith.subf %add3A_325, %sub3A_319 : vector<512x1xf32>
      %sub3A_339 = arith.subf %add3A_337, %sub3A_331 : vector<512x1xf32>
      %mul3A_340 = arith.mulf %sub3A_338, %sub3A_339 : vector<512x1xf32>
      %slice3A_341 = vector.extract_strided_slice %sub3A {offsets = [0, 512], sizes = [1, 512], strides = [1, 1]} : vector<1x4096xf32> to vector<1x512xf32>
      %slice3A_342 = vector.extract_strided_slice %add3A {offsets = [0, 512], sizes = [1, 512], strides = [1, 1]} : vector<1x4096xf32> to vector<1x512xf32>
      %slice3A_343 = vector.extract_strided_slice %sub3A_31 {offsets = [0, 512], sizes = [1, 512], strides = [1, 1]} : vector<1x4096xf32> to vector<1x512xf32>
      %slice3A_344 = vector.extract_strided_slice %add3A_35 {offsets = [0, 512], sizes = [1, 512], strides = [1, 1]} : vector<1x4096xf32> to vector<1x512xf32>
      %slice3A_345 = vector.extract_strided_slice %mul3A_38 {offsets = [0, 512], sizes = [1, 512], strides = [1, 1]} : vector<1x4096xf32> to vector<1x512xf32>
      %get3A_346 = arith.constant 0 : index
      %get3A_347 = arith.constant 512 : index
      %get3A_348 = vector.load %arg7[%get3A_346, %get3A_347] : memref<1x4096xf32, #tpu.memory_space<vmem>>, vector<1x512xf32>
      %max3A = vector.broadcast %sub3A_319 : vector<512x1xf32> to vector<512x512xf32>
      %max3A_349 = vector.broadcast %slice3A_341 : vector<1x512xf32> to vector<512x512xf32>
      %max3A_350 = arith.maximumf %max3A, %max3A_349 : vector<512x512xf32>
      %max3A_351 = vector.broadcast %sub3A_331 : vector<512x1xf32> to vector<512x512xf32>
      %max3A_352 = vector.broadcast %slice3A_343 : vector<1x512xf32> to vector<512x512xf32>
      %max3A_353 = arith.maximumf %max3A_351, %max3A_352 : vector<512x512xf32>
      %min3A = vector.broadcast %add3A_325 : vector<512x1xf32> to vector<512x512xf32>
      %min3A_354 = vector.broadcast %slice3A_342 : vector<1x512xf32> to vector<512x512xf32>
      %min3A_355 = arith.minimumf %min3A, %min3A_354 : vector<512x512xf32>
      %min3A_356 = vector.broadcast %add3A_337 : vector<512x1xf32> to vector<512x512xf32>
      %min3A_357 = vector.broadcast %slice3A_344 : vector<1x512xf32> to vector<512x512xf32>
      %min3A_358 = arith.minimumf %min3A_356, %min3A_357 : vector<512x512xf32>
      %sub3A_359 = arith.subf %min3A_355, %max3A_350 : vector<512x512xf32>
      %jit3A_360 = arith.constant 0.000000e+00 : f32
      %max3A_361 = vector.broadcast %jit3A_360 : f32 to vector<512x512xf32>
      %max3A_362 = arith.maximumf %max3A_361, %sub3A_359 : vector<512x512xf32>
      %sub3A_363 = arith.subf %min3A_358, %max3A_353 : vector<512x512xf32>
      %jit3A_364 = arith.constant 0.000000e+00 : f32
      %max3A_365 = vector.broadcast %jit3A_364 : f32 to vector<512x512xf32>
      %max3A_366 = arith.maximumf %max3A_365, %sub3A_363 : vector<512x512xf32>
      %mul3A_367 = arith.mulf %max3A_362, %max3A_366 : vector<512x512xf32>
      %add3A_368 = vector.broadcast %mul3A_340 : vector<512x1xf32> to vector<512x512xf32>
      %add3A_369 = vector.broadcast %slice3A_345 : vector<1x512xf32> to vector<512x512xf32>
      %add3A_370 = arith.addf %add3A_368, %add3A_369 : vector<512x512xf32>
      %sub3A_371 = arith.subf %add3A_370, %mul3A_367 : vector<512x512xf32>
      %add3A_372 = arith.constant 9.99999997E-7 : f32
      %add3A_373 = vector.broadcast %add3A_372 : f32 to vector<512x512xf32>
      %add3A_374 = arith.addf %sub3A_371, %add3A_373 : vector<512x512xf32>
      %div3A = arith.divf %mul3A_367, %add3A_374 : vector<512x512xf32>
      %iota3A_375 = tpu.iota {dimensions = array<i32: 0>} : vector<512x512xi32>
      %iota3A_376 = tpu.iota {dimensions = array<i32: 1>} : vector<512x512xi32>
      %gt3A_377 = arith.constant 0.699999988 : f32
      %gt3A_378 = vector.broadcast %gt3A_377 : f32 to vector<512x512xf32>
      %gt3A_379 = arith.cmpf ogt, %div3A, %gt3A_378 : vector<512x512xf32>
      %lt3A_380 = arith.cmpi slt, %iota3A_375, %iota3A_376 : vector<512x512xi32>
      %and3A_381 = arith.andi %gt3A_379, %lt3A_380 : vector<512x512xi1>
      %jit3A_382 = arith.constant 1.000000e+00 : f32
      %jit3A_383 = arith.constant 0.000000e+00 : f32
      %broadcast_in_dim3A_384 = vector.broadcast %jit3A_382 : f32 to vector<512x512xf32>
      %broadcast_in_dim3A_385 = vector.broadcast %jit3A_383 : f32 to vector<512x512xf32>
      %select_n3A_386 = arith.select %and3A_381, %broadcast_in_dim3A_384, %broadcast_in_dim3A_385 : vector<512x512xi1>, vector<512x512xf32>
      %while3A = arith.constant false
      %while3A_387:2 = scf.while (%while3A_751 = %get3A_348, %while3A_752 = %while3A) : (vector<1x512xf32>, i1) -> (vector<1x512xf32>, i1) {
        %not3A = arith.constant true
        %not3A_753 = arith.xori %while3A_752, %not3A : i1
        scf.condition(%not3A_753) %while3A_751, %while3A_752 : vector<1x512xf32>, i1
      } do {
      ^bb0(%while3A_751: vector<1x512xf32>, %while3A_752: i1):
        %dot_general3A_753 = arith.constant dense<0.000000e+00> : vector<1x512xf32>
        %dot_general3A_754 = tpu.matmul %while3A_751, %select_n3A_386, %dot_general3A_753 {dimension_numbers = #tpu.dot_dimension_numbers<[1], [0], [0], [1], [0, 0, 1, 1], [], []>, transpose_lhs_hint = false} : vector<1x512xf32>, vector<512x512xf32>, vector<1x512xf32> -> vector<1x512xf32>
        %gt3A_755 = arith.constant 0.000000e+00 : f32
        %gt3A_756 = vector.broadcast %gt3A_755 : f32 to vector<1x512xf32>
        %gt3A_757 = arith.cmpf ogt, %dot_general3A_754, %gt3A_756 : vector<1x512xf32>
        %jit3A_758 = arith.constant 0.000000e+00 : f32
        %jit3A_759 = arith.constant 1.000000e+00 : f32
        %broadcast_in_dim3A_760 = vector.broadcast %jit3A_758 : f32 to vector<1x512xf32>
        %broadcast_in_dim3A_761 = vector.broadcast %jit3A_759 : f32 to vector<1x512xf32>
        %select_n3A_762 = arith.select %gt3A_757, %broadcast_in_dim3A_760, %broadcast_in_dim3A_761 : vector<1x512xi1>, vector<1x512xf32>
        %mul3A_763 = arith.mulf %get3A_348, %select_n3A_762 : vector<1x512xf32>
        %eq3A_764 = arith.cmpf oeq, %mul3A_763, %while3A_751 : vector<1x512xf32>
        %reduce_and3A = arith.constant 1.000000e+00 : f32
        %reduce_and3A_765 = arith.constant 0.000000e+00 : f32
        %reduce_and3A_766 = vector.broadcast %reduce_and3A : f32 to vector<1x512xf32>
        %reduce_and3A_767 = vector.broadcast %reduce_and3A_765 : f32 to vector<1x512xf32>
        %reduce_and3A_768 = arith.select %eq3A_764, %reduce_and3A_766, %reduce_and3A_767 : vector<1x512xi1>, vector<1x512xf32>
        %reduce_and3A_769 = vector.shape_cast %reduce_and3A_768 : vector<1x512xf32> to vector<1x1x512xf32>
        %reduce_and3A_770 = arith.constant dense<0x7F800000> : vector<1xf32>
        %reduce_and3A_771 = vector.multi_reduction <minimumf>, %reduce_and3A_769, %reduce_and3A_770 [1, 2] : vector<1x1x512xf32> to vector<1xf32>
        %reduce_and3A_772 = vector.shape_cast %reduce_and3A_771 : vector<1xf32> to vector<1x1x1xf32>
        %reduce_and3A_773 = vector.extract %reduce_and3A_772[0, 0, 0] : f32 from vector<1x1x1xf32>
        %reduce_and3A_774 = arith.constant 0.000000e+00 : f32
        %reduce_and3A_775 = arith.cmpf ogt, %reduce_and3A_773, %reduce_and3A_774 : f32
        scf.yield %mul3A_763, %reduce_and3A_775 : vector<1x512xf32>, i1
      }
      %swap3A_388 = arith.constant 0 : index
      %swap3A_389 = arith.constant 512 : index
      %swap3A_390 = vector.load %arg8[%swap3A_388, %swap3A_389] : memref<1x4096xf32, #tpu.memory_space<vmem>>, vector<1x512xf32>
      tpu.vector_store %arg8[%swap3A_388, %swap3A_389], %while3A_387#0 {strides = array<i32>} : memref<1x4096xf32, #tpu.memory_space<vmem>>, vector<1x512xf32>,
      %transpose3A_391 = tpu.transpose %while3A_387#0, [1, 0] : vector<1x512xf32> -> vector<512x1xf32>
      %slice3A_392 = vector.extract_strided_slice %sub3A {offsets = [0, 1024], sizes = [1, 512], strides = [1, 1]} : vector<1x4096xf32> to vector<1x512xf32>
      %max3A_393 = vector.broadcast %sub3A_319 : vector<512x1xf32> to vector<512x512xf32>
      %max3A_394 = vector.broadcast %slice3A_392 : vector<1x512xf32> to vector<512x512xf32>
      %max3A_395 = arith.maximumf %max3A_393, %max3A_394 : vector<512x512xf32>
      %slice3A_396 = vector.extract_strided_slice %sub3A_31 {offsets = [0, 1024], sizes = [1, 512], strides = [1, 1]} : vector<1x4096xf32> to vector<1x512xf32>
      %max3A_397 = vector.broadcast %sub3A_331 : vector<512x1xf32> to vector<512x512xf32>
      %max3A_398 = vector.broadcast %slice3A_396 : vector<1x512xf32> to vector<512x512xf32>
      %max3A_399 = arith.maximumf %max3A_397, %max3A_398 : vector<512x512xf32>
      %slice3A_400 = vector.extract_strided_slice %add3A {offsets = [0, 1024], sizes = [1, 512], strides = [1, 1]} : vector<1x4096xf32> to vector<1x512xf32>
      %min3A_401 = vector.broadcast %add3A_325 : vector<512x1xf32> to vector<512x512xf32>
      %min3A_402 = vector.broadcast %slice3A_400 : vector<1x512xf32> to vector<512x512xf32>
      %min3A_403 = arith.minimumf %min3A_401, %min3A_402 : vector<512x512xf32>
      %slice3A_404 = vector.extract_strided_slice %add3A_35 {offsets = [0, 1024], sizes = [1, 512], strides = [1, 1]} : vector<1x4096xf32> to vector<1x512xf32>
      %min3A_405 = vector.broadcast %add3A_337 : vector<512x1xf32> to vector<512x512xf32>
      %min3A_406 = vector.broadcast %slice3A_404 : vector<1x512xf32> to vector<512x512xf32>
      %min3A_407 = arith.minimumf %min3A_405, %min3A_406 : vector<512x512xf32>
      %sub3A_408 = arith.subf %min3A_403, %max3A_395 : vector<512x512xf32>
      %jit3A_409 = arith.constant 0.000000e+00 : f32
      %max3A_410 = vector.broadcast %jit3A_409 : f32 to vector<512x512xf32>
      %max3A_411 = arith.maximumf %max3A_410, %sub3A_408 : vector<512x512xf32>
      %sub3A_412 = arith.subf %min3A_407, %max3A_399 : vector<512x512xf32>
      %jit3A_413 = arith.constant 0.000000e+00 : f32
      %max3A_414 = vector.broadcast %jit3A_413 : f32 to vector<512x512xf32>
      %max3A_415 = arith.maximumf %max3A_414, %sub3A_412 : vector<512x512xf32>
      %mul3A_416 = arith.mulf %max3A_411, %max3A_415 : vector<512x512xf32>
      %slice3A_417 = vector.extract_strided_slice %mul3A_38 {offsets = [0, 1024], sizes = [1, 512], strides = [1, 1]} : vector<1x4096xf32> to vector<1x512xf32>
      %add3A_418 = vector.broadcast %mul3A_340 : vector<512x1xf32> to vector<512x512xf32>
      %add3A_419 = vector.broadcast %slice3A_417 : vector<1x512xf32> to vector<512x512xf32>
      %add3A_420 = arith.addf %add3A_418, %add3A_419 : vector<512x512xf32>
      %sub3A_421 = arith.subf %add3A_420, %mul3A_416 : vector<512x512xf32>
      %add3A_422 = arith.constant 9.99999997E-7 : f32
      %add3A_423 = vector.broadcast %add3A_422 : f32 to vector<512x512xf32>
      %add3A_424 = arith.addf %sub3A_421, %add3A_423 : vector<512x512xf32>
      %div3A_425 = arith.divf %mul3A_416, %add3A_424 : vector<512x512xf32>
      %gt3A_426 = arith.constant 0.699999988 : f32
      %gt3A_427 = vector.broadcast %gt3A_426 : f32 to vector<512x512xf32>
      %gt3A_428 = arith.cmpf ogt, %div3A_425, %gt3A_427 : vector<512x512xf32>
      %gt3A_429 = arith.constant 0.000000e+00 : f32
      %gt3A_430 = vector.broadcast %gt3A_429 : f32 to vector<512x1xf32>
      %gt3A_431 = arith.cmpf ogt, %transpose3A_391, %gt3A_430 : vector<512x1xf32>
      %and3A_432 = vector.broadcast %gt3A_431 : vector<512x1xi1> to vector<512x512xi1>
      %and3A_433 = arith.andi %gt3A_428, %and3A_432 : vector<512x512xi1>
      %jit3A_434 = arith.constant 1.000000e+00 : f32
      %jit3A_435 = arith.constant 0.000000e+00 : f32
      %broadcast_in_dim3A_436 = vector.broadcast %jit3A_434 : f32 to vector<512x512xf32>
      %broadcast_in_dim3A_437 = vector.broadcast %jit3A_435 : f32 to vector<512x512xf32>
      %select_n3A_438 = arith.select %and3A_433, %broadcast_in_dim3A_436, %broadcast_in_dim3A_437 : vector<512x512xi1>, vector<512x512xf32>
      %reduce_max3A = arith.constant dense<0xFF800000> : vector<512xf32>
      %reduce_max3A_439 = vector.multi_reduction <maximumf>, %select_n3A_438, %reduce_max3A [0] : vector<512x512xf32> to vector<512xf32>
      %broadcast_in_dim3A_440 = vector.shape_cast %reduce_max3A_439 : vector<512xf32> to vector<1x512xf32>
      %get3A_441 = arith.constant 0 : index
      %get3A_442 = arith.constant 1024 : index
      %get3A_443 = vector.load %arg7[%get3A_441, %get3A_442] : memref<1x4096xf32, #tpu.memory_space<vmem>>, vector<1x512xf32>
      %sub3A_444 = arith.constant 1.000000e+00 : f32
      %sub3A_445 = vector.broadcast %sub3A_444 : f32 to vector<1x512xf32>
      %sub3A_446 = arith.subf %sub3A_445, %broadcast_in_dim3A_440 : vector<1x512xf32>
      %mul3A_447 = arith.mulf %get3A_443, %sub3A_446 : vector<1x512xf32>
      %swap3A_448 = arith.constant 0 : index
      %swap3A_449 = arith.constant 1024 : index
      %swap3A_450 = vector.load %arg7[%swap3A_448, %swap3A_449] : memref<1x4096xf32, #tpu.memory_space<vmem>>, vector<1x512xf32>
      tpu.vector_store %arg7[%swap3A_448, %swap3A_449], %mul3A_447 {strides = array<i32>} : memref<1x4096xf32, #tpu.memory_space<vmem>>, vector<1x512xf32>,
      %slice3A_451 = vector.extract_strided_slice %sub3A {offsets = [0, 1536], sizes = [1, 512], strides = [1, 1]} : vector<1x4096xf32> to vector<1x512xf32>
      %max3A_452 = vector.broadcast %sub3A_319 : vector<512x1xf32> to vector<512x512xf32>
      %max3A_453 = vector.broadcast %slice3A_451 : vector<1x512xf32> to vector<512x512xf32>
      %max3A_454 = arith.maximumf %max3A_452, %max3A_453 : vector<512x512xf32>
      %slice3A_455 = vector.extract_strided_slice %sub3A_31 {offsets = [0, 1536], sizes = [1, 512], strides = [1, 1]} : vector<1x4096xf32> to vector<1x512xf32>
      %max3A_456 = vector.broadcast %sub3A_331 : vector<512x1xf32> to vector<512x512xf32>
      %max3A_457 = vector.broadcast %slice3A_455 : vector<1x512xf32> to vector<512x512xf32>
      %max3A_458 = arith.maximumf %max3A_456, %max3A_457 : vector<512x512xf32>
      %slice3A_459 = vector.extract_strided_slice %add3A {offsets = [0, 1536], sizes = [1, 512], strides = [1, 1]} : vector<1x4096xf32> to vector<1x512xf32>
      %min3A_460 = vector.broadcast %add3A_325 : vector<512x1xf32> to vector<512x512xf32>
      %min3A_461 = vector.broadcast %slice3A_459 : vector<1x512xf32> to vector<512x512xf32>
      %min3A_462 = arith.minimumf %min3A_460, %min3A_461 : vector<512x512xf32>
      %slice3A_463 = vector.extract_strided_slice %add3A_35 {offsets = [0, 1536], sizes = [1, 512], strides = [1, 1]} : vector<1x4096xf32> to vector<1x512xf32>
      %min3A_464 = vector.broadcast %add3A_337 : vector<512x1xf32> to vector<512x512xf32>
      %min3A_465 = vector.broadcast %slice3A_463 : vector<1x512xf32> to vector<512x512xf32>
      %min3A_466 = arith.minimumf %min3A_464, %min3A_465 : vector<512x512xf32>
      %sub3A_467 = arith.subf %min3A_462, %max3A_454 : vector<512x512xf32>
      %jit3A_468 = arith.constant 0.000000e+00 : f32
      %max3A_469 = vector.broadcast %jit3A_468 : f32 to vector<512x512xf32>
      %max3A_470 = arith.maximumf %max3A_469, %sub3A_467 : vector<512x512xf32>
      %sub3A_471 = arith.subf %min3A_466, %max3A_458 : vector<512x512xf32>
      %jit3A_472 = arith.constant 0.000000e+00 : f32
      %max3A_473 = vector.broadcast %jit3A_472 : f32 to vector<512x512xf32>
      %max3A_474 = arith.maximumf %max3A_473, %sub3A_471 : vector<512x512xf32>
      %mul3A_475 = arith.mulf %max3A_470, %max3A_474 : vector<512x512xf32>
      %slice3A_476 = vector.extract_strided_slice %mul3A_38 {offsets = [0, 1536], sizes = [1, 512], strides = [1, 1]} : vector<1x4096xf32> to vector<1x512xf32>
      %add3A_477 = vector.broadcast %mul3A_340 : vector<512x1xf32> to vector<512x512xf32>
      %add3A_478 = vector.broadcast %slice3A_476 : vector<1x512xf32> to vector<512x512xf32>
      %add3A_479 = arith.addf %add3A_477, %add3A_478 : vector<512x512xf32>
      %sub3A_480 = arith.subf %add3A_479, %mul3A_475 : vector<512x512xf32>
      %add3A_481 = arith.constant 9.99999997E-7 : f32
      %add3A_482 = vector.broadcast %add3A_481 : f32 to vector<512x512xf32>
      %add3A_483 = arith.addf %sub3A_480, %add3A_482 : vector<512x512xf32>
      %div3A_484 = arith.divf %mul3A_475, %add3A_483 : vector<512x512xf32>
      %gt3A_485 = arith.constant 0.699999988 : f32
      %gt3A_486 = vector.broadcast %gt3A_485 : f32 to vector<512x512xf32>
      %gt3A_487 = arith.cmpf ogt, %div3A_484, %gt3A_486 : vector<512x512xf32>
      %gt3A_488 = arith.constant 0.000000e+00 : f32
      %gt3A_489 = vector.broadcast %gt3A_488 : f32 to vector<512x1xf32>
      %gt3A_490 = arith.cmpf ogt, %transpose3A_391, %gt3A_489 : vector<512x1xf32>
      %and3A_491 = vector.broadcast %gt3A_490 : vector<512x1xi1> to vector<512x512xi1>
      %and3A_492 = arith.andi %gt3A_487, %and3A_491 : vector<512x512xi1>
      %jit3A_493 = arith.constant 1.000000e+00 : f32
      %jit3A_494 = arith.constant 0.000000e+00 : f32
      %broadcast_in_dim3A_495 = vector.broadcast %jit3A_493 : f32 to vector<512x512xf32>
      %broadcast_in_dim3A_496 = vector.broadcast %jit3A_494 : f32 to vector<512x512xf32>
      %select_n3A_497 = arith.select %and3A_492, %broadcast_in_dim3A_495, %broadcast_in_dim3A_496 : vector<512x512xi1>, vector<512x512xf32>
      %reduce_max3A_498 = arith.constant dense<0xFF800000> : vector<512xf32>
      %reduce_max3A_499 = vector.multi_reduction <maximumf>, %select_n3A_497, %reduce_max3A_498 [0] : vector<512x512xf32> to vector<512xf32>
      %broadcast_in_dim3A_500 = vector.shape_cast %reduce_max3A_499 : vector<512xf32> to vector<1x512xf32>
      %get3A_501 = arith.constant 0 : index
      %get3A_502 = arith.constant 1536 : index
      %get3A_503 = vector.load %arg7[%get3A_501, %get3A_502] : memref<1x4096xf32, #tpu.memory_space<vmem>>, vector<1x512xf32>
      %sub3A_504 = arith.constant 1.000000e+00 : f32
      %sub3A_505 = vector.broadcast %sub3A_504 : f32 to vector<1x512xf32>
      %sub3A_506 = arith.subf %sub3A_505, %broadcast_in_dim3A_500 : vector<1x512xf32>
      %mul3A_507 = arith.mulf %get3A_503, %sub3A_506 : vector<1x512xf32>
      %swap3A_508 = arith.constant 0 : index
      %swap3A_509 = arith.constant 1536 : index
      %swap3A_510 = vector.load %arg7[%swap3A_508, %swap3A_509] : memref<1x4096xf32, #tpu.memory_space<vmem>>, vector<1x512xf32>
      tpu.vector_store %arg7[%swap3A_508, %swap3A_509], %mul3A_507 {strides = array<i32>} : memref<1x4096xf32, #tpu.memory_space<vmem>>, vector<1x512xf32>,
      %slice3A_511 = vector.extract_strided_slice %sub3A {offsets = [0, 2048], sizes = [1, 512], strides = [1, 1]} : vector<1x4096xf32> to vector<1x512xf32>
      %max3A_512 = vector.broadcast %sub3A_319 : vector<512x1xf32> to vector<512x512xf32>
      %max3A_513 = vector.broadcast %slice3A_511 : vector<1x512xf32> to vector<512x512xf32>
      %max3A_514 = arith.maximumf %max3A_512, %max3A_513 : vector<512x512xf32>
      %slice3A_515 = vector.extract_strided_slice %sub3A_31 {offsets = [0, 2048], sizes = [1, 512], strides = [1, 1]} : vector<1x4096xf32> to vector<1x512xf32>
      %max3A_516 = vector.broadcast %sub3A_331 : vector<512x1xf32> to vector<512x512xf32>
      %max3A_517 = vector.broadcast %slice3A_515 : vector<1x512xf32> to vector<512x512xf32>
      %max3A_518 = arith.maximumf %max3A_516, %max3A_517 : vector<512x512xf32>
      %slice3A_519 = vector.extract_strided_slice %add3A {offsets = [0, 2048], sizes = [1, 512], strides = [1, 1]} : vector<1x4096xf32> to vector<1x512xf32>
      %min3A_520 = vector.broadcast %add3A_325 : vector<512x1xf32> to vector<512x512xf32>
      %min3A_521 = vector.broadcast %slice3A_519 : vector<1x512xf32> to vector<512x512xf32>
      %min3A_522 = arith.minimumf %min3A_520, %min3A_521 : vector<512x512xf32>
      %slice3A_523 = vector.extract_strided_slice %add3A_35 {offsets = [0, 2048], sizes = [1, 512], strides = [1, 1]} : vector<1x4096xf32> to vector<1x512xf32>
      %min3A_524 = vector.broadcast %add3A_337 : vector<512x1xf32> to vector<512x512xf32>
      %min3A_525 = vector.broadcast %slice3A_523 : vector<1x512xf32> to vector<512x512xf32>
      %min3A_526 = arith.minimumf %min3A_524, %min3A_525 : vector<512x512xf32>
      %sub3A_527 = arith.subf %min3A_522, %max3A_514 : vector<512x512xf32>
      %jit3A_528 = arith.constant 0.000000e+00 : f32
      %max3A_529 = vector.broadcast %jit3A_528 : f32 to vector<512x512xf32>
      %max3A_530 = arith.maximumf %max3A_529, %sub3A_527 : vector<512x512xf32>
      %sub3A_531 = arith.subf %min3A_526, %max3A_518 : vector<512x512xf32>
      %jit3A_532 = arith.constant 0.000000e+00 : f32
      %max3A_533 = vector.broadcast %jit3A_532 : f32 to vector<512x512xf32>
      %max3A_534 = arith.maximumf %max3A_533, %sub3A_531 : vector<512x512xf32>
      %mul3A_535 = arith.mulf %max3A_530, %max3A_534 : vector<512x512xf32>
      %slice3A_536 = vector.extract_strided_slice %mul3A_38 {offsets = [0, 2048], sizes = [1, 512], strides = [1, 1]} : vector<1x4096xf32> to vector<1x512xf32>
      %add3A_537 = vector.broadcast %mul3A_340 : vector<512x1xf32> to vector<512x512xf32>
      %add3A_538 = vector.broadcast %slice3A_536 : vector<1x512xf32> to vector<512x512xf32>
      %add3A_539 = arith.addf %add3A_537, %add3A_538 : vector<512x512xf32>
      %sub3A_540 = arith.subf %add3A_539, %mul3A_535 : vector<512x512xf32>
      %add3A_541 = arith.constant 9.99999997E-7 : f32
      %add3A_542 = vector.broadcast %add3A_541 : f32 to vector<512x512xf32>
      %add3A_543 = arith.addf %sub3A_540, %add3A_542 : vector<512x512xf32>
      %div3A_544 = arith.divf %mul3A_535, %add3A_543 : vector<512x512xf32>
      %gt3A_545 = arith.constant 0.699999988 : f32
      %gt3A_546 = vector.broadcast %gt3A_545 : f32 to vector<512x512xf32>
      %gt3A_547 = arith.cmpf ogt, %div3A_544, %gt3A_546 : vector<512x512xf32>
      %gt3A_548 = arith.constant 0.000000e+00 : f32
      %gt3A_549 = vector.broadcast %gt3A_548 : f32 to vector<512x1xf32>
      %gt3A_550 = arith.cmpf ogt, %transpose3A_391, %gt3A_549 : vector<512x1xf32>
      %and3A_551 = vector.broadcast %gt3A_550 : vector<512x1xi1> to vector<512x512xi1>
      %and3A_552 = arith.andi %gt3A_547, %and3A_551 : vector<512x512xi1>
      %jit3A_553 = arith.constant 1.000000e+00 : f32
      %jit3A_554 = arith.constant 0.000000e+00 : f32
      %broadcast_in_dim3A_555 = vector.broadcast %jit3A_553 : f32 to vector<512x512xf32>
      %broadcast_in_dim3A_556 = vector.broadcast %jit3A_554 : f32 to vector<512x512xf32>
      %select_n3A_557 = arith.select %and3A_552, %broadcast_in_dim3A_555, %broadcast_in_dim3A_556 : vector<512x512xi1>, vector<512x512xf32>
      %reduce_max3A_558 = arith.constant dense<0xFF800000> : vector<512xf32>
      %reduce_max3A_559 = vector.multi_reduction <maximumf>, %select_n3A_557, %reduce_max3A_558 [0] : vector<512x512xf32> to vector<512xf32>
      %broadcast_in_dim3A_560 = vector.shape_cast %reduce_max3A_559 : vector<512xf32> to vector<1x512xf32>
      %get3A_561 = arith.constant 0 : index
      %get3A_562 = arith.constant 2048 : index
      %get3A_563 = vector.load %arg7[%get3A_561, %get3A_562] : memref<1x4096xf32, #tpu.memory_space<vmem>>, vector<1x512xf32>
      %sub3A_564 = arith.constant 1.000000e+00 : f32
      %sub3A_565 = vector.broadcast %sub3A_564 : f32 to vector<1x512xf32>
      %sub3A_566 = arith.subf %sub3A_565, %broadcast_in_dim3A_560 : vector<1x512xf32>
      %mul3A_567 = arith.mulf %get3A_563, %sub3A_566 : vector<1x512xf32>
      %swap3A_568 = arith.constant 0 : index
      %swap3A_569 = arith.constant 2048 : index
      %swap3A_570 = vector.load %arg7[%swap3A_568, %swap3A_569] : memref<1x4096xf32, #tpu.memory_space<vmem>>, vector<1x512xf32>
      tpu.vector_store %arg7[%swap3A_568, %swap3A_569], %mul3A_567 {strides = array<i32>} : memref<1x4096xf32, #tpu.memory_space<vmem>>, vector<1x512xf32>,
      %slice3A_571 = vector.extract_strided_slice %sub3A {offsets = [0, 2560], sizes = [1, 512], strides = [1, 1]} : vector<1x4096xf32> to vector<1x512xf32>
      %max3A_572 = vector.broadcast %sub3A_319 : vector<512x1xf32> to vector<512x512xf32>
      %max3A_573 = vector.broadcast %slice3A_571 : vector<1x512xf32> to vector<512x512xf32>
      %max3A_574 = arith.maximumf %max3A_572, %max3A_573 : vector<512x512xf32>
      %slice3A_575 = vector.extract_strided_slice %sub3A_31 {offsets = [0, 2560], sizes = [1, 512], strides = [1, 1]} : vector<1x4096xf32> to vector<1x512xf32>
      %max3A_576 = vector.broadcast %sub3A_331 : vector<512x1xf32> to vector<512x512xf32>
      %max3A_577 = vector.broadcast %slice3A_575 : vector<1x512xf32> to vector<512x512xf32>
      %max3A_578 = arith.maximumf %max3A_576, %max3A_577 : vector<512x512xf32>
      %slice3A_579 = vector.extract_strided_slice %add3A {offsets = [0, 2560], sizes = [1, 512], strides = [1, 1]} : vector<1x4096xf32> to vector<1x512xf32>
      %min3A_580 = vector.broadcast %add3A_325 : vector<512x1xf32> to vector<512x512xf32>
      %min3A_581 = vector.broadcast %slice3A_579 : vector<1x512xf32> to vector<512x512xf32>
      %min3A_582 = arith.minimumf %min3A_580, %min3A_581 : vector<512x512xf32>
      %slice3A_583 = vector.extract_strided_slice %add3A_35 {offsets = [0, 2560], sizes = [1, 512], strides = [1, 1]} : vector<1x4096xf32> to vector<1x512xf32>
      %min3A_584 = vector.broadcast %add3A_337 : vector<512x1xf32> to vector<512x512xf32>
      %min3A_585 = vector.broadcast %slice3A_583 : vector<1x512xf32> to vector<512x512xf32>
      %min3A_586 = arith.minimumf %min3A_584, %min3A_585 : vector<512x512xf32>
      %sub3A_587 = arith.subf %min3A_582, %max3A_574 : vector<512x512xf32>
      %jit3A_588 = arith.constant 0.000000e+00 : f32
      %max3A_589 = vector.broadcast %jit3A_588 : f32 to vector<512x512xf32>
      %max3A_590 = arith.maximumf %max3A_589, %sub3A_587 : vector<512x512xf32>
      %sub3A_591 = arith.subf %min3A_586, %max3A_578 : vector<512x512xf32>
      %jit3A_592 = arith.constant 0.000000e+00 : f32
      %max3A_593 = vector.broadcast %jit3A_592 : f32 to vector<512x512xf32>
      %max3A_594 = arith.maximumf %max3A_593, %sub3A_591 : vector<512x512xf32>
      %mul3A_595 = arith.mulf %max3A_590, %max3A_594 : vector<512x512xf32>
      %slice3A_596 = vector.extract_strided_slice %mul3A_38 {offsets = [0, 2560], sizes = [1, 512], strides = [1, 1]} : vector<1x4096xf32> to vector<1x512xf32>
      %add3A_597 = vector.broadcast %mul3A_340 : vector<512x1xf32> to vector<512x512xf32>
      %add3A_598 = vector.broadcast %slice3A_596 : vector<1x512xf32> to vector<512x512xf32>
      %add3A_599 = arith.addf %add3A_597, %add3A_598 : vector<512x512xf32>
      %sub3A_600 = arith.subf %add3A_599, %mul3A_595 : vector<512x512xf32>
      %add3A_601 = arith.constant 9.99999997E-7 : f32
      %add3A_602 = vector.broadcast %add3A_601 : f32 to vector<512x512xf32>
      %add3A_603 = arith.addf %sub3A_600, %add3A_602 : vector<512x512xf32>
      %div3A_604 = arith.divf %mul3A_595, %add3A_603 : vector<512x512xf32>
      %gt3A_605 = arith.constant 0.699999988 : f32
      %gt3A_606 = vector.broadcast %gt3A_605 : f32 to vector<512x512xf32>
      %gt3A_607 = arith.cmpf ogt, %div3A_604, %gt3A_606 : vector<512x512xf32>
      %gt3A_608 = arith.constant 0.000000e+00 : f32
      %gt3A_609 = vector.broadcast %gt3A_608 : f32 to vector<512x1xf32>
      %gt3A_610 = arith.cmpf ogt, %transpose3A_391, %gt3A_609 : vector<512x1xf32>
      %and3A_611 = vector.broadcast %gt3A_610 : vector<512x1xi1> to vector<512x512xi1>
      %and3A_612 = arith.andi %gt3A_607, %and3A_611 : vector<512x512xi1>
      %jit3A_613 = arith.constant 1.000000e+00 : f32
      %jit3A_614 = arith.constant 0.000000e+00 : f32
      %broadcast_in_dim3A_615 = vector.broadcast %jit3A_613 : f32 to vector<512x512xf32>
      %broadcast_in_dim3A_616 = vector.broadcast %jit3A_614 : f32 to vector<512x512xf32>
      %select_n3A_617 = arith.select %and3A_612, %broadcast_in_dim3A_615, %broadcast_in_dim3A_616 : vector<512x512xi1>, vector<512x512xf32>
      %reduce_max3A_618 = arith.constant dense<0xFF800000> : vector<512xf32>
      %reduce_max3A_619 = vector.multi_reduction <maximumf>, %select_n3A_617, %reduce_max3A_618 [0] : vector<512x512xf32> to vector<512xf32>
      %broadcast_in_dim3A_620 = vector.shape_cast %reduce_max3A_619 : vector<512xf32> to vector<1x512xf32>
      %get3A_621 = arith.constant 0 : index
      %get3A_622 = arith.constant 2560 : index
      %get3A_623 = vector.load %arg7[%get3A_621, %get3A_622] : memref<1x4096xf32, #tpu.memory_space<vmem>>, vector<1x512xf32>
      %sub3A_624 = arith.constant 1.000000e+00 : f32
      %sub3A_625 = vector.broadcast %sub3A_624 : f32 to vector<1x512xf32>
      %sub3A_626 = arith.subf %sub3A_625, %broadcast_in_dim3A_620 : vector<1x512xf32>
      %mul3A_627 = arith.mulf %get3A_623, %sub3A_626 : vector<1x512xf32>
      %swap3A_628 = arith.constant 0 : index
      %swap3A_629 = arith.constant 2560 : index
      %swap3A_630 = vector.load %arg7[%swap3A_628, %swap3A_629] : memref<1x4096xf32, #tpu.memory_space<vmem>>, vector<1x512xf32>
      tpu.vector_store %arg7[%swap3A_628, %swap3A_629], %mul3A_627 {strides = array<i32>} : memref<1x4096xf32, #tpu.memory_space<vmem>>, vector<1x512xf32>,
      %slice3A_631 = vector.extract_strided_slice %sub3A {offsets = [0, 3072], sizes = [1, 512], strides = [1, 1]} : vector<1x4096xf32> to vector<1x512xf32>
      %max3A_632 = vector.broadcast %sub3A_319 : vector<512x1xf32> to vector<512x512xf32>
      %max3A_633 = vector.broadcast %slice3A_631 : vector<1x512xf32> to vector<512x512xf32>
      %max3A_634 = arith.maximumf %max3A_632, %max3A_633 : vector<512x512xf32>
      %slice3A_635 = vector.extract_strided_slice %sub3A_31 {offsets = [0, 3072], sizes = [1, 512], strides = [1, 1]} : vector<1x4096xf32> to vector<1x512xf32>
      %max3A_636 = vector.broadcast %sub3A_331 : vector<512x1xf32> to vector<512x512xf32>
      %max3A_637 = vector.broadcast %slice3A_635 : vector<1x512xf32> to vector<512x512xf32>
      %max3A_638 = arith.maximumf %max3A_636, %max3A_637 : vector<512x512xf32>
      %slice3A_639 = vector.extract_strided_slice %add3A {offsets = [0, 3072], sizes = [1, 512], strides = [1, 1]} : vector<1x4096xf32> to vector<1x512xf32>
      %min3A_640 = vector.broadcast %add3A_325 : vector<512x1xf32> to vector<512x512xf32>
      %min3A_641 = vector.broadcast %slice3A_639 : vector<1x512xf32> to vector<512x512xf32>
      %min3A_642 = arith.minimumf %min3A_640, %min3A_641 : vector<512x512xf32>
      %slice3A_643 = vector.extract_strided_slice %add3A_35 {offsets = [0, 3072], sizes = [1, 512], strides = [1, 1]} : vector<1x4096xf32> to vector<1x512xf32>
      %min3A_644 = vector.broadcast %add3A_337 : vector<512x1xf32> to vector<512x512xf32>
      %min3A_645 = vector.broadcast %slice3A_643 : vector<1x512xf32> to vector<512x512xf32>
      %min3A_646 = arith.minimumf %min3A_644, %min3A_645 : vector<512x512xf32>
      %sub3A_647 = arith.subf %min3A_642, %max3A_634 : vector<512x512xf32>
      %jit3A_648 = arith.constant 0.000000e+00 : f32
      %max3A_649 = vector.broadcast %jit3A_648 : f32 to vector<512x512xf32>
      %max3A_650 = arith.maximumf %max3A_649, %sub3A_647 : vector<512x512xf32>
      %sub3A_651 = arith.subf %min3A_646, %max3A_638 : vector<512x512xf32>
      %jit3A_652 = arith.constant 0.000000e+00 : f32
      %max3A_653 = vector.broadcast %jit3A_652 : f32 to vector<512x512xf32>
      %max3A_654 = arith.maximumf %max3A_653, %sub3A_651 : vector<512x512xf32>
      %mul3A_655 = arith.mulf %max3A_650, %max3A_654 : vector<512x512xf32>
      %slice3A_656 = vector.extract_strided_slice %mul3A_38 {offsets = [0, 3072], sizes = [1, 512], strides = [1, 1]} : vector<1x4096xf32> to vector<1x512xf32>
      %add3A_657 = vector.broadcast %mul3A_340 : vector<512x1xf32> to vector<512x512xf32>
      %add3A_658 = vector.broadcast %slice3A_656 : vector<1x512xf32> to vector<512x512xf32>
      %add3A_659 = arith.addf %add3A_657, %add3A_658 : vector<512x512xf32>
      %sub3A_660 = arith.subf %add3A_659, %mul3A_655 : vector<512x512xf32>
      %add3A_661 = arith.constant 9.99999997E-7 : f32
      %add3A_662 = vector.broadcast %add3A_661 : f32 to vector<512x512xf32>
      %add3A_663 = arith.addf %sub3A_660, %add3A_662 : vector<512x512xf32>
      %div3A_664 = arith.divf %mul3A_655, %add3A_663 : vector<512x512xf32>
      %gt3A_665 = arith.constant 0.699999988 : f32
      %gt3A_666 = vector.broadcast %gt3A_665 : f32 to vector<512x512xf32>
      %gt3A_667 = arith.cmpf ogt, %div3A_664, %gt3A_666 : vector<512x512xf32>
      %gt3A_668 = arith.constant 0.000000e+00 : f32
      %gt3A_669 = vector.broadcast %gt3A_668 : f32 to vector<512x1xf32>
      %gt3A_670 = arith.cmpf ogt, %transpose3A_391, %gt3A_669 : vector<512x1xf32>
      %and3A_671 = vector.broadcast %gt3A_670 : vector<512x1xi1> to vector<512x512xi1>
      %and3A_672 = arith.andi %gt3A_667, %and3A_671 : vector<512x512xi1>
      %jit3A_673 = arith.constant 1.000000e+00 : f32
      %jit3A_674 = arith.constant 0.000000e+00 : f32
      %broadcast_in_dim3A_675 = vector.broadcast %jit3A_673 : f32 to vector<512x512xf32>
      %broadcast_in_dim3A_676 = vector.broadcast %jit3A_674 : f32 to vector<512x512xf32>
      %select_n3A_677 = arith.select %and3A_672, %broadcast_in_dim3A_675, %broadcast_in_dim3A_676 : vector<512x512xi1>, vector<512x512xf32>
      %reduce_max3A_678 = arith.constant dense<0xFF800000> : vector<512xf32>
      %reduce_max3A_679 = vector.multi_reduction <maximumf>, %select_n3A_677, %reduce_max3A_678 [0] : vector<512x512xf32> to vector<512xf32>
      %broadcast_in_dim3A_680 = vector.shape_cast %reduce_max3A_679 : vector<512xf32> to vector<1x512xf32>
      %get3A_681 = arith.constant 0 : index
      %get3A_682 = arith.constant 3072 : index
      %get3A_683 = vector.load %arg7[%get3A_681, %get3A_682] : memref<1x4096xf32, #tpu.memory_space<vmem>>, vector<1x512xf32>
      %sub3A_684 = arith.constant 1.000000e+00 : f32
      %sub3A_685 = vector.broadcast %sub3A_684 : f32 to vector<1x512xf32>
      %sub3A_686 = arith.subf %sub3A_685, %broadcast_in_dim3A_680 : vector<1x512xf32>
      %mul3A_687 = arith.mulf %get3A_683, %sub3A_686 : vector<1x512xf32>
      %swap3A_688 = arith.constant 0 : index
      %swap3A_689 = arith.constant 3072 : index
      %swap3A_690 = vector.load %arg7[%swap3A_688, %swap3A_689] : memref<1x4096xf32, #tpu.memory_space<vmem>>, vector<1x512xf32>
      tpu.vector_store %arg7[%swap3A_688, %swap3A_689], %mul3A_687 {strides = array<i32>} : memref<1x4096xf32, #tpu.memory_space<vmem>>, vector<1x512xf32>,
      %slice3A_691 = vector.extract_strided_slice %sub3A {offsets = [0, 3584], sizes = [1, 512], strides = [1, 1]} : vector<1x4096xf32> to vector<1x512xf32>
      %max3A_692 = vector.broadcast %sub3A_319 : vector<512x1xf32> to vector<512x512xf32>
      %max3A_693 = vector.broadcast %slice3A_691 : vector<1x512xf32> to vector<512x512xf32>
      %max3A_694 = arith.maximumf %max3A_692, %max3A_693 : vector<512x512xf32>
      %slice3A_695 = vector.extract_strided_slice %sub3A_31 {offsets = [0, 3584], sizes = [1, 512], strides = [1, 1]} : vector<1x4096xf32> to vector<1x512xf32>
      %max3A_696 = vector.broadcast %sub3A_331 : vector<512x1xf32> to vector<512x512xf32>
      %max3A_697 = vector.broadcast %slice3A_695 : vector<1x512xf32> to vector<512x512xf32>
      %max3A_698 = arith.maximumf %max3A_696, %max3A_697 : vector<512x512xf32>
      %slice3A_699 = vector.extract_strided_slice %add3A {offsets = [0, 3584], sizes = [1, 512], strides = [1, 1]} : vector<1x4096xf32> to vector<1x512xf32>
      %min3A_700 = vector.broadcast %add3A_325 : vector<512x1xf32> to vector<512x512xf32>
      %min3A_701 = vector.broadcast %slice3A_699 : vector<1x512xf32> to vector<512x512xf32>
      %min3A_702 = arith.minimumf %min3A_700, %min3A_701 : vector<512x512xf32>
      %slice3A_703 = vector.extract_strided_slice %add3A_35 {offsets = [0, 3584], sizes = [1, 512], strides = [1, 1]} : vector<1x4096xf32> to vector<1x512xf32>
      %min3A_704 = vector.broadcast %add3A_337 : vector<512x1xf32> to vector<512x512xf32>
      %min3A_705 = vector.broadcast %slice3A_703 : vector<1x512xf32> to vector<512x512xf32>
      %min3A_706 = arith.minimumf %min3A_704, %min3A_705 : vector<512x512xf32>
      %sub3A_707 = arith.subf %min3A_702, %max3A_694 : vector<512x512xf32>
      %jit3A_708 = arith.constant 0.000000e+00 : f32
      %max3A_709 = vector.broadcast %jit3A_708 : f32 to vector<512x512xf32>
      %max3A_710 = arith.maximumf %max3A_709, %sub3A_707 : vector<512x512xf32>
      %sub3A_711 = arith.subf %min3A_706, %max3A_698 : vector<512x512xf32>
      %jit3A_712 = arith.constant 0.000000e+00 : f32
      %max3A_713 = vector.broadcast %jit3A_712 : f32 to vector<512x512xf32>
      %max3A_714 = arith.maximumf %max3A_713, %sub3A_711 : vector<512x512xf32>
      %mul3A_715 = arith.mulf %max3A_710, %max3A_714 : vector<512x512xf32>
      %slice3A_716 = vector.extract_strided_slice %mul3A_38 {offsets = [0, 3584], sizes = [1, 512], strides = [1, 1]} : vector<1x4096xf32> to vector<1x512xf32>
      %add3A_717 = vector.broadcast %mul3A_340 : vector<512x1xf32> to vector<512x512xf32>
      %add3A_718 = vector.broadcast %slice3A_716 : vector<1x512xf32> to vector<512x512xf32>
      %add3A_719 = arith.addf %add3A_717, %add3A_718 : vector<512x512xf32>
      %sub3A_720 = arith.subf %add3A_719, %mul3A_715 : vector<512x512xf32>
      %add3A_721 = arith.constant 9.99999997E-7 : f32
      %add3A_722 = vector.broadcast %add3A_721 : f32 to vector<512x512xf32>
      %add3A_723 = arith.addf %sub3A_720, %add3A_722 : vector<512x512xf32>
      %div3A_724 = arith.divf %mul3A_715, %add3A_723 : vector<512x512xf32>
      %gt3A_725 = arith.constant 0.699999988 : f32
      %gt3A_726 = vector.broadcast %gt3A_725 : f32 to vector<512x512xf32>
      %gt3A_727 = arith.cmpf ogt, %div3A_724, %gt3A_726 : vector<512x512xf32>
      %gt3A_728 = arith.constant 0.000000e+00 : f32
      %gt3A_729 = vector.broadcast %gt3A_728 : f32 to vector<512x1xf32>
      %gt3A_730 = arith.cmpf ogt, %transpose3A_391, %gt3A_729 : vector<512x1xf32>
      %and3A_731 = vector.broadcast %gt3A_730 : vector<512x1xi1> to vector<512x512xi1>
      %and3A_732 = arith.andi %gt3A_727, %and3A_731 : vector<512x512xi1>
      %jit3A_733 = arith.constant 1.000000e+00 : f32
      %jit3A_734 = arith.constant 0.000000e+00 : f32
      %broadcast_in_dim3A_735 = vector.broadcast %jit3A_733 : f32 to vector<512x512xf32>
      %broadcast_in_dim3A_736 = vector.broadcast %jit3A_734 : f32 to vector<512x512xf32>
      %select_n3A_737 = arith.select %and3A_732, %broadcast_in_dim3A_735, %broadcast_in_dim3A_736 : vector<512x512xi1>, vector<512x512xf32>
      %reduce_max3A_738 = arith.constant dense<0xFF800000> : vector<512xf32>
      %reduce_max3A_739 = vector.multi_reduction <maximumf>, %select_n3A_737, %reduce_max3A_738 [0] : vector<512x512xf32> to vector<512xf32>
      %broadcast_in_dim3A_740 = vector.shape_cast %reduce_max3A_739 : vector<512xf32> to vector<1x512xf32>
      %get3A_741 = arith.constant 0 : index
      %get3A_742 = arith.constant 3584 : index
      %get3A_743 = vector.load %arg7[%get3A_741, %get3A_742] : memref<1x4096xf32, #tpu.memory_space<vmem>>, vector<1x512xf32>
      %sub3A_744 = arith.constant 1.000000e+00 : f32
      %sub3A_745 = vector.broadcast %sub3A_744 : f32 to vector<1x512xf32>
      %sub3A_746 = arith.subf %sub3A_745, %broadcast_in_dim3A_740 : vector<1x512xf32>
      %mul3A_747 = arith.mulf %get3A_743, %sub3A_746 : vector<1x512xf32>
      %swap3A_748 = arith.constant 0 : index
      %swap3A_749 = arith.constant 3584 : index
      %swap3A_750 = vector.load %arg7[%swap3A_748, %swap3A_749] : memref<1x4096xf32, #tpu.memory_space<vmem>>, vector<1x512xf32>
      tpu.vector_store %arg7[%swap3A_748, %swap3A_749], %mul3A_747 {strides = array<i32>} : memref<1x4096xf32, #tpu.memory_space<vmem>>, vector<1x512xf32>,
    } else {
    }
    %get3A_70 = arith.constant 0 : index
    %get3A_71 = arith.constant 0 : index
    %get3A_72 = vector.load %arg8[%get3A_70, %get3A_71] : memref<1x4096xf32, #tpu.memory_space<vmem>>, vector<1x4096xf32>
    %reduce_sum3A_73 = vector.shape_cast %get3A_72 : vector<1x4096xf32> to vector<1x1x4096xf32>
    %reduce_sum3A_74 = arith.constant dense<0.000000e+00> : vector<1xf32>
    %reduce_sum3A_75 = vector.multi_reduction <add>, %reduce_sum3A_73, %reduce_sum3A_74 [1, 2] : vector<1x1x4096xf32> to vector<1xf32>
    %reduce_sum3A_76 = vector.shape_cast %reduce_sum3A_75 : vector<1xf32> to vector<1x1x1xf32>
    %reduce_sum3A_77 = vector.extract %reduce_sum3A_76[0, 0, 0] : f32 from vector<1x1x1xf32>
    %lt3A_78 = arith.constant 5.120000e+02 : f32
    %lt3A_79 = arith.cmpf olt, %reduce_sum3A_77, %lt3A_78 : f32
    %convert_element_type3A_80 = arith.extui %lt3A_79 : i1 to i32
    %cond3A_81 = arith.constant 0 : i32
    %cond3A_82 = arith.cmpi ne, %convert_element_type3A_80, %cond3A_81 : i32
    scf.if %cond3A_82 {
      %slice3A_313 = vector.extract_strided_slice %get3A_3 {offsets = [0, 1024], sizes = [8, 512], strides = [1, 1]} : vector<8x4096xf32> to vector<8x512xf32>
      %transpose3A = tpu.transpose %slice3A_313, [1, 0] : vector<8x512xf32> -> vector<512x8xf32>
      %slice3A_314 = vector.extract_strided_slice %transpose3A {offsets = [0, 0], sizes = [512, 1], strides = [1, 1]} : vector<512x8xf32> to vector<512x1xf32>
      %slice3A_315 = vector.extract_strided_slice %transpose3A {offsets = [0, 3], sizes = [512, 1], strides = [1, 1]} : vector<512x8xf32> to vector<512x1xf32>
      %mul3A_316 = arith.constant 5.000000e-01 : f32
      %mul3A_317 = vector.broadcast %mul3A_316 : f32 to vector<512x1xf32>
      %mul3A_318 = arith.mulf %slice3A_315, %mul3A_317 : vector<512x1xf32>
      %sub3A_319 = arith.subf %slice3A_314, %mul3A_318 : vector<512x1xf32>
      %slice3A_320 = vector.extract_strided_slice %transpose3A {offsets = [0, 0], sizes = [512, 1], strides = [1, 1]} : vector<512x8xf32> to vector<512x1xf32>
      %slice3A_321 = vector.extract_strided_slice %transpose3A {offsets = [0, 3], sizes = [512, 1], strides = [1, 1]} : vector<512x8xf32> to vector<512x1xf32>
      %mul3A_322 = arith.constant 5.000000e-01 : f32
      %mul3A_323 = vector.broadcast %mul3A_322 : f32 to vector<512x1xf32>
      %mul3A_324 = arith.mulf %slice3A_321, %mul3A_323 : vector<512x1xf32>
      %add3A_325 = arith.addf %slice3A_320, %mul3A_324 : vector<512x1xf32>
      %slice3A_326 = vector.extract_strided_slice %transpose3A {offsets = [0, 1], sizes = [512, 1], strides = [1, 1]} : vector<512x8xf32> to vector<512x1xf32>
      %slice3A_327 = vector.extract_strided_slice %transpose3A {offsets = [0, 4], sizes = [512, 1], strides = [1, 1]} : vector<512x8xf32> to vector<512x1xf32>
      %mul3A_328 = arith.constant 5.000000e-01 : f32
      %mul3A_329 = vector.broadcast %mul3A_328 : f32 to vector<512x1xf32>
      %mul3A_330 = arith.mulf %slice3A_327, %mul3A_329 : vector<512x1xf32>
      %sub3A_331 = arith.subf %slice3A_326, %mul3A_330 : vector<512x1xf32>
      %slice3A_332 = vector.extract_strided_slice %transpose3A {offsets = [0, 1], sizes = [512, 1], strides = [1, 1]} : vector<512x8xf32> to vector<512x1xf32>
      %slice3A_333 = vector.extract_strided_slice %transpose3A {offsets = [0, 4], sizes = [512, 1], strides = [1, 1]} : vector<512x8xf32> to vector<512x1xf32>
      %mul3A_334 = arith.constant 5.000000e-01 : f32
      %mul3A_335 = vector.broadcast %mul3A_334 : f32 to vector<512x1xf32>
      %mul3A_336 = arith.mulf %slice3A_333, %mul3A_335 : vector<512x1xf32>
      %add3A_337 = arith.addf %slice3A_332, %mul3A_336 : vector<512x1xf32>
      %sub3A_338 = arith.subf %add3A_325, %sub3A_319 : vector<512x1xf32>
      %sub3A_339 = arith.subf %add3A_337, %sub3A_331 : vector<512x1xf32>
      %mul3A_340 = arith.mulf %sub3A_338, %sub3A_339 : vector<512x1xf32>
      %slice3A_341 = vector.extract_strided_slice %sub3A {offsets = [0, 1024], sizes = [1, 512], strides = [1, 1]} : vector<1x4096xf32> to vector<1x512xf32>
      %slice3A_342 = vector.extract_strided_slice %add3A {offsets = [0, 1024], sizes = [1, 512], strides = [1, 1]} : vector<1x4096xf32> to vector<1x512xf32>
      %slice3A_343 = vector.extract_strided_slice %sub3A_31 {offsets = [0, 1024], sizes = [1, 512], strides = [1, 1]} : vector<1x4096xf32> to vector<1x512xf32>
      %slice3A_344 = vector.extract_strided_slice %add3A_35 {offsets = [0, 1024], sizes = [1, 512], strides = [1, 1]} : vector<1x4096xf32> to vector<1x512xf32>
      %slice3A_345 = vector.extract_strided_slice %mul3A_38 {offsets = [0, 1024], sizes = [1, 512], strides = [1, 1]} : vector<1x4096xf32> to vector<1x512xf32>
      %get3A_346 = arith.constant 0 : index
      %get3A_347 = arith.constant 1024 : index
      %get3A_348 = vector.load %arg7[%get3A_346, %get3A_347] : memref<1x4096xf32, #tpu.memory_space<vmem>>, vector<1x512xf32>
      %max3A = vector.broadcast %sub3A_319 : vector<512x1xf32> to vector<512x512xf32>
      %max3A_349 = vector.broadcast %slice3A_341 : vector<1x512xf32> to vector<512x512xf32>
      %max3A_350 = arith.maximumf %max3A, %max3A_349 : vector<512x512xf32>
      %max3A_351 = vector.broadcast %sub3A_331 : vector<512x1xf32> to vector<512x512xf32>
      %max3A_352 = vector.broadcast %slice3A_343 : vector<1x512xf32> to vector<512x512xf32>
      %max3A_353 = arith.maximumf %max3A_351, %max3A_352 : vector<512x512xf32>
      %min3A = vector.broadcast %add3A_325 : vector<512x1xf32> to vector<512x512xf32>
      %min3A_354 = vector.broadcast %slice3A_342 : vector<1x512xf32> to vector<512x512xf32>
      %min3A_355 = arith.minimumf %min3A, %min3A_354 : vector<512x512xf32>
      %min3A_356 = vector.broadcast %add3A_337 : vector<512x1xf32> to vector<512x512xf32>
      %min3A_357 = vector.broadcast %slice3A_344 : vector<1x512xf32> to vector<512x512xf32>
      %min3A_358 = arith.minimumf %min3A_356, %min3A_357 : vector<512x512xf32>
      %sub3A_359 = arith.subf %min3A_355, %max3A_350 : vector<512x512xf32>
      %jit3A_360 = arith.constant 0.000000e+00 : f32
      %max3A_361 = vector.broadcast %jit3A_360 : f32 to vector<512x512xf32>
      %max3A_362 = arith.maximumf %max3A_361, %sub3A_359 : vector<512x512xf32>
      %sub3A_363 = arith.subf %min3A_358, %max3A_353 : vector<512x512xf32>
      %jit3A_364 = arith.constant 0.000000e+00 : f32
      %max3A_365 = vector.broadcast %jit3A_364 : f32 to vector<512x512xf32>
      %max3A_366 = arith.maximumf %max3A_365, %sub3A_363 : vector<512x512xf32>
      %mul3A_367 = arith.mulf %max3A_362, %max3A_366 : vector<512x512xf32>
      %add3A_368 = vector.broadcast %mul3A_340 : vector<512x1xf32> to vector<512x512xf32>
      %add3A_369 = vector.broadcast %slice3A_345 : vector<1x512xf32> to vector<512x512xf32>
      %add3A_370 = arith.addf %add3A_368, %add3A_369 : vector<512x512xf32>
      %sub3A_371 = arith.subf %add3A_370, %mul3A_367 : vector<512x512xf32>
      %add3A_372 = arith.constant 9.99999997E-7 : f32
      %add3A_373 = vector.broadcast %add3A_372 : f32 to vector<512x512xf32>
      %add3A_374 = arith.addf %sub3A_371, %add3A_373 : vector<512x512xf32>
      %div3A = arith.divf %mul3A_367, %add3A_374 : vector<512x512xf32>
      %iota3A_375 = tpu.iota {dimensions = array<i32: 0>} : vector<512x512xi32>
      %iota3A_376 = tpu.iota {dimensions = array<i32: 1>} : vector<512x512xi32>
      %gt3A_377 = arith.constant 0.699999988 : f32
      %gt3A_378 = vector.broadcast %gt3A_377 : f32 to vector<512x512xf32>
      %gt3A_379 = arith.cmpf ogt, %div3A, %gt3A_378 : vector<512x512xf32>
      %lt3A_380 = arith.cmpi slt, %iota3A_375, %iota3A_376 : vector<512x512xi32>
      %and3A_381 = arith.andi %gt3A_379, %lt3A_380 : vector<512x512xi1>
      %jit3A_382 = arith.constant 1.000000e+00 : f32
      %jit3A_383 = arith.constant 0.000000e+00 : f32
      %broadcast_in_dim3A_384 = vector.broadcast %jit3A_382 : f32 to vector<512x512xf32>
      %broadcast_in_dim3A_385 = vector.broadcast %jit3A_383 : f32 to vector<512x512xf32>
      %select_n3A_386 = arith.select %and3A_381, %broadcast_in_dim3A_384, %broadcast_in_dim3A_385 : vector<512x512xi1>, vector<512x512xf32>
      %while3A = arith.constant false
      %while3A_387:2 = scf.while (%while3A_691 = %get3A_348, %while3A_692 = %while3A) : (vector<1x512xf32>, i1) -> (vector<1x512xf32>, i1) {
        %not3A = arith.constant true
        %not3A_693 = arith.xori %while3A_692, %not3A : i1
        scf.condition(%not3A_693) %while3A_691, %while3A_692 : vector<1x512xf32>, i1
      } do {
      ^bb0(%while3A_691: vector<1x512xf32>, %while3A_692: i1):
        %dot_general3A_693 = arith.constant dense<0.000000e+00> : vector<1x512xf32>
        %dot_general3A_694 = tpu.matmul %while3A_691, %select_n3A_386, %dot_general3A_693 {dimension_numbers = #tpu.dot_dimension_numbers<[1], [0], [0], [1], [0, 0, 1, 1], [], []>, transpose_lhs_hint = false} : vector<1x512xf32>, vector<512x512xf32>, vector<1x512xf32> -> vector<1x512xf32>
        %gt3A_695 = arith.constant 0.000000e+00 : f32
        %gt3A_696 = vector.broadcast %gt3A_695 : f32 to vector<1x512xf32>
        %gt3A_697 = arith.cmpf ogt, %dot_general3A_694, %gt3A_696 : vector<1x512xf32>
        %jit3A_698 = arith.constant 0.000000e+00 : f32
        %jit3A_699 = arith.constant 1.000000e+00 : f32
        %broadcast_in_dim3A_700 = vector.broadcast %jit3A_698 : f32 to vector<1x512xf32>
        %broadcast_in_dim3A_701 = vector.broadcast %jit3A_699 : f32 to vector<1x512xf32>
        %select_n3A_702 = arith.select %gt3A_697, %broadcast_in_dim3A_700, %broadcast_in_dim3A_701 : vector<1x512xi1>, vector<1x512xf32>
        %mul3A_703 = arith.mulf %get3A_348, %select_n3A_702 : vector<1x512xf32>
        %eq3A_704 = arith.cmpf oeq, %mul3A_703, %while3A_691 : vector<1x512xf32>
        %reduce_and3A = arith.constant 1.000000e+00 : f32
        %reduce_and3A_705 = arith.constant 0.000000e+00 : f32
        %reduce_and3A_706 = vector.broadcast %reduce_and3A : f32 to vector<1x512xf32>
        %reduce_and3A_707 = vector.broadcast %reduce_and3A_705 : f32 to vector<1x512xf32>
        %reduce_and3A_708 = arith.select %eq3A_704, %reduce_and3A_706, %reduce_and3A_707 : vector<1x512xi1>, vector<1x512xf32>
        %reduce_and3A_709 = vector.shape_cast %reduce_and3A_708 : vector<1x512xf32> to vector<1x1x512xf32>
        %reduce_and3A_710 = arith.constant dense<0x7F800000> : vector<1xf32>
        %reduce_and3A_711 = vector.multi_reduction <minimumf>, %reduce_and3A_709, %reduce_and3A_710 [1, 2] : vector<1x1x512xf32> to vector<1xf32>
        %reduce_and3A_712 = vector.shape_cast %reduce_and3A_711 : vector<1xf32> to vector<1x1x1xf32>
        %reduce_and3A_713 = vector.extract %reduce_and3A_712[0, 0, 0] : f32 from vector<1x1x1xf32>
        %reduce_and3A_714 = arith.constant 0.000000e+00 : f32
        %reduce_and3A_715 = arith.cmpf ogt, %reduce_and3A_713, %reduce_and3A_714 : f32
        scf.yield %mul3A_703, %reduce_and3A_715 : vector<1x512xf32>, i1
      }
      %swap3A_388 = arith.constant 0 : index
      %swap3A_389 = arith.constant 1024 : index
      %swap3A_390 = vector.load %arg8[%swap3A_388, %swap3A_389] : memref<1x4096xf32, #tpu.memory_space<vmem>>, vector<1x512xf32>
      tpu.vector_store %arg8[%swap3A_388, %swap3A_389], %while3A_387#0 {strides = array<i32>} : memref<1x4096xf32, #tpu.memory_space<vmem>>, vector<1x512xf32>,
      %transpose3A_391 = tpu.transpose %while3A_387#0, [1, 0] : vector<1x512xf32> -> vector<512x1xf32>
      %slice3A_392 = vector.extract_strided_slice %sub3A {offsets = [0, 1536], sizes = [1, 512], strides = [1, 1]} : vector<1x4096xf32> to vector<1x512xf32>
      %max3A_393 = vector.broadcast %sub3A_319 : vector<512x1xf32> to vector<512x512xf32>
      %max3A_394 = vector.broadcast %slice3A_392 : vector<1x512xf32> to vector<512x512xf32>
      %max3A_395 = arith.maximumf %max3A_393, %max3A_394 : vector<512x512xf32>
      %slice3A_396 = vector.extract_strided_slice %sub3A_31 {offsets = [0, 1536], sizes = [1, 512], strides = [1, 1]} : vector<1x4096xf32> to vector<1x512xf32>
      %max3A_397 = vector.broadcast %sub3A_331 : vector<512x1xf32> to vector<512x512xf32>
      %max3A_398 = vector.broadcast %slice3A_396 : vector<1x512xf32> to vector<512x512xf32>
      %max3A_399 = arith.maximumf %max3A_397, %max3A_398 : vector<512x512xf32>
      %slice3A_400 = vector.extract_strided_slice %add3A {offsets = [0, 1536], sizes = [1, 512], strides = [1, 1]} : vector<1x4096xf32> to vector<1x512xf32>
      %min3A_401 = vector.broadcast %add3A_325 : vector<512x1xf32> to vector<512x512xf32>
      %min3A_402 = vector.broadcast %slice3A_400 : vector<1x512xf32> to vector<512x512xf32>
      %min3A_403 = arith.minimumf %min3A_401, %min3A_402 : vector<512x512xf32>
      %slice3A_404 = vector.extract_strided_slice %add3A_35 {offsets = [0, 1536], sizes = [1, 512], strides = [1, 1]} : vector<1x4096xf32> to vector<1x512xf32>
      %min3A_405 = vector.broadcast %add3A_337 : vector<512x1xf32> to vector<512x512xf32>
      %min3A_406 = vector.broadcast %slice3A_404 : vector<1x512xf32> to vector<512x512xf32>
      %min3A_407 = arith.minimumf %min3A_405, %min3A_406 : vector<512x512xf32>
      %sub3A_408 = arith.subf %min3A_403, %max3A_395 : vector<512x512xf32>
      %jit3A_409 = arith.constant 0.000000e+00 : f32
      %max3A_410 = vector.broadcast %jit3A_409 : f32 to vector<512x512xf32>
      %max3A_411 = arith.maximumf %max3A_410, %sub3A_408 : vector<512x512xf32>
      %sub3A_412 = arith.subf %min3A_407, %max3A_399 : vector<512x512xf32>
      %jit3A_413 = arith.constant 0.000000e+00 : f32
      %max3A_414 = vector.broadcast %jit3A_413 : f32 to vector<512x512xf32>
      %max3A_415 = arith.maximumf %max3A_414, %sub3A_412 : vector<512x512xf32>
      %mul3A_416 = arith.mulf %max3A_411, %max3A_415 : vector<512x512xf32>
      %slice3A_417 = vector.extract_strided_slice %mul3A_38 {offsets = [0, 1536], sizes = [1, 512], strides = [1, 1]} : vector<1x4096xf32> to vector<1x512xf32>
      %add3A_418 = vector.broadcast %mul3A_340 : vector<512x1xf32> to vector<512x512xf32>
      %add3A_419 = vector.broadcast %slice3A_417 : vector<1x512xf32> to vector<512x512xf32>
      %add3A_420 = arith.addf %add3A_418, %add3A_419 : vector<512x512xf32>
      %sub3A_421 = arith.subf %add3A_420, %mul3A_416 : vector<512x512xf32>
      %add3A_422 = arith.constant 9.99999997E-7 : f32
      %add3A_423 = vector.broadcast %add3A_422 : f32 to vector<512x512xf32>
      %add3A_424 = arith.addf %sub3A_421, %add3A_423 : vector<512x512xf32>
      %div3A_425 = arith.divf %mul3A_416, %add3A_424 : vector<512x512xf32>
      %gt3A_426 = arith.constant 0.699999988 : f32
      %gt3A_427 = vector.broadcast %gt3A_426 : f32 to vector<512x512xf32>
      %gt3A_428 = arith.cmpf ogt, %div3A_425, %gt3A_427 : vector<512x512xf32>
      %gt3A_429 = arith.constant 0.000000e+00 : f32
      %gt3A_430 = vector.broadcast %gt3A_429 : f32 to vector<512x1xf32>
      %gt3A_431 = arith.cmpf ogt, %transpose3A_391, %gt3A_430 : vector<512x1xf32>
      %and3A_432 = vector.broadcast %gt3A_431 : vector<512x1xi1> to vector<512x512xi1>
      %and3A_433 = arith.andi %gt3A_428, %and3A_432 : vector<512x512xi1>
      %jit3A_434 = arith.constant 1.000000e+00 : f32
      %jit3A_435 = arith.constant 0.000000e+00 : f32
      %broadcast_in_dim3A_436 = vector.broadcast %jit3A_434 : f32 to vector<512x512xf32>
      %broadcast_in_dim3A_437 = vector.broadcast %jit3A_435 : f32 to vector<512x512xf32>
      %select_n3A_438 = arith.select %and3A_433, %broadcast_in_dim3A_436, %broadcast_in_dim3A_437 : vector<512x512xi1>, vector<512x512xf32>
      %reduce_max3A = arith.constant dense<0xFF800000> : vector<512xf32>
      %reduce_max3A_439 = vector.multi_reduction <maximumf>, %select_n3A_438, %reduce_max3A [0] : vector<512x512xf32> to vector<512xf32>
      %broadcast_in_dim3A_440 = vector.shape_cast %reduce_max3A_439 : vector<512xf32> to vector<1x512xf32>
      %get3A_441 = arith.constant 0 : index
      %get3A_442 = arith.constant 1536 : index
      %get3A_443 = vector.load %arg7[%get3A_441, %get3A_442] : memref<1x4096xf32, #tpu.memory_space<vmem>>, vector<1x512xf32>
      %sub3A_444 = arith.constant 1.000000e+00 : f32
      %sub3A_445 = vector.broadcast %sub3A_444 : f32 to vector<1x512xf32>
      %sub3A_446 = arith.subf %sub3A_445, %broadcast_in_dim3A_440 : vector<1x512xf32>
      %mul3A_447 = arith.mulf %get3A_443, %sub3A_446 : vector<1x512xf32>
      %swap3A_448 = arith.constant 0 : index
      %swap3A_449 = arith.constant 1536 : index
      %swap3A_450 = vector.load %arg7[%swap3A_448, %swap3A_449] : memref<1x4096xf32, #tpu.memory_space<vmem>>, vector<1x512xf32>
      tpu.vector_store %arg7[%swap3A_448, %swap3A_449], %mul3A_447 {strides = array<i32>} : memref<1x4096xf32, #tpu.memory_space<vmem>>, vector<1x512xf32>,
      %slice3A_451 = vector.extract_strided_slice %sub3A {offsets = [0, 2048], sizes = [1, 512], strides = [1, 1]} : vector<1x4096xf32> to vector<1x512xf32>
      %max3A_452 = vector.broadcast %sub3A_319 : vector<512x1xf32> to vector<512x512xf32>
      %max3A_453 = vector.broadcast %slice3A_451 : vector<1x512xf32> to vector<512x512xf32>
      %max3A_454 = arith.maximumf %max3A_452, %max3A_453 : vector<512x512xf32>
      %slice3A_455 = vector.extract_strided_slice %sub3A_31 {offsets = [0, 2048], sizes = [1, 512], strides = [1, 1]} : vector<1x4096xf32> to vector<1x512xf32>
      %max3A_456 = vector.broadcast %sub3A_331 : vector<512x1xf32> to vector<512x512xf32>
      %max3A_457 = vector.broadcast %slice3A_455 : vector<1x512xf32> to vector<512x512xf32>
      %max3A_458 = arith.maximumf %max3A_456, %max3A_457 : vector<512x512xf32>
      %slice3A_459 = vector.extract_strided_slice %add3A {offsets = [0, 2048], sizes = [1, 512], strides = [1, 1]} : vector<1x4096xf32> to vector<1x512xf32>
      %min3A_460 = vector.broadcast %add3A_325 : vector<512x1xf32> to vector<512x512xf32>
      %min3A_461 = vector.broadcast %slice3A_459 : vector<1x512xf32> to vector<512x512xf32>
      %min3A_462 = arith.minimumf %min3A_460, %min3A_461 : vector<512x512xf32>
      %slice3A_463 = vector.extract_strided_slice %add3A_35 {offsets = [0, 2048], sizes = [1, 512], strides = [1, 1]} : vector<1x4096xf32> to vector<1x512xf32>
      %min3A_464 = vector.broadcast %add3A_337 : vector<512x1xf32> to vector<512x512xf32>
      %min3A_465 = vector.broadcast %slice3A_463 : vector<1x512xf32> to vector<512x512xf32>
      %min3A_466 = arith.minimumf %min3A_464, %min3A_465 : vector<512x512xf32>
      %sub3A_467 = arith.subf %min3A_462, %max3A_454 : vector<512x512xf32>
      %jit3A_468 = arith.constant 0.000000e+00 : f32
      %max3A_469 = vector.broadcast %jit3A_468 : f32 to vector<512x512xf32>
      %max3A_470 = arith.maximumf %max3A_469, %sub3A_467 : vector<512x512xf32>
      %sub3A_471 = arith.subf %min3A_466, %max3A_458 : vector<512x512xf32>
      %jit3A_472 = arith.constant 0.000000e+00 : f32
      %max3A_473 = vector.broadcast %jit3A_472 : f32 to vector<512x512xf32>
      %max3A_474 = arith.maximumf %max3A_473, %sub3A_471 : vector<512x512xf32>
      %mul3A_475 = arith.mulf %max3A_470, %max3A_474 : vector<512x512xf32>
      %slice3A_476 = vector.extract_strided_slice %mul3A_38 {offsets = [0, 2048], sizes = [1, 512], strides = [1, 1]} : vector<1x4096xf32> to vector<1x512xf32>
      %add3A_477 = vector.broadcast %mul3A_340 : vector<512x1xf32> to vector<512x512xf32>
      %add3A_478 = vector.broadcast %slice3A_476 : vector<1x512xf32> to vector<512x512xf32>
      %add3A_479 = arith.addf %add3A_477, %add3A_478 : vector<512x512xf32>
      %sub3A_480 = arith.subf %add3A_479, %mul3A_475 : vector<512x512xf32>
      %add3A_481 = arith.constant 9.99999997E-7 : f32
      %add3A_482 = vector.broadcast %add3A_481 : f32 to vector<512x512xf32>
      %add3A_483 = arith.addf %sub3A_480, %add3A_482 : vector<512x512xf32>
      %div3A_484 = arith.divf %mul3A_475, %add3A_483 : vector<512x512xf32>
      %gt3A_485 = arith.constant 0.699999988 : f32
      %gt3A_486 = vector.broadcast %gt3A_485 : f32 to vector<512x512xf32>
      %gt3A_487 = arith.cmpf ogt, %div3A_484, %gt3A_486 : vector<512x512xf32>
      %gt3A_488 = arith.constant 0.000000e+00 : f32
      %gt3A_489 = vector.broadcast %gt3A_488 : f32 to vector<512x1xf32>
      %gt3A_490 = arith.cmpf ogt, %transpose3A_391, %gt3A_489 : vector<512x1xf32>
      %and3A_491 = vector.broadcast %gt3A_490 : vector<512x1xi1> to vector<512x512xi1>
      %and3A_492 = arith.andi %gt3A_487, %and3A_491 : vector<512x512xi1>
      %jit3A_493 = arith.constant 1.000000e+00 : f32
      %jit3A_494 = arith.constant 0.000000e+00 : f32
      %broadcast_in_dim3A_495 = vector.broadcast %jit3A_493 : f32 to vector<512x512xf32>
      %broadcast_in_dim3A_496 = vector.broadcast %jit3A_494 : f32 to vector<512x512xf32>
      %select_n3A_497 = arith.select %and3A_492, %broadcast_in_dim3A_495, %broadcast_in_dim3A_496 : vector<512x512xi1>, vector<512x512xf32>
      %reduce_max3A_498 = arith.constant dense<0xFF800000> : vector<512xf32>
      %reduce_max3A_499 = vector.multi_reduction <maximumf>, %select_n3A_497, %reduce_max3A_498 [0] : vector<512x512xf32> to vector<512xf32>
      %broadcast_in_dim3A_500 = vector.shape_cast %reduce_max3A_499 : vector<512xf32> to vector<1x512xf32>
      %get3A_501 = arith.constant 0 : index
      %get3A_502 = arith.constant 2048 : index
      %get3A_503 = vector.load %arg7[%get3A_501, %get3A_502] : memref<1x4096xf32, #tpu.memory_space<vmem>>, vector<1x512xf32>
      %sub3A_504 = arith.constant 1.000000e+00 : f32
      %sub3A_505 = vector.broadcast %sub3A_504 : f32 to vector<1x512xf32>
      %sub3A_506 = arith.subf %sub3A_505, %broadcast_in_dim3A_500 : vector<1x512xf32>
      %mul3A_507 = arith.mulf %get3A_503, %sub3A_506 : vector<1x512xf32>
      %swap3A_508 = arith.constant 0 : index
      %swap3A_509 = arith.constant 2048 : index
      %swap3A_510 = vector.load %arg7[%swap3A_508, %swap3A_509] : memref<1x4096xf32, #tpu.memory_space<vmem>>, vector<1x512xf32>
      tpu.vector_store %arg7[%swap3A_508, %swap3A_509], %mul3A_507 {strides = array<i32>} : memref<1x4096xf32, #tpu.memory_space<vmem>>, vector<1x512xf32>,
      %slice3A_511 = vector.extract_strided_slice %sub3A {offsets = [0, 2560], sizes = [1, 512], strides = [1, 1]} : vector<1x4096xf32> to vector<1x512xf32>
      %max3A_512 = vector.broadcast %sub3A_319 : vector<512x1xf32> to vector<512x512xf32>
      %max3A_513 = vector.broadcast %slice3A_511 : vector<1x512xf32> to vector<512x512xf32>
      %max3A_514 = arith.maximumf %max3A_512, %max3A_513 : vector<512x512xf32>
      %slice3A_515 = vector.extract_strided_slice %sub3A_31 {offsets = [0, 2560], sizes = [1, 512], strides = [1, 1]} : vector<1x4096xf32> to vector<1x512xf32>
      %max3A_516 = vector.broadcast %sub3A_331 : vector<512x1xf32> to vector<512x512xf32>
      %max3A_517 = vector.broadcast %slice3A_515 : vector<1x512xf32> to vector<512x512xf32>
      %max3A_518 = arith.maximumf %max3A_516, %max3A_517 : vector<512x512xf32>
      %slice3A_519 = vector.extract_strided_slice %add3A {offsets = [0, 2560], sizes = [1, 512], strides = [1, 1]} : vector<1x4096xf32> to vector<1x512xf32>
      %min3A_520 = vector.broadcast %add3A_325 : vector<512x1xf32> to vector<512x512xf32>
      %min3A_521 = vector.broadcast %slice3A_519 : vector<1x512xf32> to vector<512x512xf32>
      %min3A_522 = arith.minimumf %min3A_520, %min3A_521 : vector<512x512xf32>
      %slice3A_523 = vector.extract_strided_slice %add3A_35 {offsets = [0, 2560], sizes = [1, 512], strides = [1, 1]} : vector<1x4096xf32> to vector<1x512xf32>
      %min3A_524 = vector.broadcast %add3A_337 : vector<512x1xf32> to vector<512x512xf32>
      %min3A_525 = vector.broadcast %slice3A_523 : vector<1x512xf32> to vector<512x512xf32>
      %min3A_526 = arith.minimumf %min3A_524, %min3A_525 : vector<512x512xf32>
      %sub3A_527 = arith.subf %min3A_522, %max3A_514 : vector<512x512xf32>
      %jit3A_528 = arith.constant 0.000000e+00 : f32
      %max3A_529 = vector.broadcast %jit3A_528 : f32 to vector<512x512xf32>
      %max3A_530 = arith.maximumf %max3A_529, %sub3A_527 : vector<512x512xf32>
      %sub3A_531 = arith.subf %min3A_526, %max3A_518 : vector<512x512xf32>
      %jit3A_532 = arith.constant 0.000000e+00 : f32
      %max3A_533 = vector.broadcast %jit3A_532 : f32 to vector<512x512xf32>
      %max3A_534 = arith.maximumf %max3A_533, %sub3A_531 : vector<512x512xf32>
      %mul3A_535 = arith.mulf %max3A_530, %max3A_534 : vector<512x512xf32>
      %slice3A_536 = vector.extract_strided_slice %mul3A_38 {offsets = [0, 2560], sizes = [1, 512], strides = [1, 1]} : vector<1x4096xf32> to vector<1x512xf32>
      %add3A_537 = vector.broadcast %mul3A_340 : vector<512x1xf32> to vector<512x512xf32>
      %add3A_538 = vector.broadcast %slice3A_536 : vector<1x512xf32> to vector<512x512xf32>
      %add3A_539 = arith.addf %add3A_537, %add3A_538 : vector<512x512xf32>
      %sub3A_540 = arith.subf %add3A_539, %mul3A_535 : vector<512x512xf32>
      %add3A_541 = arith.constant 9.99999997E-7 : f32
      %add3A_542 = vector.broadcast %add3A_541 : f32 to vector<512x512xf32>
      %add3A_543 = arith.addf %sub3A_540, %add3A_542 : vector<512x512xf32>
      %div3A_544 = arith.divf %mul3A_535, %add3A_543 : vector<512x512xf32>
      %gt3A_545 = arith.constant 0.699999988 : f32
      %gt3A_546 = vector.broadcast %gt3A_545 : f32 to vector<512x512xf32>
      %gt3A_547 = arith.cmpf ogt, %div3A_544, %gt3A_546 : vector<512x512xf32>
      %gt3A_548 = arith.constant 0.000000e+00 : f32
      %gt3A_549 = vector.broadcast %gt3A_548 : f32 to vector<512x1xf32>
      %gt3A_550 = arith.cmpf ogt, %transpose3A_391, %gt3A_549 : vector<512x1xf32>
      %and3A_551 = vector.broadcast %gt3A_550 : vector<512x1xi1> to vector<512x512xi1>
      %and3A_552 = arith.andi %gt3A_547, %and3A_551 : vector<512x512xi1>
      %jit3A_553 = arith.constant 1.000000e+00 : f32
      %jit3A_554 = arith.constant 0.000000e+00 : f32
      %broadcast_in_dim3A_555 = vector.broadcast %jit3A_553 : f32 to vector<512x512xf32>
      %broadcast_in_dim3A_556 = vector.broadcast %jit3A_554 : f32 to vector<512x512xf32>
      %select_n3A_557 = arith.select %and3A_552, %broadcast_in_dim3A_555, %broadcast_in_dim3A_556 : vector<512x512xi1>, vector<512x512xf32>
      %reduce_max3A_558 = arith.constant dense<0xFF800000> : vector<512xf32>
      %reduce_max3A_559 = vector.multi_reduction <maximumf>, %select_n3A_557, %reduce_max3A_558 [0] : vector<512x512xf32> to vector<512xf32>
      %broadcast_in_dim3A_560 = vector.shape_cast %reduce_max3A_559 : vector<512xf32> to vector<1x512xf32>
      %get3A_561 = arith.constant 0 : index
      %get3A_562 = arith.constant 2560 : index
      %get3A_563 = vector.load %arg7[%get3A_561, %get3A_562] : memref<1x4096xf32, #tpu.memory_space<vmem>>, vector<1x512xf32>
      %sub3A_564 = arith.constant 1.000000e+00 : f32
      %sub3A_565 = vector.broadcast %sub3A_564 : f32 to vector<1x512xf32>
      %sub3A_566 = arith.subf %sub3A_565, %broadcast_in_dim3A_560 : vector<1x512xf32>
      %mul3A_567 = arith.mulf %get3A_563, %sub3A_566 : vector<1x512xf32>
      %swap3A_568 = arith.constant 0 : index
      %swap3A_569 = arith.constant 2560 : index
      %swap3A_570 = vector.load %arg7[%swap3A_568, %swap3A_569] : memref<1x4096xf32, #tpu.memory_space<vmem>>, vector<1x512xf32>
      tpu.vector_store %arg7[%swap3A_568, %swap3A_569], %mul3A_567 {strides = array<i32>} : memref<1x4096xf32, #tpu.memory_space<vmem>>, vector<1x512xf32>,
      %slice3A_571 = vector.extract_strided_slice %sub3A {offsets = [0, 3072], sizes = [1, 512], strides = [1, 1]} : vector<1x4096xf32> to vector<1x512xf32>
      %max3A_572 = vector.broadcast %sub3A_319 : vector<512x1xf32> to vector<512x512xf32>
      %max3A_573 = vector.broadcast %slice3A_571 : vector<1x512xf32> to vector<512x512xf32>
      %max3A_574 = arith.maximumf %max3A_572, %max3A_573 : vector<512x512xf32>
      %slice3A_575 = vector.extract_strided_slice %sub3A_31 {offsets = [0, 3072], sizes = [1, 512], strides = [1, 1]} : vector<1x4096xf32> to vector<1x512xf32>
      %max3A_576 = vector.broadcast %sub3A_331 : vector<512x1xf32> to vector<512x512xf32>
      %max3A_577 = vector.broadcast %slice3A_575 : vector<1x512xf32> to vector<512x512xf32>
      %max3A_578 = arith.maximumf %max3A_576, %max3A_577 : vector<512x512xf32>
      %slice3A_579 = vector.extract_strided_slice %add3A {offsets = [0, 3072], sizes = [1, 512], strides = [1, 1]} : vector<1x4096xf32> to vector<1x512xf32>
      %min3A_580 = vector.broadcast %add3A_325 : vector<512x1xf32> to vector<512x512xf32>
      %min3A_581 = vector.broadcast %slice3A_579 : vector<1x512xf32> to vector<512x512xf32>
      %min3A_582 = arith.minimumf %min3A_580, %min3A_581 : vector<512x512xf32>
      %slice3A_583 = vector.extract_strided_slice %add3A_35 {offsets = [0, 3072], sizes = [1, 512], strides = [1, 1]} : vector<1x4096xf32> to vector<1x512xf32>
      %min3A_584 = vector.broadcast %add3A_337 : vector<512x1xf32> to vector<512x512xf32>
      %min3A_585 = vector.broadcast %slice3A_583 : vector<1x512xf32> to vector<512x512xf32>
      %min3A_586 = arith.minimumf %min3A_584, %min3A_585 : vector<512x512xf32>
      %sub3A_587 = arith.subf %min3A_582, %max3A_574 : vector<512x512xf32>
      %jit3A_588 = arith.constant 0.000000e+00 : f32
      %max3A_589 = vector.broadcast %jit3A_588 : f32 to vector<512x512xf32>
      %max3A_590 = arith.maximumf %max3A_589, %sub3A_587 : vector<512x512xf32>
      %sub3A_591 = arith.subf %min3A_586, %max3A_578 : vector<512x512xf32>
      %jit3A_592 = arith.constant 0.000000e+00 : f32
      %max3A_593 = vector.broadcast %jit3A_592 : f32 to vector<512x512xf32>
      %max3A_594 = arith.maximumf %max3A_593, %sub3A_591 : vector<512x512xf32>
      %mul3A_595 = arith.mulf %max3A_590, %max3A_594 : vector<512x512xf32>
      %slice3A_596 = vector.extract_strided_slice %mul3A_38 {offsets = [0, 3072], sizes = [1, 512], strides = [1, 1]} : vector<1x4096xf32> to vector<1x512xf32>
      %add3A_597 = vector.broadcast %mul3A_340 : vector<512x1xf32> to vector<512x512xf32>
      %add3A_598 = vector.broadcast %slice3A_596 : vector<1x512xf32> to vector<512x512xf32>
      %add3A_599 = arith.addf %add3A_597, %add3A_598 : vector<512x512xf32>
      %sub3A_600 = arith.subf %add3A_599, %mul3A_595 : vector<512x512xf32>
      %add3A_601 = arith.constant 9.99999997E-7 : f32
      %add3A_602 = vector.broadcast %add3A_601 : f32 to vector<512x512xf32>
      %add3A_603 = arith.addf %sub3A_600, %add3A_602 : vector<512x512xf32>
      %div3A_604 = arith.divf %mul3A_595, %add3A_603 : vector<512x512xf32>
      %gt3A_605 = arith.constant 0.699999988 : f32
      %gt3A_606 = vector.broadcast %gt3A_605 : f32 to vector<512x512xf32>
      %gt3A_607 = arith.cmpf ogt, %div3A_604, %gt3A_606 : vector<512x512xf32>
      %gt3A_608 = arith.constant 0.000000e+00 : f32
      %gt3A_609 = vector.broadcast %gt3A_608 : f32 to vector<512x1xf32>
      %gt3A_610 = arith.cmpf ogt, %transpose3A_391, %gt3A_609 : vector<512x1xf32>
      %and3A_611 = vector.broadcast %gt3A_610 : vector<512x1xi1> to vector<512x512xi1>
      %and3A_612 = arith.andi %gt3A_607, %and3A_611 : vector<512x512xi1>
      %jit3A_613 = arith.constant 1.000000e+00 : f32
      %jit3A_614 = arith.constant 0.000000e+00 : f32
      %broadcast_in_dim3A_615 = vector.broadcast %jit3A_613 : f32 to vector<512x512xf32>
      %broadcast_in_dim3A_616 = vector.broadcast %jit3A_614 : f32 to vector<512x512xf32>
      %select_n3A_617 = arith.select %and3A_612, %broadcast_in_dim3A_615, %broadcast_in_dim3A_616 : vector<512x512xi1>, vector<512x512xf32>
      %reduce_max3A_618 = arith.constant dense<0xFF800000> : vector<512xf32>
      %reduce_max3A_619 = vector.multi_reduction <maximumf>, %select_n3A_617, %reduce_max3A_618 [0] : vector<512x512xf32> to vector<512xf32>
      %broadcast_in_dim3A_620 = vector.shape_cast %reduce_max3A_619 : vector<512xf32> to vector<1x512xf32>
      %get3A_621 = arith.constant 0 : index
      %get3A_622 = arith.constant 3072 : index
      %get3A_623 = vector.load %arg7[%get3A_621, %get3A_622] : memref<1x4096xf32, #tpu.memory_space<vmem>>, vector<1x512xf32>
      %sub3A_624 = arith.constant 1.000000e+00 : f32
      %sub3A_625 = vector.broadcast %sub3A_624 : f32 to vector<1x512xf32>
      %sub3A_626 = arith.subf %sub3A_625, %broadcast_in_dim3A_620 : vector<1x512xf32>
      %mul3A_627 = arith.mulf %get3A_623, %sub3A_626 : vector<1x512xf32>
      %swap3A_628 = arith.constant 0 : index
      %swap3A_629 = arith.constant 3072 : index
      %swap3A_630 = vector.load %arg7[%swap3A_628, %swap3A_629] : memref<1x4096xf32, #tpu.memory_space<vmem>>, vector<1x512xf32>
      tpu.vector_store %arg7[%swap3A_628, %swap3A_629], %mul3A_627 {strides = array<i32>} : memref<1x4096xf32, #tpu.memory_space<vmem>>, vector<1x512xf32>,
      %slice3A_631 = vector.extract_strided_slice %sub3A {offsets = [0, 3584], sizes = [1, 512], strides = [1, 1]} : vector<1x4096xf32> to vector<1x512xf32>
      %max3A_632 = vector.broadcast %sub3A_319 : vector<512x1xf32> to vector<512x512xf32>
      %max3A_633 = vector.broadcast %slice3A_631 : vector<1x512xf32> to vector<512x512xf32>
      %max3A_634 = arith.maximumf %max3A_632, %max3A_633 : vector<512x512xf32>
      %slice3A_635 = vector.extract_strided_slice %sub3A_31 {offsets = [0, 3584], sizes = [1, 512], strides = [1, 1]} : vector<1x4096xf32> to vector<1x512xf32>
      %max3A_636 = vector.broadcast %sub3A_331 : vector<512x1xf32> to vector<512x512xf32>
      %max3A_637 = vector.broadcast %slice3A_635 : vector<1x512xf32> to vector<512x512xf32>
      %max3A_638 = arith.maximumf %max3A_636, %max3A_637 : vector<512x512xf32>
      %slice3A_639 = vector.extract_strided_slice %add3A {offsets = [0, 3584], sizes = [1, 512], strides = [1, 1]} : vector<1x4096xf32> to vector<1x512xf32>
      %min3A_640 = vector.broadcast %add3A_325 : vector<512x1xf32> to vector<512x512xf32>
      %min3A_641 = vector.broadcast %slice3A_639 : vector<1x512xf32> to vector<512x512xf32>
      %min3A_642 = arith.minimumf %min3A_640, %min3A_641 : vector<512x512xf32>
      %slice3A_643 = vector.extract_strided_slice %add3A_35 {offsets = [0, 3584], sizes = [1, 512], strides = [1, 1]} : vector<1x4096xf32> to vector<1x512xf32>
      %min3A_644 = vector.broadcast %add3A_337 : vector<512x1xf32> to vector<512x512xf32>
      %min3A_645 = vector.broadcast %slice3A_643 : vector<1x512xf32> to vector<512x512xf32>
      %min3A_646 = arith.minimumf %min3A_644, %min3A_645 : vector<512x512xf32>
      %sub3A_647 = arith.subf %min3A_642, %max3A_634 : vector<512x512xf32>
      %jit3A_648 = arith.constant 0.000000e+00 : f32
      %max3A_649 = vector.broadcast %jit3A_648 : f32 to vector<512x512xf32>
      %max3A_650 = arith.maximumf %max3A_649, %sub3A_647 : vector<512x512xf32>
      %sub3A_651 = arith.subf %min3A_646, %max3A_638 : vector<512x512xf32>
      %jit3A_652 = arith.constant 0.000000e+00 : f32
      %max3A_653 = vector.broadcast %jit3A_652 : f32 to vector<512x512xf32>
      %max3A_654 = arith.maximumf %max3A_653, %sub3A_651 : vector<512x512xf32>
      %mul3A_655 = arith.mulf %max3A_650, %max3A_654 : vector<512x512xf32>
      %slice3A_656 = vector.extract_strided_slice %mul3A_38 {offsets = [0, 3584], sizes = [1, 512], strides = [1, 1]} : vector<1x4096xf32> to vector<1x512xf32>
      %add3A_657 = vector.broadcast %mul3A_340 : vector<512x1xf32> to vector<512x512xf32>
      %add3A_658 = vector.broadcast %slice3A_656 : vector<1x512xf32> to vector<512x512xf32>
      %add3A_659 = arith.addf %add3A_657, %add3A_658 : vector<512x512xf32>
      %sub3A_660 = arith.subf %add3A_659, %mul3A_655 : vector<512x512xf32>
      %add3A_661 = arith.constant 9.99999997E-7 : f32
      %add3A_662 = vector.broadcast %add3A_661 : f32 to vector<512x512xf32>
      %add3A_663 = arith.addf %sub3A_660, %add3A_662 : vector<512x512xf32>
      %div3A_664 = arith.divf %mul3A_655, %add3A_663 : vector<512x512xf32>
      %gt3A_665 = arith.constant 0.699999988 : f32
      %gt3A_666 = vector.broadcast %gt3A_665 : f32 to vector<512x512xf32>
      %gt3A_667 = arith.cmpf ogt, %div3A_664, %gt3A_666 : vector<512x512xf32>
      %gt3A_668 = arith.constant 0.000000e+00 : f32
      %gt3A_669 = vector.broadcast %gt3A_668 : f32 to vector<512x1xf32>
      %gt3A_670 = arith.cmpf ogt, %transpose3A_391, %gt3A_669 : vector<512x1xf32>
      %and3A_671 = vector.broadcast %gt3A_670 : vector<512x1xi1> to vector<512x512xi1>
      %and3A_672 = arith.andi %gt3A_667, %and3A_671 : vector<512x512xi1>
      %jit3A_673 = arith.constant 1.000000e+00 : f32
      %jit3A_674 = arith.constant 0.000000e+00 : f32
      %broadcast_in_dim3A_675 = vector.broadcast %jit3A_673 : f32 to vector<512x512xf32>
      %broadcast_in_dim3A_676 = vector.broadcast %jit3A_674 : f32 to vector<512x512xf32>
      %select_n3A_677 = arith.select %and3A_672, %broadcast_in_dim3A_675, %broadcast_in_dim3A_676 : vector<512x512xi1>, vector<512x512xf32>
      %reduce_max3A_678 = arith.constant dense<0xFF800000> : vector<512xf32>
      %reduce_max3A_679 = vector.multi_reduction <maximumf>, %select_n3A_677, %reduce_max3A_678 [0] : vector<512x512xf32> to vector<512xf32>
      %broadcast_in_dim3A_680 = vector.shape_cast %reduce_max3A_679 : vector<512xf32> to vector<1x512xf32>
      %get3A_681 = arith.constant 0 : index
      %get3A_682 = arith.constant 3584 : index
      %get3A_683 = vector.load %arg7[%get3A_681, %get3A_682] : memref<1x4096xf32, #tpu.memory_space<vmem>>, vector<1x512xf32>
      %sub3A_684 = arith.constant 1.000000e+00 : f32
      %sub3A_685 = vector.broadcast %sub3A_684 : f32 to vector<1x512xf32>
      %sub3A_686 = arith.subf %sub3A_685, %broadcast_in_dim3A_680 : vector<1x512xf32>
      %mul3A_687 = arith.mulf %get3A_683, %sub3A_686 : vector<1x512xf32>
      %swap3A_688 = arith.constant 0 : index
      %swap3A_689 = arith.constant 3584 : index
      %swap3A_690 = vector.load %arg7[%swap3A_688, %swap3A_689] : memref<1x4096xf32, #tpu.memory_space<vmem>>, vector<1x512xf32>
      tpu.vector_store %arg7[%swap3A_688, %swap3A_689], %mul3A_687 {strides = array<i32>} : memref<1x4096xf32, #tpu.memory_space<vmem>>, vector<1x512xf32>,
    } else {
    }
    %get3A_83 = arith.constant 0 : index
    %get3A_84 = arith.constant 0 : index
    %get3A_85 = vector.load %arg8[%get3A_83, %get3A_84] : memref<1x4096xf32, #tpu.memory_space<vmem>>, vector<1x4096xf32>
    %reduce_sum3A_86 = vector.shape_cast %get3A_85 : vector<1x4096xf32> to vector<1x1x4096xf32>
    %reduce_sum3A_87 = arith.constant dense<0.000000e+00> : vector<1xf32>
    %reduce_sum3A_88 = vector.multi_reduction <add>, %reduce_sum3A_86, %reduce_sum3A_87 [1, 2] : vector<1x1x4096xf32> to vector<1xf32>
    %reduce_sum3A_89 = vector.shape_cast %reduce_sum3A_88 : vector<1xf32> to vector<1x1x1xf32>
    %reduce_sum3A_90 = vector.extract %reduce_sum3A_89[0, 0, 0] : f32 from vector<1x1x1xf32>
    %lt3A_91 = arith.constant 5.120000e+02 : f32
    %lt3A_92 = arith.cmpf olt, %reduce_sum3A_90, %lt3A_91 : f32
    %convert_element_type3A_93 = arith.extui %lt3A_92 : i1 to i32
    %cond3A_94 = arith.constant 0 : i32
    %cond3A_95 = arith.cmpi ne, %convert_element_type3A_93, %cond3A_94 : i32
    scf.if %cond3A_95 {
      %slice3A_313 = vector.extract_strided_slice %get3A_3 {offsets = [0, 1536], sizes = [8, 512], strides = [1, 1]} : vector<8x4096xf32> to vector<8x512xf32>
      %transpose3A = tpu.transpose %slice3A_313, [1, 0] : vector<8x512xf32> -> vector<512x8xf32>
      %slice3A_314 = vector.extract_strided_slice %transpose3A {offsets = [0, 0], sizes = [512, 1], strides = [1, 1]} : vector<512x8xf32> to vector<512x1xf32>
      %slice3A_315 = vector.extract_strided_slice %transpose3A {offsets = [0, 3], sizes = [512, 1], strides = [1, 1]} : vector<512x8xf32> to vector<512x1xf32>
      %mul3A_316 = arith.constant 5.000000e-01 : f32
      %mul3A_317 = vector.broadcast %mul3A_316 : f32 to vector<512x1xf32>
      %mul3A_318 = arith.mulf %slice3A_315, %mul3A_317 : vector<512x1xf32>
      %sub3A_319 = arith.subf %slice3A_314, %mul3A_318 : vector<512x1xf32>
      %slice3A_320 = vector.extract_strided_slice %transpose3A {offsets = [0, 0], sizes = [512, 1], strides = [1, 1]} : vector<512x8xf32> to vector<512x1xf32>
      %slice3A_321 = vector.extract_strided_slice %transpose3A {offsets = [0, 3], sizes = [512, 1], strides = [1, 1]} : vector<512x8xf32> to vector<512x1xf32>
      %mul3A_322 = arith.constant 5.000000e-01 : f32
      %mul3A_323 = vector.broadcast %mul3A_322 : f32 to vector<512x1xf32>
      %mul3A_324 = arith.mulf %slice3A_321, %mul3A_323 : vector<512x1xf32>
      %add3A_325 = arith.addf %slice3A_320, %mul3A_324 : vector<512x1xf32>
      %slice3A_326 = vector.extract_strided_slice %transpose3A {offsets = [0, 1], sizes = [512, 1], strides = [1, 1]} : vector<512x8xf32> to vector<512x1xf32>
      %slice3A_327 = vector.extract_strided_slice %transpose3A {offsets = [0, 4], sizes = [512, 1], strides = [1, 1]} : vector<512x8xf32> to vector<512x1xf32>
      %mul3A_328 = arith.constant 5.000000e-01 : f32
      %mul3A_329 = vector.broadcast %mul3A_328 : f32 to vector<512x1xf32>
      %mul3A_330 = arith.mulf %slice3A_327, %mul3A_329 : vector<512x1xf32>
      %sub3A_331 = arith.subf %slice3A_326, %mul3A_330 : vector<512x1xf32>
      %slice3A_332 = vector.extract_strided_slice %transpose3A {offsets = [0, 1], sizes = [512, 1], strides = [1, 1]} : vector<512x8xf32> to vector<512x1xf32>
      %slice3A_333 = vector.extract_strided_slice %transpose3A {offsets = [0, 4], sizes = [512, 1], strides = [1, 1]} : vector<512x8xf32> to vector<512x1xf32>
      %mul3A_334 = arith.constant 5.000000e-01 : f32
      %mul3A_335 = vector.broadcast %mul3A_334 : f32 to vector<512x1xf32>
      %mul3A_336 = arith.mulf %slice3A_333, %mul3A_335 : vector<512x1xf32>
      %add3A_337 = arith.addf %slice3A_332, %mul3A_336 : vector<512x1xf32>
      %sub3A_338 = arith.subf %add3A_325, %sub3A_319 : vector<512x1xf32>
      %sub3A_339 = arith.subf %add3A_337, %sub3A_331 : vector<512x1xf32>
      %mul3A_340 = arith.mulf %sub3A_338, %sub3A_339 : vector<512x1xf32>
      %slice3A_341 = vector.extract_strided_slice %sub3A {offsets = [0, 1536], sizes = [1, 512], strides = [1, 1]} : vector<1x4096xf32> to vector<1x512xf32>
      %slice3A_342 = vector.extract_strided_slice %add3A {offsets = [0, 1536], sizes = [1, 512], strides = [1, 1]} : vector<1x4096xf32> to vector<1x512xf32>
      %slice3A_343 = vector.extract_strided_slice %sub3A_31 {offsets = [0, 1536], sizes = [1, 512], strides = [1, 1]} : vector<1x4096xf32> to vector<1x512xf32>
      %slice3A_344 = vector.extract_strided_slice %add3A_35 {offsets = [0, 1536], sizes = [1, 512], strides = [1, 1]} : vector<1x4096xf32> to vector<1x512xf32>
      %slice3A_345 = vector.extract_strided_slice %mul3A_38 {offsets = [0, 1536], sizes = [1, 512], strides = [1, 1]} : vector<1x4096xf32> to vector<1x512xf32>
      %get3A_346 = arith.constant 0 : index
      %get3A_347 = arith.constant 1536 : index
      %get3A_348 = vector.load %arg7[%get3A_346, %get3A_347] : memref<1x4096xf32, #tpu.memory_space<vmem>>, vector<1x512xf32>
      %max3A = vector.broadcast %sub3A_319 : vector<512x1xf32> to vector<512x512xf32>
      %max3A_349 = vector.broadcast %slice3A_341 : vector<1x512xf32> to vector<512x512xf32>
      %max3A_350 = arith.maximumf %max3A, %max3A_349 : vector<512x512xf32>
      %max3A_351 = vector.broadcast %sub3A_331 : vector<512x1xf32> to vector<512x512xf32>
      %max3A_352 = vector.broadcast %slice3A_343 : vector<1x512xf32> to vector<512x512xf32>
      %max3A_353 = arith.maximumf %max3A_351, %max3A_352 : vector<512x512xf32>
      %min3A = vector.broadcast %add3A_325 : vector<512x1xf32> to vector<512x512xf32>
      %min3A_354 = vector.broadcast %slice3A_342 : vector<1x512xf32> to vector<512x512xf32>
      %min3A_355 = arith.minimumf %min3A, %min3A_354 : vector<512x512xf32>
      %min3A_356 = vector.broadcast %add3A_337 : vector<512x1xf32> to vector<512x512xf32>
      %min3A_357 = vector.broadcast %slice3A_344 : vector<1x512xf32> to vector<512x512xf32>
      %min3A_358 = arith.minimumf %min3A_356, %min3A_357 : vector<512x512xf32>
      %sub3A_359 = arith.subf %min3A_355, %max3A_350 : vector<512x512xf32>
      %jit3A_360 = arith.constant 0.000000e+00 : f32
      %max3A_361 = vector.broadcast %jit3A_360 : f32 to vector<512x512xf32>
      %max3A_362 = arith.maximumf %max3A_361, %sub3A_359 : vector<512x512xf32>
      %sub3A_363 = arith.subf %min3A_358, %max3A_353 : vector<512x512xf32>
      %jit3A_364 = arith.constant 0.000000e+00 : f32
      %max3A_365 = vector.broadcast %jit3A_364 : f32 to vector<512x512xf32>
      %max3A_366 = arith.maximumf %max3A_365, %sub3A_363 : vector<512x512xf32>
      %mul3A_367 = arith.mulf %max3A_362, %max3A_366 : vector<512x512xf32>
      %add3A_368 = vector.broadcast %mul3A_340 : vector<512x1xf32> to vector<512x512xf32>
      %add3A_369 = vector.broadcast %slice3A_345 : vector<1x512xf32> to vector<512x512xf32>
      %add3A_370 = arith.addf %add3A_368, %add3A_369 : vector<512x512xf32>
      %sub3A_371 = arith.subf %add3A_370, %mul3A_367 : vector<512x512xf32>
      %add3A_372 = arith.constant 9.99999997E-7 : f32
      %add3A_373 = vector.broadcast %add3A_372 : f32 to vector<512x512xf32>
      %add3A_374 = arith.addf %sub3A_371, %add3A_373 : vector<512x512xf32>
      %div3A = arith.divf %mul3A_367, %add3A_374 : vector<512x512xf32>
      %iota3A_375 = tpu.iota {dimensions = array<i32: 0>} : vector<512x512xi32>
      %iota3A_376 = tpu.iota {dimensions = array<i32: 1>} : vector<512x512xi32>
      %gt3A_377 = arith.constant 0.699999988 : f32
      %gt3A_378 = vector.broadcast %gt3A_377 : f32 to vector<512x512xf32>
      %gt3A_379 = arith.cmpf ogt, %div3A, %gt3A_378 : vector<512x512xf32>
      %lt3A_380 = arith.cmpi slt, %iota3A_375, %iota3A_376 : vector<512x512xi32>
      %and3A_381 = arith.andi %gt3A_379, %lt3A_380 : vector<512x512xi1>
      %jit3A_382 = arith.constant 1.000000e+00 : f32
      %jit3A_383 = arith.constant 0.000000e+00 : f32
      %broadcast_in_dim3A_384 = vector.broadcast %jit3A_382 : f32 to vector<512x512xf32>
      %broadcast_in_dim3A_385 = vector.broadcast %jit3A_383 : f32 to vector<512x512xf32>
      %select_n3A_386 = arith.select %and3A_381, %broadcast_in_dim3A_384, %broadcast_in_dim3A_385 : vector<512x512xi1>, vector<512x512xf32>
      %while3A = arith.constant false
      %while3A_387:2 = scf.while (%while3A_631 = %get3A_348, %while3A_632 = %while3A) : (vector<1x512xf32>, i1) -> (vector<1x512xf32>, i1) {
        %not3A = arith.constant true
        %not3A_633 = arith.xori %while3A_632, %not3A : i1
        scf.condition(%not3A_633) %while3A_631, %while3A_632 : vector<1x512xf32>, i1
      } do {
      ^bb0(%while3A_631: vector<1x512xf32>, %while3A_632: i1):
        %dot_general3A_633 = arith.constant dense<0.000000e+00> : vector<1x512xf32>
        %dot_general3A_634 = tpu.matmul %while3A_631, %select_n3A_386, %dot_general3A_633 {dimension_numbers = #tpu.dot_dimension_numbers<[1], [0], [0], [1], [0, 0, 1, 1], [], []>, transpose_lhs_hint = false} : vector<1x512xf32>, vector<512x512xf32>, vector<1x512xf32> -> vector<1x512xf32>
        %gt3A_635 = arith.constant 0.000000e+00 : f32
        %gt3A_636 = vector.broadcast %gt3A_635 : f32 to vector<1x512xf32>
        %gt3A_637 = arith.cmpf ogt, %dot_general3A_634, %gt3A_636 : vector<1x512xf32>
        %jit3A_638 = arith.constant 0.000000e+00 : f32
        %jit3A_639 = arith.constant 1.000000e+00 : f32
        %broadcast_in_dim3A_640 = vector.broadcast %jit3A_638 : f32 to vector<1x512xf32>
        %broadcast_in_dim3A_641 = vector.broadcast %jit3A_639 : f32 to vector<1x512xf32>
        %select_n3A_642 = arith.select %gt3A_637, %broadcast_in_dim3A_640, %broadcast_in_dim3A_641 : vector<1x512xi1>, vector<1x512xf32>
        %mul3A_643 = arith.mulf %get3A_348, %select_n3A_642 : vector<1x512xf32>
        %eq3A_644 = arith.cmpf oeq, %mul3A_643, %while3A_631 : vector<1x512xf32>
        %reduce_and3A = arith.constant 1.000000e+00 : f32
        %reduce_and3A_645 = arith.constant 0.000000e+00 : f32
        %reduce_and3A_646 = vector.broadcast %reduce_and3A : f32 to vector<1x512xf32>
        %reduce_and3A_647 = vector.broadcast %reduce_and3A_645 : f32 to vector<1x512xf32>
        %reduce_and3A_648 = arith.select %eq3A_644, %reduce_and3A_646, %reduce_and3A_647 : vector<1x512xi1>, vector<1x512xf32>
        %reduce_and3A_649 = vector.shape_cast %reduce_and3A_648 : vector<1x512xf32> to vector<1x1x512xf32>
        %reduce_and3A_650 = arith.constant dense<0x7F800000> : vector<1xf32>
        %reduce_and3A_651 = vector.multi_reduction <minimumf>, %reduce_and3A_649, %reduce_and3A_650 [1, 2] : vector<1x1x512xf32> to vector<1xf32>
        %reduce_and3A_652 = vector.shape_cast %reduce_and3A_651 : vector<1xf32> to vector<1x1x1xf32>
        %reduce_and3A_653 = vector.extract %reduce_and3A_652[0, 0, 0] : f32 from vector<1x1x1xf32>
        %reduce_and3A_654 = arith.constant 0.000000e+00 : f32
        %reduce_and3A_655 = arith.cmpf ogt, %reduce_and3A_653, %reduce_and3A_654 : f32
        scf.yield %mul3A_643, %reduce_and3A_655 : vector<1x512xf32>, i1
      }
      %swap3A_388 = arith.constant 0 : index
      %swap3A_389 = arith.constant 1536 : index
      %swap3A_390 = vector.load %arg8[%swap3A_388, %swap3A_389] : memref<1x4096xf32, #tpu.memory_space<vmem>>, vector<1x512xf32>
      tpu.vector_store %arg8[%swap3A_388, %swap3A_389], %while3A_387#0 {strides = array<i32>} : memref<1x4096xf32, #tpu.memory_space<vmem>>, vector<1x512xf32>,
      %transpose3A_391 = tpu.transpose %while3A_387#0, [1, 0] : vector<1x512xf32> -> vector<512x1xf32>
      %slice3A_392 = vector.extract_strided_slice %sub3A {offsets = [0, 2048], sizes = [1, 512], strides = [1, 1]} : vector<1x4096xf32> to vector<1x512xf32>
      %max3A_393 = vector.broadcast %sub3A_319 : vector<512x1xf32> to vector<512x512xf32>
      %max3A_394 = vector.broadcast %slice3A_392 : vector<1x512xf32> to vector<512x512xf32>
      %max3A_395 = arith.maximumf %max3A_393, %max3A_394 : vector<512x512xf32>
      %slice3A_396 = vector.extract_strided_slice %sub3A_31 {offsets = [0, 2048], sizes = [1, 512], strides = [1, 1]} : vector<1x4096xf32> to vector<1x512xf32>
      %max3A_397 = vector.broadcast %sub3A_331 : vector<512x1xf32> to vector<512x512xf32>
      %max3A_398 = vector.broadcast %slice3A_396 : vector<1x512xf32> to vector<512x512xf32>
      %max3A_399 = arith.maximumf %max3A_397, %max3A_398 : vector<512x512xf32>
      %slice3A_400 = vector.extract_strided_slice %add3A {offsets = [0, 2048], sizes = [1, 512], strides = [1, 1]} : vector<1x4096xf32> to vector<1x512xf32>
      %min3A_401 = vector.broadcast %add3A_325 : vector<512x1xf32> to vector<512x512xf32>
      %min3A_402 = vector.broadcast %slice3A_400 : vector<1x512xf32> to vector<512x512xf32>
      %min3A_403 = arith.minimumf %min3A_401, %min3A_402 : vector<512x512xf32>
      %slice3A_404 = vector.extract_strided_slice %add3A_35 {offsets = [0, 2048], sizes = [1, 512], strides = [1, 1]} : vector<1x4096xf32> to vector<1x512xf32>
      %min3A_405 = vector.broadcast %add3A_337 : vector<512x1xf32> to vector<512x512xf32>
      %min3A_406 = vector.broadcast %slice3A_404 : vector<1x512xf32> to vector<512x512xf32>
      %min3A_407 = arith.minimumf %min3A_405, %min3A_406 : vector<512x512xf32>
      %sub3A_408 = arith.subf %min3A_403, %max3A_395 : vector<512x512xf32>
      %jit3A_409 = arith.constant 0.000000e+00 : f32
      %max3A_410 = vector.broadcast %jit3A_409 : f32 to vector<512x512xf32>
      %max3A_411 = arith.maximumf %max3A_410, %sub3A_408 : vector<512x512xf32>
      %sub3A_412 = arith.subf %min3A_407, %max3A_399 : vector<512x512xf32>
      %jit3A_413 = arith.constant 0.000000e+00 : f32
      %max3A_414 = vector.broadcast %jit3A_413 : f32 to vector<512x512xf32>
      %max3A_415 = arith.maximumf %max3A_414, %sub3A_412 : vector<512x512xf32>
      %mul3A_416 = arith.mulf %max3A_411, %max3A_415 : vector<512x512xf32>
      %slice3A_417 = vector.extract_strided_slice %mul3A_38 {offsets = [0, 2048], sizes = [1, 512], strides = [1, 1]} : vector<1x4096xf32> to vector<1x512xf32>
      %add3A_418 = vector.broadcast %mul3A_340 : vector<512x1xf32> to vector<512x512xf32>
      %add3A_419 = vector.broadcast %slice3A_417 : vector<1x512xf32> to vector<512x512xf32>
      %add3A_420 = arith.addf %add3A_418, %add3A_419 : vector<512x512xf32>
      %sub3A_421 = arith.subf %add3A_420, %mul3A_416 : vector<512x512xf32>
      %add3A_422 = arith.constant 9.99999997E-7 : f32
      %add3A_423 = vector.broadcast %add3A_422 : f32 to vector<512x512xf32>
      %add3A_424 = arith.addf %sub3A_421, %add3A_423 : vector<512x512xf32>
      %div3A_425 = arith.divf %mul3A_416, %add3A_424 : vector<512x512xf32>
      %gt3A_426 = arith.constant 0.699999988 : f32
      %gt3A_427 = vector.broadcast %gt3A_426 : f32 to vector<512x512xf32>
      %gt3A_428 = arith.cmpf ogt, %div3A_425, %gt3A_427 : vector<512x512xf32>
      %gt3A_429 = arith.constant 0.000000e+00 : f32
      %gt3A_430 = vector.broadcast %gt3A_429 : f32 to vector<512x1xf32>
      %gt3A_431 = arith.cmpf ogt, %transpose3A_391, %gt3A_430 : vector<512x1xf32>
      %and3A_432 = vector.broadcast %gt3A_431 : vector<512x1xi1> to vector<512x512xi1>
      %and3A_433 = arith.andi %gt3A_428, %and3A_432 : vector<512x512xi1>
      %jit3A_434 = arith.constant 1.000000e+00 : f32
      %jit3A_435 = arith.constant 0.000000e+00 : f32
      %broadcast_in_dim3A_436 = vector.broadcast %jit3A_434 : f32 to vector<512x512xf32>
      %broadcast_in_dim3A_437 = vector.broadcast %jit3A_435 : f32 to vector<512x512xf32>
      %select_n3A_438 = arith.select %and3A_433, %broadcast_in_dim3A_436, %broadcast_in_dim3A_437 : vector<512x512xi1>, vector<512x512xf32>
      %reduce_max3A = arith.constant dense<0xFF800000> : vector<512xf32>
      %reduce_max3A_439 = vector.multi_reduction <maximumf>, %select_n3A_438, %reduce_max3A [0] : vector<512x512xf32> to vector<512xf32>
      %broadcast_in_dim3A_440 = vector.shape_cast %reduce_max3A_439 : vector<512xf32> to vector<1x512xf32>
      %get3A_441 = arith.constant 0 : index
      %get3A_442 = arith.constant 2048 : index
      %get3A_443 = vector.load %arg7[%get3A_441, %get3A_442] : memref<1x4096xf32, #tpu.memory_space<vmem>>, vector<1x512xf32>
      %sub3A_444 = arith.constant 1.000000e+00 : f32
      %sub3A_445 = vector.broadcast %sub3A_444 : f32 to vector<1x512xf32>
      %sub3A_446 = arith.subf %sub3A_445, %broadcast_in_dim3A_440 : vector<1x512xf32>
      %mul3A_447 = arith.mulf %get3A_443, %sub3A_446 : vector<1x512xf32>
      %swap3A_448 = arith.constant 0 : index
      %swap3A_449 = arith.constant 2048 : index
      %swap3A_450 = vector.load %arg7[%swap3A_448, %swap3A_449] : memref<1x4096xf32, #tpu.memory_space<vmem>>, vector<1x512xf32>
      tpu.vector_store %arg7[%swap3A_448, %swap3A_449], %mul3A_447 {strides = array<i32>} : memref<1x4096xf32, #tpu.memory_space<vmem>>, vector<1x512xf32>,
      %slice3A_451 = vector.extract_strided_slice %sub3A {offsets = [0, 2560], sizes = [1, 512], strides = [1, 1]} : vector<1x4096xf32> to vector<1x512xf32>
      %max3A_452 = vector.broadcast %sub3A_319 : vector<512x1xf32> to vector<512x512xf32>
      %max3A_453 = vector.broadcast %slice3A_451 : vector<1x512xf32> to vector<512x512xf32>
      %max3A_454 = arith.maximumf %max3A_452, %max3A_453 : vector<512x512xf32>
      %slice3A_455 = vector.extract_strided_slice %sub3A_31 {offsets = [0, 2560], sizes = [1, 512], strides = [1, 1]} : vector<1x4096xf32> to vector<1x512xf32>
      %max3A_456 = vector.broadcast %sub3A_331 : vector<512x1xf32> to vector<512x512xf32>
      %max3A_457 = vector.broadcast %slice3A_455 : vector<1x512xf32> to vector<512x512xf32>
      %max3A_458 = arith.maximumf %max3A_456, %max3A_457 : vector<512x512xf32>
      %slice3A_459 = vector.extract_strided_slice %add3A {offsets = [0, 2560], sizes = [1, 512], strides = [1, 1]} : vector<1x4096xf32> to vector<1x512xf32>
      %min3A_460 = vector.broadcast %add3A_325 : vector<512x1xf32> to vector<512x512xf32>
      %min3A_461 = vector.broadcast %slice3A_459 : vector<1x512xf32> to vector<512x512xf32>
      %min3A_462 = arith.minimumf %min3A_460, %min3A_461 : vector<512x512xf32>
      %slice3A_463 = vector.extract_strided_slice %add3A_35 {offsets = [0, 2560], sizes = [1, 512], strides = [1, 1]} : vector<1x4096xf32> to vector<1x512xf32>
      %min3A_464 = vector.broadcast %add3A_337 : vector<512x1xf32> to vector<512x512xf32>
      %min3A_465 = vector.broadcast %slice3A_463 : vector<1x512xf32> to vector<512x512xf32>
      %min3A_466 = arith.minimumf %min3A_464, %min3A_465 : vector<512x512xf32>
      %sub3A_467 = arith.subf %min3A_462, %max3A_454 : vector<512x512xf32>
      %jit3A_468 = arith.constant 0.000000e+00 : f32
      %max3A_469 = vector.broadcast %jit3A_468 : f32 to vector<512x512xf32>
      %max3A_470 = arith.maximumf %max3A_469, %sub3A_467 : vector<512x512xf32>
      %sub3A_471 = arith.subf %min3A_466, %max3A_458 : vector<512x512xf32>
      %jit3A_472 = arith.constant 0.000000e+00 : f32
      %max3A_473 = vector.broadcast %jit3A_472 : f32 to vector<512x512xf32>
      %max3A_474 = arith.maximumf %max3A_473, %sub3A_471 : vector<512x512xf32>
      %mul3A_475 = arith.mulf %max3A_470, %max3A_474 : vector<512x512xf32>
      %slice3A_476 = vector.extract_strided_slice %mul3A_38 {offsets = [0, 2560], sizes = [1, 512], strides = [1, 1]} : vector<1x4096xf32> to vector<1x512xf32>
      %add3A_477 = vector.broadcast %mul3A_340 : vector<512x1xf32> to vector<512x512xf32>
      %add3A_478 = vector.broadcast %slice3A_476 : vector<1x512xf32> to vector<512x512xf32>
      %add3A_479 = arith.addf %add3A_477, %add3A_478 : vector<512x512xf32>
      %sub3A_480 = arith.subf %add3A_479, %mul3A_475 : vector<512x512xf32>
      %add3A_481 = arith.constant 9.99999997E-7 : f32
      %add3A_482 = vector.broadcast %add3A_481 : f32 to vector<512x512xf32>
      %add3A_483 = arith.addf %sub3A_480, %add3A_482 : vector<512x512xf32>
      %div3A_484 = arith.divf %mul3A_475, %add3A_483 : vector<512x512xf32>
      %gt3A_485 = arith.constant 0.699999988 : f32
      %gt3A_486 = vector.broadcast %gt3A_485 : f32 to vector<512x512xf32>
      %gt3A_487 = arith.cmpf ogt, %div3A_484, %gt3A_486 : vector<512x512xf32>
      %gt3A_488 = arith.constant 0.000000e+00 : f32
      %gt3A_489 = vector.broadcast %gt3A_488 : f32 to vector<512x1xf32>
      %gt3A_490 = arith.cmpf ogt, %transpose3A_391, %gt3A_489 : vector<512x1xf32>
      %and3A_491 = vector.broadcast %gt3A_490 : vector<512x1xi1> to vector<512x512xi1>
      %and3A_492 = arith.andi %gt3A_487, %and3A_491 : vector<512x512xi1>
      %jit3A_493 = arith.constant 1.000000e+00 : f32
      %jit3A_494 = arith.constant 0.000000e+00 : f32
      %broadcast_in_dim3A_495 = vector.broadcast %jit3A_493 : f32 to vector<512x512xf32>
      %broadcast_in_dim3A_496 = vector.broadcast %jit3A_494 : f32 to vector<512x512xf32>
      %select_n3A_497 = arith.select %and3A_492, %broadcast_in_dim3A_495, %broadcast_in_dim3A_496 : vector<512x512xi1>, vector<512x512xf32>
      %reduce_max3A_498 = arith.constant dense<0xFF800000> : vector<512xf32>
      %reduce_max3A_499 = vector.multi_reduction <maximumf>, %select_n3A_497, %reduce_max3A_498 [0] : vector<512x512xf32> to vector<512xf32>
      %broadcast_in_dim3A_500 = vector.shape_cast %reduce_max3A_499 : vector<512xf32> to vector<1x512xf32>
      %get3A_501 = arith.constant 0 : index
      %get3A_502 = arith.constant 2560 : index
      %get3A_503 = vector.load %arg7[%get3A_501, %get3A_502] : memref<1x4096xf32, #tpu.memory_space<vmem>>, vector<1x512xf32>
      %sub3A_504 = arith.constant 1.000000e+00 : f32
      %sub3A_505 = vector.broadcast %sub3A_504 : f32 to vector<1x512xf32>
      %sub3A_506 = arith.subf %sub3A_505, %broadcast_in_dim3A_500 : vector<1x512xf32>
      %mul3A_507 = arith.mulf %get3A_503, %sub3A_506 : vector<1x512xf32>
      %swap3A_508 = arith.constant 0 : index
      %swap3A_509 = arith.constant 2560 : index
      %swap3A_510 = vector.load %arg7[%swap3A_508, %swap3A_509] : memref<1x4096xf32, #tpu.memory_space<vmem>>, vector<1x512xf32>
      tpu.vector_store %arg7[%swap3A_508, %swap3A_509], %mul3A_507 {strides = array<i32>} : memref<1x4096xf32, #tpu.memory_space<vmem>>, vector<1x512xf32>,
      %slice3A_511 = vector.extract_strided_slice %sub3A {offsets = [0, 3072], sizes = [1, 512], strides = [1, 1]} : vector<1x4096xf32> to vector<1x512xf32>
      %max3A_512 = vector.broadcast %sub3A_319 : vector<512x1xf32> to vector<512x512xf32>
      %max3A_513 = vector.broadcast %slice3A_511 : vector<1x512xf32> to vector<512x512xf32>
      %max3A_514 = arith.maximumf %max3A_512, %max3A_513 : vector<512x512xf32>
      %slice3A_515 = vector.extract_strided_slice %sub3A_31 {offsets = [0, 3072], sizes = [1, 512], strides = [1, 1]} : vector<1x4096xf32> to vector<1x512xf32>
      %max3A_516 = vector.broadcast %sub3A_331 : vector<512x1xf32> to vector<512x512xf32>
      %max3A_517 = vector.broadcast %slice3A_515 : vector<1x512xf32> to vector<512x512xf32>
      %max3A_518 = arith.maximumf %max3A_516, %max3A_517 : vector<512x512xf32>
      %slice3A_519 = vector.extract_strided_slice %add3A {offsets = [0, 3072], sizes = [1, 512], strides = [1, 1]} : vector<1x4096xf32> to vector<1x512xf32>
      %min3A_520 = vector.broadcast %add3A_325 : vector<512x1xf32> to vector<512x512xf32>
      %min3A_521 = vector.broadcast %slice3A_519 : vector<1x512xf32> to vector<512x512xf32>
      %min3A_522 = arith.minimumf %min3A_520, %min3A_521 : vector<512x512xf32>
      %slice3A_523 = vector.extract_strided_slice %add3A_35 {offsets = [0, 3072], sizes = [1, 512], strides = [1, 1]} : vector<1x4096xf32> to vector<1x512xf32>
      %min3A_524 = vector.broadcast %add3A_337 : vector<512x1xf32> to vector<512x512xf32>
      %min3A_525 = vector.broadcast %slice3A_523 : vector<1x512xf32> to vector<512x512xf32>
      %min3A_526 = arith.minimumf %min3A_524, %min3A_525 : vector<512x512xf32>
      %sub3A_527 = arith.subf %min3A_522, %max3A_514 : vector<512x512xf32>
      %jit3A_528 = arith.constant 0.000000e+00 : f32
      %max3A_529 = vector.broadcast %jit3A_528 : f32 to vector<512x512xf32>
      %max3A_530 = arith.maximumf %max3A_529, %sub3A_527 : vector<512x512xf32>
      %sub3A_531 = arith.subf %min3A_526, %max3A_518 : vector<512x512xf32>
      %jit3A_532 = arith.constant 0.000000e+00 : f32
      %max3A_533 = vector.broadcast %jit3A_532 : f32 to vector<512x512xf32>
      %max3A_534 = arith.maximumf %max3A_533, %sub3A_531 : vector<512x512xf32>
      %mul3A_535 = arith.mulf %max3A_530, %max3A_534 : vector<512x512xf32>
      %slice3A_536 = vector.extract_strided_slice %mul3A_38 {offsets = [0, 3072], sizes = [1, 512], strides = [1, 1]} : vector<1x4096xf32> to vector<1x512xf32>
      %add3A_537 = vector.broadcast %mul3A_340 : vector<512x1xf32> to vector<512x512xf32>
      %add3A_538 = vector.broadcast %slice3A_536 : vector<1x512xf32> to vector<512x512xf32>
      %add3A_539 = arith.addf %add3A_537, %add3A_538 : vector<512x512xf32>
      %sub3A_540 = arith.subf %add3A_539, %mul3A_535 : vector<512x512xf32>
      %add3A_541 = arith.constant 9.99999997E-7 : f32
      %add3A_542 = vector.broadcast %add3A_541 : f32 to vector<512x512xf32>
      %add3A_543 = arith.addf %sub3A_540, %add3A_542 : vector<512x512xf32>
      %div3A_544 = arith.divf %mul3A_535, %add3A_543 : vector<512x512xf32>
      %gt3A_545 = arith.constant 0.699999988 : f32
      %gt3A_546 = vector.broadcast %gt3A_545 : f32 to vector<512x512xf32>
      %gt3A_547 = arith.cmpf ogt, %div3A_544, %gt3A_546 : vector<512x512xf32>
      %gt3A_548 = arith.constant 0.000000e+00 : f32
      %gt3A_549 = vector.broadcast %gt3A_548 : f32 to vector<512x1xf32>
      %gt3A_550 = arith.cmpf ogt, %transpose3A_391, %gt3A_549 : vector<512x1xf32>
      %and3A_551 = vector.broadcast %gt3A_550 : vector<512x1xi1> to vector<512x512xi1>
      %and3A_552 = arith.andi %gt3A_547, %and3A_551 : vector<512x512xi1>
      %jit3A_553 = arith.constant 1.000000e+00 : f32
      %jit3A_554 = arith.constant 0.000000e+00 : f32
      %broadcast_in_dim3A_555 = vector.broadcast %jit3A_553 : f32 to vector<512x512xf32>
      %broadcast_in_dim3A_556 = vector.broadcast %jit3A_554 : f32 to vector<512x512xf32>
      %select_n3A_557 = arith.select %and3A_552, %broadcast_in_dim3A_555, %broadcast_in_dim3A_556 : vector<512x512xi1>, vector<512x512xf32>
      %reduce_max3A_558 = arith.constant dense<0xFF800000> : vector<512xf32>
      %reduce_max3A_559 = vector.multi_reduction <maximumf>, %select_n3A_557, %reduce_max3A_558 [0] : vector<512x512xf32> to vector<512xf32>
      %broadcast_in_dim3A_560 = vector.shape_cast %reduce_max3A_559 : vector<512xf32> to vector<1x512xf32>
      %get3A_561 = arith.constant 0 : index
      %get3A_562 = arith.constant 3072 : index
      %get3A_563 = vector.load %arg7[%get3A_561, %get3A_562] : memref<1x4096xf32, #tpu.memory_space<vmem>>, vector<1x512xf32>
      %sub3A_564 = arith.constant 1.000000e+00 : f32
      %sub3A_565 = vector.broadcast %sub3A_564 : f32 to vector<1x512xf32>
      %sub3A_566 = arith.subf %sub3A_565, %broadcast_in_dim3A_560 : vector<1x512xf32>
      %mul3A_567 = arith.mulf %get3A_563, %sub3A_566 : vector<1x512xf32>
      %swap3A_568 = arith.constant 0 : index
      %swap3A_569 = arith.constant 3072 : index
      %swap3A_570 = vector.load %arg7[%swap3A_568, %swap3A_569] : memref<1x4096xf32, #tpu.memory_space<vmem>>, vector<1x512xf32>
      tpu.vector_store %arg7[%swap3A_568, %swap3A_569], %mul3A_567 {strides = array<i32>} : memref<1x4096xf32, #tpu.memory_space<vmem>>, vector<1x512xf32>,
      %slice3A_571 = vector.extract_strided_slice %sub3A {offsets = [0, 3584], sizes = [1, 512], strides = [1, 1]} : vector<1x4096xf32> to vector<1x512xf32>
      %max3A_572 = vector.broadcast %sub3A_319 : vector<512x1xf32> to vector<512x512xf32>
      %max3A_573 = vector.broadcast %slice3A_571 : vector<1x512xf32> to vector<512x512xf32>
      %max3A_574 = arith.maximumf %max3A_572, %max3A_573 : vector<512x512xf32>
      %slice3A_575 = vector.extract_strided_slice %sub3A_31 {offsets = [0, 3584], sizes = [1, 512], strides = [1, 1]} : vector<1x4096xf32> to vector<1x512xf32>
      %max3A_576 = vector.broadcast %sub3A_331 : vector<512x1xf32> to vector<512x512xf32>
      %max3A_577 = vector.broadcast %slice3A_575 : vector<1x512xf32> to vector<512x512xf32>
      %max3A_578 = arith.maximumf %max3A_576, %max3A_577 : vector<512x512xf32>
      %slice3A_579 = vector.extract_strided_slice %add3A {offsets = [0, 3584], sizes = [1, 512], strides = [1, 1]} : vector<1x4096xf32> to vector<1x512xf32>
      %min3A_580 = vector.broadcast %add3A_325 : vector<512x1xf32> to vector<512x512xf32>
      %min3A_581 = vector.broadcast %slice3A_579 : vector<1x512xf32> to vector<512x512xf32>
      %min3A_582 = arith.minimumf %min3A_580, %min3A_581 : vector<512x512xf32>
      %slice3A_583 = vector.extract_strided_slice %add3A_35 {offsets = [0, 3584], sizes = [1, 512], strides = [1, 1]} : vector<1x4096xf32> to vector<1x512xf32>
      %min3A_584 = vector.broadcast %add3A_337 : vector<512x1xf32> to vector<512x512xf32>
      %min3A_585 = vector.broadcast %slice3A_583 : vector<1x512xf32> to vector<512x512xf32>
      %min3A_586 = arith.minimumf %min3A_584, %min3A_585 : vector<512x512xf32>
      %sub3A_587 = arith.subf %min3A_582, %max3A_574 : vector<512x512xf32>
      %jit3A_588 = arith.constant 0.000000e+00 : f32
      %max3A_589 = vector.broadcast %jit3A_588 : f32 to vector<512x512xf32>
      %max3A_590 = arith.maximumf %max3A_589, %sub3A_587 : vector<512x512xf32>
      %sub3A_591 = arith.subf %min3A_586, %max3A_578 : vector<512x512xf32>
      %jit3A_592 = arith.constant 0.000000e+00 : f32
      %max3A_593 = vector.broadcast %jit3A_592 : f32 to vector<512x512xf32>
      %max3A_594 = arith.maximumf %max3A_593, %sub3A_591 : vector<512x512xf32>
      %mul3A_595 = arith.mulf %max3A_590, %max3A_594 : vector<512x512xf32>
      %slice3A_596 = vector.extract_strided_slice %mul3A_38 {offsets = [0, 3584], sizes = [1, 512], strides = [1, 1]} : vector<1x4096xf32> to vector<1x512xf32>
      %add3A_597 = vector.broadcast %mul3A_340 : vector<512x1xf32> to vector<512x512xf32>
      %add3A_598 = vector.broadcast %slice3A_596 : vector<1x512xf32> to vector<512x512xf32>
      %add3A_599 = arith.addf %add3A_597, %add3A_598 : vector<512x512xf32>
      %sub3A_600 = arith.subf %add3A_599, %mul3A_595 : vector<512x512xf32>
      %add3A_601 = arith.constant 9.99999997E-7 : f32
      %add3A_602 = vector.broadcast %add3A_601 : f32 to vector<512x512xf32>
      %add3A_603 = arith.addf %sub3A_600, %add3A_602 : vector<512x512xf32>
      %div3A_604 = arith.divf %mul3A_595, %add3A_603 : vector<512x512xf32>
      %gt3A_605 = arith.constant 0.699999988 : f32
      %gt3A_606 = vector.broadcast %gt3A_605 : f32 to vector<512x512xf32>
      %gt3A_607 = arith.cmpf ogt, %div3A_604, %gt3A_606 : vector<512x512xf32>
      %gt3A_608 = arith.constant 0.000000e+00 : f32
      %gt3A_609 = vector.broadcast %gt3A_608 : f32 to vector<512x1xf32>
      %gt3A_610 = arith.cmpf ogt, %transpose3A_391, %gt3A_609 : vector<512x1xf32>
      %and3A_611 = vector.broadcast %gt3A_610 : vector<512x1xi1> to vector<512x512xi1>
      %and3A_612 = arith.andi %gt3A_607, %and3A_611 : vector<512x512xi1>
      %jit3A_613 = arith.constant 1.000000e+00 : f32
      %jit3A_614 = arith.constant 0.000000e+00 : f32
      %broadcast_in_dim3A_615 = vector.broadcast %jit3A_613 : f32 to vector<512x512xf32>
      %broadcast_in_dim3A_616 = vector.broadcast %jit3A_614 : f32 to vector<512x512xf32>
      %select_n3A_617 = arith.select %and3A_612, %broadcast_in_dim3A_615, %broadcast_in_dim3A_616 : vector<512x512xi1>, vector<512x512xf32>
      %reduce_max3A_618 = arith.constant dense<0xFF800000> : vector<512xf32>
      %reduce_max3A_619 = vector.multi_reduction <maximumf>, %select_n3A_617, %reduce_max3A_618 [0] : vector<512x512xf32> to vector<512xf32>
      %broadcast_in_dim3A_620 = vector.shape_cast %reduce_max3A_619 : vector<512xf32> to vector<1x512xf32>
      %get3A_621 = arith.constant 0 : index
      %get3A_622 = arith.constant 3584 : index
      %get3A_623 = vector.load %arg7[%get3A_621, %get3A_622] : memref<1x4096xf32, #tpu.memory_space<vmem>>, vector<1x512xf32>
      %sub3A_624 = arith.constant 1.000000e+00 : f32
      %sub3A_625 = vector.broadcast %sub3A_624 : f32 to vector<1x512xf32>
      %sub3A_626 = arith.subf %sub3A_625, %broadcast_in_dim3A_620 : vector<1x512xf32>
      %mul3A_627 = arith.mulf %get3A_623, %sub3A_626 : vector<1x512xf32>
      %swap3A_628 = arith.constant 0 : index
      %swap3A_629 = arith.constant 3584 : index
      %swap3A_630 = vector.load %arg7[%swap3A_628, %swap3A_629] : memref<1x4096xf32, #tpu.memory_space<vmem>>, vector<1x512xf32>
      tpu.vector_store %arg7[%swap3A_628, %swap3A_629], %mul3A_627 {strides = array<i32>} : memref<1x4096xf32, #tpu.memory_space<vmem>>, vector<1x512xf32>,
    } else {
    }
    %get3A_96 = arith.constant 0 : index
    %get3A_97 = arith.constant 0 : index
    %get3A_98 = vector.load %arg8[%get3A_96, %get3A_97] : memref<1x4096xf32, #tpu.memory_space<vmem>>, vector<1x4096xf32>
    %reduce_sum3A_99 = vector.shape_cast %get3A_98 : vector<1x4096xf32> to vector<1x1x4096xf32>
    %reduce_sum3A_100 = arith.constant dense<0.000000e+00> : vector<1xf32>
    %reduce_sum3A_101 = vector.multi_reduction <add>, %reduce_sum3A_99, %reduce_sum3A_100 [1, 2] : vector<1x1x4096xf32> to vector<1xf32>
    %reduce_sum3A_102 = vector.shape_cast %reduce_sum3A_101 : vector<1xf32> to vector<1x1x1xf32>
    %reduce_sum3A_103 = vector.extract %reduce_sum3A_102[0, 0, 0] : f32 from vector<1x1x1xf32>
    %lt3A_104 = arith.constant 5.120000e+02 : f32
    %lt3A_105 = arith.cmpf olt, %reduce_sum3A_103, %lt3A_104 : f32
    %convert_element_type3A_106 = arith.extui %lt3A_105 : i1 to i32
    %cond3A_107 = arith.constant 0 : i32
    %cond3A_108 = arith.cmpi ne, %convert_element_type3A_106, %cond3A_107 : i32
    scf.if %cond3A_108 {
      %slice3A_313 = vector.extract_strided_slice %get3A_3 {offsets = [0, 2048], sizes = [8, 512], strides = [1, 1]} : vector<8x4096xf32> to vector<8x512xf32>
      %transpose3A = tpu.transpose %slice3A_313, [1, 0] : vector<8x512xf32> -> vector<512x8xf32>
      %slice3A_314 = vector.extract_strided_slice %transpose3A {offsets = [0, 0], sizes = [512, 1], strides = [1, 1]} : vector<512x8xf32> to vector<512x1xf32>
      %slice3A_315 = vector.extract_strided_slice %transpose3A {offsets = [0, 3], sizes = [512, 1], strides = [1, 1]} : vector<512x8xf32> to vector<512x1xf32>
      %mul3A_316 = arith.constant 5.000000e-01 : f32
      %mul3A_317 = vector.broadcast %mul3A_316 : f32 to vector<512x1xf32>
      %mul3A_318 = arith.mulf %slice3A_315, %mul3A_317 : vector<512x1xf32>
      %sub3A_319 = arith.subf %slice3A_314, %mul3A_318 : vector<512x1xf32>
      %slice3A_320 = vector.extract_strided_slice %transpose3A {offsets = [0, 0], sizes = [512, 1], strides = [1, 1]} : vector<512x8xf32> to vector<512x1xf32>
      %slice3A_321 = vector.extract_strided_slice %transpose3A {offsets = [0, 3], sizes = [512, 1], strides = [1, 1]} : vector<512x8xf32> to vector<512x1xf32>
      %mul3A_322 = arith.constant 5.000000e-01 : f32
      %mul3A_323 = vector.broadcast %mul3A_322 : f32 to vector<512x1xf32>
      %mul3A_324 = arith.mulf %slice3A_321, %mul3A_323 : vector<512x1xf32>
      %add3A_325 = arith.addf %slice3A_320, %mul3A_324 : vector<512x1xf32>
      %slice3A_326 = vector.extract_strided_slice %transpose3A {offsets = [0, 1], sizes = [512, 1], strides = [1, 1]} : vector<512x8xf32> to vector<512x1xf32>
      %slice3A_327 = vector.extract_strided_slice %transpose3A {offsets = [0, 4], sizes = [512, 1], strides = [1, 1]} : vector<512x8xf32> to vector<512x1xf32>
      %mul3A_328 = arith.constant 5.000000e-01 : f32
      %mul3A_329 = vector.broadcast %mul3A_328 : f32 to vector<512x1xf32>
      %mul3A_330 = arith.mulf %slice3A_327, %mul3A_329 : vector<512x1xf32>
      %sub3A_331 = arith.subf %slice3A_326, %mul3A_330 : vector<512x1xf32>
      %slice3A_332 = vector.extract_strided_slice %transpose3A {offsets = [0, 1], sizes = [512, 1], strides = [1, 1]} : vector<512x8xf32> to vector<512x1xf32>
      %slice3A_333 = vector.extract_strided_slice %transpose3A {offsets = [0, 4], sizes = [512, 1], strides = [1, 1]} : vector<512x8xf32> to vector<512x1xf32>
      %mul3A_334 = arith.constant 5.000000e-01 : f32
      %mul3A_335 = vector.broadcast %mul3A_334 : f32 to vector<512x1xf32>
      %mul3A_336 = arith.mulf %slice3A_333, %mul3A_335 : vector<512x1xf32>
      %add3A_337 = arith.addf %slice3A_332, %mul3A_336 : vector<512x1xf32>
      %sub3A_338 = arith.subf %add3A_325, %sub3A_319 : vector<512x1xf32>
      %sub3A_339 = arith.subf %add3A_337, %sub3A_331 : vector<512x1xf32>
      %mul3A_340 = arith.mulf %sub3A_338, %sub3A_339 : vector<512x1xf32>
      %slice3A_341 = vector.extract_strided_slice %sub3A {offsets = [0, 2048], sizes = [1, 512], strides = [1, 1]} : vector<1x4096xf32> to vector<1x512xf32>
      %slice3A_342 = vector.extract_strided_slice %add3A {offsets = [0, 2048], sizes = [1, 512], strides = [1, 1]} : vector<1x4096xf32> to vector<1x512xf32>
      %slice3A_343 = vector.extract_strided_slice %sub3A_31 {offsets = [0, 2048], sizes = [1, 512], strides = [1, 1]} : vector<1x4096xf32> to vector<1x512xf32>
      %slice3A_344 = vector.extract_strided_slice %add3A_35 {offsets = [0, 2048], sizes = [1, 512], strides = [1, 1]} : vector<1x4096xf32> to vector<1x512xf32>
      %slice3A_345 = vector.extract_strided_slice %mul3A_38 {offsets = [0, 2048], sizes = [1, 512], strides = [1, 1]} : vector<1x4096xf32> to vector<1x512xf32>
      %get3A_346 = arith.constant 0 : index
      %get3A_347 = arith.constant 2048 : index
      %get3A_348 = vector.load %arg7[%get3A_346, %get3A_347] : memref<1x4096xf32, #tpu.memory_space<vmem>>, vector<1x512xf32>
      %max3A = vector.broadcast %sub3A_319 : vector<512x1xf32> to vector<512x512xf32>
      %max3A_349 = vector.broadcast %slice3A_341 : vector<1x512xf32> to vector<512x512xf32>
      %max3A_350 = arith.maximumf %max3A, %max3A_349 : vector<512x512xf32>
      %max3A_351 = vector.broadcast %sub3A_331 : vector<512x1xf32> to vector<512x512xf32>
      %max3A_352 = vector.broadcast %slice3A_343 : vector<1x512xf32> to vector<512x512xf32>
      %max3A_353 = arith.maximumf %max3A_351, %max3A_352 : vector<512x512xf32>
      %min3A = vector.broadcast %add3A_325 : vector<512x1xf32> to vector<512x512xf32>
      %min3A_354 = vector.broadcast %slice3A_342 : vector<1x512xf32> to vector<512x512xf32>
      %min3A_355 = arith.minimumf %min3A, %min3A_354 : vector<512x512xf32>
      %min3A_356 = vector.broadcast %add3A_337 : vector<512x1xf32> to vector<512x512xf32>
      %min3A_357 = vector.broadcast %slice3A_344 : vector<1x512xf32> to vector<512x512xf32>
      %min3A_358 = arith.minimumf %min3A_356, %min3A_357 : vector<512x512xf32>
      %sub3A_359 = arith.subf %min3A_355, %max3A_350 : vector<512x512xf32>
      %jit3A_360 = arith.constant 0.000000e+00 : f32
      %max3A_361 = vector.broadcast %jit3A_360 : f32 to vector<512x512xf32>
      %max3A_362 = arith.maximumf %max3A_361, %sub3A_359 : vector<512x512xf32>
      %sub3A_363 = arith.subf %min3A_358, %max3A_353 : vector<512x512xf32>
      %jit3A_364 = arith.constant 0.000000e+00 : f32
      %max3A_365 = vector.broadcast %jit3A_364 : f32 to vector<512x512xf32>
      %max3A_366 = arith.maximumf %max3A_365, %sub3A_363 : vector<512x512xf32>
      %mul3A_367 = arith.mulf %max3A_362, %max3A_366 : vector<512x512xf32>
      %add3A_368 = vector.broadcast %mul3A_340 : vector<512x1xf32> to vector<512x512xf32>
      %add3A_369 = vector.broadcast %slice3A_345 : vector<1x512xf32> to vector<512x512xf32>
      %add3A_370 = arith.addf %add3A_368, %add3A_369 : vector<512x512xf32>
      %sub3A_371 = arith.subf %add3A_370, %mul3A_367 : vector<512x512xf32>
      %add3A_372 = arith.constant 9.99999997E-7 : f32
      %add3A_373 = vector.broadcast %add3A_372 : f32 to vector<512x512xf32>
      %add3A_374 = arith.addf %sub3A_371, %add3A_373 : vector<512x512xf32>
      %div3A = arith.divf %mul3A_367, %add3A_374 : vector<512x512xf32>
      %iota3A_375 = tpu.iota {dimensions = array<i32: 0>} : vector<512x512xi32>
      %iota3A_376 = tpu.iota {dimensions = array<i32: 1>} : vector<512x512xi32>
      %gt3A_377 = arith.constant 0.699999988 : f32
      %gt3A_378 = vector.broadcast %gt3A_377 : f32 to vector<512x512xf32>
      %gt3A_379 = arith.cmpf ogt, %div3A, %gt3A_378 : vector<512x512xf32>
      %lt3A_380 = arith.cmpi slt, %iota3A_375, %iota3A_376 : vector<512x512xi32>
      %and3A_381 = arith.andi %gt3A_379, %lt3A_380 : vector<512x512xi1>
      %jit3A_382 = arith.constant 1.000000e+00 : f32
      %jit3A_383 = arith.constant 0.000000e+00 : f32
      %broadcast_in_dim3A_384 = vector.broadcast %jit3A_382 : f32 to vector<512x512xf32>
      %broadcast_in_dim3A_385 = vector.broadcast %jit3A_383 : f32 to vector<512x512xf32>
      %select_n3A_386 = arith.select %and3A_381, %broadcast_in_dim3A_384, %broadcast_in_dim3A_385 : vector<512x512xi1>, vector<512x512xf32>
      %while3A = arith.constant false
      %while3A_387:2 = scf.while (%while3A_571 = %get3A_348, %while3A_572 = %while3A) : (vector<1x512xf32>, i1) -> (vector<1x512xf32>, i1) {
        %not3A = arith.constant true
        %not3A_573 = arith.xori %while3A_572, %not3A : i1
        scf.condition(%not3A_573) %while3A_571, %while3A_572 : vector<1x512xf32>, i1
      } do {
      ^bb0(%while3A_571: vector<1x512xf32>, %while3A_572: i1):
        %dot_general3A_573 = arith.constant dense<0.000000e+00> : vector<1x512xf32>
        %dot_general3A_574 = tpu.matmul %while3A_571, %select_n3A_386, %dot_general3A_573 {dimension_numbers = #tpu.dot_dimension_numbers<[1], [0], [0], [1], [0, 0, 1, 1], [], []>, transpose_lhs_hint = false} : vector<1x512xf32>, vector<512x512xf32>, vector<1x512xf32> -> vector<1x512xf32>
        %gt3A_575 = arith.constant 0.000000e+00 : f32
        %gt3A_576 = vector.broadcast %gt3A_575 : f32 to vector<1x512xf32>
        %gt3A_577 = arith.cmpf ogt, %dot_general3A_574, %gt3A_576 : vector<1x512xf32>
        %jit3A_578 = arith.constant 0.000000e+00 : f32
        %jit3A_579 = arith.constant 1.000000e+00 : f32
        %broadcast_in_dim3A_580 = vector.broadcast %jit3A_578 : f32 to vector<1x512xf32>
        %broadcast_in_dim3A_581 = vector.broadcast %jit3A_579 : f32 to vector<1x512xf32>
        %select_n3A_582 = arith.select %gt3A_577, %broadcast_in_dim3A_580, %broadcast_in_dim3A_581 : vector<1x512xi1>, vector<1x512xf32>
        %mul3A_583 = arith.mulf %get3A_348, %select_n3A_582 : vector<1x512xf32>
        %eq3A_584 = arith.cmpf oeq, %mul3A_583, %while3A_571 : vector<1x512xf32>
        %reduce_and3A = arith.constant 1.000000e+00 : f32
        %reduce_and3A_585 = arith.constant 0.000000e+00 : f32
        %reduce_and3A_586 = vector.broadcast %reduce_and3A : f32 to vector<1x512xf32>
        %reduce_and3A_587 = vector.broadcast %reduce_and3A_585 : f32 to vector<1x512xf32>
        %reduce_and3A_588 = arith.select %eq3A_584, %reduce_and3A_586, %reduce_and3A_587 : vector<1x512xi1>, vector<1x512xf32>
        %reduce_and3A_589 = vector.shape_cast %reduce_and3A_588 : vector<1x512xf32> to vector<1x1x512xf32>
        %reduce_and3A_590 = arith.constant dense<0x7F800000> : vector<1xf32>
        %reduce_and3A_591 = vector.multi_reduction <minimumf>, %reduce_and3A_589, %reduce_and3A_590 [1, 2] : vector<1x1x512xf32> to vector<1xf32>
        %reduce_and3A_592 = vector.shape_cast %reduce_and3A_591 : vector<1xf32> to vector<1x1x1xf32>
        %reduce_and3A_593 = vector.extract %reduce_and3A_592[0, 0, 0] : f32 from vector<1x1x1xf32>
        %reduce_and3A_594 = arith.constant 0.000000e+00 : f32
        %reduce_and3A_595 = arith.cmpf ogt, %reduce_and3A_593, %reduce_and3A_594 : f32
        scf.yield %mul3A_583, %reduce_and3A_595 : vector<1x512xf32>, i1
      }
      %swap3A_388 = arith.constant 0 : index
      %swap3A_389 = arith.constant 2048 : index
      %swap3A_390 = vector.load %arg8[%swap3A_388, %swap3A_389] : memref<1x4096xf32, #tpu.memory_space<vmem>>, vector<1x512xf32>
      tpu.vector_store %arg8[%swap3A_388, %swap3A_389], %while3A_387#0 {strides = array<i32>} : memref<1x4096xf32, #tpu.memory_space<vmem>>, vector<1x512xf32>,
      %transpose3A_391 = tpu.transpose %while3A_387#0, [1, 0] : vector<1x512xf32> -> vector<512x1xf32>
      %slice3A_392 = vector.extract_strided_slice %sub3A {offsets = [0, 2560], sizes = [1, 512], strides = [1, 1]} : vector<1x4096xf32> to vector<1x512xf32>
      %max3A_393 = vector.broadcast %sub3A_319 : vector<512x1xf32> to vector<512x512xf32>
      %max3A_394 = vector.broadcast %slice3A_392 : vector<1x512xf32> to vector<512x512xf32>
      %max3A_395 = arith.maximumf %max3A_393, %max3A_394 : vector<512x512xf32>
      %slice3A_396 = vector.extract_strided_slice %sub3A_31 {offsets = [0, 2560], sizes = [1, 512], strides = [1, 1]} : vector<1x4096xf32> to vector<1x512xf32>
      %max3A_397 = vector.broadcast %sub3A_331 : vector<512x1xf32> to vector<512x512xf32>
      %max3A_398 = vector.broadcast %slice3A_396 : vector<1x512xf32> to vector<512x512xf32>
      %max3A_399 = arith.maximumf %max3A_397, %max3A_398 : vector<512x512xf32>
      %slice3A_400 = vector.extract_strided_slice %add3A {offsets = [0, 2560], sizes = [1, 512], strides = [1, 1]} : vector<1x4096xf32> to vector<1x512xf32>
      %min3A_401 = vector.broadcast %add3A_325 : vector<512x1xf32> to vector<512x512xf32>
      %min3A_402 = vector.broadcast %slice3A_400 : vector<1x512xf32> to vector<512x512xf32>
      %min3A_403 = arith.minimumf %min3A_401, %min3A_402 : vector<512x512xf32>
      %slice3A_404 = vector.extract_strided_slice %add3A_35 {offsets = [0, 2560], sizes = [1, 512], strides = [1, 1]} : vector<1x4096xf32> to vector<1x512xf32>
      %min3A_405 = vector.broadcast %add3A_337 : vector<512x1xf32> to vector<512x512xf32>
      %min3A_406 = vector.broadcast %slice3A_404 : vector<1x512xf32> to vector<512x512xf32>
      %min3A_407 = arith.minimumf %min3A_405, %min3A_406 : vector<512x512xf32>
      %sub3A_408 = arith.subf %min3A_403, %max3A_395 : vector<512x512xf32>
      %jit3A_409 = arith.constant 0.000000e+00 : f32
      %max3A_410 = vector.broadcast %jit3A_409 : f32 to vector<512x512xf32>
      %max3A_411 = arith.maximumf %max3A_410, %sub3A_408 : vector<512x512xf32>
      %sub3A_412 = arith.subf %min3A_407, %max3A_399 : vector<512x512xf32>
      %jit3A_413 = arith.constant 0.000000e+00 : f32
      %max3A_414 = vector.broadcast %jit3A_413 : f32 to vector<512x512xf32>
      %max3A_415 = arith.maximumf %max3A_414, %sub3A_412 : vector<512x512xf32>
      %mul3A_416 = arith.mulf %max3A_411, %max3A_415 : vector<512x512xf32>
      %slice3A_417 = vector.extract_strided_slice %mul3A_38 {offsets = [0, 2560], sizes = [1, 512], strides = [1, 1]} : vector<1x4096xf32> to vector<1x512xf32>
      %add3A_418 = vector.broadcast %mul3A_340 : vector<512x1xf32> to vector<512x512xf32>
      %add3A_419 = vector.broadcast %slice3A_417 : vector<1x512xf32> to vector<512x512xf32>
      %add3A_420 = arith.addf %add3A_418, %add3A_419 : vector<512x512xf32>
      %sub3A_421 = arith.subf %add3A_420, %mul3A_416 : vector<512x512xf32>
      %add3A_422 = arith.constant 9.99999997E-7 : f32
      %add3A_423 = vector.broadcast %add3A_422 : f32 to vector<512x512xf32>
      %add3A_424 = arith.addf %sub3A_421, %add3A_423 : vector<512x512xf32>
      %div3A_425 = arith.divf %mul3A_416, %add3A_424 : vector<512x512xf32>
      %gt3A_426 = arith.constant 0.699999988 : f32
      %gt3A_427 = vector.broadcast %gt3A_426 : f32 to vector<512x512xf32>
      %gt3A_428 = arith.cmpf ogt, %div3A_425, %gt3A_427 : vector<512x512xf32>
      %gt3A_429 = arith.constant 0.000000e+00 : f32
      %gt3A_430 = vector.broadcast %gt3A_429 : f32 to vector<512x1xf32>
      %gt3A_431 = arith.cmpf ogt, %transpose3A_391, %gt3A_430 : vector<512x1xf32>
      %and3A_432 = vector.broadcast %gt3A_431 : vector<512x1xi1> to vector<512x512xi1>
      %and3A_433 = arith.andi %gt3A_428, %and3A_432 : vector<512x512xi1>
      %jit3A_434 = arith.constant 1.000000e+00 : f32
      %jit3A_435 = arith.constant 0.000000e+00 : f32
      %broadcast_in_dim3A_436 = vector.broadcast %jit3A_434 : f32 to vector<512x512xf32>
      %broadcast_in_dim3A_437 = vector.broadcast %jit3A_435 : f32 to vector<512x512xf32>
      %select_n3A_438 = arith.select %and3A_433, %broadcast_in_dim3A_436, %broadcast_in_dim3A_437 : vector<512x512xi1>, vector<512x512xf32>
      %reduce_max3A = arith.constant dense<0xFF800000> : vector<512xf32>
      %reduce_max3A_439 = vector.multi_reduction <maximumf>, %select_n3A_438, %reduce_max3A [0] : vector<512x512xf32> to vector<512xf32>
      %broadcast_in_dim3A_440 = vector.shape_cast %reduce_max3A_439 : vector<512xf32> to vector<1x512xf32>
      %get3A_441 = arith.constant 0 : index
      %get3A_442 = arith.constant 2560 : index
      %get3A_443 = vector.load %arg7[%get3A_441, %get3A_442] : memref<1x4096xf32, #tpu.memory_space<vmem>>, vector<1x512xf32>
      %sub3A_444 = arith.constant 1.000000e+00 : f32
      %sub3A_445 = vector.broadcast %sub3A_444 : f32 to vector<1x512xf32>
      %sub3A_446 = arith.subf %sub3A_445, %broadcast_in_dim3A_440 : vector<1x512xf32>
      %mul3A_447 = arith.mulf %get3A_443, %sub3A_446 : vector<1x512xf32>
      %swap3A_448 = arith.constant 0 : index
      %swap3A_449 = arith.constant 2560 : index
      %swap3A_450 = vector.load %arg7[%swap3A_448, %swap3A_449] : memref<1x4096xf32, #tpu.memory_space<vmem>>, vector<1x512xf32>
      tpu.vector_store %arg7[%swap3A_448, %swap3A_449], %mul3A_447 {strides = array<i32>} : memref<1x4096xf32, #tpu.memory_space<vmem>>, vector<1x512xf32>,
      %slice3A_451 = vector.extract_strided_slice %sub3A {offsets = [0, 3072], sizes = [1, 512], strides = [1, 1]} : vector<1x4096xf32> to vector<1x512xf32>
      %max3A_452 = vector.broadcast %sub3A_319 : vector<512x1xf32> to vector<512x512xf32>
      %max3A_453 = vector.broadcast %slice3A_451 : vector<1x512xf32> to vector<512x512xf32>
      %max3A_454 = arith.maximumf %max3A_452, %max3A_453 : vector<512x512xf32>
      %slice3A_455 = vector.extract_strided_slice %sub3A_31 {offsets = [0, 3072], sizes = [1, 512], strides = [1, 1]} : vector<1x4096xf32> to vector<1x512xf32>
      %max3A_456 = vector.broadcast %sub3A_331 : vector<512x1xf32> to vector<512x512xf32>
      %max3A_457 = vector.broadcast %slice3A_455 : vector<1x512xf32> to vector<512x512xf32>
      %max3A_458 = arith.maximumf %max3A_456, %max3A_457 : vector<512x512xf32>
      %slice3A_459 = vector.extract_strided_slice %add3A {offsets = [0, 3072], sizes = [1, 512], strides = [1, 1]} : vector<1x4096xf32> to vector<1x512xf32>
      %min3A_460 = vector.broadcast %add3A_325 : vector<512x1xf32> to vector<512x512xf32>
      %min3A_461 = vector.broadcast %slice3A_459 : vector<1x512xf32> to vector<512x512xf32>
      %min3A_462 = arith.minimumf %min3A_460, %min3A_461 : vector<512x512xf32>
      %slice3A_463 = vector.extract_strided_slice %add3A_35 {offsets = [0, 3072], sizes = [1, 512], strides = [1, 1]} : vector<1x4096xf32> to vector<1x512xf32>
      %min3A_464 = vector.broadcast %add3A_337 : vector<512x1xf32> to vector<512x512xf32>
      %min3A_465 = vector.broadcast %slice3A_463 : vector<1x512xf32> to vector<512x512xf32>
      %min3A_466 = arith.minimumf %min3A_464, %min3A_465 : vector<512x512xf32>
      %sub3A_467 = arith.subf %min3A_462, %max3A_454 : vector<512x512xf32>
      %jit3A_468 = arith.constant 0.000000e+00 : f32
      %max3A_469 = vector.broadcast %jit3A_468 : f32 to vector<512x512xf32>
      %max3A_470 = arith.maximumf %max3A_469, %sub3A_467 : vector<512x512xf32>
      %sub3A_471 = arith.subf %min3A_466, %max3A_458 : vector<512x512xf32>
      %jit3A_472 = arith.constant 0.000000e+00 : f32
      %max3A_473 = vector.broadcast %jit3A_472 : f32 to vector<512x512xf32>
      %max3A_474 = arith.maximumf %max3A_473, %sub3A_471 : vector<512x512xf32>
      %mul3A_475 = arith.mulf %max3A_470, %max3A_474 : vector<512x512xf32>
      %slice3A_476 = vector.extract_strided_slice %mul3A_38 {offsets = [0, 3072], sizes = [1, 512], strides = [1, 1]} : vector<1x4096xf32> to vector<1x512xf32>
      %add3A_477 = vector.broadcast %mul3A_340 : vector<512x1xf32> to vector<512x512xf32>
      %add3A_478 = vector.broadcast %slice3A_476 : vector<1x512xf32> to vector<512x512xf32>
      %add3A_479 = arith.addf %add3A_477, %add3A_478 : vector<512x512xf32>
      %sub3A_480 = arith.subf %add3A_479, %mul3A_475 : vector<512x512xf32>
      %add3A_481 = arith.constant 9.99999997E-7 : f32
      %add3A_482 = vector.broadcast %add3A_481 : f32 to vector<512x512xf32>
      %add3A_483 = arith.addf %sub3A_480, %add3A_482 : vector<512x512xf32>
      %div3A_484 = arith.divf %mul3A_475, %add3A_483 : vector<512x512xf32>
      %gt3A_485 = arith.constant 0.699999988 : f32
      %gt3A_486 = vector.broadcast %gt3A_485 : f32 to vector<512x512xf32>
      %gt3A_487 = arith.cmpf ogt, %div3A_484, %gt3A_486 : vector<512x512xf32>
      %gt3A_488 = arith.constant 0.000000e+00 : f32
      %gt3A_489 = vector.broadcast %gt3A_488 : f32 to vector<512x1xf32>
      %gt3A_490 = arith.cmpf ogt, %transpose3A_391, %gt3A_489 : vector<512x1xf32>
      %and3A_491 = vector.broadcast %gt3A_490 : vector<512x1xi1> to vector<512x512xi1>
      %and3A_492 = arith.andi %gt3A_487, %and3A_491 : vector<512x512xi1>
      %jit3A_493 = arith.constant 1.000000e+00 : f32
      %jit3A_494 = arith.constant 0.000000e+00 : f32
      %broadcast_in_dim3A_495 = vector.broadcast %jit3A_493 : f32 to vector<512x512xf32>
      %broadcast_in_dim3A_496 = vector.broadcast %jit3A_494 : f32 to vector<512x512xf32>
      %select_n3A_497 = arith.select %and3A_492, %broadcast_in_dim3A_495, %broadcast_in_dim3A_496 : vector<512x512xi1>, vector<512x512xf32>
      %reduce_max3A_498 = arith.constant dense<0xFF800000> : vector<512xf32>
      %reduce_max3A_499 = vector.multi_reduction <maximumf>, %select_n3A_497, %reduce_max3A_498 [0] : vector<512x512xf32> to vector<512xf32>
      %broadcast_in_dim3A_500 = vector.shape_cast %reduce_max3A_499 : vector<512xf32> to vector<1x512xf32>
      %get3A_501 = arith.constant 0 : index
      %get3A_502 = arith.constant 3072 : index
      %get3A_503 = vector.load %arg7[%get3A_501, %get3A_502] : memref<1x4096xf32, #tpu.memory_space<vmem>>, vector<1x512xf32>
      %sub3A_504 = arith.constant 1.000000e+00 : f32
      %sub3A_505 = vector.broadcast %sub3A_504 : f32 to vector<1x512xf32>
      %sub3A_506 = arith.subf %sub3A_505, %broadcast_in_dim3A_500 : vector<1x512xf32>
      %mul3A_507 = arith.mulf %get3A_503, %sub3A_506 : vector<1x512xf32>
      %swap3A_508 = arith.constant 0 : index
      %swap3A_509 = arith.constant 3072 : index
      %swap3A_510 = vector.load %arg7[%swap3A_508, %swap3A_509] : memref<1x4096xf32, #tpu.memory_space<vmem>>, vector<1x512xf32>
      tpu.vector_store %arg7[%swap3A_508, %swap3A_509], %mul3A_507 {strides = array<i32>} : memref<1x4096xf32, #tpu.memory_space<vmem>>, vector<1x512xf32>,
      %slice3A_511 = vector.extract_strided_slice %sub3A {offsets = [0, 3584], sizes = [1, 512], strides = [1, 1]} : vector<1x4096xf32> to vector<1x512xf32>
      %max3A_512 = vector.broadcast %sub3A_319 : vector<512x1xf32> to vector<512x512xf32>
      %max3A_513 = vector.broadcast %slice3A_511 : vector<1x512xf32> to vector<512x512xf32>
      %max3A_514 = arith.maximumf %max3A_512, %max3A_513 : vector<512x512xf32>
      %slice3A_515 = vector.extract_strided_slice %sub3A_31 {offsets = [0, 3584], sizes = [1, 512], strides = [1, 1]} : vector<1x4096xf32> to vector<1x512xf32>
      %max3A_516 = vector.broadcast %sub3A_331 : vector<512x1xf32> to vector<512x512xf32>
      %max3A_517 = vector.broadcast %slice3A_515 : vector<1x512xf32> to vector<512x512xf32>
      %max3A_518 = arith.maximumf %max3A_516, %max3A_517 : vector<512x512xf32>
      %slice3A_519 = vector.extract_strided_slice %add3A {offsets = [0, 3584], sizes = [1, 512], strides = [1, 1]} : vector<1x4096xf32> to vector<1x512xf32>
      %min3A_520 = vector.broadcast %add3A_325 : vector<512x1xf32> to vector<512x512xf32>
      %min3A_521 = vector.broadcast %slice3A_519 : vector<1x512xf32> to vector<512x512xf32>
      %min3A_522 = arith.minimumf %min3A_520, %min3A_521 : vector<512x512xf32>
      %slice3A_523 = vector.extract_strided_slice %add3A_35 {offsets = [0, 3584], sizes = [1, 512], strides = [1, 1]} : vector<1x4096xf32> to vector<1x512xf32>
      %min3A_524 = vector.broadcast %add3A_337 : vector<512x1xf32> to vector<512x512xf32>
      %min3A_525 = vector.broadcast %slice3A_523 : vector<1x512xf32> to vector<512x512xf32>
      %min3A_526 = arith.minimumf %min3A_524, %min3A_525 : vector<512x512xf32>
      %sub3A_527 = arith.subf %min3A_522, %max3A_514 : vector<512x512xf32>
      %jit3A_528 = arith.constant 0.000000e+00 : f32
      %max3A_529 = vector.broadcast %jit3A_528 : f32 to vector<512x512xf32>
      %max3A_530 = arith.maximumf %max3A_529, %sub3A_527 : vector<512x512xf32>
      %sub3A_531 = arith.subf %min3A_526, %max3A_518 : vector<512x512xf32>
      %jit3A_532 = arith.constant 0.000000e+00 : f32
      %max3A_533 = vector.broadcast %jit3A_532 : f32 to vector<512x512xf32>
      %max3A_534 = arith.maximumf %max3A_533, %sub3A_531 : vector<512x512xf32>
      %mul3A_535 = arith.mulf %max3A_530, %max3A_534 : vector<512x512xf32>
      %slice3A_536 = vector.extract_strided_slice %mul3A_38 {offsets = [0, 3584], sizes = [1, 512], strides = [1, 1]} : vector<1x4096xf32> to vector<1x512xf32>
      %add3A_537 = vector.broadcast %mul3A_340 : vector<512x1xf32> to vector<512x512xf32>
      %add3A_538 = vector.broadcast %slice3A_536 : vector<1x512xf32> to vector<512x512xf32>
      %add3A_539 = arith.addf %add3A_537, %add3A_538 : vector<512x512xf32>
      %sub3A_540 = arith.subf %add3A_539, %mul3A_535 : vector<512x512xf32>
      %add3A_541 = arith.constant 9.99999997E-7 : f32
      %add3A_542 = vector.broadcast %add3A_541 : f32 to vector<512x512xf32>
      %add3A_543 = arith.addf %sub3A_540, %add3A_542 : vector<512x512xf32>
      %div3A_544 = arith.divf %mul3A_535, %add3A_543 : vector<512x512xf32>
      %gt3A_545 = arith.constant 0.699999988 : f32
      %gt3A_546 = vector.broadcast %gt3A_545 : f32 to vector<512x512xf32>
      %gt3A_547 = arith.cmpf ogt, %div3A_544, %gt3A_546 : vector<512x512xf32>
      %gt3A_548 = arith.constant 0.000000e+00 : f32
      %gt3A_549 = vector.broadcast %gt3A_548 : f32 to vector<512x1xf32>
      %gt3A_550 = arith.cmpf ogt, %transpose3A_391, %gt3A_549 : vector<512x1xf32>
      %and3A_551 = vector.broadcast %gt3A_550 : vector<512x1xi1> to vector<512x512xi1>
      %and3A_552 = arith.andi %gt3A_547, %and3A_551 : vector<512x512xi1>
      %jit3A_553 = arith.constant 1.000000e+00 : f32
      %jit3A_554 = arith.constant 0.000000e+00 : f32
      %broadcast_in_dim3A_555 = vector.broadcast %jit3A_553 : f32 to vector<512x512xf32>
      %broadcast_in_dim3A_556 = vector.broadcast %jit3A_554 : f32 to vector<512x512xf32>
      %select_n3A_557 = arith.select %and3A_552, %broadcast_in_dim3A_555, %broadcast_in_dim3A_556 : vector<512x512xi1>, vector<512x512xf32>
      %reduce_max3A_558 = arith.constant dense<0xFF800000> : vector<512xf32>
      %reduce_max3A_559 = vector.multi_reduction <maximumf>, %select_n3A_557, %reduce_max3A_558 [0] : vector<512x512xf32> to vector<512xf32>
      %broadcast_in_dim3A_560 = vector.shape_cast %reduce_max3A_559 : vector<512xf32> to vector<1x512xf32>
      %get3A_561 = arith.constant 0 : index
      %get3A_562 = arith.constant 3584 : index
      %get3A_563 = vector.load %arg7[%get3A_561, %get3A_562] : memref<1x4096xf32, #tpu.memory_space<vmem>>, vector<1x512xf32>
      %sub3A_564 = arith.constant 1.000000e+00 : f32
      %sub3A_565 = vector.broadcast %sub3A_564 : f32 to vector<1x512xf32>
      %sub3A_566 = arith.subf %sub3A_565, %broadcast_in_dim3A_560 : vector<1x512xf32>
      %mul3A_567 = arith.mulf %get3A_563, %sub3A_566 : vector<1x512xf32>
      %swap3A_568 = arith.constant 0 : index
      %swap3A_569 = arith.constant 3584 : index
      %swap3A_570 = vector.load %arg7[%swap3A_568, %swap3A_569] : memref<1x4096xf32, #tpu.memory_space<vmem>>, vector<1x512xf32>
      tpu.vector_store %arg7[%swap3A_568, %swap3A_569], %mul3A_567 {strides = array<i32>} : memref<1x4096xf32, #tpu.memory_space<vmem>>, vector<1x512xf32>,
    } else {
    }
    %get3A_109 = arith.constant 0 : index
    %get3A_110 = arith.constant 0 : index
    %get3A_111 = vector.load %arg8[%get3A_109, %get3A_110] : memref<1x4096xf32, #tpu.memory_space<vmem>>, vector<1x4096xf32>
    %reduce_sum3A_112 = vector.shape_cast %get3A_111 : vector<1x4096xf32> to vector<1x1x4096xf32>
    %reduce_sum3A_113 = arith.constant dense<0.000000e+00> : vector<1xf32>
    %reduce_sum3A_114 = vector.multi_reduction <add>, %reduce_sum3A_112, %reduce_sum3A_113 [1, 2] : vector<1x1x4096xf32> to vector<1xf32>
    %reduce_sum3A_115 = vector.shape_cast %reduce_sum3A_114 : vector<1xf32> to vector<1x1x1xf32>
    %reduce_sum3A_116 = vector.extract %reduce_sum3A_115[0, 0, 0] : f32 from vector<1x1x1xf32>
    %lt3A_117 = arith.constant 5.120000e+02 : f32
    %lt3A_118 = arith.cmpf olt, %reduce_sum3A_116, %lt3A_117 : f32
    %convert_element_type3A_119 = arith.extui %lt3A_118 : i1 to i32
    %cond3A_120 = arith.constant 0 : i32
    %cond3A_121 = arith.cmpi ne, %convert_element_type3A_119, %cond3A_120 : i32
    scf.if %cond3A_121 {
      %slice3A_313 = vector.extract_strided_slice %get3A_3 {offsets = [0, 2560], sizes = [8, 512], strides = [1, 1]} : vector<8x4096xf32> to vector<8x512xf32>
      %transpose3A = tpu.transpose %slice3A_313, [1, 0] : vector<8x512xf32> -> vector<512x8xf32>
      %slice3A_314 = vector.extract_strided_slice %transpose3A {offsets = [0, 0], sizes = [512, 1], strides = [1, 1]} : vector<512x8xf32> to vector<512x1xf32>
      %slice3A_315 = vector.extract_strided_slice %transpose3A {offsets = [0, 3], sizes = [512, 1], strides = [1, 1]} : vector<512x8xf32> to vector<512x1xf32>
      %mul3A_316 = arith.constant 5.000000e-01 : f32
      %mul3A_317 = vector.broadcast %mul3A_316 : f32 to vector<512x1xf32>
      %mul3A_318 = arith.mulf %slice3A_315, %mul3A_317 : vector<512x1xf32>
      %sub3A_319 = arith.subf %slice3A_314, %mul3A_318 : vector<512x1xf32>
      %slice3A_320 = vector.extract_strided_slice %transpose3A {offsets = [0, 0], sizes = [512, 1], strides = [1, 1]} : vector<512x8xf32> to vector<512x1xf32>
      %slice3A_321 = vector.extract_strided_slice %transpose3A {offsets = [0, 3], sizes = [512, 1], strides = [1, 1]} : vector<512x8xf32> to vector<512x1xf32>
      %mul3A_322 = arith.constant 5.000000e-01 : f32
      %mul3A_323 = vector.broadcast %mul3A_322 : f32 to vector<512x1xf32>
      %mul3A_324 = arith.mulf %slice3A_321, %mul3A_323 : vector<512x1xf32>
      %add3A_325 = arith.addf %slice3A_320, %mul3A_324 : vector<512x1xf32>
      %slice3A_326 = vector.extract_strided_slice %transpose3A {offsets = [0, 1], sizes = [512, 1], strides = [1, 1]} : vector<512x8xf32> to vector<512x1xf32>
      %slice3A_327 = vector.extract_strided_slice %transpose3A {offsets = [0, 4], sizes = [512, 1], strides = [1, 1]} : vector<512x8xf32> to vector<512x1xf32>
      %mul3A_328 = arith.constant 5.000000e-01 : f32
      %mul3A_329 = vector.broadcast %mul3A_328 : f32 to vector<512x1xf32>
      %mul3A_330 = arith.mulf %slice3A_327, %mul3A_329 : vector<512x1xf32>
      %sub3A_331 = arith.subf %slice3A_326, %mul3A_330 : vector<512x1xf32>
      %slice3A_332 = vector.extract_strided_slice %transpose3A {offsets = [0, 1], sizes = [512, 1], strides = [1, 1]} : vector<512x8xf32> to vector<512x1xf32>
      %slice3A_333 = vector.extract_strided_slice %transpose3A {offsets = [0, 4], sizes = [512, 1], strides = [1, 1]} : vector<512x8xf32> to vector<512x1xf32>
      %mul3A_334 = arith.constant 5.000000e-01 : f32
      %mul3A_335 = vector.broadcast %mul3A_334 : f32 to vector<512x1xf32>
      %mul3A_336 = arith.mulf %slice3A_333, %mul3A_335 : vector<512x1xf32>
      %add3A_337 = arith.addf %slice3A_332, %mul3A_336 : vector<512x1xf32>
      %sub3A_338 = arith.subf %add3A_325, %sub3A_319 : vector<512x1xf32>
      %sub3A_339 = arith.subf %add3A_337, %sub3A_331 : vector<512x1xf32>
      %mul3A_340 = arith.mulf %sub3A_338, %sub3A_339 : vector<512x1xf32>
      %slice3A_341 = vector.extract_strided_slice %sub3A {offsets = [0, 2560], sizes = [1, 512], strides = [1, 1]} : vector<1x4096xf32> to vector<1x512xf32>
      %slice3A_342 = vector.extract_strided_slice %add3A {offsets = [0, 2560], sizes = [1, 512], strides = [1, 1]} : vector<1x4096xf32> to vector<1x512xf32>
      %slice3A_343 = vector.extract_strided_slice %sub3A_31 {offsets = [0, 2560], sizes = [1, 512], strides = [1, 1]} : vector<1x4096xf32> to vector<1x512xf32>
      %slice3A_344 = vector.extract_strided_slice %add3A_35 {offsets = [0, 2560], sizes = [1, 512], strides = [1, 1]} : vector<1x4096xf32> to vector<1x512xf32>
      %slice3A_345 = vector.extract_strided_slice %mul3A_38 {offsets = [0, 2560], sizes = [1, 512], strides = [1, 1]} : vector<1x4096xf32> to vector<1x512xf32>
      %get3A_346 = arith.constant 0 : index
      %get3A_347 = arith.constant 2560 : index
      %get3A_348 = vector.load %arg7[%get3A_346, %get3A_347] : memref<1x4096xf32, #tpu.memory_space<vmem>>, vector<1x512xf32>
      %max3A = vector.broadcast %sub3A_319 : vector<512x1xf32> to vector<512x512xf32>
      %max3A_349 = vector.broadcast %slice3A_341 : vector<1x512xf32> to vector<512x512xf32>
      %max3A_350 = arith.maximumf %max3A, %max3A_349 : vector<512x512xf32>
      %max3A_351 = vector.broadcast %sub3A_331 : vector<512x1xf32> to vector<512x512xf32>
      %max3A_352 = vector.broadcast %slice3A_343 : vector<1x512xf32> to vector<512x512xf32>
      %max3A_353 = arith.maximumf %max3A_351, %max3A_352 : vector<512x512xf32>
      %min3A = vector.broadcast %add3A_325 : vector<512x1xf32> to vector<512x512xf32>
      %min3A_354 = vector.broadcast %slice3A_342 : vector<1x512xf32> to vector<512x512xf32>
      %min3A_355 = arith.minimumf %min3A, %min3A_354 : vector<512x512xf32>
      %min3A_356 = vector.broadcast %add3A_337 : vector<512x1xf32> to vector<512x512xf32>
      %min3A_357 = vector.broadcast %slice3A_344 : vector<1x512xf32> to vector<512x512xf32>
      %min3A_358 = arith.minimumf %min3A_356, %min3A_357 : vector<512x512xf32>
      %sub3A_359 = arith.subf %min3A_355, %max3A_350 : vector<512x512xf32>
      %jit3A_360 = arith.constant 0.000000e+00 : f32
      %max3A_361 = vector.broadcast %jit3A_360 : f32 to vector<512x512xf32>
      %max3A_362 = arith.maximumf %max3A_361, %sub3A_359 : vector<512x512xf32>
      %sub3A_363 = arith.subf %min3A_358, %max3A_353 : vector<512x512xf32>
      %jit3A_364 = arith.constant 0.000000e+00 : f32
      %max3A_365 = vector.broadcast %jit3A_364 : f32 to vector<512x512xf32>
      %max3A_366 = arith.maximumf %max3A_365, %sub3A_363 : vector<512x512xf32>
      %mul3A_367 = arith.mulf %max3A_362, %max3A_366 : vector<512x512xf32>
      %add3A_368 = vector.broadcast %mul3A_340 : vector<512x1xf32> to vector<512x512xf32>
      %add3A_369 = vector.broadcast %slice3A_345 : vector<1x512xf32> to vector<512x512xf32>
      %add3A_370 = arith.addf %add3A_368, %add3A_369 : vector<512x512xf32>
      %sub3A_371 = arith.subf %add3A_370, %mul3A_367 : vector<512x512xf32>
      %add3A_372 = arith.constant 9.99999997E-7 : f32
      %add3A_373 = vector.broadcast %add3A_372 : f32 to vector<512x512xf32>
      %add3A_374 = arith.addf %sub3A_371, %add3A_373 : vector<512x512xf32>
      %div3A = arith.divf %mul3A_367, %add3A_374 : vector<512x512xf32>
      %iota3A_375 = tpu.iota {dimensions = array<i32: 0>} : vector<512x512xi32>
      %iota3A_376 = tpu.iota {dimensions = array<i32: 1>} : vector<512x512xi32>
      %gt3A_377 = arith.constant 0.699999988 : f32
      %gt3A_378 = vector.broadcast %gt3A_377 : f32 to vector<512x512xf32>
      %gt3A_379 = arith.cmpf ogt, %div3A, %gt3A_378 : vector<512x512xf32>
      %lt3A_380 = arith.cmpi slt, %iota3A_375, %iota3A_376 : vector<512x512xi32>
      %and3A_381 = arith.andi %gt3A_379, %lt3A_380 : vector<512x512xi1>
      %jit3A_382 = arith.constant 1.000000e+00 : f32
      %jit3A_383 = arith.constant 0.000000e+00 : f32
      %broadcast_in_dim3A_384 = vector.broadcast %jit3A_382 : f32 to vector<512x512xf32>
      %broadcast_in_dim3A_385 = vector.broadcast %jit3A_383 : f32 to vector<512x512xf32>
      %select_n3A_386 = arith.select %and3A_381, %broadcast_in_dim3A_384, %broadcast_in_dim3A_385 : vector<512x512xi1>, vector<512x512xf32>
      %while3A = arith.constant false
      %while3A_387:2 = scf.while (%while3A_511 = %get3A_348, %while3A_512 = %while3A) : (vector<1x512xf32>, i1) -> (vector<1x512xf32>, i1) {
        %not3A = arith.constant true
        %not3A_513 = arith.xori %while3A_512, %not3A : i1
        scf.condition(%not3A_513) %while3A_511, %while3A_512 : vector<1x512xf32>, i1
      } do {
      ^bb0(%while3A_511: vector<1x512xf32>, %while3A_512: i1):
        %dot_general3A_513 = arith.constant dense<0.000000e+00> : vector<1x512xf32>
        %dot_general3A_514 = tpu.matmul %while3A_511, %select_n3A_386, %dot_general3A_513 {dimension_numbers = #tpu.dot_dimension_numbers<[1], [0], [0], [1], [0, 0, 1, 1], [], []>, transpose_lhs_hint = false} : vector<1x512xf32>, vector<512x512xf32>, vector<1x512xf32> -> vector<1x512xf32>
        %gt3A_515 = arith.constant 0.000000e+00 : f32
        %gt3A_516 = vector.broadcast %gt3A_515 : f32 to vector<1x512xf32>
        %gt3A_517 = arith.cmpf ogt, %dot_general3A_514, %gt3A_516 : vector<1x512xf32>
        %jit3A_518 = arith.constant 0.000000e+00 : f32
        %jit3A_519 = arith.constant 1.000000e+00 : f32
        %broadcast_in_dim3A_520 = vector.broadcast %jit3A_518 : f32 to vector<1x512xf32>
        %broadcast_in_dim3A_521 = vector.broadcast %jit3A_519 : f32 to vector<1x512xf32>
        %select_n3A_522 = arith.select %gt3A_517, %broadcast_in_dim3A_520, %broadcast_in_dim3A_521 : vector<1x512xi1>, vector<1x512xf32>
        %mul3A_523 = arith.mulf %get3A_348, %select_n3A_522 : vector<1x512xf32>
        %eq3A_524 = arith.cmpf oeq, %mul3A_523, %while3A_511 : vector<1x512xf32>
        %reduce_and3A = arith.constant 1.000000e+00 : f32
        %reduce_and3A_525 = arith.constant 0.000000e+00 : f32
        %reduce_and3A_526 = vector.broadcast %reduce_and3A : f32 to vector<1x512xf32>
        %reduce_and3A_527 = vector.broadcast %reduce_and3A_525 : f32 to vector<1x512xf32>
        %reduce_and3A_528 = arith.select %eq3A_524, %reduce_and3A_526, %reduce_and3A_527 : vector<1x512xi1>, vector<1x512xf32>
        %reduce_and3A_529 = vector.shape_cast %reduce_and3A_528 : vector<1x512xf32> to vector<1x1x512xf32>
        %reduce_and3A_530 = arith.constant dense<0x7F800000> : vector<1xf32>
        %reduce_and3A_531 = vector.multi_reduction <minimumf>, %reduce_and3A_529, %reduce_and3A_530 [1, 2] : vector<1x1x512xf32> to vector<1xf32>
        %reduce_and3A_532 = vector.shape_cast %reduce_and3A_531 : vector<1xf32> to vector<1x1x1xf32>
        %reduce_and3A_533 = vector.extract %reduce_and3A_532[0, 0, 0] : f32 from vector<1x1x1xf32>
        %reduce_and3A_534 = arith.constant 0.000000e+00 : f32
        %reduce_and3A_535 = arith.cmpf ogt, %reduce_and3A_533, %reduce_and3A_534 : f32
        scf.yield %mul3A_523, %reduce_and3A_535 : vector<1x512xf32>, i1
      }
      %swap3A_388 = arith.constant 0 : index
      %swap3A_389 = arith.constant 2560 : index
      %swap3A_390 = vector.load %arg8[%swap3A_388, %swap3A_389] : memref<1x4096xf32, #tpu.memory_space<vmem>>, vector<1x512xf32>
      tpu.vector_store %arg8[%swap3A_388, %swap3A_389], %while3A_387#0 {strides = array<i32>} : memref<1x4096xf32, #tpu.memory_space<vmem>>, vector<1x512xf32>,
      %transpose3A_391 = tpu.transpose %while3A_387#0, [1, 0] : vector<1x512xf32> -> vector<512x1xf32>
      %slice3A_392 = vector.extract_strided_slice %sub3A {offsets = [0, 3072], sizes = [1, 512], strides = [1, 1]} : vector<1x4096xf32> to vector<1x512xf32>
      %max3A_393 = vector.broadcast %sub3A_319 : vector<512x1xf32> to vector<512x512xf32>
      %max3A_394 = vector.broadcast %slice3A_392 : vector<1x512xf32> to vector<512x512xf32>
      %max3A_395 = arith.maximumf %max3A_393, %max3A_394 : vector<512x512xf32>
      %slice3A_396 = vector.extract_strided_slice %sub3A_31 {offsets = [0, 3072], sizes = [1, 512], strides = [1, 1]} : vector<1x4096xf32> to vector<1x512xf32>
      %max3A_397 = vector.broadcast %sub3A_331 : vector<512x1xf32> to vector<512x512xf32>
      %max3A_398 = vector.broadcast %slice3A_396 : vector<1x512xf32> to vector<512x512xf32>
      %max3A_399 = arith.maximumf %max3A_397, %max3A_398 : vector<512x512xf32>
      %slice3A_400 = vector.extract_strided_slice %add3A {offsets = [0, 3072], sizes = [1, 512], strides = [1, 1]} : vector<1x4096xf32> to vector<1x512xf32>
      %min3A_401 = vector.broadcast %add3A_325 : vector<512x1xf32> to vector<512x512xf32>
      %min3A_402 = vector.broadcast %slice3A_400 : vector<1x512xf32> to vector<512x512xf32>
      %min3A_403 = arith.minimumf %min3A_401, %min3A_402 : vector<512x512xf32>
      %slice3A_404 = vector.extract_strided_slice %add3A_35 {offsets = [0, 3072], sizes = [1, 512], strides = [1, 1]} : vector<1x4096xf32> to vector<1x512xf32>
      %min3A_405 = vector.broadcast %add3A_337 : vector<512x1xf32> to vector<512x512xf32>
      %min3A_406 = vector.broadcast %slice3A_404 : vector<1x512xf32> to vector<512x512xf32>
      %min3A_407 = arith.minimumf %min3A_405, %min3A_406 : vector<512x512xf32>
      %sub3A_408 = arith.subf %min3A_403, %max3A_395 : vector<512x512xf32>
      %jit3A_409 = arith.constant 0.000000e+00 : f32
      %max3A_410 = vector.broadcast %jit3A_409 : f32 to vector<512x512xf32>
      %max3A_411 = arith.maximumf %max3A_410, %sub3A_408 : vector<512x512xf32>
      %sub3A_412 = arith.subf %min3A_407, %max3A_399 : vector<512x512xf32>
      %jit3A_413 = arith.constant 0.000000e+00 : f32
      %max3A_414 = vector.broadcast %jit3A_413 : f32 to vector<512x512xf32>
      %max3A_415 = arith.maximumf %max3A_414, %sub3A_412 : vector<512x512xf32>
      %mul3A_416 = arith.mulf %max3A_411, %max3A_415 : vector<512x512xf32>
      %slice3A_417 = vector.extract_strided_slice %mul3A_38 {offsets = [0, 3072], sizes = [1, 512], strides = [1, 1]} : vector<1x4096xf32> to vector<1x512xf32>
      %add3A_418 = vector.broadcast %mul3A_340 : vector<512x1xf32> to vector<512x512xf32>
      %add3A_419 = vector.broadcast %slice3A_417 : vector<1x512xf32> to vector<512x512xf32>
      %add3A_420 = arith.addf %add3A_418, %add3A_419 : vector<512x512xf32>
      %sub3A_421 = arith.subf %add3A_420, %mul3A_416 : vector<512x512xf32>
      %add3A_422 = arith.constant 9.99999997E-7 : f32
      %add3A_423 = vector.broadcast %add3A_422 : f32 to vector<512x512xf32>
      %add3A_424 = arith.addf %sub3A_421, %add3A_423 : vector<512x512xf32>
      %div3A_425 = arith.divf %mul3A_416, %add3A_424 : vector<512x512xf32>
      %gt3A_426 = arith.constant 0.699999988 : f32
      %gt3A_427 = vector.broadcast %gt3A_426 : f32 to vector<512x512xf32>
      %gt3A_428 = arith.cmpf ogt, %div3A_425, %gt3A_427 : vector<512x512xf32>
      %gt3A_429 = arith.constant 0.000000e+00 : f32
      %gt3A_430 = vector.broadcast %gt3A_429 : f32 to vector<512x1xf32>
      %gt3A_431 = arith.cmpf ogt, %transpose3A_391, %gt3A_430 : vector<512x1xf32>
      %and3A_432 = vector.broadcast %gt3A_431 : vector<512x1xi1> to vector<512x512xi1>
      %and3A_433 = arith.andi %gt3A_428, %and3A_432 : vector<512x512xi1>
      %jit3A_434 = arith.constant 1.000000e+00 : f32
      %jit3A_435 = arith.constant 0.000000e+00 : f32
      %broadcast_in_dim3A_436 = vector.broadcast %jit3A_434 : f32 to vector<512x512xf32>
      %broadcast_in_dim3A_437 = vector.broadcast %jit3A_435 : f32 to vector<512x512xf32>
      %select_n3A_438 = arith.select %and3A_433, %broadcast_in_dim3A_436, %broadcast_in_dim3A_437 : vector<512x512xi1>, vector<512x512xf32>
      %reduce_max3A = arith.constant dense<0xFF800000> : vector<512xf32>
      %reduce_max3A_439 = vector.multi_reduction <maximumf>, %select_n3A_438, %reduce_max3A [0] : vector<512x512xf32> to vector<512xf32>
      %broadcast_in_dim3A_440 = vector.shape_cast %reduce_max3A_439 : vector<512xf32> to vector<1x512xf32>
      %get3A_441 = arith.constant 0 : index
      %get3A_442 = arith.constant 3072 : index
      %get3A_443 = vector.load %arg7[%get3A_441, %get3A_442] : memref<1x4096xf32, #tpu.memory_space<vmem>>, vector<1x512xf32>
      %sub3A_444 = arith.constant 1.000000e+00 : f32
      %sub3A_445 = vector.broadcast %sub3A_444 : f32 to vector<1x512xf32>
      %sub3A_446 = arith.subf %sub3A_445, %broadcast_in_dim3A_440 : vector<1x512xf32>
      %mul3A_447 = arith.mulf %get3A_443, %sub3A_446 : vector<1x512xf32>
      %swap3A_448 = arith.constant 0 : index
      %swap3A_449 = arith.constant 3072 : index
      %swap3A_450 = vector.load %arg7[%swap3A_448, %swap3A_449] : memref<1x4096xf32, #tpu.memory_space<vmem>>, vector<1x512xf32>
      tpu.vector_store %arg7[%swap3A_448, %swap3A_449], %mul3A_447 {strides = array<i32>} : memref<1x4096xf32, #tpu.memory_space<vmem>>, vector<1x512xf32>,
      %slice3A_451 = vector.extract_strided_slice %sub3A {offsets = [0, 3584], sizes = [1, 512], strides = [1, 1]} : vector<1x4096xf32> to vector<1x512xf32>
      %max3A_452 = vector.broadcast %sub3A_319 : vector<512x1xf32> to vector<512x512xf32>
      %max3A_453 = vector.broadcast %slice3A_451 : vector<1x512xf32> to vector<512x512xf32>
      %max3A_454 = arith.maximumf %max3A_452, %max3A_453 : vector<512x512xf32>
      %slice3A_455 = vector.extract_strided_slice %sub3A_31 {offsets = [0, 3584], sizes = [1, 512], strides = [1, 1]} : vector<1x4096xf32> to vector<1x512xf32>
      %max3A_456 = vector.broadcast %sub3A_331 : vector<512x1xf32> to vector<512x512xf32>
      %max3A_457 = vector.broadcast %slice3A_455 : vector<1x512xf32> to vector<512x512xf32>
      %max3A_458 = arith.maximumf %max3A_456, %max3A_457 : vector<512x512xf32>
      %slice3A_459 = vector.extract_strided_slice %add3A {offsets = [0, 3584], sizes = [1, 512], strides = [1, 1]} : vector<1x4096xf32> to vector<1x512xf32>
      %min3A_460 = vector.broadcast %add3A_325 : vector<512x1xf32> to vector<512x512xf32>
      %min3A_461 = vector.broadcast %slice3A_459 : vector<1x512xf32> to vector<512x512xf32>
      %min3A_462 = arith.minimumf %min3A_460, %min3A_461 : vector<512x512xf32>
      %slice3A_463 = vector.extract_strided_slice %add3A_35 {offsets = [0, 3584], sizes = [1, 512], strides = [1, 1]} : vector<1x4096xf32> to vector<1x512xf32>
      %min3A_464 = vector.broadcast %add3A_337 : vector<512x1xf32> to vector<512x512xf32>
      %min3A_465 = vector.broadcast %slice3A_463 : vector<1x512xf32> to vector<512x512xf32>
      %min3A_466 = arith.minimumf %min3A_464, %min3A_465 : vector<512x512xf32>
      %sub3A_467 = arith.subf %min3A_462, %max3A_454 : vector<512x512xf32>
      %jit3A_468 = arith.constant 0.000000e+00 : f32
      %max3A_469 = vector.broadcast %jit3A_468 : f32 to vector<512x512xf32>
      %max3A_470 = arith.maximumf %max3A_469, %sub3A_467 : vector<512x512xf32>
      %sub3A_471 = arith.subf %min3A_466, %max3A_458 : vector<512x512xf32>
      %jit3A_472 = arith.constant 0.000000e+00 : f32
      %max3A_473 = vector.broadcast %jit3A_472 : f32 to vector<512x512xf32>
      %max3A_474 = arith.maximumf %max3A_473, %sub3A_471 : vector<512x512xf32>
      %mul3A_475 = arith.mulf %max3A_470, %max3A_474 : vector<512x512xf32>
      %slice3A_476 = vector.extract_strided_slice %mul3A_38 {offsets = [0, 3584], sizes = [1, 512], strides = [1, 1]} : vector<1x4096xf32> to vector<1x512xf32>
      %add3A_477 = vector.broadcast %mul3A_340 : vector<512x1xf32> to vector<512x512xf32>
      %add3A_478 = vector.broadcast %slice3A_476 : vector<1x512xf32> to vector<512x512xf32>
      %add3A_479 = arith.addf %add3A_477, %add3A_478 : vector<512x512xf32>
      %sub3A_480 = arith.subf %add3A_479, %mul3A_475 : vector<512x512xf32>
      %add3A_481 = arith.constant 9.99999997E-7 : f32
      %add3A_482 = vector.broadcast %add3A_481 : f32 to vector<512x512xf32>
      %add3A_483 = arith.addf %sub3A_480, %add3A_482 : vector<512x512xf32>
      %div3A_484 = arith.divf %mul3A_475, %add3A_483 : vector<512x512xf32>
      %gt3A_485 = arith.constant 0.699999988 : f32
      %gt3A_486 = vector.broadcast %gt3A_485 : f32 to vector<512x512xf32>
      %gt3A_487 = arith.cmpf ogt, %div3A_484, %gt3A_486 : vector<512x512xf32>
      %gt3A_488 = arith.constant 0.000000e+00 : f32
      %gt3A_489 = vector.broadcast %gt3A_488 : f32 to vector<512x1xf32>
      %gt3A_490 = arith.cmpf ogt, %transpose3A_391, %gt3A_489 : vector<512x1xf32>
      %and3A_491 = vector.broadcast %gt3A_490 : vector<512x1xi1> to vector<512x512xi1>
      %and3A_492 = arith.andi %gt3A_487, %and3A_491 : vector<512x512xi1>
      %jit3A_493 = arith.constant 1.000000e+00 : f32
      %jit3A_494 = arith.constant 0.000000e+00 : f32
      %broadcast_in_dim3A_495 = vector.broadcast %jit3A_493 : f32 to vector<512x512xf32>
      %broadcast_in_dim3A_496 = vector.broadcast %jit3A_494 : f32 to vector<512x512xf32>
      %select_n3A_497 = arith.select %and3A_492, %broadcast_in_dim3A_495, %broadcast_in_dim3A_496 : vector<512x512xi1>, vector<512x512xf32>
      %reduce_max3A_498 = arith.constant dense<0xFF800000> : vector<512xf32>
      %reduce_max3A_499 = vector.multi_reduction <maximumf>, %select_n3A_497, %reduce_max3A_498 [0] : vector<512x512xf32> to vector<512xf32>
      %broadcast_in_dim3A_500 = vector.shape_cast %reduce_max3A_499 : vector<512xf32> to vector<1x512xf32>
      %get3A_501 = arith.constant 0 : index
      %get3A_502 = arith.constant 3584 : index
      %get3A_503 = vector.load %arg7[%get3A_501, %get3A_502] : memref<1x4096xf32, #tpu.memory_space<vmem>>, vector<1x512xf32>
      %sub3A_504 = arith.constant 1.000000e+00 : f32
      %sub3A_505 = vector.broadcast %sub3A_504 : f32 to vector<1x512xf32>
      %sub3A_506 = arith.subf %sub3A_505, %broadcast_in_dim3A_500 : vector<1x512xf32>
      %mul3A_507 = arith.mulf %get3A_503, %sub3A_506 : vector<1x512xf32>
      %swap3A_508 = arith.constant 0 : index
      %swap3A_509 = arith.constant 3584 : index
      %swap3A_510 = vector.load %arg7[%swap3A_508, %swap3A_509] : memref<1x4096xf32, #tpu.memory_space<vmem>>, vector<1x512xf32>
      tpu.vector_store %arg7[%swap3A_508, %swap3A_509], %mul3A_507 {strides = array<i32>} : memref<1x4096xf32, #tpu.memory_space<vmem>>, vector<1x512xf32>,
    } else {
    }
    %get3A_122 = arith.constant 0 : index
    %get3A_123 = arith.constant 0 : index
    %get3A_124 = vector.load %arg8[%get3A_122, %get3A_123] : memref<1x4096xf32, #tpu.memory_space<vmem>>, vector<1x4096xf32>
    %reduce_sum3A_125 = vector.shape_cast %get3A_124 : vector<1x4096xf32> to vector<1x1x4096xf32>
    %reduce_sum3A_126 = arith.constant dense<0.000000e+00> : vector<1xf32>
    %reduce_sum3A_127 = vector.multi_reduction <add>, %reduce_sum3A_125, %reduce_sum3A_126 [1, 2] : vector<1x1x4096xf32> to vector<1xf32>
    %reduce_sum3A_128 = vector.shape_cast %reduce_sum3A_127 : vector<1xf32> to vector<1x1x1xf32>
    %reduce_sum3A_129 = vector.extract %reduce_sum3A_128[0, 0, 0] : f32 from vector<1x1x1xf32>
    %lt3A_130 = arith.constant 5.120000e+02 : f32
    %lt3A_131 = arith.cmpf olt, %reduce_sum3A_129, %lt3A_130 : f32
    %convert_element_type3A_132 = arith.extui %lt3A_131 : i1 to i32
    %cond3A_133 = arith.constant 0 : i32
    %cond3A_134 = arith.cmpi ne, %convert_element_type3A_132, %cond3A_133 : i32
    scf.if %cond3A_134 {
      %slice3A_313 = vector.extract_strided_slice %get3A_3 {offsets = [0, 3072], sizes = [8, 512], strides = [1, 1]} : vector<8x4096xf32> to vector<8x512xf32>
      %transpose3A = tpu.transpose %slice3A_313, [1, 0] : vector<8x512xf32> -> vector<512x8xf32>
      %slice3A_314 = vector.extract_strided_slice %transpose3A {offsets = [0, 0], sizes = [512, 1], strides = [1, 1]} : vector<512x8xf32> to vector<512x1xf32>
      %slice3A_315 = vector.extract_strided_slice %transpose3A {offsets = [0, 3], sizes = [512, 1], strides = [1, 1]} : vector<512x8xf32> to vector<512x1xf32>
      %mul3A_316 = arith.constant 5.000000e-01 : f32
      %mul3A_317 = vector.broadcast %mul3A_316 : f32 to vector<512x1xf32>
      %mul3A_318 = arith.mulf %slice3A_315, %mul3A_317 : vector<512x1xf32>
      %sub3A_319 = arith.subf %slice3A_314, %mul3A_318 : vector<512x1xf32>
      %slice3A_320 = vector.extract_strided_slice %transpose3A {offsets = [0, 0], sizes = [512, 1], strides = [1, 1]} : vector<512x8xf32> to vector<512x1xf32>
      %slice3A_321 = vector.extract_strided_slice %transpose3A {offsets = [0, 3], sizes = [512, 1], strides = [1, 1]} : vector<512x8xf32> to vector<512x1xf32>
      %mul3A_322 = arith.constant 5.000000e-01 : f32
      %mul3A_323 = vector.broadcast %mul3A_322 : f32 to vector<512x1xf32>
      %mul3A_324 = arith.mulf %slice3A_321, %mul3A_323 : vector<512x1xf32>
      %add3A_325 = arith.addf %slice3A_320, %mul3A_324 : vector<512x1xf32>
      %slice3A_326 = vector.extract_strided_slice %transpose3A {offsets = [0, 1], sizes = [512, 1], strides = [1, 1]} : vector<512x8xf32> to vector<512x1xf32>
      %slice3A_327 = vector.extract_strided_slice %transpose3A {offsets = [0, 4], sizes = [512, 1], strides = [1, 1]} : vector<512x8xf32> to vector<512x1xf32>
      %mul3A_328 = arith.constant 5.000000e-01 : f32
      %mul3A_329 = vector.broadcast %mul3A_328 : f32 to vector<512x1xf32>
      %mul3A_330 = arith.mulf %slice3A_327, %mul3A_329 : vector<512x1xf32>
      %sub3A_331 = arith.subf %slice3A_326, %mul3A_330 : vector<512x1xf32>
      %slice3A_332 = vector.extract_strided_slice %transpose3A {offsets = [0, 1], sizes = [512, 1], strides = [1, 1]} : vector<512x8xf32> to vector<512x1xf32>
      %slice3A_333 = vector.extract_strided_slice %transpose3A {offsets = [0, 4], sizes = [512, 1], strides = [1, 1]} : vector<512x8xf32> to vector<512x1xf32>
      %mul3A_334 = arith.constant 5.000000e-01 : f32
      %mul3A_335 = vector.broadcast %mul3A_334 : f32 to vector<512x1xf32>
      %mul3A_336 = arith.mulf %slice3A_333, %mul3A_335 : vector<512x1xf32>
      %add3A_337 = arith.addf %slice3A_332, %mul3A_336 : vector<512x1xf32>
      %sub3A_338 = arith.subf %add3A_325, %sub3A_319 : vector<512x1xf32>
      %sub3A_339 = arith.subf %add3A_337, %sub3A_331 : vector<512x1xf32>
      %mul3A_340 = arith.mulf %sub3A_338, %sub3A_339 : vector<512x1xf32>
      %slice3A_341 = vector.extract_strided_slice %sub3A {offsets = [0, 3072], sizes = [1, 512], strides = [1, 1]} : vector<1x4096xf32> to vector<1x512xf32>
      %slice3A_342 = vector.extract_strided_slice %add3A {offsets = [0, 3072], sizes = [1, 512], strides = [1, 1]} : vector<1x4096xf32> to vector<1x512xf32>
      %slice3A_343 = vector.extract_strided_slice %sub3A_31 {offsets = [0, 3072], sizes = [1, 512], strides = [1, 1]} : vector<1x4096xf32> to vector<1x512xf32>
      %slice3A_344 = vector.extract_strided_slice %add3A_35 {offsets = [0, 3072], sizes = [1, 512], strides = [1, 1]} : vector<1x4096xf32> to vector<1x512xf32>
      %slice3A_345 = vector.extract_strided_slice %mul3A_38 {offsets = [0, 3072], sizes = [1, 512], strides = [1, 1]} : vector<1x4096xf32> to vector<1x512xf32>
      %get3A_346 = arith.constant 0 : index
      %get3A_347 = arith.constant 3072 : index
      %get3A_348 = vector.load %arg7[%get3A_346, %get3A_347] : memref<1x4096xf32, #tpu.memory_space<vmem>>, vector<1x512xf32>
      %max3A = vector.broadcast %sub3A_319 : vector<512x1xf32> to vector<512x512xf32>
      %max3A_349 = vector.broadcast %slice3A_341 : vector<1x512xf32> to vector<512x512xf32>
      %max3A_350 = arith.maximumf %max3A, %max3A_349 : vector<512x512xf32>
      %max3A_351 = vector.broadcast %sub3A_331 : vector<512x1xf32> to vector<512x512xf32>
      %max3A_352 = vector.broadcast %slice3A_343 : vector<1x512xf32> to vector<512x512xf32>
      %max3A_353 = arith.maximumf %max3A_351, %max3A_352 : vector<512x512xf32>
      %min3A = vector.broadcast %add3A_325 : vector<512x1xf32> to vector<512x512xf32>
      %min3A_354 = vector.broadcast %slice3A_342 : vector<1x512xf32> to vector<512x512xf32>
      %min3A_355 = arith.minimumf %min3A, %min3A_354 : vector<512x512xf32>
      %min3A_356 = vector.broadcast %add3A_337 : vector<512x1xf32> to vector<512x512xf32>
      %min3A_357 = vector.broadcast %slice3A_344 : vector<1x512xf32> to vector<512x512xf32>
      %min3A_358 = arith.minimumf %min3A_356, %min3A_357 : vector<512x512xf32>
      %sub3A_359 = arith.subf %min3A_355, %max3A_350 : vector<512x512xf32>
      %jit3A_360 = arith.constant 0.000000e+00 : f32
      %max3A_361 = vector.broadcast %jit3A_360 : f32 to vector<512x512xf32>
      %max3A_362 = arith.maximumf %max3A_361, %sub3A_359 : vector<512x512xf32>
      %sub3A_363 = arith.subf %min3A_358, %max3A_353 : vector<512x512xf32>
      %jit3A_364 = arith.constant 0.000000e+00 : f32
      %max3A_365 = vector.broadcast %jit3A_364 : f32 to vector<512x512xf32>
      %max3A_366 = arith.maximumf %max3A_365, %sub3A_363 : vector<512x512xf32>
      %mul3A_367 = arith.mulf %max3A_362, %max3A_366 : vector<512x512xf32>
      %add3A_368 = vector.broadcast %mul3A_340 : vector<512x1xf32> to vector<512x512xf32>
      %add3A_369 = vector.broadcast %slice3A_345 : vector<1x512xf32> to vector<512x512xf32>
      %add3A_370 = arith.addf %add3A_368, %add3A_369 : vector<512x512xf32>
      %sub3A_371 = arith.subf %add3A_370, %mul3A_367 : vector<512x512xf32>
      %add3A_372 = arith.constant 9.99999997E-7 : f32
      %add3A_373 = vector.broadcast %add3A_372 : f32 to vector<512x512xf32>
      %add3A_374 = arith.addf %sub3A_371, %add3A_373 : vector<512x512xf32>
      %div3A = arith.divf %mul3A_367, %add3A_374 : vector<512x512xf32>
      %iota3A_375 = tpu.iota {dimensions = array<i32: 0>} : vector<512x512xi32>
      %iota3A_376 = tpu.iota {dimensions = array<i32: 1>} : vector<512x512xi32>
      %gt3A_377 = arith.constant 0.699999988 : f32
      %gt3A_378 = vector.broadcast %gt3A_377 : f32 to vector<512x512xf32>
      %gt3A_379 = arith.cmpf ogt, %div3A, %gt3A_378 : vector<512x512xf32>
      %lt3A_380 = arith.cmpi slt, %iota3A_375, %iota3A_376 : vector<512x512xi32>
      %and3A_381 = arith.andi %gt3A_379, %lt3A_380 : vector<512x512xi1>
      %jit3A_382 = arith.constant 1.000000e+00 : f32
      %jit3A_383 = arith.constant 0.000000e+00 : f32
      %broadcast_in_dim3A_384 = vector.broadcast %jit3A_382 : f32 to vector<512x512xf32>
      %broadcast_in_dim3A_385 = vector.broadcast %jit3A_383 : f32 to vector<512x512xf32>
      %select_n3A_386 = arith.select %and3A_381, %broadcast_in_dim3A_384, %broadcast_in_dim3A_385 : vector<512x512xi1>, vector<512x512xf32>
      %while3A = arith.constant false
      %while3A_387:2 = scf.while (%while3A_451 = %get3A_348, %while3A_452 = %while3A) : (vector<1x512xf32>, i1) -> (vector<1x512xf32>, i1) {
        %not3A = arith.constant true
        %not3A_453 = arith.xori %while3A_452, %not3A : i1
        scf.condition(%not3A_453) %while3A_451, %while3A_452 : vector<1x512xf32>, i1
      } do {
      ^bb0(%while3A_451: vector<1x512xf32>, %while3A_452: i1):
        %dot_general3A_453 = arith.constant dense<0.000000e+00> : vector<1x512xf32>
        %dot_general3A_454 = tpu.matmul %while3A_451, %select_n3A_386, %dot_general3A_453 {dimension_numbers = #tpu.dot_dimension_numbers<[1], [0], [0], [1], [0, 0, 1, 1], [], []>, transpose_lhs_hint = false} : vector<1x512xf32>, vector<512x512xf32>, vector<1x512xf32> -> vector<1x512xf32>
        %gt3A_455 = arith.constant 0.000000e+00 : f32
        %gt3A_456 = vector.broadcast %gt3A_455 : f32 to vector<1x512xf32>
        %gt3A_457 = arith.cmpf ogt, %dot_general3A_454, %gt3A_456 : vector<1x512xf32>
        %jit3A_458 = arith.constant 0.000000e+00 : f32
        %jit3A_459 = arith.constant 1.000000e+00 : f32
        %broadcast_in_dim3A_460 = vector.broadcast %jit3A_458 : f32 to vector<1x512xf32>
        %broadcast_in_dim3A_461 = vector.broadcast %jit3A_459 : f32 to vector<1x512xf32>
        %select_n3A_462 = arith.select %gt3A_457, %broadcast_in_dim3A_460, %broadcast_in_dim3A_461 : vector<1x512xi1>, vector<1x512xf32>
        %mul3A_463 = arith.mulf %get3A_348, %select_n3A_462 : vector<1x512xf32>
        %eq3A_464 = arith.cmpf oeq, %mul3A_463, %while3A_451 : vector<1x512xf32>
        %reduce_and3A = arith.constant 1.000000e+00 : f32
        %reduce_and3A_465 = arith.constant 0.000000e+00 : f32
        %reduce_and3A_466 = vector.broadcast %reduce_and3A : f32 to vector<1x512xf32>
        %reduce_and3A_467 = vector.broadcast %reduce_and3A_465 : f32 to vector<1x512xf32>
        %reduce_and3A_468 = arith.select %eq3A_464, %reduce_and3A_466, %reduce_and3A_467 : vector<1x512xi1>, vector<1x512xf32>
        %reduce_and3A_469 = vector.shape_cast %reduce_and3A_468 : vector<1x512xf32> to vector<1x1x512xf32>
        %reduce_and3A_470 = arith.constant dense<0x7F800000> : vector<1xf32>
        %reduce_and3A_471 = vector.multi_reduction <minimumf>, %reduce_and3A_469, %reduce_and3A_470 [1, 2] : vector<1x1x512xf32> to vector<1xf32>
        %reduce_and3A_472 = vector.shape_cast %reduce_and3A_471 : vector<1xf32> to vector<1x1x1xf32>
        %reduce_and3A_473 = vector.extract %reduce_and3A_472[0, 0, 0] : f32 from vector<1x1x1xf32>
        %reduce_and3A_474 = arith.constant 0.000000e+00 : f32
        %reduce_and3A_475 = arith.cmpf ogt, %reduce_and3A_473, %reduce_and3A_474 : f32
        scf.yield %mul3A_463, %reduce_and3A_475 : vector<1x512xf32>, i1
      }
      %swap3A_388 = arith.constant 0 : index
      %swap3A_389 = arith.constant 3072 : index
      %swap3A_390 = vector.load %arg8[%swap3A_388, %swap3A_389] : memref<1x4096xf32, #tpu.memory_space<vmem>>, vector<1x512xf32>
      tpu.vector_store %arg8[%swap3A_388, %swap3A_389], %while3A_387#0 {strides = array<i32>} : memref<1x4096xf32, #tpu.memory_space<vmem>>, vector<1x512xf32>,
      %transpose3A_391 = tpu.transpose %while3A_387#0, [1, 0] : vector<1x512xf32> -> vector<512x1xf32>
      %slice3A_392 = vector.extract_strided_slice %sub3A {offsets = [0, 3584], sizes = [1, 512], strides = [1, 1]} : vector<1x4096xf32> to vector<1x512xf32>
      %max3A_393 = vector.broadcast %sub3A_319 : vector<512x1xf32> to vector<512x512xf32>
      %max3A_394 = vector.broadcast %slice3A_392 : vector<1x512xf32> to vector<512x512xf32>
      %max3A_395 = arith.maximumf %max3A_393, %max3A_394 : vector<512x512xf32>
      %slice3A_396 = vector.extract_strided_slice %sub3A_31 {offsets = [0, 3584], sizes = [1, 512], strides = [1, 1]} : vector<1x4096xf32> to vector<1x512xf32>
      %max3A_397 = vector.broadcast %sub3A_331 : vector<512x1xf32> to vector<512x512xf32>
      %max3A_398 = vector.broadcast %slice3A_396 : vector<1x512xf32> to vector<512x512xf32>
      %max3A_399 = arith.maximumf %max3A_397, %max3A_398 : vector<512x512xf32>
      %slice3A_400 = vector.extract_strided_slice %add3A {offsets = [0, 3584], sizes = [1, 512], strides = [1, 1]} : vector<1x4096xf32> to vector<1x512xf32>
      %min3A_401 = vector.broadcast %add3A_325 : vector<512x1xf32> to vector<512x512xf32>
      %min3A_402 = vector.broadcast %slice3A_400 : vector<1x512xf32> to vector<512x512xf32>
      %min3A_403 = arith.minimumf %min3A_401, %min3A_402 : vector<512x512xf32>
      %slice3A_404 = vector.extract_strided_slice %add3A_35 {offsets = [0, 3584], sizes = [1, 512], strides = [1, 1]} : vector<1x4096xf32> to vector<1x512xf32>
      %min3A_405 = vector.broadcast %add3A_337 : vector<512x1xf32> to vector<512x512xf32>
      %min3A_406 = vector.broadcast %slice3A_404 : vector<1x512xf32> to vector<512x512xf32>
      %min3A_407 = arith.minimumf %min3A_405, %min3A_406 : vector<512x512xf32>
      %sub3A_408 = arith.subf %min3A_403, %max3A_395 : vector<512x512xf32>
      %jit3A_409 = arith.constant 0.000000e+00 : f32
      %max3A_410 = vector.broadcast %jit3A_409 : f32 to vector<512x512xf32>
      %max3A_411 = arith.maximumf %max3A_410, %sub3A_408 : vector<512x512xf32>
      %sub3A_412 = arith.subf %min3A_407, %max3A_399 : vector<512x512xf32>
      %jit3A_413 = arith.constant 0.000000e+00 : f32
      %max3A_414 = vector.broadcast %jit3A_413 : f32 to vector<512x512xf32>
      %max3A_415 = arith.maximumf %max3A_414, %sub3A_412 : vector<512x512xf32>
      %mul3A_416 = arith.mulf %max3A_411, %max3A_415 : vector<512x512xf32>
      %slice3A_417 = vector.extract_strided_slice %mul3A_38 {offsets = [0, 3584], sizes = [1, 512], strides = [1, 1]} : vector<1x4096xf32> to vector<1x512xf32>
      %add3A_418 = vector.broadcast %mul3A_340 : vector<512x1xf32> to vector<512x512xf32>
      %add3A_419 = vector.broadcast %slice3A_417 : vector<1x512xf32> to vector<512x512xf32>
      %add3A_420 = arith.addf %add3A_418, %add3A_419 : vector<512x512xf32>
      %sub3A_421 = arith.subf %add3A_420, %mul3A_416 : vector<512x512xf32>
      %add3A_422 = arith.constant 9.99999997E-7 : f32
      %add3A_423 = vector.broadcast %add3A_422 : f32 to vector<512x512xf32>
      %add3A_424 = arith.addf %sub3A_421, %add3A_423 : vector<512x512xf32>
      %div3A_425 = arith.divf %mul3A_416, %add3A_424 : vector<512x512xf32>
      %gt3A_426 = arith.constant 0.699999988 : f32
      %gt3A_427 = vector.broadcast %gt3A_426 : f32 to vector<512x512xf32>
      %gt3A_428 = arith.cmpf ogt, %div3A_425, %gt3A_427 : vector<512x512xf32>
      %gt3A_429 = arith.constant 0.000000e+00 : f32
      %gt3A_430 = vector.broadcast %gt3A_429 : f32 to vector<512x1xf32>
      %gt3A_431 = arith.cmpf ogt, %transpose3A_391, %gt3A_430 : vector<512x1xf32>
      %and3A_432 = vector.broadcast %gt3A_431 : vector<512x1xi1> to vector<512x512xi1>
      %and3A_433 = arith.andi %gt3A_428, %and3A_432 : vector<512x512xi1>
      %jit3A_434 = arith.constant 1.000000e+00 : f32
      %jit3A_435 = arith.constant 0.000000e+00 : f32
      %broadcast_in_dim3A_436 = vector.broadcast %jit3A_434 : f32 to vector<512x512xf32>
      %broadcast_in_dim3A_437 = vector.broadcast %jit3A_435 : f32 to vector<512x512xf32>
      %select_n3A_438 = arith.select %and3A_433, %broadcast_in_dim3A_436, %broadcast_in_dim3A_437 : vector<512x512xi1>, vector<512x512xf32>
      %reduce_max3A = arith.constant dense<0xFF800000> : vector<512xf32>
      %reduce_max3A_439 = vector.multi_reduction <maximumf>, %select_n3A_438, %reduce_max3A [0] : vector<512x512xf32> to vector<512xf32>
      %broadcast_in_dim3A_440 = vector.shape_cast %reduce_max3A_439 : vector<512xf32> to vector<1x512xf32>
      %get3A_441 = arith.constant 0 : index
      %get3A_442 = arith.constant 3584 : index
      %get3A_443 = vector.load %arg7[%get3A_441, %get3A_442] : memref<1x4096xf32, #tpu.memory_space<vmem>>, vector<1x512xf32>
      %sub3A_444 = arith.constant 1.000000e+00 : f32
      %sub3A_445 = vector.broadcast %sub3A_444 : f32 to vector<1x512xf32>
      %sub3A_446 = arith.subf %sub3A_445, %broadcast_in_dim3A_440 : vector<1x512xf32>
      %mul3A_447 = arith.mulf %get3A_443, %sub3A_446 : vector<1x512xf32>
      %swap3A_448 = arith.constant 0 : index
      %swap3A_449 = arith.constant 3584 : index
      %swap3A_450 = vector.load %arg7[%swap3A_448, %swap3A_449] : memref<1x4096xf32, #tpu.memory_space<vmem>>, vector<1x512xf32>
      tpu.vector_store %arg7[%swap3A_448, %swap3A_449], %mul3A_447 {strides = array<i32>} : memref<1x4096xf32, #tpu.memory_space<vmem>>, vector<1x512xf32>,
    } else {
    }
    %get3A_135 = arith.constant 0 : index
    %get3A_136 = arith.constant 0 : index
    %get3A_137 = vector.load %arg8[%get3A_135, %get3A_136] : memref<1x4096xf32, #tpu.memory_space<vmem>>, vector<1x4096xf32>
    %reduce_sum3A_138 = vector.shape_cast %get3A_137 : vector<1x4096xf32> to vector<1x1x4096xf32>
    %reduce_sum3A_139 = arith.constant dense<0.000000e+00> : vector<1xf32>
    %reduce_sum3A_140 = vector.multi_reduction <add>, %reduce_sum3A_138, %reduce_sum3A_139 [1, 2] : vector<1x1x4096xf32> to vector<1xf32>
    %reduce_sum3A_141 = vector.shape_cast %reduce_sum3A_140 : vector<1xf32> to vector<1x1x1xf32>
    %reduce_sum3A_142 = vector.extract %reduce_sum3A_141[0, 0, 0] : f32 from vector<1x1x1xf32>
    %lt3A_143 = arith.constant 5.120000e+02 : f32
    %lt3A_144 = arith.cmpf olt, %reduce_sum3A_142, %lt3A_143 : f32
    %convert_element_type3A_145 = arith.extui %lt3A_144 : i1 to i32
    %cond3A_146 = arith.constant 0 : i32
    %cond3A_147 = arith.cmpi ne, %convert_element_type3A_145, %cond3A_146 : i32
    scf.if %cond3A_147 {
      %slice3A_313 = vector.extract_strided_slice %get3A_3 {offsets = [0, 3584], sizes = [8, 512], strides = [1, 1]} : vector<8x4096xf32> to vector<8x512xf32>
      %transpose3A = tpu.transpose %slice3A_313, [1, 0] : vector<8x512xf32> -> vector<512x8xf32>
      %slice3A_314 = vector.extract_strided_slice %transpose3A {offsets = [0, 0], sizes = [512, 1], strides = [1, 1]} : vector<512x8xf32> to vector<512x1xf32>
      %slice3A_315 = vector.extract_strided_slice %transpose3A {offsets = [0, 3], sizes = [512, 1], strides = [1, 1]} : vector<512x8xf32> to vector<512x1xf32>
      %mul3A_316 = arith.constant 5.000000e-01 : f32
      %mul3A_317 = vector.broadcast %mul3A_316 : f32 to vector<512x1xf32>
      %mul3A_318 = arith.mulf %slice3A_315, %mul3A_317 : vector<512x1xf32>
      %sub3A_319 = arith.subf %slice3A_314, %mul3A_318 : vector<512x1xf32>
      %slice3A_320 = vector.extract_strided_slice %transpose3A {offsets = [0, 0], sizes = [512, 1], strides = [1, 1]} : vector<512x8xf32> to vector<512x1xf32>
      %slice3A_321 = vector.extract_strided_slice %transpose3A {offsets = [0, 3], sizes = [512, 1], strides = [1, 1]} : vector<512x8xf32> to vector<512x1xf32>
      %mul3A_322 = arith.constant 5.000000e-01 : f32
      %mul3A_323 = vector.broadcast %mul3A_322 : f32 to vector<512x1xf32>
      %mul3A_324 = arith.mulf %slice3A_321, %mul3A_323 : vector<512x1xf32>
      %add3A_325 = arith.addf %slice3A_320, %mul3A_324 : vector<512x1xf32>
      %slice3A_326 = vector.extract_strided_slice %transpose3A {offsets = [0, 1], sizes = [512, 1], strides = [1, 1]} : vector<512x8xf32> to vector<512x1xf32>
      %slice3A_327 = vector.extract_strided_slice %transpose3A {offsets = [0, 4], sizes = [512, 1], strides = [1, 1]} : vector<512x8xf32> to vector<512x1xf32>
      %mul3A_328 = arith.constant 5.000000e-01 : f32
      %mul3A_329 = vector.broadcast %mul3A_328 : f32 to vector<512x1xf32>
      %mul3A_330 = arith.mulf %slice3A_327, %mul3A_329 : vector<512x1xf32>
      %sub3A_331 = arith.subf %slice3A_326, %mul3A_330 : vector<512x1xf32>
      %slice3A_332 = vector.extract_strided_slice %transpose3A {offsets = [0, 1], sizes = [512, 1], strides = [1, 1]} : vector<512x8xf32> to vector<512x1xf32>
      %slice3A_333 = vector.extract_strided_slice %transpose3A {offsets = [0, 4], sizes = [512, 1], strides = [1, 1]} : vector<512x8xf32> to vector<512x1xf32>
      %mul3A_334 = arith.constant 5.000000e-01 : f32
      %mul3A_335 = vector.broadcast %mul3A_334 : f32 to vector<512x1xf32>
      %mul3A_336 = arith.mulf %slice3A_333, %mul3A_335 : vector<512x1xf32>
      %add3A_337 = arith.addf %slice3A_332, %mul3A_336 : vector<512x1xf32>
      %sub3A_338 = arith.subf %add3A_325, %sub3A_319 : vector<512x1xf32>
      %sub3A_339 = arith.subf %add3A_337, %sub3A_331 : vector<512x1xf32>
      %mul3A_340 = arith.mulf %sub3A_338, %sub3A_339 : vector<512x1xf32>
      %slice3A_341 = vector.extract_strided_slice %sub3A {offsets = [0, 3584], sizes = [1, 512], strides = [1, 1]} : vector<1x4096xf32> to vector<1x512xf32>
      %slice3A_342 = vector.extract_strided_slice %add3A {offsets = [0, 3584], sizes = [1, 512], strides = [1, 1]} : vector<1x4096xf32> to vector<1x512xf32>
      %slice3A_343 = vector.extract_strided_slice %sub3A_31 {offsets = [0, 3584], sizes = [1, 512], strides = [1, 1]} : vector<1x4096xf32> to vector<1x512xf32>
      %slice3A_344 = vector.extract_strided_slice %add3A_35 {offsets = [0, 3584], sizes = [1, 512], strides = [1, 1]} : vector<1x4096xf32> to vector<1x512xf32>
      %slice3A_345 = vector.extract_strided_slice %mul3A_38 {offsets = [0, 3584], sizes = [1, 512], strides = [1, 1]} : vector<1x4096xf32> to vector<1x512xf32>
      %get3A_346 = arith.constant 0 : index
      %get3A_347 = arith.constant 3584 : index
      %get3A_348 = vector.load %arg7[%get3A_346, %get3A_347] : memref<1x4096xf32, #tpu.memory_space<vmem>>, vector<1x512xf32>
      %max3A = vector.broadcast %sub3A_319 : vector<512x1xf32> to vector<512x512xf32>
      %max3A_349 = vector.broadcast %slice3A_341 : vector<1x512xf32> to vector<512x512xf32>
      %max3A_350 = arith.maximumf %max3A, %max3A_349 : vector<512x512xf32>
      %max3A_351 = vector.broadcast %sub3A_331 : vector<512x1xf32> to vector<512x512xf32>
      %max3A_352 = vector.broadcast %slice3A_343 : vector<1x512xf32> to vector<512x512xf32>
      %max3A_353 = arith.maximumf %max3A_351, %max3A_352 : vector<512x512xf32>
      %min3A = vector.broadcast %add3A_325 : vector<512x1xf32> to vector<512x512xf32>
      %min3A_354 = vector.broadcast %slice3A_342 : vector<1x512xf32> to vector<512x512xf32>
      %min3A_355 = arith.minimumf %min3A, %min3A_354 : vector<512x512xf32>
      %min3A_356 = vector.broadcast %add3A_337 : vector<512x1xf32> to vector<512x512xf32>
      %min3A_357 = vector.broadcast %slice3A_344 : vector<1x512xf32> to vector<512x512xf32>
      %min3A_358 = arith.minimumf %min3A_356, %min3A_357 : vector<512x512xf32>
      %sub3A_359 = arith.subf %min3A_355, %max3A_350 : vector<512x512xf32>
      %jit3A_360 = arith.constant 0.000000e+00 : f32
      %max3A_361 = vector.broadcast %jit3A_360 : f32 to vector<512x512xf32>
      %max3A_362 = arith.maximumf %max3A_361, %sub3A_359 : vector<512x512xf32>
      %sub3A_363 = arith.subf %min3A_358, %max3A_353 : vector<512x512xf32>
      %jit3A_364 = arith.constant 0.000000e+00 : f32
      %max3A_365 = vector.broadcast %jit3A_364 : f32 to vector<512x512xf32>
      %max3A_366 = arith.maximumf %max3A_365, %sub3A_363 : vector<512x512xf32>
      %mul3A_367 = arith.mulf %max3A_362, %max3A_366 : vector<512x512xf32>
      %add3A_368 = vector.broadcast %mul3A_340 : vector<512x1xf32> to vector<512x512xf32>
      %add3A_369 = vector.broadcast %slice3A_345 : vector<1x512xf32> to vector<512x512xf32>
      %add3A_370 = arith.addf %add3A_368, %add3A_369 : vector<512x512xf32>
      %sub3A_371 = arith.subf %add3A_370, %mul3A_367 : vector<512x512xf32>
      %add3A_372 = arith.constant 9.99999997E-7 : f32
      %add3A_373 = vector.broadcast %add3A_372 : f32 to vector<512x512xf32>
      %add3A_374 = arith.addf %sub3A_371, %add3A_373 : vector<512x512xf32>
      %div3A = arith.divf %mul3A_367, %add3A_374 : vector<512x512xf32>
      %iota3A_375 = tpu.iota {dimensions = array<i32: 0>} : vector<512x512xi32>
      %iota3A_376 = tpu.iota {dimensions = array<i32: 1>} : vector<512x512xi32>
      %gt3A_377 = arith.constant 0.699999988 : f32
      %gt3A_378 = vector.broadcast %gt3A_377 : f32 to vector<512x512xf32>
      %gt3A_379 = arith.cmpf ogt, %div3A, %gt3A_378 : vector<512x512xf32>
      %lt3A_380 = arith.cmpi slt, %iota3A_375, %iota3A_376 : vector<512x512xi32>
      %and3A_381 = arith.andi %gt3A_379, %lt3A_380 : vector<512x512xi1>
      %jit3A_382 = arith.constant 1.000000e+00 : f32
      %jit3A_383 = arith.constant 0.000000e+00 : f32
      %broadcast_in_dim3A_384 = vector.broadcast %jit3A_382 : f32 to vector<512x512xf32>
      %broadcast_in_dim3A_385 = vector.broadcast %jit3A_383 : f32 to vector<512x512xf32>
      %select_n3A_386 = arith.select %and3A_381, %broadcast_in_dim3A_384, %broadcast_in_dim3A_385 : vector<512x512xi1>, vector<512x512xf32>
      %while3A = arith.constant false
      %while3A_387:2 = scf.while (%while3A_391 = %get3A_348, %while3A_392 = %while3A) : (vector<1x512xf32>, i1) -> (vector<1x512xf32>, i1) {
        %not3A = arith.constant true
        %not3A_393 = arith.xori %while3A_392, %not3A : i1
        scf.condition(%not3A_393) %while3A_391, %while3A_392 : vector<1x512xf32>, i1
      } do {
      ^bb0(%while3A_391: vector<1x512xf32>, %while3A_392: i1):
        %dot_general3A_393 = arith.constant dense<0.000000e+00> : vector<1x512xf32>
        %dot_general3A_394 = tpu.matmul %while3A_391, %select_n3A_386, %dot_general3A_393 {dimension_numbers = #tpu.dot_dimension_numbers<[1], [0], [0], [1], [0, 0, 1, 1], [], []>, transpose_lhs_hint = false} : vector<1x512xf32>, vector<512x512xf32>, vector<1x512xf32> -> vector<1x512xf32>
        %gt3A_395 = arith.constant 0.000000e+00 : f32
        %gt3A_396 = vector.broadcast %gt3A_395 : f32 to vector<1x512xf32>
        %gt3A_397 = arith.cmpf ogt, %dot_general3A_394, %gt3A_396 : vector<1x512xf32>
        %jit3A_398 = arith.constant 0.000000e+00 : f32
        %jit3A_399 = arith.constant 1.000000e+00 : f32
        %broadcast_in_dim3A_400 = vector.broadcast %jit3A_398 : f32 to vector<1x512xf32>
        %broadcast_in_dim3A_401 = vector.broadcast %jit3A_399 : f32 to vector<1x512xf32>
        %select_n3A_402 = arith.select %gt3A_397, %broadcast_in_dim3A_400, %broadcast_in_dim3A_401 : vector<1x512xi1>, vector<1x512xf32>
        %mul3A_403 = arith.mulf %get3A_348, %select_n3A_402 : vector<1x512xf32>
        %eq3A_404 = arith.cmpf oeq, %mul3A_403, %while3A_391 : vector<1x512xf32>
        %reduce_and3A = arith.constant 1.000000e+00 : f32
        %reduce_and3A_405 = arith.constant 0.000000e+00 : f32
        %reduce_and3A_406 = vector.broadcast %reduce_and3A : f32 to vector<1x512xf32>
        %reduce_and3A_407 = vector.broadcast %reduce_and3A_405 : f32 to vector<1x512xf32>
        %reduce_and3A_408 = arith.select %eq3A_404, %reduce_and3A_406, %reduce_and3A_407 : vector<1x512xi1>, vector<1x512xf32>
        %reduce_and3A_409 = vector.shape_cast %reduce_and3A_408 : vector<1x512xf32> to vector<1x1x512xf32>
        %reduce_and3A_410 = arith.constant dense<0x7F800000> : vector<1xf32>
        %reduce_and3A_411 = vector.multi_reduction <minimumf>, %reduce_and3A_409, %reduce_and3A_410 [1, 2] : vector<1x1x512xf32> to vector<1xf32>
        %reduce_and3A_412 = vector.shape_cast %reduce_and3A_411 : vector<1xf32> to vector<1x1x1xf32>
        %reduce_and3A_413 = vector.extract %reduce_and3A_412[0, 0, 0] : f32 from vector<1x1x1xf32>
        %reduce_and3A_414 = arith.constant 0.000000e+00 : f32
        %reduce_and3A_415 = arith.cmpf ogt, %reduce_and3A_413, %reduce_and3A_414 : f32
        scf.yield %mul3A_403, %reduce_and3A_415 : vector<1x512xf32>, i1
      }
      %swap3A_388 = arith.constant 0 : index
      %swap3A_389 = arith.constant 3584 : index
      %swap3A_390 = vector.load %arg8[%swap3A_388, %swap3A_389] : memref<1x4096xf32, #tpu.memory_space<vmem>>, vector<1x512xf32>
      tpu.vector_store %arg8[%swap3A_388, %swap3A_389], %while3A_387#0 {strides = array<i32>} : memref<1x4096xf32, #tpu.memory_space<vmem>>, vector<1x512xf32>,
    } else {
    }
    %get3A_148 = arith.constant 0 : index
    %get3A_149 = arith.constant 0 : index
    %get3A_150 = vector.load %arg8[%get3A_148, %get3A_149] : memref<1x4096xf32, #tpu.memory_space<vmem>>, vector<1x4096xf32>
    %iota3A = tpu.iota {dimensions = array<i32: 0>} : vector<512x512xi32>
    %iota3A_151 = tpu.iota {dimensions = array<i32: 1>} : vector<512x512xi32>
    %lt3A_152 = arith.cmpi slt, %iota3A, %iota3A_151 : vector<512x512xi32>
    %jit3A = arith.constant 1.000000e+00 : f32
    %jit3A_153 = arith.constant 0.000000e+00 : f32
    %broadcast_in_dim3A_154 = vector.broadcast %jit3A : f32 to vector<512x512xf32>
    %broadcast_in_dim3A_155 = vector.broadcast %jit3A_153 : f32 to vector<512x512xf32>
    %select_n3A_156 = arith.select %lt3A_152, %broadcast_in_dim3A_154, %broadcast_in_dim3A_155 : vector<512x512xi1>, vector<512x512xf32>
    %broadcast_in_dim3A_157 = arith.constant 0.000000e+00 : f32
    %broadcast_in_dim3A_158 = vector.broadcast %broadcast_in_dim3A_157 : f32 to vector<1x1xf32>
    %slice3A_159 = vector.extract_strided_slice %get3A_150 {offsets = [0, 0], sizes = [1, 512], strides = [1, 1]} : vector<1x4096xf32> to vector<1x512xf32>
    %dot_general3A = arith.constant dense<0.000000e+00> : vector<1x512xf32>
    %dot_general3A_160 = tpu.matmul %slice3A_159, %select_n3A_156, %dot_general3A {dimension_numbers = #tpu.dot_dimension_numbers<[1], [0], [0], [1], [0, 0, 1, 1], [], []>, transpose_lhs_hint = false} : vector<1x512xf32>, vector<512x512xf32>, vector<1x512xf32> -> vector<1x512xf32>
    %add3A_161 = vector.broadcast %broadcast_in_dim3A_158 : vector<1x1xf32> to vector<1x512xf32>
    %add3A_162 = arith.addf %dot_general3A_160, %add3A_161 : vector<1x512xf32>
    %swap3A_163 = arith.constant 0 : index
    %swap3A_164 = arith.constant 0 : index
    %swap3A_165 = vector.load %arg9[%swap3A_163, %swap3A_164] : memref<1x4096xf32, #tpu.memory_space<vmem>>, vector<1x512xf32>
    tpu.vector_store %arg9[%swap3A_163, %swap3A_164], %add3A_162 {strides = array<i32>} : memref<1x4096xf32, #tpu.memory_space<vmem>>, vector<1x512xf32>,
    %reduce_sum3A_166 = vector.shape_cast %slice3A_159 : vector<1x512xf32> to vector<1x1x512xf32>
    %reduce_sum3A_167 = arith.constant dense<0.000000e+00> : vector<1xf32>
    %reduce_sum3A_168 = vector.multi_reduction <add>, %reduce_sum3A_166, %reduce_sum3A_167 [1, 2] : vector<1x1x512xf32> to vector<1xf32>
    %reduce_sum3A_169 = vector.shape_cast %reduce_sum3A_168 : vector<1xf32> to vector<1x1x1xf32>
    %reduce_sum3A_170 = vector.extract %reduce_sum3A_169[0, 0, 0] : f32 from vector<1x1x1xf32>
    %reshape3A = vector.broadcast %reduce_sum3A_170 : f32 to vector<1x1xf32>
    %add3A_171 = arith.addf %broadcast_in_dim3A_158, %reshape3A : vector<1x1xf32>
    %slice3A_172 = vector.extract_strided_slice %get3A_150 {offsets = [0, 512], sizes = [1, 512], strides = [1, 1]} : vector<1x4096xf32> to vector<1x512xf32>
    %dot_general3A_173 = arith.constant dense<0.000000e+00> : vector<1x512xf32>
    %dot_general3A_174 = tpu.matmul %slice3A_172, %select_n3A_156, %dot_general3A_173 {dimension_numbers = #tpu.dot_dimension_numbers<[1], [0], [0], [1], [0, 0, 1, 1], [], []>, transpose_lhs_hint = false} : vector<1x512xf32>, vector<512x512xf32>, vector<1x512xf32> -> vector<1x512xf32>
    %add3A_175 = vector.broadcast %add3A_171 : vector<1x1xf32> to vector<1x512xf32>
    %add3A_176 = arith.addf %dot_general3A_174, %add3A_175 : vector<1x512xf32>
    %swap3A_177 = arith.constant 0 : index
    %swap3A_178 = arith.constant 512 : index
    %swap3A_179 = vector.load %arg9[%swap3A_177, %swap3A_178] : memref<1x4096xf32, #tpu.memory_space<vmem>>, vector<1x512xf32>
    tpu.vector_store %arg9[%swap3A_177, %swap3A_178], %add3A_176 {strides = array<i32>} : memref<1x4096xf32, #tpu.memory_space<vmem>>, vector<1x512xf32>,
    %reduce_sum3A_180 = vector.shape_cast %slice3A_172 : vector<1x512xf32> to vector<1x1x512xf32>
    %reduce_sum3A_181 = arith.constant dense<0.000000e+00> : vector<1xf32>
    %reduce_sum3A_182 = vector.multi_reduction <add>, %reduce_sum3A_180, %reduce_sum3A_181 [1, 2] : vector<1x1x512xf32> to vector<1xf32>
    %reduce_sum3A_183 = vector.shape_cast %reduce_sum3A_182 : vector<1xf32> to vector<1x1x1xf32>
    %reduce_sum3A_184 = vector.extract %reduce_sum3A_183[0, 0, 0] : f32 from vector<1x1x1xf32>
    %reshape3A_185 = vector.broadcast %reduce_sum3A_184 : f32 to vector<1x1xf32>
    %add3A_186 = arith.addf %add3A_171, %reshape3A_185 : vector<1x1xf32>
    %slice3A_187 = vector.extract_strided_slice %get3A_150 {offsets = [0, 1024], sizes = [1, 512], strides = [1, 1]} : vector<1x4096xf32> to vector<1x512xf32>
    %dot_general3A_188 = arith.constant dense<0.000000e+00> : vector<1x512xf32>
    %dot_general3A_189 = tpu.matmul %slice3A_187, %select_n3A_156, %dot_general3A_188 {dimension_numbers = #tpu.dot_dimension_numbers<[1], [0], [0], [1], [0, 0, 1, 1], [], []>, transpose_lhs_hint = false} : vector<1x512xf32>, vector<512x512xf32>, vector<1x512xf32> -> vector<1x512xf32>
    %add3A_190 = vector.broadcast %add3A_186 : vector<1x1xf32> to vector<1x512xf32>
    %add3A_191 = arith.addf %dot_general3A_189, %add3A_190 : vector<1x512xf32>
    %swap3A_192 = arith.constant 0 : index
    %swap3A_193 = arith.constant 1024 : index
    %swap3A_194 = vector.load %arg9[%swap3A_192, %swap3A_193] : memref<1x4096xf32, #tpu.memory_space<vmem>>, vector<1x512xf32>
    tpu.vector_store %arg9[%swap3A_192, %swap3A_193], %add3A_191 {strides = array<i32>} : memref<1x4096xf32, #tpu.memory_space<vmem>>, vector<1x512xf32>,
    %reduce_sum3A_195 = vector.shape_cast %slice3A_187 : vector<1x512xf32> to vector<1x1x512xf32>
    %reduce_sum3A_196 = arith.constant dense<0.000000e+00> : vector<1xf32>
    %reduce_sum3A_197 = vector.multi_reduction <add>, %reduce_sum3A_195, %reduce_sum3A_196 [1, 2] : vector<1x1x512xf32> to vector<1xf32>
    %reduce_sum3A_198 = vector.shape_cast %reduce_sum3A_197 : vector<1xf32> to vector<1x1x1xf32>
    %reduce_sum3A_199 = vector.extract %reduce_sum3A_198[0, 0, 0] : f32 from vector<1x1x1xf32>
    %reshape3A_200 = vector.broadcast %reduce_sum3A_199 : f32 to vector<1x1xf32>
    %add3A_201 = arith.addf %add3A_186, %reshape3A_200 : vector<1x1xf32>
    %slice3A_202 = vector.extract_strided_slice %get3A_150 {offsets = [0, 1536], sizes = [1, 512], strides = [1, 1]} : vector<1x4096xf32> to vector<1x512xf32>
    %dot_general3A_203 = arith.constant dense<0.000000e+00> : vector<1x512xf32>
    %dot_general3A_204 = tpu.matmul %slice3A_202, %select_n3A_156, %dot_general3A_203 {dimension_numbers = #tpu.dot_dimension_numbers<[1], [0], [0], [1], [0, 0, 1, 1], [], []>, transpose_lhs_hint = false} : vector<1x512xf32>, vector<512x512xf32>, vector<1x512xf32> -> vector<1x512xf32>
    %add3A_205 = vector.broadcast %add3A_201 : vector<1x1xf32> to vector<1x512xf32>
    %add3A_206 = arith.addf %dot_general3A_204, %add3A_205 : vector<1x512xf32>
    %swap3A_207 = arith.constant 0 : index
    %swap3A_208 = arith.constant 1536 : index
    %swap3A_209 = vector.load %arg9[%swap3A_207, %swap3A_208] : memref<1x4096xf32, #tpu.memory_space<vmem>>, vector<1x512xf32>
    tpu.vector_store %arg9[%swap3A_207, %swap3A_208], %add3A_206 {strides = array<i32>} : memref<1x4096xf32, #tpu.memory_space<vmem>>, vector<1x512xf32>,
    %reduce_sum3A_210 = vector.shape_cast %slice3A_202 : vector<1x512xf32> to vector<1x1x512xf32>
    %reduce_sum3A_211 = arith.constant dense<0.000000e+00> : vector<1xf32>
    %reduce_sum3A_212 = vector.multi_reduction <add>, %reduce_sum3A_210, %reduce_sum3A_211 [1, 2] : vector<1x1x512xf32> to vector<1xf32>
    %reduce_sum3A_213 = vector.shape_cast %reduce_sum3A_212 : vector<1xf32> to vector<1x1x1xf32>
    %reduce_sum3A_214 = vector.extract %reduce_sum3A_213[0, 0, 0] : f32 from vector<1x1x1xf32>
    %reshape3A_215 = vector.broadcast %reduce_sum3A_214 : f32 to vector<1x1xf32>
    %add3A_216 = arith.addf %add3A_201, %reshape3A_215 : vector<1x1xf32>
    %slice3A_217 = vector.extract_strided_slice %get3A_150 {offsets = [0, 2048], sizes = [1, 512], strides = [1, 1]} : vector<1x4096xf32> to vector<1x512xf32>
    %dot_general3A_218 = arith.constant dense<0.000000e+00> : vector<1x512xf32>
    %dot_general3A_219 = tpu.matmul %slice3A_217, %select_n3A_156, %dot_general3A_218 {dimension_numbers = #tpu.dot_dimension_numbers<[1], [0], [0], [1], [0, 0, 1, 1], [], []>, transpose_lhs_hint = false} : vector<1x512xf32>, vector<512x512xf32>, vector<1x512xf32> -> vector<1x512xf32>
    %add3A_220 = vector.broadcast %add3A_216 : vector<1x1xf32> to vector<1x512xf32>
    %add3A_221 = arith.addf %dot_general3A_219, %add3A_220 : vector<1x512xf32>
    %swap3A_222 = arith.constant 0 : index
    %swap3A_223 = arith.constant 2048 : index
    %swap3A_224 = vector.load %arg9[%swap3A_222, %swap3A_223] : memref<1x4096xf32, #tpu.memory_space<vmem>>, vector<1x512xf32>
    tpu.vector_store %arg9[%swap3A_222, %swap3A_223], %add3A_221 {strides = array<i32>} : memref<1x4096xf32, #tpu.memory_space<vmem>>, vector<1x512xf32>,
    %reduce_sum3A_225 = vector.shape_cast %slice3A_217 : vector<1x512xf32> to vector<1x1x512xf32>
    %reduce_sum3A_226 = arith.constant dense<0.000000e+00> : vector<1xf32>
    %reduce_sum3A_227 = vector.multi_reduction <add>, %reduce_sum3A_225, %reduce_sum3A_226 [1, 2] : vector<1x1x512xf32> to vector<1xf32>
    %reduce_sum3A_228 = vector.shape_cast %reduce_sum3A_227 : vector<1xf32> to vector<1x1x1xf32>
    %reduce_sum3A_229 = vector.extract %reduce_sum3A_228[0, 0, 0] : f32 from vector<1x1x1xf32>
    %reshape3A_230 = vector.broadcast %reduce_sum3A_229 : f32 to vector<1x1xf32>
    %add3A_231 = arith.addf %add3A_216, %reshape3A_230 : vector<1x1xf32>
    %slice3A_232 = vector.extract_strided_slice %get3A_150 {offsets = [0, 2560], sizes = [1, 512], strides = [1, 1]} : vector<1x4096xf32> to vector<1x512xf32>
    %dot_general3A_233 = arith.constant dense<0.000000e+00> : vector<1x512xf32>
    %dot_general3A_234 = tpu.matmul %slice3A_232, %select_n3A_156, %dot_general3A_233 {dimension_numbers = #tpu.dot_dimension_numbers<[1], [0], [0], [1], [0, 0, 1, 1], [], []>, transpose_lhs_hint = false} : vector<1x512xf32>, vector<512x512xf32>, vector<1x512xf32> -> vector<1x512xf32>
    %add3A_235 = vector.broadcast %add3A_231 : vector<1x1xf32> to vector<1x512xf32>
    %add3A_236 = arith.addf %dot_general3A_234, %add3A_235 : vector<1x512xf32>
    %swap3A_237 = arith.constant 0 : index
    %swap3A_238 = arith.constant 2560 : index
    %swap3A_239 = vector.load %arg9[%swap3A_237, %swap3A_238] : memref<1x4096xf32, #tpu.memory_space<vmem>>, vector<1x512xf32>
    tpu.vector_store %arg9[%swap3A_237, %swap3A_238], %add3A_236 {strides = array<i32>} : memref<1x4096xf32, #tpu.memory_space<vmem>>, vector<1x512xf32>,
    %reduce_sum3A_240 = vector.shape_cast %slice3A_232 : vector<1x512xf32> to vector<1x1x512xf32>
    %reduce_sum3A_241 = arith.constant dense<0.000000e+00> : vector<1xf32>
    %reduce_sum3A_242 = vector.multi_reduction <add>, %reduce_sum3A_240, %reduce_sum3A_241 [1, 2] : vector<1x1x512xf32> to vector<1xf32>
    %reduce_sum3A_243 = vector.shape_cast %reduce_sum3A_242 : vector<1xf32> to vector<1x1x1xf32>
    %reduce_sum3A_244 = vector.extract %reduce_sum3A_243[0, 0, 0] : f32 from vector<1x1x1xf32>
    %reshape3A_245 = vector.broadcast %reduce_sum3A_244 : f32 to vector<1x1xf32>
    %add3A_246 = arith.addf %add3A_231, %reshape3A_245 : vector<1x1xf32>
    %slice3A_247 = vector.extract_strided_slice %get3A_150 {offsets = [0, 3072], sizes = [1, 512], strides = [1, 1]} : vector<1x4096xf32> to vector<1x512xf32>
    %dot_general3A_248 = arith.constant dense<0.000000e+00> : vector<1x512xf32>
    %dot_general3A_249 = tpu.matmul %slice3A_247, %select_n3A_156, %dot_general3A_248 {dimension_numbers = #tpu.dot_dimension_numbers<[1], [0], [0], [1], [0, 0, 1, 1], [], []>, transpose_lhs_hint = false} : vector<1x512xf32>, vector<512x512xf32>, vector<1x512xf32> -> vector<1x512xf32>
    %add3A_250 = vector.broadcast %add3A_246 : vector<1x1xf32> to vector<1x512xf32>
    %add3A_251 = arith.addf %dot_general3A_249, %add3A_250 : vector<1x512xf32>
    %swap3A_252 = arith.constant 0 : index
    %swap3A_253 = arith.constant 3072 : index
    %swap3A_254 = vector.load %arg9[%swap3A_252, %swap3A_253] : memref<1x4096xf32, #tpu.memory_space<vmem>>, vector<1x512xf32>
    tpu.vector_store %arg9[%swap3A_252, %swap3A_253], %add3A_251 {strides = array<i32>} : memref<1x4096xf32, #tpu.memory_space<vmem>>, vector<1x512xf32>,
    %reduce_sum3A_255 = vector.shape_cast %slice3A_247 : vector<1x512xf32> to vector<1x1x512xf32>
    %reduce_sum3A_256 = arith.constant dense<0.000000e+00> : vector<1xf32>
    %reduce_sum3A_257 = vector.multi_reduction <add>, %reduce_sum3A_255, %reduce_sum3A_256 [1, 2] : vector<1x1x512xf32> to vector<1xf32>
    %reduce_sum3A_258 = vector.shape_cast %reduce_sum3A_257 : vector<1xf32> to vector<1x1x1xf32>
    %reduce_sum3A_259 = vector.extract %reduce_sum3A_258[0, 0, 0] : f32 from vector<1x1x1xf32>
    %reshape3A_260 = vector.broadcast %reduce_sum3A_259 : f32 to vector<1x1xf32>
    %add3A_261 = arith.addf %add3A_246, %reshape3A_260 : vector<1x1xf32>
    %slice3A_262 = vector.extract_strided_slice %get3A_150 {offsets = [0, 3584], sizes = [1, 512], strides = [1, 1]} : vector<1x4096xf32> to vector<1x512xf32>
    %dot_general3A_263 = arith.constant dense<0.000000e+00> : vector<1x512xf32>
    %dot_general3A_264 = tpu.matmul %slice3A_262, %select_n3A_156, %dot_general3A_263 {dimension_numbers = #tpu.dot_dimension_numbers<[1], [0], [0], [1], [0, 0, 1, 1], [], []>, transpose_lhs_hint = false} : vector<1x512xf32>, vector<512x512xf32>, vector<1x512xf32> -> vector<1x512xf32>
    %add3A_265 = vector.broadcast %add3A_261 : vector<1x1xf32> to vector<1x512xf32>
    %add3A_266 = arith.addf %dot_general3A_264, %add3A_265 : vector<1x512xf32>
    %swap3A_267 = arith.constant 0 : index
    %swap3A_268 = arith.constant 3584 : index
    %swap3A_269 = vector.load %arg9[%swap3A_267, %swap3A_268] : memref<1x4096xf32, #tpu.memory_space<vmem>>, vector<1x512xf32>
    tpu.vector_store %arg9[%swap3A_267, %swap3A_268], %add3A_266 {strides = array<i32>} : memref<1x4096xf32, #tpu.memory_space<vmem>>, vector<1x512xf32>,
    %get3A_270 = arith.constant 0 : index
    %get3A_271 = arith.constant 0 : index
    %get3A_272 = vector.load %arg9[%get3A_270, %get3A_271] : memref<1x4096xf32, #tpu.memory_space<vmem>>, vector<1x4096xf32>
    %convert_element_type3A_273 = arith.fptosi %get3A_272 : vector<1x4096xf32> to vector<1x4096xi32>
    %iota3A_274 = tpu.iota {dimensions = array<i32: 0>} : vector<512x4096xi32>
    %eq3A = vector.broadcast %convert_element_type3A_273 : vector<1x4096xi32> to vector<512x4096xi32>
    %eq3A_275 = arith.cmpi eq, %iota3A_274, %eq3A : vector<512x4096xi32>
    %gt3A = arith.constant 0.000000e+00 : f32
    %gt3A_276 = vector.broadcast %gt3A : f32 to vector<1x4096xf32>
    %gt3A_277 = arith.cmpf ogt, %get3A_150, %gt3A_276 : vector<1x4096xf32>
    %and3A = vector.broadcast %gt3A_277 : vector<1x4096xi1> to vector<512x4096xi1>
    %and3A_278 = arith.andi %eq3A_275, %and3A : vector<512x4096xi1>
    %jit3A_279 = arith.constant 1.000000e+00 : f32
    %jit3A_280 = arith.constant 0.000000e+00 : f32
    %broadcast_in_dim3A_281 = vector.broadcast %jit3A_279 : f32 to vector<512x4096xf32>
    %broadcast_in_dim3A_282 = vector.broadcast %jit3A_280 : f32 to vector<512x4096xf32>
    %select_n3A_283 = arith.select %and3A_278, %broadcast_in_dim3A_281, %broadcast_in_dim3A_282 : vector<512x4096xi1>, vector<512x4096xf32>
    %dot_general3A_284 = arith.constant dense<0.000000e+00> : vector<512x8xf32>
    %dot_general3A_285 = tpu.matmul %select_n3A_283, %get3A_3, %dot_general3A_284 {dimension_numbers = #tpu.dot_dimension_numbers<[1], [1], [0], [0], [0, 0, 1, 0], [], []>, transpose_lhs_hint = false} : vector<512x4096xf32>, vector<8x4096xf32>, vector<512x8xf32> -> vector<512x8xf32>
    %dot_general3A_286 = arith.constant dense<0.000000e+00> : vector<512x1xf32>
    %dot_general3A_287 = tpu.matmul %select_n3A_283, %bitcast_convert_type3A, %dot_general3A_286 {dimension_numbers = #tpu.dot_dimension_numbers<[1], [1], [0], [0], [0, 0, 1, 0], [], []>, transpose_lhs_hint = false} : vector<512x4096xf32>, vector<1x4096xf32>, vector<512x1xf32> -> vector<512x1xf32>
    %convert_element_type3A_288 = arith.sitofp %get3A_19 : vector<1x4096xi32> to vector<1x4096xf32>
    %add3A_289 = arith.constant 1.000000e+00 : f32
    %add3A_290 = vector.broadcast %add3A_289 : f32 to vector<1x4096xf32>
    %add3A_291 = arith.addf %convert_element_type3A_288, %add3A_290 : vector<1x4096xf32>
    %dot_general3A_292 = arith.constant dense<0.000000e+00> : vector<512x1xf32>
    %dot_general3A_293 = tpu.matmul %select_n3A_283, %add3A_291, %dot_general3A_292 {dimension_numbers = #tpu.dot_dimension_numbers<[1], [1], [0], [0], [0, 0, 1, 0], [], []>, transpose_lhs_hint = false} : vector<512x4096xf32>, vector<1x4096xf32>, vector<512x1xf32> -> vector<512x1xf32>
    %swap3A_294 = arith.constant 0 : index
    %swap3A_295 = arith.constant 0 : index
    %swap3A_296 = arith.constant 0 : index
    %swap3A_297 = vector.load %arg4[%swap3A_294, %swap3A_295, %swap3A_296] : memref<1x512x8xf32, #tpu.memory_space<vmem>>, vector<1x512x8xf32>
    %swap3A_298 = vector.shape_cast %swap3A_297 : vector<1x512x8xf32> to vector<512x8xf32>
    %swap3A_299 = vector.shape_cast %dot_general3A_285 : vector<512x8xf32> to vector<1x512x8xf32>
    tpu.vector_store %arg4[%swap3A_294, %swap3A_295, %swap3A_296], %swap3A_299 {strides = array<i32>} : memref<1x512x8xf32, #tpu.memory_space<vmem>>, vector<1x512x8xf32>,
    %swap3A_300 = arith.constant 0 : index
    %swap3A_301 = arith.constant 0 : index
    %swap3A_302 = arith.constant 0 : index
    %swap3A_303 = vector.load %arg5[%swap3A_300, %swap3A_301, %swap3A_302] : memref<1x512x1xf32, #tpu.memory_space<vmem>>, vector<1x512x1xf32>
    %swap3A_304 = vector.shape_cast %swap3A_303 : vector<1x512x1xf32> to vector<512x1xf32>
    %swap3A_305 = vector.shape_cast %dot_general3A_287 : vector<512x1xf32> to vector<1x512x1xf32>
    tpu.vector_store %arg5[%swap3A_300, %swap3A_301, %swap3A_302], %swap3A_305 {strides = array<i32>} : memref<1x512x1xf32, #tpu.memory_space<vmem>>, vector<1x512x1xf32>,
    %convert_element_type3A_306 = arith.fptosi %dot_general3A_293 : vector<512x1xf32> to vector<512x1xi32>
    %swap3A_307 = arith.constant 0 : index
    %swap3A_308 = arith.constant 0 : index
    %swap3A_309 = arith.constant 0 : index
    %swap3A_310 = vector.load %arg6[%swap3A_307, %swap3A_308, %swap3A_309] : memref<1x512x1xi32, #tpu.memory_space<vmem>>, vector<1x512x1xi32>
    %swap3A_311 = vector.shape_cast %swap3A_310 : vector<1x512x1xi32> to vector<512x1xi32>
    %swap3A_312 = vector.shape_cast %convert_element_type3A_306 : vector<512x1xi32> to vector<1x512x1xi32>
    tpu.vector_store %arg6[%swap3A_307, %swap3A_308, %swap3A_309], %swap3A_312 {strides = array<i32>} : memref<1x512x1xi32, #tpu.memory_space<vmem>>, vector<1x512x1xi32>,
    return
  }
  func.func @transform_0(%arg0: i32) -> (i32, i32, i32) {
    %c0_i32 = arith.constant 0 : i32
    %c0_i32_0 = arith.constant 0 : i32
    %c0_i32_1 = arith.constant 0 : i32
    return %arg0, %c0_i32, %c0_i32_0 : i32, i32, i32
  }
  func.func @transform_1(%arg0: i32) -> (i32, i32, i32) {
    %c0_i32 = arith.constant 0 : i32
    %c0_i32_0 = arith.constant 0 : i32
    %c0_i32_1 = arith.constant 0 : i32
    return %arg0, %c0_i32, %c0_i32_0 : i32, i32, i32
  }
  func.func @transform_2(%arg0: i32) -> (i32, i32, i32) {
    %c0_i32 = arith.constant 0 : i32
    %c0_i32_0 = arith.constant 0 : i32
    %c0_i32_1 = arith.constant 0 : i32
    return %arg0, %c0_i32, %c0_i32_0 : i32, i32, i32
  }
  func.func @transform_3(%arg0: i32) -> (i32, i32, i32) {
    %c0_i32 = arith.constant 0 : i32
    %c0_i32_0 = arith.constant 0 : i32
    %c0_i32_1 = arith.constant 0 : i32
    return %arg0, %c0_i32, %c0_i32_0 : i32, i32, i32
  }
  func.func @transform_4(%arg0: i32) -> (i32, i32, i32) {
    %c0_i32 = arith.constant 0 : i32
    %c0_i32_0 = arith.constant 0 : i32
    %c0_i32_1 = arith.constant 0 : i32
    return %arg0, %c0_i32, %c0_i32_0 : i32, i32, i32
  }
  func.func @transform_5(%arg0: i32) -> (i32, i32, i32) {
    %c0_i32 = arith.constant 0 : i32
    %c0_i32_0 = arith.constant 0 : i32
    %c0_i32_1 = arith.constant 0 : i32
    return %arg0, %c0_i32, %c0_i32_0 : i32, i32, i32
  }
}

</mosaic_0001>

<sc_bundles>
// kernel: kernel.10.cloned.1.call-start
scs
__scs_entry_jumppad:
0x0: {  	(pc) =	sbr.rel $0x88, $3  }
0x1: {  	(tag) =	ssettag $0x0;
	lr =	simm.s32 $0x1  }
0x2: {  	[smem:$0x3F9F] =	sst lr;
	_ =	strace $0xD0000000  }
0x3: {  	_ = 	snop  }
0x4: {  	_ = 	snop  }
0x5: {  	_ = 	snop  }
0x6: {  	_ = 	snop  }
0x7: {  	_ = 	snop  }
__scs_overlays_trampoline_lowered:
0x8: {  	[smem:$0x3FAE] =	sst s0  }
0x9: {  	[smem:$0x3FAF] =	sst s1  }
0xa: {  	[smem:$0x3FB0] =	sst s2  }
0xb: {  	[smem:$0x3FB1] =	sst s3  }
0xc: {  	[smem:$0x3FB2] =	sst s4  }
0xd: {  	[smem:$0x3FB3] =	sst s5  }
0xe: {  	[smem:$0x3FB4] =	sst s6  }
0xf: {  	[smem:$0x3FB5] =	sst s7  }
0x10: {  	[smem:$0x3FB6] =	sst s8  }
0x11: {  	[smem:$0x3FB7] =	sst s9;
	s0 =	simm.s32 @!p0 $0x0  }
0x12: {  	s1 =	sld [smem:$0x3F9D];
	s0 =	simm.s32 @p0 $0x1  }
0x13: {  	[smem:$0x3FB8] =	sst s0;
	s0 =	simm.s32 @!p1 $0x0  }
0x14: {  	s2 =	sld [smem:$0x3F9C];
	s0 =	simm.s32 @p1 $0x1  }
0x15: {  	[smem:$0x3FB9] =	sst s0;
	s0 =	simm.s32 @!p2 $0x0  }
0x16: {  	s3 =	sld [smem:$0x3FDB];
	s0 =	simm.s32 @p2 $0x1  }
0x17: {  	s4 =	simm.s32 $0x1BF5;
	[smem:$0x3FBB] =	sst s0  }
0x18: {  	s0 =	sld [smem:$0x3F9E];
	_ =	swait.ge [sflag:s4], $0x0  }
0x19: {  	s7 =	sld [smem:$0x3F9F]  }
0x1a: {  	s8 =	sadd.s32 $0xFFFFE003, lr  }
0x1b: {  	s9 =	sadd.s32 $0xFFFFFEF7, lr;
	s5 =	simm.s32 $0xFFFFFFFF;
	p2 =	slt.u32 s8, $0xFFFFF086  }
0x1c: {  	p1 =	slt.u32 s9, $0xF7A;
	s5 =	simm.s32 @!p2 $0x0  }
0x1d: {  	s5 =	simm.s32 @p1 $0x1;
	p0 =	seq.s32 s7, s2  }
0x1e: {  	s7 =	smul.u32 @!p0 $0xF7A, s2;
	p2 =	seq.s32 @!p0 s5, $0x0  }
0x1f: {  	s9 =	smul.u32 $0xF7A, s1;
	s8 =	simm.s32 @!p0 $0x1BF5;
	p2 =	por !p2, p0  }
0x20: {  	[sflag:s8] =	ssyncset.s32 @!p0 $0xFFFFF086;
	s6 =	sadd.s32 @!p0 s3, s7;
	s7 =	simm.s32 @!p0 $0x108  }
0x21: {  	s3 =	sadd.s32 s3, s9;
	s6 =	sadd.s32 @!p0 $0x88, s6;
	s7 =	simm.s32 @p2 $0x1082  }
0x22: {  	[simem:s7], [sflag:s8] =	dma.local @!p0 [hbm:s6], $0xF7A  }
0x23: {  	s9 =	sor.u32 $0xD0000000, s2;
	s6 =	simm.s32 $0x108;
	_ =	swait.ge @!p0 [sflag:s8], $0x0  }
0x24: {  	s3 =	sadd.s32 $0x88, s3;
	s6 =	simm.s32 @!p1 $0x1082;
	[sflag:s4] =	ssyncset.s32 $0xFFFFF086  }
0x25: {  	[simem:s6], [sflag:s4] =	dma.local [hbm:s3], $0xF7A  }
0x26: {  	[smem:$0x3F9F] =	sst s1;
	(tag) =	ssettag s2;
	_ =	strace s9  }
0x27: {  	s1 =	sld [smem:$0x3FAF]  }
0x28: {  	s2 =	sld [smem:$0x3FB0]  }
0x29: {  	s4 =	sld [smem:$0x3FB2]  }
0x2a: {  	p0 =	seq.s32 s5, $0x0;
	s5 =	sld [smem:$0x3FB3]  }
0x2b: {  	s6 =	sld [smem:$0x3FB4]  }
0x2c: {  	s7 =	sld [smem:$0x3FB5]  }
0x2d: {  	s3 =	simm.s32 $0x108;
	s8 =	sld [smem:$0x3FB6]  }
0x2e: {  	s3 =	simm.s32 @!p0 $0x1082;
	s9 =	sld [smem:$0x3FB7]  }
0x2f: {  	lr =	sadd.s32 s0, s3;
	s0 =	sld [smem:$0x3FAE]  }
0x30: {  	s3 =	sld [smem:$0x3FB1]  }
0x31: {  	[smem:$0x3FBA] =	sst s10  }
0x32: {  	s10 =	sld [smem:$0x3FB8];
	_ =	sdelay $0x3  }
0x33: {  	p0 =	seq.s32 s10, $0x1;
	s10 =	sld [smem:$0x3FBA];
	_ =	sdelay $0x3  }
0x34: {  	[smem:$0x3FBA] =	sst s10  }
0x35: {  	s10 =	sld [smem:$0x3FB9];
	_ =	sdelay $0x3  }
0x36: {  	p1 =	seq.s32 s10, $0x1;
	s10 =	sld [smem:$0x3FBA];
	_ =	sdelay $0x3  }
0x37: {  	[smem:$0x3FBA] =	sst s10  }
0x38: {  	s10 =	sld [smem:$0x3FBB]  }
0x39: {  	_ = 	snop;
	(pc) =	sbr.ind lr, $3  }
0x3a: {  	_ = 	snop  }
0x3b: {  	_ = 	snop  }
0x3c: {  	p2 =	seq.s32 s10, $0x1;
	s10 =	sld [smem:$0x3FBA]  }
0x3d: {  	_ =	shalt  }
0x3e: {  	_ =	shalt  }
0x3f: {  	_ =	shalt  }
0x40: {  	_ =	shalt  }
0x41: {  	_ =	shalt  }
0x42: {  	_ =	shalt  }
0x43: {  	_ =	shalt  }
0x44: {  	_ =	shalt  }
0x45: {  	_ =	shalt  }
0x46: {  	_ =	shalt  }
0x47: {  	_ =	shalt  }
0x48: {  	_ =	shalt  }
0x49: {  	_ =	shalt  }
0x4a: {  	_ =	shalt  }
0x4b: {  	_ =	shalt  }
0x4c: {  	_ =	shalt  }
0x4d: {  	_ =	shalt  }
0x4e: {  	_ =	shalt  }
0x4f: {  	_ =	shalt  }
0x50: {  	_ =	shalt  }
0x51: {  	_ =	shalt  }
0x52: {  	_ =	shalt  }
0x53: {  	_ =	shalt  }
0x54: {  	_ =	shalt  }
0x55: {  	_ =	shalt  }
0x56: {  	_ =	shalt  }
0x57: {  	_ =	shalt  }
0x58: {  	_ =	shalt  }
0x59: {  	_ =	shalt  }
0x5a: {  	_ =	shalt  }
0x5b: {  	_ =	shalt  }
0x5c: {  	_ =	shalt  }
0x5d: {  	_ =	shalt  }
0x5e: {  	_ =	shalt  }
0x5f: {  	_ =	shalt  }
0x60: {  	_ =	shalt  }
0x61: {  	_ =	shalt  }
0x62: {  	_ =	shalt  }
0x63: {  	_ =	shalt  }
0x64: {  	_ =	shalt  }
0x65: {  	_ =	shalt  }
0x66: {  	_ =	shalt  }
0x67: {  	_ =	shalt  }
0x68: {  	_ =	shalt  }
0x69: {  	_ =	shalt  }
0x6a: {  	_ =	shalt  }
0x6b: {  	_ =	shalt  }
0x6c: {  	_ =	shalt  }
0x6d: {  	_ =	shalt  }
0x6e: {  	_ =	shalt  }
0x6f: {  	_ =	shalt  }
0x70: {  	_ =	shalt  }
0x71: {  	_ =	shalt  }
0x72: {  	_ =	shalt  }
0x73: {  	_ =	shalt  }
0x74: {  	_ =	shalt  }
0x75: {  	_ =	shalt  }
0x76: {  	_ =	shalt  }
0x77: {  	_ =	shalt  }
0x78: {  	_ =	shalt  }
0x79: {  	_ =	shalt  }
0x7a: {  	_ =	shalt  }
0x7b: {  	_ =	shalt  }
0x7c: {  	_ =	shalt  }
0x7d: {  	_ =	shalt  }
0x7e: {  	_ =	shalt  }
0x7f: {  	_ =	shalt  }
0x80: {  	_ =	shalt  }
0x81: {  	_ =	shalt  }
0x82: {  	_ =	shalt  }
0x83: {  	_ =	shalt  }
0x84: {  	_ =	shalt  }
0x85: {  	_ =	shalt  }
0x86: {  	_ =	shalt  }
0x87: {  	_ =	shalt  }
.Lfunc_end0:
.L_simem_size_0:
called_computation.1_lowered:
.L_overlay_start_0:
0x88: {  	s2 =	sld [smem:$0x3FD9]  }
0x89: {  	s3 =	sld [smem:$0x3FFE];
	_ =	sdelay $0x1  }
0x8a: {  	s1 =	srdreg.scid  }
0x8b: {  	s0 =	sand.u32 $0x1, s1  }
0x8c: {  	s16 =	sshll.u32 s0, $0xA;
	s2 =	sadd.s32 s3, s2  }
0x8d: {  	s2 =	sadd.s32 s2, s16  }
0x8e: {  	[smem:$0x3FC6] =	sst s2  }
0x8f: {  	_ = 	snop  }
0x90: {  	(tm) =	ssettm $0x1  }
0x91: {  	s17 =	sld [smem:$0x3FFB];
	_ =	sdelay $0x3  }
0x92: {  	_ =	strace s17  }
0x93: {  	s2 =	sld [smem:$0x3FFC];
	_ =	sdelay $0x3  }
0x94: {  	_ =	strace s2  }
0x95: {  	s2 =	sld [smem:$0x3FFD];
	_ =	sdelay $0x3  }
0x96: {  	_ =	strace s2  }
0x97: {  	_ =	strace $0x8FFFFFFF  }
0x98: {  	s18 =	sld [smem:$0x3FDB];
	_ =	sdelay $0x1  }
0x99: {  	s19 =	simm.s32 $_scs_section_size  }
0x9a: {  	s4 =	simm.s32 $_size__tile_overlayer_lowered;
	s5 =	simm.s32 $_tile_overlayer_lowered  }
0x9b: {  	s22 =	simm.s32 $0x1BFF;
	s21 =	sshll.u32 s5, $0x1;
	s2 =	sadd.s32 s19, s18  }
0x9c: {  	s6 =	simm.s32 $0x0;
	s20 =	sshll.u32 s4, $0x1;
	s4 =	sadd.s32 s21, s2  }
0x9d: {  	[timem:s6], [sflag:s22] =	dma.local [hbm:s4], s20  }
0x9e: {  	_ =	swait.ge [sflag:s22], s20  }
0x9f: {  	s3 =	ssub.s32 $0x0, s20;
	[sflag:s22] =	ssyncset.done $0x0  }
0xa0: {  	[sflag:s22] =	ssyncadd.s32 s3;
	_ =	sdelay $0x1  }
0xa1: {  	s23 =	simm.s32 $0x1B8B  }
0xa2: {  	_ =	swait.ge [sflag:s23], $0x1  }
0xa3: {  	[sflag:s23] =	ssyncset.done $0x0  }
0xa4: {  	s25 =	simm.s32 $0x1B8E;
	s24 =	sld [smem:$0x3FFE];
	[sflag:s23] =	ssyncadd.s32 $0xFFFFFFFF  }
0xa5: {  	s26 =	simm.s32 $execute0_lowered;
	[smem:$0x3FD2] =	sst s25  }
0xa6: {  	s4 =	sshll.u32 s26, $0x1;
	_ =	strace $0x80000049;
	[dreg:$0x1] =	wrdreg $0xFFFFFFFF  }
0xa7: {  	s28 =	simm.s32 $_size_execute0_lowered;
	s2 =	sadd.s32 s2, s4;
	[dreg:$0x0] =	wrdreg $0x0  }
0xa8: {  	s4 =	sshll.u32 s28, $0x1;
	[dreg:$0x2] =	wrdreg s2  }
0xa9: {  	[dreg:$0x3] =	wrdreg s4  }
0xaa: {  	[dreg:$0x4] =	wrdreg $0xC0  }
0xab: {  	_ =	task [dreg:s6], $0x5FFFF  }
0xac: {  	[dreg:$0x1] =	wrdreg $0xFFFFFFFF  }
0xad: {  	[dreg:$0x0] =	wrdreg $0x60  }
0xae: {  	[dreg:$0x2] =	wrdreg s24  }
0xaf: {  	[dreg:$0x3] =	wrdreg $0x9  }
0xb0: {  	_ =	task.clear_ibuf [dreg:s6], $0x4FFFF;
	_ =	strace $0x90000049  }
0xb1: {  	s29 =	simm.s32 $0x9;
	_ =	strace $0x8000004B  }
0xb2: {  	_ =	swait.ge [sflag:s29], $0x1  }
0xb3: {  	[sflag:s29] =	ssyncadd.s32 $0xFFFFFFFF  }
0xb4: {  	_ =	strace $0x9000004B  }
0xb5: {  	_ =	sfence  }
0xb6: {  	s30 =	sld [smem:$0x0];
	_ =	sdelay $0x2  }
0xb7: {  	s31 =	sshll.u32 s1, $0xD;
	s1 =	sshrl.u32 s1, $0x2  }
0xb8: {  	s3 =	sand.u32 $0x4000, s31;
	s1 =	sadd.s32 s1, s30  }
0xb9: {  	s0 =	sor.u32 s3, s0;
	s1 =	sshll.u32 s1, $0x11  }
0xba: {  	s0 =	sor.u32 s1, s0  }
0xbb: {  	s0 =	sadd.s32 $0x8F2B, s0  }
0xbc: {  	[sflag:s0] =	ssyncadd.remote.s32 $0x1  }
0xbd: {  	_ =	sfence.sel $0xFFFF  }
0xbe: {  	[dreg:$0x0] =	wrdreg $0xFFFFFFFF;
	(pc) =	sbr.abs _section_cstart, $3  }
0xbf: {  	[dreg:$0x1] =	wrdreg $0xFFFFFFFF  }
0xc0: {  	_ =	task.clear_ibuf [dreg:s6], $0x2FFFF;
	_ =	strace $0x9FFFFFFF  }
0xc1: {  	(tm) =	ssettm $0x7FFFFFFF  }
tec
execute0_lowered:
.L_overlay_start_1:
0x0: {  	(tag) =	ssettag $0x1  }
0x1: {  	s0 =	stileid.u32  }
0x2: {  	p0 =	sgt.u32 s0, $0x1  }
.Ltmp0:
0x3: {  	_ = 	snop;
	(pc) =	sbr.rel @p0 .LBB2_7-.Ltmp0, $4  }
0x4: {  	_ = 	snop  }
0x5: {  	s3 =	simm.s32 $0x0  }
0x6: {  	[smem:$0x7FF] =	sst s3  }
0x7: {  	_ =	strace $0x8000004A  }
0x8: {  	s0 =	srdreg.scid;
	s1 =	stileid.u32  }
0x9: {  	s7 =	rddreg [dreg:$0x0];
	s23 =	simm.s32 $0x3000;
	s24 =	simm.s32 $0x4000  }
0xa: {  	s26 =	simm.s32 $0x14000;
	s29 =	simm.s32 $0xD000;
	s31 =	simm.s32 $0xE000  }
0xb: {  	s30 =	simm.s32 $0x11000;
	s0 =	sand.u32 $0x1, s0;
	s1 =	sshll.u32 s1, $0x1  }
0xc: {  	s2 =	sadd.s32 $0x2800, s7;
	s4 =	sadd.s32 $0x6000, s7;
	s1 =	sor.u32 s0, s1  }
0xd: {  	s0 =	ssub.s32 $0x2, s0;
	s5 =	sshll.u32 s1, $0xC;
	s6 =	sshll.u32 s1, $0x4  }
0xe: {  	s22 =	smul.u32 $0x4E20, s1;
	s5 =	sadd.s32 s5, s7;
	s7 =	sadd.s32 s6, s7  }
0xf: {  	s25 =	smul.u32 $0x5000, s1;
	s21 =	sshrl.u32 s0, $0x1;
	s8 =	sadd.s32 $0x5000, s7  }
0x10: {  	s1 =	simm.s32 $0xF000;
	s14 =	sadd.s32 $0x5800, s7;
	[dreg:$0x2] =	wrdreg s8  }
0x11: {  	s0 =	ssub.s32 s0, s21;
	s15 =	sadd.s32 $0x3000, s7;
	[dreg:$0x3] =	wrdreg s14  }
0x12: {  	s21 =	simm.s32 $0x1000;
	s16 =	sadd.s32 $0x27100, s22;
	[dreg:$0x4] =	wrdreg s15  }
0x13: {  	s28 =	sadd.s32 $0x13880, s22;
	s17 =	sadd.s32 $0x3A980, s22;
	[dreg:$0x8] =	wrdreg s16  }
0x14: {  	s18 =	sadd.s32 $0x4E200, s22;
	s19 =	sadd.s32 $0x61A80, s22;
	[dreg:$0x9] =	wrdreg s17  }
0x15: {  	s20 =	sadd.s32 $0x75300, s22;
	s9 =	sadd.s32 $0x17200, s5;
	[dreg:$0x5] =	wrdreg s18  }
0x16: {  	s10 =	sadd.s32 $0x17210, s5;
	s11 =	sadd.s32 $0x17220, s5;
	[dreg:$0x6] =	wrdreg s19  }
0x17: {  	s12 =	sadd.s32 $0x17230, s5;
	s13 =	sadd.s32 $0x17240, s5;
	[dreg:$0x7] =	wrdreg s20  }
0x18: {  	v0 =	vmov s25;
	v1 =	vmov s22;
	s25 =	simm.s32 $0x10000;
	s8 =	sadd.s32 $0x3800, s7;
	s22 =	rddreg [dreg:$0x8]  }
0x19: {  	s14 =	sadd.s32 $0x17250, s5;
	s16 =	sadd.s32 s2, s6;
	s2 =	rddreg [dreg:$0x9]  }
0x1a: {  	s15 =	sadd.s32 $0x17260, s5;
	s17 =	smax.u32 s0, $0x1;
	s5 =	rddreg [dreg:$0x5]  }
0x1b: {  	s18 =	simm.s32 $0x80;
	s19 =	simm.s32 $0x200;
	s6 =	rddreg [dreg:$0x6]  }
0x1c: {  	s20 =	simm.s32 $0x2;
	v2 =	vmov s28;
	s28 =	simm.s32 $0x13000;
	s7 =	rddreg [dreg:$0x7];
	v3 =	vmov s22;
	v4 =	vmov s2  }
0x1d: {  	s0 =	simm.s32 $0x1;
	s22 =	simm.s32 $0x12000;
	v5 =	vmov s5;
	v6 =	vmov s6;
	v7 =	vmov s7;
	s2 =	simm.s32 $0x400  }
.LBB2_2:
0x1e: {  	s5 =	simm.s32 $0x0  }
0x1f: {  	[tilespmem:s5], [sflag:$0x2] =	stream.strided.gather [hbm4b:s16+s18], $0x1000, s19, s18, $0x38;
	[tilespmem:$0x15000] =	vst v63  }
0x20: {  	_ =	swait.ge [sflag:s20], $0x1000  }
0x21: {  	[sflag:s20] =	ssyncset.done $0x0  }
0x22: {  	s6 =	rddreg [dreg:$0x2];
	[sflag:s20] =	ssyncadd.s32 $0xFFFFF000  }
0x23: {  	[tilespmem:s21], [sflag:$0x2] =	stream.strided.gather [hbm4b:s6+s18], $0x1000, s19, s18, $0x38;
	[tilespmem:$0x15000] =	vst v63  }
0x24: {  	_ =	swait.ge [sflag:s20], $0x1000  }
0x25: {  	[sflag:s20] =	ssyncset.done $0x0  }
0x26: {  	s7 =	simm.s32 $0x2000;
	s6 =	rddreg [dreg:$0x3];
	[sflag:s20] =	ssyncadd.s32 $0xFFFFF000  }
0x27: {  	[tilespmem:s7], [sflag:$0x2] =	stream.strided.gather [hbm4b:s6+s18], $0x1000, s19, s18, $0x38;
	[tilespmem:$0x15000] =	vst v63  }
0x28: {  	_ =	swait.ge [sflag:s20], $0x1000  }
0x29: {  	[sflag:s20] =	ssyncset.done $0x0  }
0x2a: {  	[sflag:s20] =	ssyncadd.s32 $0xFFFFF000  }
.LBB2_3:
0x2b: {  	s6 =	sshra.s32 s5, $0x2  }
0x2c: {  	v8 =	vld [tilespmem:s6+$0x0];
	_ =	sdelay $0x2  }
0x2d: {  	v9 =	vld [tilespmem:s6+$0x1000];
	_ =	sdelay $0x4  }
0x2e: {  	[tilespmem:v8+s23+$0x0] =	vst.idx.msk $0xffff, v9  }
0x2f: {  	v9 =	vld [tilespmem:s6+$0x2000];
	_ =	sdelay $0x4  }
0x30: {  	[tilespmem:v8+s24+$0x0] =	vst.idx.msk $0xffff, v9  }
0x31: {  	v8 =	vld [tilespmem:s6+$0x10];
	_ =	sdelay $0x2  }
0x32: {  	v9 =	vld [tilespmem:s6+$0x1010];
	_ =	sdelay $0x4  }
0x33: {  	[tilespmem:v8+s23+$0x0] =	vst.idx.msk $0xffff, v9  }
0x34: {  	v9 =	vld [tilespmem:s6+$0x2010];
	_ =	sdelay $0x4  }
0x35: {  	[tilespmem:v8+s24+$0x0] =	vst.idx.msk $0xffff, v9  }
0x36: {  	v8 =	vld [tilespmem:s6+$0x20];
	_ =	sdelay $0x2  }
0x37: {  	v9 =	vld [tilespmem:s6+$0x1020];
	_ =	sdelay $0x4  }
0x38: {  	[tilespmem:v8+s23+$0x0] =	vst.idx.msk $0xffff, v9  }
0x39: {  	v9 =	vld [tilespmem:s6+$0x2020];
	_ =	sdelay $0x4  }
0x3a: {  	[tilespmem:v8+s24+$0x0] =	vst.idx.msk $0xffff, v9  }
0x3b: {  	v8 =	vld [tilespmem:s6+$0x30];
	_ =	sdelay $0x2  }
0x3c: {  	v9 =	vld [tilespmem:s6+$0x1030];
	_ =	sdelay $0x4  }
0x3d: {  	[tilespmem:v8+s23+$0x0] =	vst.idx.msk $0xffff, v9  }
0x3e: {  	p0 =	sne.s32 s5, $0x3F00;
	v9 =	vld [tilespmem:s6+$0x2030]  }
.Ltmp1:
0x3f: {  	_ = 	snop;
	(pc) =	sbr.rel @p0 .LBB2_3-.Ltmp1, $2  }
0x40: {  	_ =	sdelay $0x2  }
0x41: {  	s5 =	sadd.s32 $0x100, s5;
	[tilespmem:v8+s24+$0x0] =	vst.idx.msk $0xffff, v9  }
0x42: {  	s5 =	rddreg [dreg:$0x4]  }
0x43: {  	[hbm4b:s5+s18] =	stream.strided.scatter [tilespmem:s24], [sflag:$0x2], $0x1000, s19, s18, $0x38;
	[tilespmem:$0x15000] =	vst v63  }
0x44: {  	_ =	swait.ge [sflag:s20], $0x1000  }
0x45: {  	[sflag:s20] =	ssyncset.done $0x0  }
0x46: {  	s5 =	simm.s32 $0x0;
	[sflag:s20] =	ssyncadd.s32 $0xFFFFF000  }
0x47: {  	v9 =	vld [tilespmem:s5+$0x3030]  }
0x48: {  	v8 =	vld [tilespmem:s5+$0x3000];
	_ =	sdelay $0x3  }
0x49: {  	v12 =	vadd.s32 v7, v9  }
0x4a: {  	v13 =	vadd.s32 v0, v8;
	[tilespmem:s5+$0xC030] =	vst v12  }
0x4b: {  	v14 =	vadd.s32 v0, v9;
	[tilespmem:s5+$0x5000] =	vst v13  }
0x4c: {  	v12 =	vadd.s32 v1, v8;
	[tilespmem:s5+$0x5030] =	vst v14  }
0x4d: {  	v13 =	vadd.s32 v2, v8;
	[tilespmem:s5+$0x6000] =	vst v12  }
0x4e: {  	v10 =	vld [tilespmem:s5+$0x3010];
	v12 =	vadd.s32 v3, v8;
	[tilespmem:s5+$0x7000] =	vst v13  }
0x4f: {  	v13 =	vadd.s32 v4, v8;
	[tilespmem:s5+$0x8000] =	vst v12  }
0x50: {  	v12 =	vadd.s32 v5, v8;
	[tilespmem:s5+$0x9000] =	vst v13  }
0x51: {  	v13 =	vadd.s32 v6, v8;
	[tilespmem:s5+$0xA000] =	vst v12  }
0x52: {  	v8 =	vadd.s32 v7, v8;
	[tilespmem:s5+$0xB000] =	vst v13  }
0x53: {  	v12 =	vadd.s32 v0, v10;
	[tilespmem:s5+$0xC000] =	vst v8  }
0x54: {  	v8 =	vadd.s32 v1, v10;
	[tilespmem:s5+$0x5010] =	vst v12  }
0x55: {  	v12 =	vadd.s32 v2, v10;
	[tilespmem:s5+$0x6010] =	vst v8  }
0x56: {  	v11 =	vld [tilespmem:s5+$0x3020];
	v8 =	vadd.s32 v3, v10;
	[tilespmem:s5+$0x7010] =	vst v12  }
0x57: {  	v12 =	vadd.s32 v4, v10;
	[tilespmem:s5+$0x8010] =	vst v8  }
0x58: {  	v8 =	vadd.s32 v5, v10;
	[tilespmem:s5+$0x9010] =	vst v12  }
0x59: {  	v12 =	vadd.s32 v6, v10;
	[tilespmem:s5+$0xA010] =	vst v8  }
0x5a: {  	v8 =	vadd.s32 v7, v10;
	[tilespmem:s5+$0xB010] =	vst v12  }
0x5b: {  	v10 =	vadd.s32 v0, v11;
	[tilespmem:s5+$0xC010] =	vst v8  }
0x5c: {  	v8 =	vadd.s32 v1, v11;
	[tilespmem:s5+$0x5020] =	vst v10  }
0x5d: {  	v10 =	vadd.s32 v2, v11;
	[tilespmem:s5+$0x6020] =	vst v8  }
0x5e: {  	v8 =	vadd.s32 v3, v11;
	[tilespmem:s5+$0x7020] =	vst v10  }
0x5f: {  	v10 =	vadd.s32 v4, v11;
	[tilespmem:s5+$0x8020] =	vst v8  }
0x60: {  	v8 =	vadd.s32 v5, v11;
	[tilespmem:s5+$0x9020] =	vst v10  }
0x61: {  	v13 =	vadd.s32 v2, v9;
	v10 =	vadd.s32 v6, v11;
	[tilespmem:s5+$0xA020] =	vst v8  }
0x62: {  	v12 =	vadd.s32 v3, v9;
	v11 =	vadd.s32 v7, v11;
	[tilespmem:s5+$0xB020] =	vst v10;
	v8 =	vadd.s32 v1, v9  }
0x63: {  	s7 =	simm.s32 $0x40;
	s6 =	simm.s32 $0x200;
	[tilespmem:s5+$0xC020] =	vst v11;
	v10 =	vadd.s32 v4, v9;
	v11 =	vadd.s32 v5, v9;
	v9 =	vadd.s32 v6, v9  }
.LBB2_5:
0x64: {  	p0 =	sne.s32 s6, $0x3F00;
	v14 =	vld [tilespmem:s7+$0x3030];
	[tilespmem:s5+$0x6030] =	vst v8  }
0x65: {  	v15 =	vld [tilespmem:s7+$0x3000];
	[tilespmem:s5+$0x7030] =	vst v13  }
0x66: {  	v13 =	vld [tilespmem:s7+$0x3010];
	[tilespmem:s5+$0x8030] =	vst v12  }
0x67: {  	v12 =	vld [tilespmem:s7+$0x3020];
	[tilespmem:s5+$0x9030] =	vst v10  }
0x68: {  	[tilespmem:s5+$0xA030] =	vst v11  }
0x69: {  	v16 =	vadd.s32 v0, v14;
	v8 =	vadd.s32 v1, v14;
	v10 =	vadd.s32 v7, v14;
	[tilespmem:s5+$0xB030] =	vst v9;
	s5 =	smov.u32 s7  }
0x6a: {  	v9 =	vadd.s32 v0, v15;
	v11 =	vadd.s32 v1, v15;
	v17 =	vadd.s32 v2, v15;
	[tilespmem:s5+$0xC030] =	vst v10  }
0x6b: {  	v10 =	vadd.s32 v4, v15;
	v18 =	vadd.s32 v5, v15;
	[tilespmem:s5+$0x5000] =	vst v9;
	v9 =	vadd.s32 v3, v15  }
0x6c: {  	v19 =	vadd.s32 v0, v13;
	[tilespmem:s5+$0x6000] =	vst v11;
	v11 =	vadd.s32 v6, v15;
	v15 =	vadd.s32 v7, v15  }
0x6d: {  	v20 =	vadd.s32 v2, v13;
	v21 =	vadd.s32 v3, v13;
	[tilespmem:s5+$0x7000] =	vst v17;
	v17 =	vadd.s32 v1, v13  }
0x6e: {  	v22 =	vadd.s32 v4, v13;
	v23 =	vadd.s32 v5, v13;
	v24 =	vadd.s32 v6, v13;
	[tilespmem:s5+$0x8000] =	vst v9  }
0x6f: {  	v25 =	vadd.s32 v7, v13;
	v26 =	vadd.s32 v0, v12;
	v27 =	vadd.s32 v1, v12;
	[tilespmem:s5+$0x9000] =	vst v10  }
0x70: {  	v28 =	vadd.s32 v3, v12;
	v29 =	vadd.s32 v4, v12;
	[tilespmem:s5+$0xA000] =	vst v18;
	v18 =	vadd.s32 v2, v12  }
0x71: {  	v30 =	vadd.s32 v5, v12;
	v31 =	vadd.s32 v6, v12;
	v32 =	vadd.s32 v7, v12;
	[tilespmem:s5+$0xB000] =	vst v11  }
0x72: {  	v13 =	vadd.s32 v2, v14;
	v10 =	vadd.s32 v4, v14;
	v12 =	vadd.s32 v3, v14;
	[tilespmem:s5+$0xC000] =	vst v15  }
0x73: {  	v9 =	vadd.s32 v6, v14;
	v11 =	vadd.s32 v5, v14;
	[tilespmem:s5+$0x5010] =	vst v19  }
0x74: {  	[tilespmem:s5+$0x6010] =	vst v17  }
0x75: {  	[tilespmem:s5+$0x7010] =	vst v20  }
0x76: {  	[tilespmem:s5+$0x8010] =	vst v21  }
0x77: {  	[tilespmem:s5+$0x9010] =	vst v22  }
0x78: {  	[tilespmem:s5+$0xA010] =	vst v23  }
0x79: {  	[tilespmem:s5+$0xB010] =	vst v24  }
0x7a: {  	[tilespmem:s5+$0xC010] =	vst v25  }
0x7b: {  	[tilespmem:s5+$0x5020] =	vst v26  }
0x7c: {  	[tilespmem:s5+$0x6020] =	vst v27  }
0x7d: {  	[tilespmem:s5+$0x7020] =	vst v18  }
0x7e: {  	[tilespmem:s5+$0x8020] =	vst v28  }
.Ltmp2:
0x7f: {  	[tilespmem:s5+$0x9020] =	vst v29;
	(pc) =	sbr.rel @p0 .LBB2_5-.Ltmp2, $4  }
0x80: {  	[tilespmem:s5+$0xA020] =	vst v30  }
0x81: {  	[tilespmem:s5+$0xB020] =	vst v31  }
0x82: {  	[tilespmem:s5+$0xC020] =	vst v32  }
0x83: {  	s7 =	sshra.s32 s6, $0x2;
	s6 =	sadd.s32 $0x100, s6;
	[tilespmem:s5+$0x5030] =	vst v16  }
0x84: {  	v14 =	vld [tilespmem:s7+$0x3030];
	[tilespmem:s5+$0x6030] =	vst v8  }
0x85: {  	v8 =	vld [tilespmem:s7+$0x3000];
	[tilespmem:s5+$0x7030] =	vst v13  }
0x86: {  	v13 =	vld [tilespmem:s7+$0x3010];
	[tilespmem:s5+$0x8030] =	vst v12  }
0x87: {  	v12 =	vld [tilespmem:s7+$0x3020];
	[tilespmem:s5+$0x9030] =	vst v10  }
0x88: {  	[tilespmem:s5+$0xA030] =	vst v11  }
0x89: {  	[tilespmem:s5+$0xB030] =	vst v9;
	v44 =	vadd.s32 v7, v14  }
0x8a: {  	v60 =	vadd.s32 v0, v14;
	[tilespmem:s7+$0xC030] =	vst v44  }
0x8b: {  	v61 =	vadd.s32 v2, v14;
	[tilespmem:s7+$0x5030] =	vst v60  }
0x8c: {  	v62 =	vadd.s32 v4, v14;
	[tilespmem:s7+$0x7030] =	vst v61  }
0x8d: {  	v63 =	vadd.s32 v6, v14;
	[tilespmem:s7+$0x9030] =	vst v62  }
0x8e: {  	v45 =	vadd.s32 v0, v8;
	[tilespmem:s7+$0xB030] =	vst v63  }
0x8f: {  	v46 =	vadd.s32 v1, v8;
	[tilespmem:s7+$0x5000] =	vst v45  }
0x90: {  	v47 =	vadd.s32 v2, v8;
	[tilespmem:s7+$0x6000] =	vst v46  }
0x91: {  	v48 =	vadd.s32 v3, v8;
	[tilespmem:s7+$0x7000] =	vst v47  }
0x92: {  	v49 =	vadd.s32 v4, v8;
	[tilespmem:s7+$0x8000] =	vst v48  }
0x93: {  	v50 =	vadd.s32 v5, v8;
	[tilespmem:s7+$0x9000] =	vst v49  }
0x94: {  	v51 =	vadd.s32 v6, v8;
	[tilespmem:s7+$0xA000] =	vst v50  }
0x95: {  	v8 =	vadd.s32 v7, v8;
	[tilespmem:s7+$0xB000] =	vst v51  }
0x96: {  	v52 =	vadd.s32 v0, v13;
	[tilespmem:s7+$0xC000] =	vst v8  }
0x97: {  	v8 =	vadd.s32 v1, v13;
	[tilespmem:s7+$0x5010] =	vst v52  }
0x98: {  	v53 =	vadd.s32 v2, v13;
	[tilespmem:s7+$0x6010] =	vst v8  }
0x99: {  	v54 =	vadd.s32 v4, v13;
	[tilespmem:s7+$0x7010] =	vst v53  }
0x9a: {  	v55 =	vadd.s32 v6, v13;
	[tilespmem:s7+$0x9010] =	vst v54  }
0x9b: {  	v8 =	vadd.s32 v3, v13;
	[tilespmem:s7+$0xB010] =	vst v55  }
0x9c: {  	v56 =	vadd.s32 v0, v12;
	[tilespmem:s7+$0x8010] =	vst v8  }
0x9d: {  	v57 =	vadd.s32 v2, v12;
	[tilespmem:s7+$0x5020] =	vst v56  }
0x9e: {  	v58 =	vadd.s32 v4, v12;
	[tilespmem:s7+$0x7020] =	vst v57  }
0x9f: {  	v59 =	vadd.s32 v6, v12;
	[tilespmem:s7+$0x9020] =	vst v58  }
0xa0: {  	v8 =	vadd.s32 v5, v13;
	[tilespmem:s7+$0xB020] =	vst v59  }
0xa1: {  	[tilespmem:s7+$0xA010] =	vst v8;
	v8 =	vadd.s32 v7, v13  }
0xa2: {  	[tilespmem:s7+$0xC010] =	vst v8;
	v8 =	vadd.s32 v1, v12  }
0xa3: {  	[tilespmem:s7+$0x6020] =	vst v8;
	v8 =	vadd.s32 v3, v12  }
0xa4: {  	[tilespmem:s7+$0x8020] =	vst v8;
	v8 =	vadd.s32 v5, v12  }
0xa5: {  	[tilespmem:s7+$0xA020] =	vst v8;
	v8 =	vadd.s32 v7, v12  }
0xa6: {  	[tilespmem:s7+$0xC020] =	vst v8;
	v8 =	vadd.s32 v1, v14  }
0xa7: {  	[tilespmem:s7+$0x6030] =	vst v8;
	v8 =	vadd.s32 v3, v14  }
0xa8: {  	[tilespmem:s7+$0x8030] =	vst v8;
	v8 =	vadd.s32 v5, v14  }
0xa9: {  	s6 =	simm.s32 $0x5000;
	[tilespmem:s7+$0xA030] =	vst v8;
	s7 =	rddreg [dreg:$0x0]  }
0xaa: {  	[tilespmem:s26], [sflag:$0x1] =	stream.indirect.gather [hbm4b:s7+s21], $0x1, s6, s21, $0xb8;
	[tilespmem:$0x15000] =	vst v63  }
0xab: {  	s7 =	simm.s32 $0x6000  }
0xac: {  	[tilespmem:s29], [sflag:$0x1] =	stream.indirect.gather [hbm4b:s4+s21], $0x1, s7, s21, $0xb8;
	[tilespmem:$0x15000] =	vst v63  }
0xad: {  	s6 =	simm.s32 $0x7000  }
0xae: {  	[tilespmem:s31], [sflag:$0x1] =	stream.indirect.gather [hbm4b:s4+s21], $0x1, s6, s21, $0xb8;
	[tilespmem:$0x15000] =	vst v63  }
0xaf: {  	s7 =	simm.s32 $0x8000  }
0xb0: {  	[tilespmem:s1], [sflag:$0x1] =	stream.indirect.gather [hbm4b:s4+s21], $0x1, s7, s21, $0xb8;
	[tilespmem:$0x15000] =	vst v63  }
0xb1: {  	s6 =	simm.s32 $0x9000  }
0xb2: {  	[tilespmem:s25], [sflag:$0x1] =	stream.indirect.gather [hbm4b:s4+s21], $0x1, s6, s21, $0xb8;
	[tilespmem:$0x15000] =	vst v63  }
0xb3: {  	s7 =	simm.s32 $0xA000  }
0xb4: {  	[tilespmem:s30], [sflag:$0x1] =	stream.indirect.gather [hbm4b:s4+s21], $0x1, s7, s21, $0xb8;
	[tilespmem:$0x15000] =	vst v63  }
0xb5: {  	s6 =	simm.s32 $0xB000  }
0xb6: {  	[tilespmem:s22], [sflag:$0x1] =	stream.indirect.gather [hbm4b:s4+s21], $0x1, s6, s21, $0xb8;
	[tilespmem:$0x15000] =	vst v63  }
0xb7: {  	s7 =	simm.s32 $0xC000  }
0xb8: {  	[tilespmem:s28], [sflag:$0x1] =	stream.indirect.gather [hbm4b:s4+s21], $0x1, s7, s21, $0xb8;
	[tilespmem:$0x15000] =	vst v63  }
0xb9: {  	_ =	swait.ge [sflag:s0], $0x1000  }
0xba: {  	[sflag:s0] =	ssyncset.done $0x0  }
0xbb: {  	[sflag:s0] =	ssyncadd.s32 $0xFFFFF000  }
0xbc: {  	_ =	swait.ge [sflag:s0], $0x1000  }
0xbd: {  	[sflag:s0] =	ssyncset.done $0x0  }
0xbe: {  	[sflag:s0] =	ssyncadd.s32 $0xFFFFF000  }
0xbf: {  	_ =	swait.ge [sflag:s0], $0x1000  }
0xc0: {  	[sflag:s0] =	ssyncset.done $0x0  }
0xc1: {  	[sflag:s0] =	ssyncadd.s32 $0xFFFFF000  }
0xc2: {  	_ =	swait.ge [sflag:s0], $0x1000  }
0xc3: {  	[sflag:s0] =	ssyncset.done $0x0  }
0xc4: {  	[sflag:s0] =	ssyncadd.s32 $0xFFFFF000  }
0xc5: {  	_ =	swait.ge [sflag:s0], $0x1000  }
0xc6: {  	[sflag:s0] =	ssyncset.done $0x0  }
0xc7: {  	[sflag:s0] =	ssyncadd.s32 $0xFFFFF000  }
0xc8: {  	_ =	swait.ge [sflag:s0], $0x1000  }
0xc9: {  	[sflag:s0] =	ssyncset.done $0x0  }
0xca: {  	[sflag:s0] =	ssyncadd.s32 $0xFFFFF000  }
0xcb: {  	_ =	swait.ge [sflag:s0], $0x1000  }
0xcc: {  	[sflag:s0] =	ssyncset.done $0x0  }
0xcd: {  	[sflag:s0] =	ssyncadd.s32 $0xFFFFF000  }
0xce: {  	_ =	swait.ge [sflag:s0], $0x1000  }
0xcf: {  	[sflag:s0] =	ssyncset.done $0x0  }
0xd0: {  	[sflag:s0] =	ssyncadd.s32 $0xFFFFF000  }
0xd1: {  	[hbm4b:s8+s18] =	stream.strided.scatter [tilespmem:s26], [sflag:$0x2], $0x1000, s19, s18, $0x38;
	[tilespmem:$0x15000] =	vst v63  }
0xd2: {  	_ =	swait.ge [sflag:s20], $0x1000  }
0xd3: {  	[sflag:s20] =	ssyncset.done $0x0  }
0xd4: {  	[sflag:s20] =	ssyncadd.s32 $0xFFFFF000  }
0xd5: {  	[hbm4b:s9+s18] =	stream.strided.scatter [tilespmem:s29], [sflag:$0x2], $0x1000, s2, s18, $0x38;
	[tilespmem:$0x15000] =	vst v63  }
0xd6: {  	_ =	swait.ge [sflag:s20], $0x1000  }
0xd7: {  	[sflag:s20] =	ssyncset.done $0x0  }
0xd8: {  	[sflag:s20] =	ssyncadd.s32 $0xFFFFF000  }
0xd9: {  	[hbm4b:s10+s18] =	stream.strided.scatter [tilespmem:s31], [sflag:$0x2], $0x1000, s2, s18, $0x38;
	[tilespmem:$0x15000] =	vst v63  }
0xda: {  	_ =	swait.ge [sflag:s20], $0x1000  }
0xdb: {  	[sflag:s20] =	ssyncset.done $0x0  }
0xdc: {  	[sflag:s20] =	ssyncadd.s32 $0xFFFFF000  }
0xdd: {  	[hbm4b:s11+s18] =	stream.strided.scatter [tilespmem:s1], [sflag:$0x2], $0x1000, s2, s18, $0x38;
	[tilespmem:$0x15000] =	vst v63  }
0xde: {  	_ =	swait.ge [sflag:s20], $0x1000  }
0xdf: {  	[sflag:s20] =	ssyncset.done $0x0  }
0xe0: {  	[sflag:s20] =	ssyncadd.s32 $0xFFFFF000  }
0xe1: {  	[hbm4b:s12+s18] =	stream.strided.scatter [tilespmem:s25], [sflag:$0x2], $0x1000, s2, s18, $0x38;
	[tilespmem:$0x15000] =	vst v63  }
0xe2: {  	_ =	swait.ge [sflag:s20], $0x1000  }
0xe3: {  	[sflag:s20] =	ssyncset.done $0x0  }
0xe4: {  	[sflag:s20] =	ssyncadd.s32 $0xFFFFF000  }
0xe5: {  	[hbm4b:s13+s18] =	stream.strided.scatter [tilespmem:s30], [sflag:$0x2], $0x1000, s2, s18, $0x38;
	[tilespmem:$0x15000] =	vst v63  }
0xe6: {  	_ =	swait.ge [sflag:s20], $0x1000  }
0xe7: {  	[sflag:s20] =	ssyncset.done $0x0  }
0xe8: {  	[sflag:s20] =	ssyncadd.s32 $0xFFFFF000  }
0xe9: {  	[hbm4b:s14+s18] =	stream.strided.scatter [tilespmem:s22], [sflag:$0x2], $0x1000, s2, s18, $0x38;
	[tilespmem:$0x15000] =	vst v63  }
0xea: {  	s3 =	sadd.s32 $0x1, s3;
	_ =	swait.ge [sflag:s20], $0x1000  }
0xeb: {  	p0 =	sne.s32 s3, s17;
	[sflag:s20] =	ssyncset.done $0x0  }
.Ltmp3:
0xec: {  	[sflag:s20] =	ssyncadd.s32 $0xFFFFF000;
	(pc) =	sbr.rel @p0 .LBB2_2-.Ltmp3, $4  }
0xed: {  	[hbm4b:s15+s18] =	stream.strided.scatter [tilespmem:s28], [sflag:$0x2], $0x1000, s2, s18, $0x38;
	[tilespmem:$0x15000] =	vst v63  }
0xee: {  	_ =	swait.ge [sflag:s20], $0x1000  }
0xef: {  	[sflag:s20] =	ssyncset.done $0x0  }
0xf0: {  	[sflag:s20] =	ssyncadd.s32 $0xFFFFF000  }
.LBB2_7:
0xf1: {  	_ =	sfence.sel $0x180000  }
0xf2: {  	[bflag:$0x0] =	sbarrier.arrive $0xFFFF  }
0xf3: {  	_ =	strace $0x9000004A  }
0xf4: {  	s0 =	stileid.u32;
	[bflag:$0x2] =	sbarrier.arrive $0xFFFF  }
0xf5: {  	p0 =	sne.s32 s0, $0x0;
	s0 =	rddreg [dreg:$0x1]  }
0xf6: {  	s0 =	sadd.s32 @!p0 $0x100000, s0  }
0xf7: {  	[sflag:s0] =	ssyncadd.tile.s32 @!p0 $0x1;
	_ =	shalt  }
.Lfunc_end2:
_tile_overlayer_lowered:
.L_overlay_start_2:
0xf8: {  	(tag) =	ssettag $0x2  }
0xf9: {  	s0 =	rddreg [dreg:$0x0];
	s2 =	stileid.u32  }
0xfa: {  	s1 =	rddreg [dreg:$0x1];
	p0 =	sne.s32 s2, $0x0  }
0xfb: {  	s3 =	rddreg [dreg:$0x2];
	[bflag:$0x3] =	sbarrier.arrive $0xFFFF;
	s2 =	simm.s32 @!p0 $0x1C02  }
0xfc: {  	[timem:s3], [sflag:s2] =	dma.local @!p0 [hbm:s0], s1  }
0xfd: {  	s0 =	simm.s32 @!p0 $0x2  }
0xfe: {  	_ =	swait.ge @!p0 [sflag:s0], s1  }
0xff: {  	s1 =	ssub.s32 @!p0 $0x0, s1;
	[sflag:s0] =	ssyncset.done @!p0 $0x0  }
0x100: {  	[sflag:s0] =	ssyncadd.s32 @!p0 s1  }
0x101: {  	[bflag:$0x3] =	sbarrier.arrive $0xFFFF  }
0x102: {  	_ =	shalt  }

// kernel: kernel.7.cloned.1.call-start
scs
__scs_entry_jumppad:
0x0: {  	(pc) =	sbr.rel $0x88, $3  }
0x1: {  	(tag) =	ssettag $0x0;
	lr =	simm.s32 $0x1  }
0x2: {  	[smem:$0x3F9F] =	sst lr;
	_ =	strace $0xD0000000  }
0x3: {  	_ = 	snop  }
0x4: {  	_ = 	snop  }
0x5: {  	_ = 	snop  }
0x6: {  	_ = 	snop  }
0x7: {  	_ = 	snop  }
__scs_overlays_trampoline_lowered:
0x8: {  	[smem:$0x3FAE] =	sst s0  }
0x9: {  	[smem:$0x3FAF] =	sst s1  }
0xa: {  	[smem:$0x3FB0] =	sst s2  }
0xb: {  	[smem:$0x3FB1] =	sst s3  }
0xc: {  	[smem:$0x3FB2] =	sst s4  }
0xd: {  	[smem:$0x3FB3] =	sst s5  }
0xe: {  	[smem:$0x3FB4] =	sst s6  }
0xf: {  	[smem:$0x3FB5] =	sst s7  }
0x10: {  	[smem:$0x3FB6] =	sst s8  }
0x11: {  	[smem:$0x3FB7] =	sst s9;
	s0 =	simm.s32 @!p0 $0x0  }
0x12: {  	s1 =	sld [smem:$0x3F9D];
	s0 =	simm.s32 @p0 $0x1  }
0x13: {  	[smem:$0x3FB8] =	sst s0;
	s0 =	simm.s32 @!p1 $0x0  }
0x14: {  	s2 =	sld [smem:$0x3F9C];
	s0 =	simm.s32 @p1 $0x1  }
0x15: {  	[smem:$0x3FB9] =	sst s0;
	s0 =	simm.s32 @!p2 $0x0  }
0x16: {  	s3 =	sld [smem:$0x3FDB];
	s0 =	simm.s32 @p2 $0x1  }
0x17: {  	s4 =	simm.s32 $0x1BF5;
	[smem:$0x3FBB] =	sst s0  }
0x18: {  	s0 =	sld [smem:$0x3F9E];
	_ =	swait.ge [sflag:s4], $0x0  }
0x19: {  	s7 =	sld [smem:$0x3F9F]  }
0x1a: {  	s8 =	sadd.s32 $0xFFFFE003, lr  }
0x1b: {  	s9 =	sadd.s32 $0xFFFFFEF7, lr;
	s5 =	simm.s32 $0xFFFFFFFF;
	p2 =	slt.u32 s8, $0xFFFFF086  }
0x1c: {  	p1 =	slt.u32 s9, $0xF7A;
	s5 =	simm.s32 @!p2 $0x0  }
0x1d: {  	s5 =	simm.s32 @p1 $0x1;
	p0 =	seq.s32 s7, s2  }
0x1e: {  	s7 =	smul.u32 @!p0 $0xF7A, s2;
	p2 =	seq.s32 @!p0 s5, $0x0  }
0x1f: {  	s9 =	smul.u32 $0xF7A, s1;
	s8 =	simm.s32 @!p0 $0x1BF5;
	p2 =	por !p2, p0  }
0x20: {  	[sflag:s8] =	ssyncset.s32 @!p0 $0xFFFFF086;
	s6 =	sadd.s32 @!p0 s3, s7;
	s7 =	simm.s32 @!p0 $0x108  }
0x21: {  	s3 =	sadd.s32 s3, s9;
	s6 =	sadd.s32 @!p0 $0x88, s6;
	s7 =	simm.s32 @p2 $0x1082  }
0x22: {  	[simem:s7], [sflag:s8] =	dma.local @!p0 [hbm:s6], $0xF7A  }
0x23: {  	s9 =	sor.u32 $0xD0000000, s2;
	s6 =	simm.s32 $0x108;
	_ =	swait.ge @!p0 [sflag:s8], $0x0  }
0x24: {  	s3 =	sadd.s32 $0x88, s3;
	s6 =	simm.s32 @!p1 $0x1082;
	[sflag:s4] =	ssyncset.s32 $0xFFFFF086  }
0x25: {  	[simem:s6], [sflag:s4] =	dma.local [hbm:s3], $0xF7A  }
0x26: {  	[smem:$0x3F9F] =	sst s1;
	(tag) =	ssettag s2;
	_ =	strace s9  }
0x27: {  	s1 =	sld [smem:$0x3FAF]  }
0x28: {  	s2 =	sld [smem:$0x3FB0]  }
0x29: {  	s4 =	sld [smem:$0x3FB2]  }
0x2a: {  	p0 =	seq.s32 s5, $0x0;
	s5 =	sld [smem:$0x3FB3]  }
0x2b: {  	s6 =	sld [smem:$0x3FB4]  }
0x2c: {  	s7 =	sld [smem:$0x3FB5]  }
0x2d: {  	s3 =	simm.s32 $0x108;
	s8 =	sld [smem:$0x3FB6]  }
0x2e: {  	s3 =	simm.s32 @!p0 $0x1082;
	s9 =	sld [smem:$0x3FB7]  }
0x2f: {  	lr =	sadd.s32 s0, s3;
	s0 =	sld [smem:$0x3FAE]  }
0x30: {  	s3 =	sld [smem:$0x3FB1]  }
0x31: {  	[smem:$0x3FBA] =	sst s10  }
0x32: {  	s10 =	sld [smem:$0x3FB8];
	_ =	sdelay $0x3  }
0x33: {  	p0 =	seq.s32 s10, $0x1;
	s10 =	sld [smem:$0x3FBA];
	_ =	sdelay $0x3  }
0x34: {  	[smem:$0x3FBA] =	sst s10  }
0x35: {  	s10 =	sld [smem:$0x3FB9];
	_ =	sdelay $0x3  }
0x36: {  	p1 =	seq.s32 s10, $0x1;
	s10 =	sld [smem:$0x3FBA];
	_ =	sdelay $0x3  }
0x37: {  	[smem:$0x3FBA] =	sst s10  }
0x38: {  	s10 =	sld [smem:$0x3FBB]  }
0x39: {  	_ = 	snop;
	(pc) =	sbr.ind lr, $3  }
0x3a: {  	_ = 	snop  }
0x3b: {  	_ = 	snop  }
0x3c: {  	p2 =	seq.s32 s10, $0x1;
	s10 =	sld [smem:$0x3FBA]  }
0x3d: {  	_ =	shalt  }
0x3e: {  	_ =	shalt  }
0x3f: {  	_ =	shalt  }
0x40: {  	_ =	shalt  }
0x41: {  	_ =	shalt  }
0x42: {  	_ =	shalt  }
0x43: {  	_ =	shalt  }
0x44: {  	_ =	shalt  }
0x45: {  	_ =	shalt  }
0x46: {  	_ =	shalt  }
0x47: {  	_ =	shalt  }
0x48: {  	_ =	shalt  }
0x49: {  	_ =	shalt  }
0x4a: {  	_ =	shalt  }
0x4b: {  	_ =	shalt  }
0x4c: {  	_ =	shalt  }
0x4d: {  	_ =	shalt  }
0x4e: {  	_ =	shalt  }
0x4f: {  	_ =	shalt  }
0x50: {  	_ =	shalt  }
0x51: {  	_ =	shalt  }
0x52: {  	_ =	shalt  }
0x53: {  	_ =	shalt  }
0x54: {  	_ =	shalt  }
0x55: {  	_ =	shalt  }
0x56: {  	_ =	shalt  }
0x57: {  	_ =	shalt  }
0x58: {  	_ =	shalt  }
0x59: {  	_ =	shalt  }
0x5a: {  	_ =	shalt  }
0x5b: {  	_ =	shalt  }
0x5c: {  	_ =	shalt  }
0x5d: {  	_ =	shalt  }
0x5e: {  	_ =	shalt  }
0x5f: {  	_ =	shalt  }
0x60: {  	_ =	shalt  }
0x61: {  	_ =	shalt  }
0x62: {  	_ =	shalt  }
0x63: {  	_ =	shalt  }
0x64: {  	_ =	shalt  }
0x65: {  	_ =	shalt  }
0x66: {  	_ =	shalt  }
0x67: {  	_ =	shalt  }
0x68: {  	_ =	shalt  }
0x69: {  	_ =	shalt  }
0x6a: {  	_ =	shalt  }
0x6b: {  	_ =	shalt  }
0x6c: {  	_ =	shalt  }
0x6d: {  	_ =	shalt  }
0x6e: {  	_ =	shalt  }
0x6f: {  	_ =	shalt  }
0x70: {  	_ =	shalt  }
0x71: {  	_ =	shalt  }
0x72: {  	_ =	shalt  }
0x73: {  	_ =	shalt  }
0x74: {  	_ =	shalt  }
0x75: {  	_ =	shalt  }
0x76: {  	_ =	shalt  }
0x77: {  	_ =	shalt  }
0x78: {  	_ =	shalt  }
0x79: {  	_ =	shalt  }
0x7a: {  	_ =	shalt  }
0x7b: {  	_ =	shalt  }
0x7c: {  	_ =	shalt  }
0x7d: {  	_ =	shalt  }
0x7e: {  	_ =	shalt  }
0x7f: {  	_ =	shalt  }
0x80: {  	_ =	shalt  }
0x81: {  	_ =	shalt  }
0x82: {  	_ =	shalt  }
0x83: {  	_ =	shalt  }
0x84: {  	_ =	shalt  }
0x85: {  	_ =	shalt  }
0x86: {  	_ =	shalt  }
0x87: {  	_ =	shalt  }
.Lfunc_end0:
.L_simem_size_0:
called_computation_lowered:
.L_overlay_start_0:
0x88: {  	s2 =	sld [smem:$0x3FD9]  }
0x89: {  	s3 =	sld [smem:$0x3FFE];
	_ =	sdelay $0x1  }
0x8a: {  	s1 =	srdreg.scid  }
0x8b: {  	s0 =	sand.u32 $0x1, s1  }
0x8c: {  	s14 =	sshll.u32 s0, $0xA;
	s2 =	sadd.s32 s3, s2  }
0x8d: {  	s2 =	sadd.s32 s2, s14  }
0x8e: {  	[smem:$0x3FC6] =	sst s2  }
0x8f: {  	_ = 	snop  }
0x90: {  	s2 =	sld [smem:$0x3FD0];
	_ =	sdelay $0x2  }
0x91: {  	s15 =	simm.s32 $0xA;
	s4 =	simm.s32 $0x10  }
0x92: {  	[smem:s4], [sflag:s15] =	dma.local [hbm:s2], $0x1  }
0x93: {  	_ =	swait.eq [sflag:s15], $0x1  }
0x94: {  	[sflag:s15] =	ssyncset.done $0x0  }
0x95: {  	s16 =	sld [smem:$0x11];
	[sflag:s15] =	ssyncadd.s32 $0xFFFFFFFF  }
0x96: {  	s17 =	sld [smem:$0x12];
	(tm) =	ssettm $0x1  }
0x97: {  	s18 =	sld [smem:$0x3FFB];
	_ =	sdelay $0x3  }
0x98: {  	_ =	strace s18  }
0x99: {  	s4 =	sld [smem:$0x3FFC];
	_ =	sdelay $0x3  }
0x9a: {  	_ =	strace s4  }
0x9b: {  	s4 =	sld [smem:$0x3FFD];
	_ =	sdelay $0x3  }
0x9c: {  	_ =	strace s4  }
0x9d: {  	_ =	strace $0x8FFFFFFF  }
0x9e: {  	s19 =	sld [smem:$0x3FDB];
	_ =	sdelay $0x1  }
0x9f: {  	s5 =	simm.s32 $_scs_section_size  }
0xa0: {  	s6 =	simm.s32 $_size__tile_overlayer_lowered;
	s7 =	simm.s32 $_tile_overlayer_lowered  }
0xa1: {  	s22 =	simm.s32 $0x1BFF;
	s21 =	sshll.u32 s7, $0x1;
	s4 =	sadd.s32 s5, s19  }
0xa2: {  	s8 =	simm.s32 $0x0;
	s20 =	sshll.u32 s6, $0x1;
	s6 =	sadd.s32 s21, s4  }
0xa3: {  	[timem:s8], [sflag:s22] =	dma.local [hbm:s6], s20  }
0xa4: {  	_ =	swait.ge [sflag:s22], s20  }
0xa5: {  	s5 =	ssub.s32 $0x0, s20;
	[sflag:s22] =	ssyncset.done $0x0  }
0xa6: {  	[sflag:s22] =	ssyncadd.s32 s5;
	_ =	sdelay $0x1  }
0xa7: {  	s23 =	simm.s32 $0x1B8B  }
0xa8: {  	_ =	swait.ge [sflag:s23], $0x1  }
0xa9: {  	[sflag:s23] =	ssyncset.done $0x0  }
0xaa: {  	s25 =	simm.s32 $0x1B8E;
	s24 =	sld [smem:$0x3FFE];
	[sflag:s23] =	ssyncadd.s32 $0xFFFFFFFF  }
0xab: {  	s26 =	simm.s32 $execute0_lowered;
	[smem:$0x3FD2] =	sst s25  }
0xac: {  	s6 =	sshll.u32 s26, $0x1;
	_ =	strace $0x80000046;
	[dreg:$0x1] =	wrdreg $0xFFFFFFFF  }
0xad: {  	s28 =	simm.s32 $_size_execute0_lowered;
	s4 =	sadd.s32 s4, s6;
	[dreg:$0x0] =	wrdreg $0x0  }
0xae: {  	s6 =	sshll.u32 s28, $0x1;
	[dreg:$0x2] =	wrdreg s4  }
0xaf: {  	[dreg:$0x3] =	wrdreg s6  }
0xb0: {  	[dreg:$0x4] =	wrdreg $0xC0  }
0xb1: {  	_ =	task [dreg:s8], $0x5FFFF  }
0xb2: {  	[dreg:$0x1] =	wrdreg $0xFFFFFFFF  }
0xb3: {  	[dreg:$0x0] =	wrdreg $0x60  }
0xb4: {  	[dreg:$0x2] =	wrdreg s24  }
0xb5: {  	[dreg:$0x3] =	wrdreg s17  }
0xb6: {  	[dreg:$0x4] =	wrdreg s16  }
0xb7: {  	[dreg:$0x5] =	wrdreg $0x9  }
0xb8: {  	_ =	task.clear_ibuf [dreg:s8], $0x6FFFF;
	_ =	strace $0x90000046  }
0xb9: {  	s29 =	simm.s32 $0x9;
	_ =	strace $0x80000048  }
0xba: {  	_ =	swait.ge [sflag:s29], $0x1  }
0xbb: {  	[sflag:s29] =	ssyncadd.s32 $0xFFFFFFFF  }
0xbc: {  	_ =	strace $0x90000048  }
0xbd: {  	_ =	sfence  }
0xbe: {  	s30 =	sld [smem:$0x0];
	_ =	sdelay $0x2  }
0xbf: {  	s31 =	sshll.u32 s1, $0xD;
	s1 =	sshrl.u32 s1, $0x2  }
0xc0: {  	s3 =	sand.u32 $0x4000, s31;
	s1 =	sadd.s32 s1, s30  }
0xc1: {  	s0 =	sor.u32 s3, s0;
	s1 =	sshll.u32 s1, $0x11  }
0xc2: {  	s0 =	sor.u32 s1, s0  }
0xc3: {  	s0 =	sadd.s32 $0x8F2B, s0  }
0xc4: {  	[sflag:s0] =	ssyncadd.remote.s32 $0x1  }
0xc5: {  	_ =	sfence.sel $0xFFFF  }
0xc6: {  	[dreg:$0x0] =	wrdreg $0xFFFFFFFF;
	(pc) =	sbr.abs _section_cstart, $3  }
0xc7: {  	[dreg:$0x1] =	wrdreg $0xFFFFFFFF  }
0xc8: {  	_ =	task.clear_ibuf [dreg:s8], $0x2FFFF;
	_ =	strace $0x9FFFFFFF  }
0xc9: {  	(tm) =	ssettm $0x7FFFFFFF  }
tec
execute0_lowered:
.L_overlay_start_1:
0x0: {  	(tag) =	ssettag $0x1  }
0x1: {  	s1 =	stileid.u32  }
0x2: {  	p0 =	sgt.u32 s1, $0x1  }
.Ltmp0:
0x3: {  	s5 =	rddreg [dreg:$0x0];
	(pc) =	sbr.rel @p0 .LBB2_5-.Ltmp0, $4  }
0x4: {  	s3 =	rddreg [dreg:$0x1]  }
0x5: {  	s4 =	rddreg [dreg:$0x2];
	s2 =	simm.s32 $0x0  }
0x6: {  	[smem:$0x7FF] =	sst s2  }
0x7: {  	s0 =	rddreg [dreg:$0x3];
	_ =	strace $0x80000047  }
0x8: {  	s6 =	srdreg.scid;
	s7 =	sshll.u32 s1, $0x5  }
0x9: {  	s30 =	sadd.s32 $0x2800, s5;
	s12 =	simm.s32 $0x5000;
	s6 =	sand.u32 $0x1, s6  }
0xa: {  	s13 =	simm.s32 $0x5080;
	s14 =	simm.s32 $0x5100;
	s8 =	sshll.u32 s6, $0x4  }
0xb: {  	s15 =	simm.s32 $0x6180;
	s10 =	ssub.s32 $0x2, s6;
	s7 =	sor.u32 s8, s7  }
0xc: {  	s11 =	sshrl.u32 s10, $0x1;
	s9 =	sadd.s32 s7, s5;
	s3 =	sadd.s32 s3, s7  }
0xd: {  	s4 =	sadd.s32 s4, s7;
	s31 =	ssub.s32 s10, s11;
	s7 =	sadd.s32 s30, s7  }
0xe: {  	s10 =	simm.s32 $0x200;
	s11 =	simm.s32 $0x1;
	s5 =	sadd.s32 $0x5000, s9  }
0xf: {  	v0 =	vimm.s32 $0x0;
	v1 =	vlaneseq.u32;
	s6 =	sadd.s32 $0x5800, s9;
	s8 =	smax.u32 s31, $0x1;
	s9 =	simm.s32 $0x80  }
.LBB2_2:
0x10: {  	s16 =	simm.s32 $0x0  }
0x11: {  	[tilespmem:s16], [sflag:$0x1] =	stream.strided.gather [hbm4b:s7+s9], $0x5000, s10, s9, $0x38;
	[tilespmem:$0x7200] =	vst v63  }
0x12: {  	_ =	swait.ge [sflag:s11], $0x5000  }
0x13: {  	[sflag:s11] =	ssyncset.done $0x0  }
0x14: {  	[sflag:s11] =	ssyncadd.s32 $0xFFFFB000  }
0x15: {  	[tilespmem:s12], [sflag:$0x1] =	stream.linear.gather [hbm4b:s3+s16], $0x80, $0x38;
	[tilespmem:$0x7200] =	vst v63  }
0x16: {  	_ =	swait.ge [sflag:s11], $0x80  }
0x17: {  	[sflag:s11] =	ssyncset.done $0x0  }
0x18: {  	[sflag:s11] =	ssyncadd.s32 $0xFFFFFF80  }
0x19: {  	[tilespmem:s13], [sflag:$0x1] =	stream.linear.gather [hbm4b:s4+s16], $0x80, $0x38;
	[tilespmem:$0x7200] =	vst v63  }
0x1a: {  	_ =	swait.ge [sflag:s11], $0x80  }
0x1b: {  	[sflag:s11] =	ssyncset.done $0x0  }
0x1c: {  	[sflag:s11] =	ssyncadd.s32 $0xFFFFFF80  }
0x1d: {  	v2 =	vld [tilespmem:$0x5000];
	_ =	sdelay $0x4  }
0x1e: {  	v2 =	vxor.u32 $0x80000000, v2  }
0x1f: {  	(xrf0) =	vmax.scan.msk.u32 $0xffff, v2;
	_ =	sdelay $0x2  }
0x20: {  	v2 =	vld [tilespmem:$0x5080];
	_ =	sdelay $0x2  }
0x21: {  	v3, _, _ =	vpop (xrf0)  }
0x22: {  	(v2sf) =	vpush v3, $0xF  }
0x23: {  	v2 =	vxor.u32 $0x80000000, v2  }
0x24: {  	(xrf0) =	vmax.scan.msk.u32 $0xffff, v2;
	_ =	sdelay $0x5  }
0x25: {  	v2, _, _ =	vpop (xrf0)  }
0x26: {  	(v2sf) =	vpush v2, $0xF;
	_ =	sdelay $0x3  }
0x27: {  	v4 =	vld [tilespmem:s16+$0x0];
	_ =	sdelay $0x1  }
0x28: {  	s17 =	spop (v2sf)  }
0x29: {  	s17 =	sxor.u32 $0x80000000, s17  }
0x2a: {  	v3 =	vmov s17  }
0x2b: {  	vm0 =	veq.s32 v4, v3  }
0x2c: {  	v2 =	vsel vm0, $0x1, v0  }
0x2d: {  	(xrf0) =	vadd.scan.msk.s32 $0xffff, v2  }
0x2e: {  	vm1 =	vgt.s32 v4, v3  }
0x2f: {  	v2 =	vsel vm1, $0x1, v0  }
0x30: {  	(xrf0) =	vadd.scan.msk.s32 $0xffff, v2  }
0x31: {  	s31 =	spop (v2sf)  }
0x32: {  	v2 =	vsel vm0, $0xFFFFFFFF, v0;
	s17 =	sxor.u32 $0x80000000, s31  }
0x33: {  	v7 =	vsel vm1, $0xFFFFFFFF, v0;
	v5 =	vadd.s32 s16, v2;
	s17 =	ssub.s32 $0x1000, s17;
	v6, _, _ =	vpop (xrf0)  }
0x34: {  	v2 =	vmov s17;
	v5 =	vadd.s32 v6, v5;
	(v2sf) =	vpush v6, $0xF  }
0x35: {  	vm2 =	vlt.s32 v5, v2  }
0x36: {  	v6 =	vadd.s32 s16, v7;
	v7, _, _ =	vpop (xrf0);
	vm0 =	vmand vm0, vm2  }
0x37: {  	v6 =	vadd.s32 v7, v6;
	v5 =	vsel vm2, v5, v2;
	vm0 =	vmor vm1, vm0  }
0x38: {  	s21 =	simm.s32 $0x20;
	s20 =	simm.s32 $0x0;
	(v2sf) =	vpush v7, $0xF;
	v5 =	vadd.s32 v5, v6  }
0x39: {  	s19 =	simm.s32 $0x0;
	s18 =	simm.s32 $0x0;
	s17 =	simm.s32 $0x10  }
.LBB2_3:
0x3a: {  	p0 =	sne.s32 s21, $0x4FF0;
	_ =	sdelay $0x1  }
0x3b: {  	v6 =	vor.u32 s16, v1;
	s16 =	smov.u32 s17;
	s17 =	smov.u32 s21  }
0x3c: {  	[tilespmem:v5+s14+$0x0] =	vst.idx.msk vm0, v6  }
0x3d: {  	s20 =	sadd.s32 $0x10, s20;
	[tilespmem:v5+s15+$0x0] =	vst.idx.msk vm0, v4  }
0x3e: {  	v4 =	vld [tilespmem:s20+$0x0];
	_ =	sdelay $0x3  }
0x3f: {  	s22 =	spop (v2sf)  }
0x40: {  	vm0 =	veq.s32 v4, v3;
	s19 =	sadd.s32 s19, s22  }
0x41: {  	v5 =	vsel vm0, $0x1, v0  }
0x42: {  	(xrf0) =	vadd.scan.msk.s32 $0xffff, v5  }
0x43: {  	vm1 =	vgt.s32 v4, v3;
	s22 =	spop (v2sf)  }
0x44: {  	v5 =	vsel vm1, $0x1, v0;
	s18 =	sadd.s32 s18, s22  }
0x45: {  	(xrf0) =	vadd.scan.msk.s32 $0xffff, v5;
	_ =	sdelay $0x1  }
0x46: {  	v5 =	vsel vm0, $0xFFFFFFFF, v0  }
0x47: {  	v5 =	vadd.s32 s19, v5;
	v6, _, _ =	vpop (xrf0)  }
0x48: {  	v5 =	vadd.s32 v6, v5;
	(v2sf) =	vpush v6, $0xF  }
.Ltmp1:
0x49: {  	v6 =	vsel vm1, $0xFFFFFFFF, v0;
	vm2 =	vlt.s32 v5, v2;
	(pc) =	sbr.rel @p0 .LBB2_3-.Ltmp1, $4  }
0x4a: {  	v6 =	vadd.s32 s18, v6;
	vm0 =	vmand vm0, vm2;
	v7, _, _ =	vpop (xrf0)  }
0x4b: {  	v5 =	vsel vm2, v5, v2;
	vm0 =	vmor vm1, vm0;
	v6 =	vadd.s32 v7, v6  }
0x4c: {  	v5 =	vadd.s32 v5, v6;
	(v2sf) =	vpush v7, $0xF  }
0x4d: {  	s21 =	sadd.s32 $0x10, s21  }
0x4e: {  	_ =	sdelay $0x3  }
0x4f: {  	v6 =	vor.u32 s16, v1  }
0x50: {  	[tilespmem:v5+s14+$0x0] =	vst.idx.msk vm0, v6  }
0x51: {  	s26 =	sadd.s32 $0x10, s20;
	[tilespmem:v5+s15+$0x0] =	vst.idx.msk vm0, v4  }
0x52: {  	v4 =	vld [tilespmem:s26+$0x0];
	_ =	sdelay $0x4  }
0x53: {  	vm15 =	veq.s32 v4, v3  }
0x54: {  	vm1 =	vgt.s32 v4, v3;
	v60 =	vsel vm15, $0x1, v0  }
0x55: {  	v3 =	vsel vm1, $0x1, v0;
	(xrf0) =	vadd.scan.msk.s32 $0xffff, v60  }
0x56: {  	(xrf0) =	vadd.scan.msk.s32 $0xffff, v3;
	_ =	sdelay $0x4  }
0x57: {  	v3, _, _ =	vpop (xrf0)  }
0x58: {  	s28 =	spop (v2sf);
	(v2sf) =	vpush v3, $0xF;
	v61, _, _ =	vpop (xrf0)  }
0x59: {  	v62 =	vsel vm15, $0xFFFFFFFF, v0;
	s16 =	sadd.s32 s19, s28;
	(v2sf) =	vpush v61, $0xF  }
0x5a: {  	v6 =	vadd.s32 s16, v62  }
0x5b: {  	s29 =	spop (v2sf);
	v3 =	vadd.s32 v3, v6  }
0x5c: {  	v63 =	vsel vm1, $0xFFFFFFFF, v0;
	s16 =	sadd.s32 s18, s29;
	vm2 =	vlt.s32 v3, v2  }
0x5d: {  	v6 =	vadd.s32 s16, v63;
	vm0 =	vmand vm15, vm2  }
0x5e: {  	v2 =	vsel vm2, v3, v2;
	v3 =	vadd.s32 v61, v6;
	vm0 =	vmor vm1, vm0  }
0x5f: {  	v2 =	vadd.s32 v2, v3;
	_ =	sdelay $0x3  }
0x60: {  	v3 =	vor.u32 s17, v1  }
0x61: {  	[tilespmem:v2+s14+$0x0] =	vst.idx.msk vm0, v3  }
0x62: {  	[tilespmem:v2+s15+$0x0] =	vst.idx.msk vm0, v4  }
0x63: {  	[hbm4b:s5+s9] =	stream.strided.scatter [tilespmem:s14], [sflag:$0x1], $0x1000, s10, s9, $0x38;
	[tilespmem:$0x7200] =	vst v63  }
0x64: {  	s30 =	spop (v2sf)  }
0x65: {  	s31 =	spop (v2sf)  }
0x66: {  	s2 =	sadd.s32 $0x1, s2;
	_ =	swait.ge [sflag:s11], $0x1000  }
0x67: {  	p0 =	sne.s32 s2, s8;
	[sflag:s11] =	ssyncset.done $0x0  }
.Ltmp2:
0x68: {  	[sflag:s11] =	ssyncadd.s32 $0xFFFFF000;
	(pc) =	sbr.rel @p0 .LBB2_2-.Ltmp2, $4  }
0x69: {  	[hbm4b:s6+s9] =	stream.strided.scatter [tilespmem:s15], [sflag:$0x1], $0x1000, s10, s9, $0x38;
	[tilespmem:$0x7200] =	vst v63  }
0x6a: {  	_ =	swait.ge [sflag:s11], $0x1000  }
0x6b: {  	[sflag:s11] =	ssyncset.done $0x0  }
0x6c: {  	[sflag:s11] =	ssyncadd.s32 $0xFFFFF000  }
.LBB2_5:
0x6d: {  	_ =	sfence.sel $0x180000  }
0x6e: {  	[bflag:$0x0] =	sbarrier.arrive $0xFFFF  }
0x6f: {  	p0 =	sne.s32 s1, $0x0;
	_ =	strace $0x90000047  }
0x70: {  	s0 =	sadd.s32 @!p0 $0x100000, s0;
	[bflag:$0x2] =	sbarrier.arrive $0xFFFF  }
0x71: {  	[sflag:s0] =	ssyncadd.tile.s32 @!p0 $0x1;
	_ =	shalt  }
.Lfunc_end2:
_tile_overlayer_lowered:
.L_overlay_start_2:
0x72: {  	(tag) =	ssettag $0x2  }
0x73: {  	s0 =	rddreg [dreg:$0x0];
	s2 =	stileid.u32  }
0x74: {  	s1 =	rddreg [dreg:$0x1];
	p0 =	sne.s32 s2, $0x0  }
0x75: {  	s3 =	rddreg [dreg:$0x2];
	[bflag:$0x3] =	sbarrier.arrive $0xFFFF;
	s2 =	simm.s32 @!p0 $0x1C01  }
0x76: {  	[timem:s3], [sflag:s2] =	dma.local @!p0 [hbm:s0], s1  }
0x77: {  	s0 =	simm.s32 @!p0 $0x1  }
0x78: {  	_ =	swait.ge @!p0 [sflag:s0], s1  }
0x79: {  	s1 =	ssub.s32 @!p0 $0x0, s1;
	[sflag:s0] =	ssyncset.done @!p0 $0x0  }
0x7a: {  	[sflag:s0] =	ssyncadd.s32 @!p0 s1  }
0x7b: {  	[bflag:$0x3] =	sbarrier.arrive $0xFFFF  }
0x7c: {  	_ =	shalt  }

</sc_bundles>
